<compile_context>
chip_gen: v7x
topology: tpu7x:2x2x1
jax: 0.10.2.dev20260603
libtpu: 0.0.44.dev20260713+nightly
codegen_flags: <defaults>
</compile_context>

<pallas_src>
import functools

import jax
import jax.numpy as jnp
from jax import lax
from jax.experimental import pallas as pl
from jax.experimental.pallas import tpu as pltpu
from jax.experimental.pallas import tpu_sc as plsc

N = 10000
E = 320000
D = 128
EPS_BN = 1e-5

ROW = 64
NROWS = E // ROW
NSC = 2
NSUB = 16
NW = NSC * NSUB
N_PAD = 10112
SLAB = N_PAD // NSUB
E_HALF = E // 2
NROWS_H = E_HALF // ROW
NROWS_PAD_H = 2560
IDX_ROWS_H = NROWS_PAD_H + 2
CHUNKS = NROWS_PAD_H // NW


def _edge_linear_body(a_ref, w_ref, b_ref, o_ref):
    o_ref[...] = (
        jnp.dot(a_ref[...], w_ref[...], preferred_element_type=jnp.float32)
        + b_ref[...]
    )


def _edge_linear(edge_attr, wlt, bl2, base_blk):
    B = 2000
    return pl.pallas_call(
        _edge_linear_body,
        grid=(E_HALF // B,),
        in_specs=[
            pl.BlockSpec((B, D), lambda i: (i + base_blk, 0)),
            pl.BlockSpec((D, D), lambda i: (0, 0)),
            pl.BlockSpec((1, D), lambda i: (0, 0)),
        ],
        out_specs=pl.BlockSpec((B, D), lambda i: (i, 0)),
        out_shape=jax.ShapeDtypeStruct((E_HALF, D), jnp.float32),
    )(edge_attr, wlt, bl2)


def _sc_aggregate(P, x, src2, dst2, zeros):
    mesh = plsc.VectorSubcoreMesh(core_axis_name="c", subcore_axis_name="s")

    @functools.partial(
        pl.kernel,
        mesh=mesh,
        out_type=jax.ShapeDtypeStruct((NSC, N_PAD, D), jnp.float32),
        scratch_types=[
            pltpu.VMEM((4, ROW), jnp.int32),
            pltpu.VMEM((4, ROW), jnp.int32),
            pltpu.VMEM((2, ROW, D), jnp.float32),
            pltpu.VMEM((ROW, D), jnp.float32),
            pltpu.VMEM((ROW, D), jnp.float32),
            pltpu.VMEM((2, ROW, D), jnp.float32),
            pltpu.VMEM_SHARED((N_PAD, D), jnp.float32),
            pltpu.SemaphoreType.DMA,
            pltpu.SemaphoreType.DMA,
            pltpu.SemaphoreType.DMA,
            pltpu.SemaphoreType.DMA,
        ],
    )
    def body(p_hbm, x_hbm, src_hbm, dst_hbm, z_hbm, out_hbm,
             src_i, dst_i, xg_v, pm0_v, pm1_v, mb_v, aggr_sh,
             s_f, s_g, s_s0, s_s1):
        pm_v = (pm0_v, pm1_v)
        c = lax.axis_index("c")
        s = lax.axis_index("s")
        w = c * NSUB + s
        s_s = (s_s0, s_s1)

        pltpu.sync_copy(z_hbm, aggr_sh.at[pl.ds(s * SLAB, SLAB)])
        plsc.subcore_barrier()

        c0 = w * CHUNKS

        def f_descs(r):
            slot = lax.rem(r, 4)
            return (pltpu.make_async_copy(src_hbm.at[r], src_i.at[slot], s_f),
                    pltpu.make_async_copy(dst_hbm.at[r], dst_i.at[slot], s_f))

        def g_descs(r, b):
            slot = lax.rem(r, 4)
            rp = jnp.minimum(r, NROWS_H - 1)
            return (
                pltpu.make_async_copy(x_hbm.at[src_i.at[slot]], xg_v.at[b],
                                      s_g),
                pltpu.make_async_copy(p_hbm.at[pl.ds(rp * ROW, ROW)],
                                      pm_v[b], s_g),
            )

        def s_desc(r, b):
            slot = lax.rem(r, 4)
            return pltpu.make_async_copy(mb_v.at[b], aggr_sh.at[dst_i.at[slot]],
                                         s_s[b])

        def start(descs):
            for d in descs:
                d.start()

        def wait(descs):
            for d in descs:
                d.wait()

        def compute(b):
            xgb, pmb, mbb = xg_v.at[b], pm_v[b], mb_v.at[b]

            @plsc.parallel_loop(0, ROW, unroll=4)
            def _(i):
                for j in range(D // 16):
                    sl = pl.ds(j * 16, 16)
                    mbb[i, sl] = jnp.maximum(xgb[i, sl] + pmb[i, sl], 0.0)

        start(f_descs(c0))
        wait(f_descs(c0))
        start(g_descs(c0, 0))
        start(f_descs(c0 + 1))

        def step(t, carry):
            r0 = c0 + 2 * t
            r1 = r0 + 1
            wait(g_descs(r0, 0))
            wait(f_descs(r1))
            start(g_descs(r1, 1))
            start(f_descs(r0 + 2))

            @pl.when(t > 0)
            def _():
                s_desc(r0 - 2, 0).wait()

            compute(0)
            pltpu.async_copy(mb_v.at[0], aggr_sh.at[dst_i.at[lax.rem(r0, 4)]],
                             s_s[0], add=True)
            wait(g_descs(r1, 1))
            wait(f_descs(r0 + 2))
            start(g_descs(r0 + 2, 0))
            start(f_descs(r1 + 2))

            @pl.when(t > 0)
            def _():
                s_desc(r1 - 2, 1).wait()

            compute(1)
            pltpu.async_copy(mb_v.at[1], aggr_sh.at[dst_i.at[lax.rem(r1, 4)]],
                             s_s[1], add=True)
            return carry

        lax.fori_loop(0, CHUNKS // 2, step, 0)

        s_desc(c0 + CHUNKS - 2, 0).wait()
        s_desc(c0 + CHUNKS - 1, 1).wait()
        wait(g_descs(c0 + CHUNKS, 0))
        wait(f_descs(c0 + CHUNKS + 1))

        plsc.subcore_barrier()
        pltpu.sync_copy(aggr_sh.at[pl.ds(s * SLAB, SLAB)],
                        out_hbm.at[c, pl.ds(s * SLAB, SLAB)])

    return body(P, x, src2, dst2, zeros)


def _finalize_body(x_ref, pa_ref, pb_ref, w1_ref, b1_ref, w2_ref, b2_ref,
                   g_ref, be_ref, o_ref):
    sl = pl.ds(0, N)
    h0 = ((x_ref[...] + pa_ref[0, sl] + pa_ref[1, sl])
          + (pb_ref[0, sl] + pb_ref[1, sl]))
    h1 = jnp.maximum(
        jnp.dot(h0, w1_ref[...], preferred_element_type=jnp.float32)
        + b1_ref[...], 0.0)
    h = (jnp.dot(h1, w2_ref[...], preferred_element_type=jnp.float32)
         + b2_ref[...])
    mean = jnp.mean(h, axis=0, keepdims=True)
    cent = h - mean
    var = jnp.mean(cent * cent, axis=0, keepdims=True)
    o_ref[...] = cent * lax.rsqrt(var + EPS_BN) * g_ref[...] + be_ref[...]


def _finalize(x, parts_a, parts_b, w1t, b12, w2t, b22, g2, be2):
    return pl.pallas_call(
        _finalize_body,
        out_shape=jax.ShapeDtypeStruct((N, D), jnp.float32),
    )(x, parts_a, parts_b, w1t, b12, w2t, b22, g2, be2)


def kernel(x, edge_index, edge_attr, Wl, bl, W1, b1, W2, b2, gamma, beta):
    pad_e = IDX_ROWS_H * ROW - E_HALF
    ar = jnp.arange(pad_e, dtype=jnp.int32)
    src_pad = ar % N
    dst_pad = N + ar % (N_PAD - N)
    src = edge_index[0]
    dst = edge_index[1]
    idx = []
    for h in range(2):
        sl = slice(h * E_HALF, (h + 1) * E_HALF)
        idx.append((
            jnp.concatenate([src[sl], src_pad]).reshape(IDX_ROWS_H, ROW),
            jnp.concatenate([dst[sl], dst_pad]).reshape(IDX_ROWS_H, ROW),
        ))
    wlt = Wl.T
    bl2 = bl.reshape(1, D)
    zeros = jnp.zeros((SLAB, D), jnp.float32)
    nblk = E_HALF // 2000
    p0 = _edge_linear(edge_attr, wlt, bl2, 0)
    p1 = _edge_linear(edge_attr, wlt, bl2, nblk)
    parts_a = _sc_aggregate(p0, x, idx[0][0], idx[0][1], zeros)
    parts_b = _sc_aggregate(p1, x, idx[1][0], idx[1][1], zeros)
    return _finalize(x, parts_a, parts_b, W1.T, b1.reshape(1, D), W2.T,
                     b2.reshape(1, D), gamma.reshape(1, D), beta.reshape(1, D))

# --- scband reference (transcript-rebuilt; emitter-appended) ---
"""Pipeline reference for scband-gnnlayer-60997125538475 (READ-ONLY COPY).

The authoritative reference and input builder live on the scoring server;
editing this copy changes nothing except your own understanding.
"""

import jax, jax.numpy as jnp
import numpy as np

N = 10000
E = 320000
D = 128
EPS_BN = 1e-5


def _lin_init(key, fan_in, shape):
    s = 1.0 / np.sqrt(fan_in)
    return jax.random.uniform(key, shape, jnp.float32, -s, s)


def setup_inputs(seed: int = 0) -> dict:
    key = jax.random.key(seed)
    ks = jax.random.split(key, 12)
    x = jax.random.normal(ks[0], (N, D), jnp.float32)
    edge_index = jax.random.randint(ks[1], (2, E), 0, N, dtype=jnp.int32)
    edge_attr = jax.random.normal(ks[2], (E, D), jnp.float32)
    # GINEConv edge linear (edge_dim -> in_channels)
    Wl = _lin_init(ks[3], D, (D, D))
    bl = _lin_init(ks[4], D, (D,))
    # GIN MLP: Linear(D,D) -> ReLU -> Linear(D,D)
    W1 = _lin_init(ks[5], D, (D, D))
    b1 = _lin_init(ks[6], D, (D,))
    W2 = _lin_init(ks[7], D, (D, D))
    b2 = _lin_init(ks[8], D, (D,))
    # BatchNorm affine params
    gamma = jnp.ones((D,), jnp.float32)
    beta = jnp.zeros((D,), jnp.float32)
    return {"x": x, "edge_index": edge_index, "edge_attr": edge_attr,
            "Wl": Wl, "bl": bl, "W1": W1, "b1": b1, "W2": W2, "b2": b2,
            "gamma": gamma, "beta": beta}


def reference(x, edge_index, edge_attr, Wl, bl, W1, b1, W2, b2, gamma, beta):
    src = edge_index[0]
    dst = edge_index[1]
    # GINEConv message: relu(x_j + lin(edge_attr))
    ea = edge_attr @ Wl.T + bl
    m = jax.nn.relu(jnp.take(x, src, axis=0) + ea)
    # sum-aggregate messages at destination nodes
    aggr = jax.ops.segment_sum(m, dst, num_segments=N)
    # (1 + eps) * x + aggr, eps = 0 (default)
    h = x + aggr
    # GIN MLP
    h = jax.nn.relu(h @ W1.T + b1) @ W2.T + b2
    # BatchNorm (training mode: batch statistics, biased variance)
    mean = jnp.mean(h, axis=0)
    var = jnp.var(h, axis=0)
    out = (h - mean) / jnp.sqrt(var + EPS_BN) * gamma + beta
    return out

if __name__ == "__main__":
    import jax
    _d = setup_inputs()
    print(jax.jit(kernel)(*tuple(_d.values())))

</pallas_src>

<mosaic_0001>
#map = affine_map<(d0, d1) -> (0, 0)>
#map1 = affine_map<(d0, d1) -> (0, 0, 0)>
module attributes {stable_mosaic.version = 14 : i64} {
  func.func @body(%arg0: i32, %arg1: i32, %arg2: memref<160000x128xf32, #tpu.memory_space<hbm>>, %arg3: memref<10000x128xf32, #tpu.memory_space<hbm>>, %arg4: memref<2562x64xi32, #tpu.memory_space<hbm>>, %arg5: memref<2562x64xi32, #tpu.memory_space<hbm>>, %arg6: memref<632x128xf32, #tpu.memory_space<hbm>>, %arg7: memref<2x10112x128xf32, #tpu.memory_space<hbm>>, %arg8: memref<4x64xi32, #tpu.memory_space<vmem>>, %arg9: memref<4x64xi32, #tpu.memory_space<vmem>>, %arg10: memref<2x64x128xf32, #tpu.memory_space<vmem>>, %arg11: memref<64x128xf32, #tpu.memory_space<vmem>>, %arg12: memref<64x128xf32, #tpu.memory_space<vmem>>, %arg13: memref<2x64x128xf32, #tpu.memory_space<vmem>>, %arg14: memref<10112x128xf32, #tpu.memory_space<vmem_shared>>, %arg15: memref<!tpu.dma_semaphore, #tpu.memory_space<semaphore_mem>>, %arg16: memref<!tpu.dma_semaphore, #tpu.memory_space<semaphore_mem>>, %arg17: memref<!tpu.dma_semaphore, #tpu.memory_space<semaphore_mem>>, %arg18: memref<!tpu.dma_semaphore, #tpu.memory_space<semaphore_mem>>) attributes {dimension_semantics = [#tpu.dimension_semantics<core_parallel>, #tpu.dimension_semantics<subcore_parallel>], iteration_bounds = array<i64: 2, 16>, scalar_prefetch = 0 : i64, scratch_operands = 11 : i64, tpu.core_type = #tpu.core_type<sc_vector_subcore>, window_params = [{transform_indices = #map}, {transform_indices = #map}, {transform_indices = #map}, {transform_indices = #map}, {transform_indices = #map}, {transform_indices = #map1}]} {
    %mul3A = arith.constant 16 : i32
    %mul3A_0 = arith.muli %arg0, %mul3A : i32
    %add3A = arith.addi %mul3A_0, %arg1 : i32
    %mul3A_1 = arith.constant 632 : i32
    %mul3A_2 = arith.muli %arg1, %mul3A_1 : i32
    "tpu.region"() ({
      %run_scoped3A = tpu.sem_alloc : memref<!tpu.dma_semaphore, #tpu.memory_space<semaphore_mem>>
      %dma_start3A_198 = arith.constant 0 : i32
      %dma_start3A_199 = tpu.memref_slice %arg14[%mul3A_2, %dma_start3A_198] : memref<10112x128xf32, #tpu.memory_space<vmem_shared>> -> memref<632x128xf32, #tpu.memory_space<vmem_shared>>
      tpu.enqueue_dma source(%arg6 : memref<632x128xf32, #tpu.memory_space<hbm>>) target(%dma_start3A_199 : memref<632x128xf32, #tpu.memory_space<vmem_shared>>) target_semaphore(%run_scoped3A : memref<!tpu.dma_semaphore, #tpu.memory_space<semaphore_mem>>)
      %dma_wait3A_200 = arith.constant 0 : i32
      %dma_wait3A_201 = tpu.memref_slice %arg14[%mul3A_2, %dma_wait3A_200] : memref<10112x128xf32, #tpu.memory_space<vmem_shared>> -> memref<632x128xf32, #tpu.memory_space<vmem_shared>>
      tpu.wait_dma2 semaphore(%run_scoped3A : memref<!tpu.dma_semaphore, #tpu.memory_space<semaphore_mem>>) src(%arg6 : memref<632x128xf32, #tpu.memory_space<hbm>>) dst(%dma_wait3A_201 : memref<632x128xf32, #tpu.memory_space<vmem_shared>>)
      tpu.yield
    }) : () -> ()
    %barrier3A = arith.constant 0 : index
    tpu.barrier barrier_id(%barrier3A)
    %mul3A_3 = arith.constant 80 : i32
    %mul3A_4 = arith.muli %add3A, %mul3A_3 : i32
    %rem3A = arith.constant 4 : i32
    %rem3A_5 = arith.remsi %mul3A_4, %rem3A : i32
    %dma_start3A = arith.constant 0 : i32
    %dma_start3A_6 = tpu.memref_slice %arg8[%rem3A_5, %dma_start3A] : memref<4x64xi32, #tpu.memory_space<vmem>> -> memref<1x64xi32, #tpu.memory_space<vmem>>
    %dma_start3A_7 = tpu.memref_squeeze %dma_start3A_6 : memref<1x64xi32, #tpu.memory_space<vmem>> -> memref<64xi32, #tpu.memory_space<vmem>>
    %dma_start3A_8 = arith.constant 0 : i32
    %dma_start3A_9 = tpu.memref_slice %arg4[%mul3A_4, %dma_start3A_8] : memref<2562x64xi32, #tpu.memory_space<hbm>> -> memref<1x64xi32, #tpu.memory_space<hbm>>
    %dma_start3A_10 = tpu.memref_squeeze %dma_start3A_9 : memref<1x64xi32, #tpu.memory_space<hbm>> -> memref<64xi32, #tpu.memory_space<hbm>>
    %dma_start3A_11 = arith.constant 0 : i32
    %dma_start3A_12 = tpu.memref_slice %arg8[%rem3A_5, %dma_start3A_11] : memref<4x64xi32, #tpu.memory_space<vmem>> -> memref<1x64xi32, #tpu.memory_space<vmem>>
    %dma_start3A_13 = tpu.memref_squeeze %dma_start3A_12 : memref<1x64xi32, #tpu.memory_space<vmem>> -> memref<64xi32, #tpu.memory_space<vmem>>
    %dma_start3A_14 = arith.constant 0 : i32
    %dma_start3A_15 = tpu.memref_slice %arg4[%mul3A_4, %dma_start3A_14] : memref<2562x64xi32, #tpu.memory_space<hbm>> -> memref<1x64xi32, #tpu.memory_space<hbm>>
    %dma_start3A_16 = tpu.memref_squeeze %dma_start3A_15 : memref<1x64xi32, #tpu.memory_space<hbm>> -> memref<64xi32, #tpu.memory_space<hbm>>
    tpu.enqueue_dma source(%dma_start3A_16 : memref<64xi32, #tpu.memory_space<hbm>>) target(%dma_start3A_13 : memref<64xi32, #tpu.memory_space<vmem>>) target_semaphore(%arg15 : memref<!tpu.dma_semaphore, #tpu.memory_space<semaphore_mem>>)
    %dma_start3A_17 = arith.constant 0 : i32
    %dma_start3A_18 = tpu.memref_slice %arg9[%rem3A_5, %dma_start3A_17] : memref<4x64xi32, #tpu.memory_space<vmem>> -> memref<1x64xi32, #tpu.memory_space<vmem>>
    %dma_start3A_19 = tpu.memref_squeeze %dma_start3A_18 : memref<1x64xi32, #tpu.memory_space<vmem>> -> memref<64xi32, #tpu.memory_space<vmem>>
    %dma_start3A_20 = arith.constant 0 : i32
    %dma_start3A_21 = tpu.memref_slice %arg5[%mul3A_4, %dma_start3A_20] : memref<2562x64xi32, #tpu.memory_space<hbm>> -> memref<1x64xi32, #tpu.memory_space<hbm>>
    %dma_start3A_22 = tpu.memref_squeeze %dma_start3A_21 : memref<1x64xi32, #tpu.memory_space<hbm>> -> memref<64xi32, #tpu.memory_space<hbm>>
    %dma_start3A_23 = arith.constant 0 : i32
    %dma_start3A_24 = tpu.memref_slice %arg9[%rem3A_5, %dma_start3A_23] : memref<4x64xi32, #tpu.memory_space<vmem>> -> memref<1x64xi32, #tpu.memory_space<vmem>>
    %dma_start3A_25 = tpu.memref_squeeze %dma_start3A_24 : memref<1x64xi32, #tpu.memory_space<vmem>> -> memref<64xi32, #tpu.memory_space<vmem>>
    %dma_start3A_26 = arith.constant 0 : i32
    %dma_start3A_27 = tpu.memref_slice %arg5[%mul3A_4, %dma_start3A_26] : memref<2562x64xi32, #tpu.memory_space<hbm>> -> memref<1x64xi32, #tpu.memory_space<hbm>>
    %dma_start3A_28 = tpu.memref_squeeze %dma_start3A_27 : memref<1x64xi32, #tpu.memory_space<hbm>> -> memref<64xi32, #tpu.memory_space<hbm>>
    tpu.enqueue_dma source(%dma_start3A_28 : memref<64xi32, #tpu.memory_space<hbm>>) target(%dma_start3A_25 : memref<64xi32, #tpu.memory_space<vmem>>) target_semaphore(%arg15 : memref<!tpu.dma_semaphore, #tpu.memory_space<semaphore_mem>>)
    %rem3A_29 = arith.constant 4 : i32
    %rem3A_30 = arith.remsi %mul3A_4, %rem3A_29 : i32
    %dma_wait3A = arith.constant 0 : i32
    %dma_wait3A_31 = tpu.memref_slice %arg8[%rem3A_30, %dma_wait3A] : memref<4x64xi32, #tpu.memory_space<vmem>> -> memref<1x64xi32, #tpu.memory_space<vmem>>
    %dma_wait3A_32 = tpu.memref_squeeze %dma_wait3A_31 : memref<1x64xi32, #tpu.memory_space<vmem>> -> memref<64xi32, #tpu.memory_space<vmem>>
    %dma_wait3A_33 = arith.constant 0 : i32
    %dma_wait3A_34 = tpu.memref_slice %arg4[%mul3A_4, %dma_wait3A_33] : memref<2562x64xi32, #tpu.memory_space<hbm>> -> memref<1x64xi32, #tpu.memory_space<hbm>>
    %dma_wait3A_35 = tpu.memref_squeeze %dma_wait3A_34 : memref<1x64xi32, #tpu.memory_space<hbm>> -> memref<64xi32, #tpu.memory_space<hbm>>
    %dma_wait3A_36 = arith.constant 0 : i32
    %dma_wait3A_37 = tpu.memref_slice %arg8[%rem3A_30, %dma_wait3A_36] : memref<4x64xi32, #tpu.memory_space<vmem>> -> memref<1x64xi32, #tpu.memory_space<vmem>>
    %dma_wait3A_38 = tpu.memref_squeeze %dma_wait3A_37 : memref<1x64xi32, #tpu.memory_space<vmem>> -> memref<64xi32, #tpu.memory_space<vmem>>
    %dma_wait3A_39 = arith.constant 0 : i32
    %dma_wait3A_40 = tpu.memref_slice %arg4[%mul3A_4, %dma_wait3A_39] : memref<2562x64xi32, #tpu.memory_space<hbm>> -> memref<1x64xi32, #tpu.memory_space<hbm>>
    %dma_wait3A_41 = tpu.memref_squeeze %dma_wait3A_40 : memref<1x64xi32, #tpu.memory_space<hbm>> -> memref<64xi32, #tpu.memory_space<hbm>>
    tpu.wait_dma2 semaphore(%arg15 : memref<!tpu.dma_semaphore, #tpu.memory_space<semaphore_mem>>) src(%dma_wait3A_41 : memref<64xi32, #tpu.memory_space<hbm>>) dst(%dma_wait3A_38 : memref<64xi32, #tpu.memory_space<vmem>>)
    %dma_wait3A_42 = arith.constant 0 : i32
    %dma_wait3A_43 = tpu.memref_slice %arg9[%rem3A_30, %dma_wait3A_42] : memref<4x64xi32, #tpu.memory_space<vmem>> -> memref<1x64xi32, #tpu.memory_space<vmem>>
    %dma_wait3A_44 = tpu.memref_squeeze %dma_wait3A_43 : memref<1x64xi32, #tpu.memory_space<vmem>> -> memref<64xi32, #tpu.memory_space<vmem>>
    %dma_wait3A_45 = arith.constant 0 : i32
    %dma_wait3A_46 = tpu.memref_slice %arg5[%mul3A_4, %dma_wait3A_45] : memref<2562x64xi32, #tpu.memory_space<hbm>> -> memref<1x64xi32, #tpu.memory_space<hbm>>
    %dma_wait3A_47 = tpu.memref_squeeze %dma_wait3A_46 : memref<1x64xi32, #tpu.memory_space<hbm>> -> memref<64xi32, #tpu.memory_space<hbm>>
    %dma_wait3A_48 = arith.constant 0 : i32
    %dma_wait3A_49 = tpu.memref_slice %arg9[%rem3A_30, %dma_wait3A_48] : memref<4x64xi32, #tpu.memory_space<vmem>> -> memref<1x64xi32, #tpu.memory_space<vmem>>
    %dma_wait3A_50 = tpu.memref_squeeze %dma_wait3A_49 : memref<1x64xi32, #tpu.memory_space<vmem>> -> memref<64xi32, #tpu.memory_space<vmem>>
    %dma_wait3A_51 = arith.constant 0 : i32
    %dma_wait3A_52 = tpu.memref_slice %arg5[%mul3A_4, %dma_wait3A_51] : memref<2562x64xi32, #tpu.memory_space<hbm>> -> memref<1x64xi32, #tpu.memory_space<hbm>>
    %dma_wait3A_53 = tpu.memref_squeeze %dma_wait3A_52 : memref<1x64xi32, #tpu.memory_space<hbm>> -> memref<64xi32, #tpu.memory_space<hbm>>
    tpu.wait_dma2 semaphore(%arg15 : memref<!tpu.dma_semaphore, #tpu.memory_space<semaphore_mem>>) src(%dma_wait3A_53 : memref<64xi32, #tpu.memory_space<hbm>>) dst(%dma_wait3A_50 : memref<64xi32, #tpu.memory_space<vmem>>)
    %rem3A_54 = arith.constant 4 : i32
    %rem3A_55 = arith.remsi %mul3A_4, %rem3A_54 : i32
    %min3A = arith.constant 2499 : i32
    %min3A_56 = arith.minsi %mul3A_4, %min3A : i32
    %mul3A_57 = arith.constant 64 : i32
    %mul3A_58 = arith.muli %min3A_56, %mul3A_57 : i32
    %dma_start3A_59 = arith.constant 0 : i32
    %dma_start3A_60 = arith.constant 0 : i32
    %dma_start3A_61 = arith.constant 0 : i32
    %dma_start3A_62 = tpu.memref_slice %arg10[%dma_start3A_59, %dma_start3A_60, %dma_start3A_61] : memref<2x64x128xf32, #tpu.memory_space<vmem>> -> memref<1x64x128xf32, #tpu.memory_space<vmem>>
    %dma_start3A_63 = tpu.memref_squeeze %dma_start3A_62 : memref<1x64x128xf32, #tpu.memory_space<vmem>> -> memref<64x128xf32, #tpu.memory_space<vmem>>
    %dma_start3A_64 = arith.constant 0 : i32
    %dma_start3A_65 = tpu.memref_slice %arg8[%rem3A_55, %dma_start3A_64] : memref<4x64xi32, #tpu.memory_space<vmem>> -> memref<1x64xi32, #tpu.memory_space<vmem>>
    %dma_start3A_66 = tpu.memref_squeeze %dma_start3A_65 : memref<1x64xi32, #tpu.memory_space<vmem>> -> memref<64xi32, #tpu.memory_space<vmem>>
    %dma_start3A_67 = arith.constant 0 : i32
    %dma_start3A_68 = arith.constant 0 : i32
    %dma_start3A_69 = tpu.memref_slice %arg3[%dma_start3A_67, %dma_start3A_68] : memref<10000x128xf32, #tpu.memory_space<hbm>> -> memref<10000x128xf32, #tpu.memory_space<hbm>>
    tpu.enqueue_indirect_dma source(%dma_start3A_69 : memref<10000x128xf32, #tpu.memory_space<hbm>>) target(%dma_start3A_63 : memref<64x128xf32, #tpu.memory_space<vmem>>) offsets(%dma_start3A_66 : memref<64xi32, #tpu.memory_space<vmem>>) semaphore(%arg16 : memref<!tpu.dma_semaphore, #tpu.memory_space<semaphore_mem>>)
    %dma_start3A_70 = arith.constant 0 : i32
    %dma_start3A_71 = tpu.memref_slice %arg2[%mul3A_58, %dma_start3A_70] : memref<160000x128xf32, #tpu.memory_space<hbm>> -> memref<64x128xf32, #tpu.memory_space<hbm>>
    %dma_start3A_72 = arith.constant 0 : i32
    %dma_start3A_73 = tpu.memref_slice %arg2[%mul3A_58, %dma_start3A_72] : memref<160000x128xf32, #tpu.memory_space<hbm>> -> memref<64x128xf32, #tpu.memory_space<hbm>>
    tpu.enqueue_dma source(%dma_start3A_73 : memref<64x128xf32, #tpu.memory_space<hbm>>) target(%arg11 : memref<64x128xf32, #tpu.memory_space<vmem>>) target_semaphore(%arg16 : memref<!tpu.dma_semaphore, #tpu.memory_space<semaphore_mem>>)
    %add3A_74 = arith.constant 1 : i32
    %add3A_75 = arith.addi %mul3A_4, %add3A_74 : i32
    %rem3A_76 = arith.constant 4 : i32
    %rem3A_77 = arith.remsi %add3A_75, %rem3A_76 : i32
    %dma_start3A_78 = arith.constant 0 : i32
    %dma_start3A_79 = tpu.memref_slice %arg8[%rem3A_77, %dma_start3A_78] : memref<4x64xi32, #tpu.memory_space<vmem>> -> memref<1x64xi32, #tpu.memory_space<vmem>>
    %dma_start3A_80 = tpu.memref_squeeze %dma_start3A_79 : memref<1x64xi32, #tpu.memory_space<vmem>> -> memref<64xi32, #tpu.memory_space<vmem>>
    %dma_start3A_81 = arith.constant 0 : i32
    %dma_start3A_82 = tpu.memref_slice %arg4[%add3A_75, %dma_start3A_81] : memref<2562x64xi32, #tpu.memory_space<hbm>> -> memref<1x64xi32, #tpu.memory_space<hbm>>
    %dma_start3A_83 = tpu.memref_squeeze %dma_start3A_82 : memref<1x64xi32, #tpu.memory_space<hbm>> -> memref<64xi32, #tpu.memory_space<hbm>>
    %dma_start3A_84 = arith.constant 0 : i32
    %dma_start3A_85 = tpu.memref_slice %arg8[%rem3A_77, %dma_start3A_84] : memref<4x64xi32, #tpu.memory_space<vmem>> -> memref<1x64xi32, #tpu.memory_space<vmem>>
    %dma_start3A_86 = tpu.memref_squeeze %dma_start3A_85 : memref<1x64xi32, #tpu.memory_space<vmem>> -> memref<64xi32, #tpu.memory_space<vmem>>
    %dma_start3A_87 = arith.constant 0 : i32
    %dma_start3A_88 = tpu.memref_slice %arg4[%add3A_75, %dma_start3A_87] : memref<2562x64xi32, #tpu.memory_space<hbm>> -> memref<1x64xi32, #tpu.memory_space<hbm>>
    %dma_start3A_89 = tpu.memref_squeeze %dma_start3A_88 : memref<1x64xi32, #tpu.memory_space<hbm>> -> memref<64xi32, #tpu.memory_space<hbm>>
    tpu.enqueue_dma source(%dma_start3A_89 : memref<64xi32, #tpu.memory_space<hbm>>) target(%dma_start3A_86 : memref<64xi32, #tpu.memory_space<vmem>>) target_semaphore(%arg15 : memref<!tpu.dma_semaphore, #tpu.memory_space<semaphore_mem>>)
    %dma_start3A_90 = arith.constant 0 : i32
    %dma_start3A_91 = tpu.memref_slice %arg9[%rem3A_77, %dma_start3A_90] : memref<4x64xi32, #tpu.memory_space<vmem>> -> memref<1x64xi32, #tpu.memory_space<vmem>>
    %dma_start3A_92 = tpu.memref_squeeze %dma_start3A_91 : memref<1x64xi32, #tpu.memory_space<vmem>> -> memref<64xi32, #tpu.memory_space<vmem>>
    %dma_start3A_93 = arith.constant 0 : i32
    %dma_start3A_94 = tpu.memref_slice %arg5[%add3A_75, %dma_start3A_93] : memref<2562x64xi32, #tpu.memory_space<hbm>> -> memref<1x64xi32, #tpu.memory_space<hbm>>
    %dma_start3A_95 = tpu.memref_squeeze %dma_start3A_94 : memref<1x64xi32, #tpu.memory_space<hbm>> -> memref<64xi32, #tpu.memory_space<hbm>>
    %dma_start3A_96 = arith.constant 0 : i32
    %dma_start3A_97 = tpu.memref_slice %arg9[%rem3A_77, %dma_start3A_96] : memref<4x64xi32, #tpu.memory_space<vmem>> -> memref<1x64xi32, #tpu.memory_space<vmem>>
    %dma_start3A_98 = tpu.memref_squeeze %dma_start3A_97 : memref<1x64xi32, #tpu.memory_space<vmem>> -> memref<64xi32, #tpu.memory_space<vmem>>
    %dma_start3A_99 = arith.constant 0 : i32
    %dma_start3A_100 = tpu.memref_slice %arg5[%add3A_75, %dma_start3A_99] : memref<2562x64xi32, #tpu.memory_space<hbm>> -> memref<1x64xi32, #tpu.memory_space<hbm>>
    %dma_start3A_101 = tpu.memref_squeeze %dma_start3A_100 : memref<1x64xi32, #tpu.memory_space<hbm>> -> memref<64xi32, #tpu.memory_space<hbm>>
    tpu.enqueue_dma source(%dma_start3A_101 : memref<64xi32, #tpu.memory_space<hbm>>) target(%dma_start3A_98 : memref<64xi32, #tpu.memory_space<vmem>>) target_semaphore(%arg15 : memref<!tpu.dma_semaphore, #tpu.memory_space<semaphore_mem>>)
    %scan3A = arith.constant 0 : i32
    %scan3A_102 = arith.constant 0 : i32
    %scan3A_103 = arith.constant 40 : i32
    %scan3A_104 = arith.addi %scan3A_102, %scan3A_103 : i32
    %scan3A_105 = arith.constant 1 : i32
    scf.for %scan3A_198 = %scan3A_102 to %scan3A_104 step %scan3A_105  : i32 {
      %mul3A_199 = arith.constant 2 : i32
      %mul3A_200 = arith.muli %mul3A_199, %scan3A_198 : i32
      %add3A_201 = arith.addi %mul3A_4, %mul3A_200 : i32
      %add3A_202 = arith.constant 1 : i32
      %add3A_203 = arith.addi %add3A_201, %add3A_202 : i32
      %rem3A_204 = arith.constant 4 : i32
      %rem3A_205 = arith.remsi %add3A_201, %rem3A_204 : i32
      %min3A_206 = arith.constant 2499 : i32
      %min3A_207 = arith.minsi %add3A_201, %min3A_206 : i32
      %mul3A_208 = arith.constant 64 : i32
      %mul3A_209 = arith.muli %min3A_207, %mul3A_208 : i32
      %dma_wait3A_210 = arith.constant 0 : i32
      %dma_wait3A_211 = arith.constant 0 : i32
      %dma_wait3A_212 = arith.constant 0 : i32
      %dma_wait3A_213 = tpu.memref_slice %arg10[%dma_wait3A_210, %dma_wait3A_211, %dma_wait3A_212] : memref<2x64x128xf32, #tpu.memory_space<vmem>> -> memref<1x64x128xf32, #tpu.memory_space<vmem>>
      %dma_wait3A_214 = tpu.memref_squeeze %dma_wait3A_213 : memref<1x64x128xf32, #tpu.memory_space<vmem>> -> memref<64x128xf32, #tpu.memory_space<vmem>>
      %dma_wait3A_215 = arith.constant 0 : i32
      %dma_wait3A_216 = tpu.memref_slice %arg8[%rem3A_205, %dma_wait3A_215] : memref<4x64xi32, #tpu.memory_space<vmem>> -> memref<1x64xi32, #tpu.memory_space<vmem>>
      %dma_wait3A_217 = tpu.memref_squeeze %dma_wait3A_216 : memref<1x64xi32, #tpu.memory_space<vmem>> -> memref<64xi32, #tpu.memory_space<vmem>>
      %dma_wait3A_218 = arith.constant 0 : i32
      %dma_wait3A_219 = arith.constant 0 : i32
      %dma_wait3A_220 = tpu.memref_slice %arg3[%dma_wait3A_218, %dma_wait3A_219] : memref<10000x128xf32, #tpu.memory_space<hbm>> -> memref<10000x128xf32, #tpu.memory_space<hbm>>
      tpu.wait_indirect_dma semaphore(%arg16 : memref<!tpu.dma_semaphore, #tpu.memory_space<semaphore_mem>>) src(%dma_wait3A_220 : memref<10000x128xf32, #tpu.memory_space<hbm>>) dst(%dma_wait3A_214 : memref<64x128xf32, #tpu.memory_space<vmem>>)
      %dma_wait3A_221 = arith.constant 0 : i32
      %dma_wait3A_222 = tpu.memref_slice %arg2[%mul3A_209, %dma_wait3A_221] : memref<160000x128xf32, #tpu.memory_space<hbm>> -> memref<64x128xf32, #tpu.memory_space<hbm>>
      %dma_wait3A_223 = arith.constant 0 : i32
      %dma_wait3A_224 = tpu.memref_slice %arg2[%mul3A_209, %dma_wait3A_223] : memref<160000x128xf32, #tpu.memory_space<hbm>> -> memref<64x128xf32, #tpu.memory_space<hbm>>
      tpu.wait_dma2 semaphore(%arg16 : memref<!tpu.dma_semaphore, #tpu.memory_space<semaphore_mem>>) src(%dma_wait3A_224 : memref<64x128xf32, #tpu.memory_space<hbm>>) dst(%arg11 : memref<64x128xf32, #tpu.memory_space<vmem>>)
      %rem3A_225 = arith.constant 4 : i32
      %rem3A_226 = arith.remsi %add3A_203, %rem3A_225 : i32
      %dma_wait3A_227 = arith.constant 0 : i32
      %dma_wait3A_228 = tpu.memref_slice %arg8[%rem3A_226, %dma_wait3A_227] : memref<4x64xi32, #tpu.memory_space<vmem>> -> memref<1x64xi32, #tpu.memory_space<vmem>>
      %dma_wait3A_229 = tpu.memref_squeeze %dma_wait3A_228 : memref<1x64xi32, #tpu.memory_space<vmem>> -> memref<64xi32, #tpu.memory_space<vmem>>
      %dma_wait3A_230 = arith.constant 0 : i32
      %dma_wait3A_231 = tpu.memref_slice %arg4[%add3A_203, %dma_wait3A_230] : memref<2562x64xi32, #tpu.memory_space<hbm>> -> memref<1x64xi32, #tpu.memory_space<hbm>>
      %dma_wait3A_232 = tpu.memref_squeeze %dma_wait3A_231 : memref<1x64xi32, #tpu.memory_space<hbm>> -> memref<64xi32, #tpu.memory_space<hbm>>
      %dma_wait3A_233 = arith.constant 0 : i32
      %dma_wait3A_234 = tpu.memref_slice %arg8[%rem3A_226, %dma_wait3A_233] : memref<4x64xi32, #tpu.memory_space<vmem>> -> memref<1x64xi32, #tpu.memory_space<vmem>>
      %dma_wait3A_235 = tpu.memref_squeeze %dma_wait3A_234 : memref<1x64xi32, #tpu.memory_space<vmem>> -> memref<64xi32, #tpu.memory_space<vmem>>
      %dma_wait3A_236 = arith.constant 0 : i32
      %dma_wait3A_237 = tpu.memref_slice %arg4[%add3A_203, %dma_wait3A_236] : memref<2562x64xi32, #tpu.memory_space<hbm>> -> memref<1x64xi32, #tpu.memory_space<hbm>>
      %dma_wait3A_238 = tpu.memref_squeeze %dma_wait3A_237 : memref<1x64xi32, #tpu.memory_space<hbm>> -> memref<64xi32, #tpu.memory_space<hbm>>
      tpu.wait_dma2 semaphore(%arg15 : memref<!tpu.dma_semaphore, #tpu.memory_space<semaphore_mem>>) src(%dma_wait3A_238 : memref<64xi32, #tpu.memory_space<hbm>>) dst(%dma_wait3A_235 : memref<64xi32, #tpu.memory_space<vmem>>)
      %dma_wait3A_239 = arith.constant 0 : i32
      %dma_wait3A_240 = tpu.memref_slice %arg9[%rem3A_226, %dma_wait3A_239] : memref<4x64xi32, #tpu.memory_space<vmem>> -> memref<1x64xi32, #tpu.memory_space<vmem>>
      %dma_wait3A_241 = tpu.memref_squeeze %dma_wait3A_240 : memref<1x64xi32, #tpu.memory_space<vmem>> -> memref<64xi32, #tpu.memory_space<vmem>>
      %dma_wait3A_242 = arith.constant 0 : i32
      %dma_wait3A_243 = tpu.memref_slice %arg5[%add3A_203, %dma_wait3A_242] : memref<2562x64xi32, #tpu.memory_space<hbm>> -> memref<1x64xi32, #tpu.memory_space<hbm>>
      %dma_wait3A_244 = tpu.memref_squeeze %dma_wait3A_243 : memref<1x64xi32, #tpu.memory_space<hbm>> -> memref<64xi32, #tpu.memory_space<hbm>>
      %dma_wait3A_245 = arith.constant 0 : i32
      %dma_wait3A_246 = tpu.memref_slice %arg9[%rem3A_226, %dma_wait3A_245] : memref<4x64xi32, #tpu.memory_space<vmem>> -> memref<1x64xi32, #tpu.memory_space<vmem>>
      %dma_wait3A_247 = tpu.memref_squeeze %dma_wait3A_246 : memref<1x64xi32, #tpu.memory_space<vmem>> -> memref<64xi32, #tpu.memory_space<vmem>>
      %dma_wait3A_248 = arith.constant 0 : i32
      %dma_wait3A_249 = tpu.memref_slice %arg5[%add3A_203, %dma_wait3A_248] : memref<2562x64xi32, #tpu.memory_space<hbm>> -> memref<1x64xi32, #tpu.memory_space<hbm>>
      %dma_wait3A_250 = tpu.memref_squeeze %dma_wait3A_249 : memref<1x64xi32, #tpu.memory_space<hbm>> -> memref<64xi32, #tpu.memory_space<hbm>>
      tpu.wait_dma2 semaphore(%arg15 : memref<!tpu.dma_semaphore, #tpu.memory_space<semaphore_mem>>) src(%dma_wait3A_250 : memref<64xi32, #tpu.memory_space<hbm>>) dst(%dma_wait3A_247 : memref<64xi32, #tpu.memory_space<vmem>>)
      %rem3A_251 = arith.constant 4 : i32
      %rem3A_252 = arith.remsi %add3A_203, %rem3A_251 : i32
      %min3A_253 = arith.constant 2499 : i32
      %min3A_254 = arith.minsi %add3A_203, %min3A_253 : i32
      %mul3A_255 = arith.constant 64 : i32
      %mul3A_256 = arith.muli %min3A_254, %mul3A_255 : i32
      %dma_start3A_257 = arith.constant 1 : i32
      %dma_start3A_258 = arith.constant 0 : i32
      %dma_start3A_259 = arith.constant 0 : i32
      %dma_start3A_260 = tpu.memref_slice %arg10[%dma_start3A_257, %dma_start3A_258, %dma_start3A_259] : memref<2x64x128xf32, #tpu.memory_space<vmem>> -> memref<1x64x128xf32, #tpu.memory_space<vmem>>
      %dma_start3A_261 = tpu.memref_squeeze %dma_start3A_260 : memref<1x64x128xf32, #tpu.memory_space<vmem>> -> memref<64x128xf32, #tpu.memory_space<vmem>>
      %dma_start3A_262 = arith.constant 0 : i32
      %dma_start3A_263 = tpu.memref_slice %arg8[%rem3A_252, %dma_start3A_262] : memref<4x64xi32, #tpu.memory_space<vmem>> -> memref<1x64xi32, #tpu.memory_space<vmem>>
      %dma_start3A_264 = tpu.memref_squeeze %dma_start3A_263 : memref<1x64xi32, #tpu.memory_space<vmem>> -> memref<64xi32, #tpu.memory_space<vmem>>
      %dma_start3A_265 = arith.constant 0 : i32
      %dma_start3A_266 = arith.constant 0 : i32
      %dma_start3A_267 = tpu.memref_slice %arg3[%dma_start3A_265, %dma_start3A_266] : memref<10000x128xf32, #tpu.memory_space<hbm>> -> memref<10000x128xf32, #tpu.memory_space<hbm>>
      tpu.enqueue_indirect_dma source(%dma_start3A_267 : memref<10000x128xf32, #tpu.memory_space<hbm>>) target(%dma_start3A_261 : memref<64x128xf32, #tpu.memory_space<vmem>>) offsets(%dma_start3A_264 : memref<64xi32, #tpu.memory_space<vmem>>) semaphore(%arg16 : memref<!tpu.dma_semaphore, #tpu.memory_space<semaphore_mem>>)
      %dma_start3A_268 = arith.constant 0 : i32
      %dma_start3A_269 = tpu.memref_slice %arg2[%mul3A_256, %dma_start3A_268] : memref<160000x128xf32, #tpu.memory_space<hbm>> -> memref<64x128xf32, #tpu.memory_space<hbm>>
      %dma_start3A_270 = arith.constant 0 : i32
      %dma_start3A_271 = tpu.memref_slice %arg2[%mul3A_256, %dma_start3A_270] : memref<160000x128xf32, #tpu.memory_space<hbm>> -> memref<64x128xf32, #tpu.memory_space<hbm>>
      tpu.enqueue_dma source(%dma_start3A_271 : memref<64x128xf32, #tpu.memory_space<hbm>>) target(%arg12 : memref<64x128xf32, #tpu.memory_space<vmem>>) target_semaphore(%arg16 : memref<!tpu.dma_semaphore, #tpu.memory_space<semaphore_mem>>)
      %add3A_272 = arith.constant 2 : i32
      %add3A_273 = arith.addi %add3A_201, %add3A_272 : i32
      %rem3A_274 = arith.constant 4 : i32
      %rem3A_275 = arith.remsi %add3A_273, %rem3A_274 : i32
      %dma_start3A_276 = arith.constant 0 : i32
      %dma_start3A_277 = tpu.memref_slice %arg8[%rem3A_275, %dma_start3A_276] : memref<4x64xi32, #tpu.memory_space<vmem>> -> memref<1x64xi32, #tpu.memory_space<vmem>>
      %dma_start3A_278 = tpu.memref_squeeze %dma_start3A_277 : memref<1x64xi32, #tpu.memory_space<vmem>> -> memref<64xi32, #tpu.memory_space<vmem>>
      %dma_start3A_279 = arith.constant 0 : i32
      %dma_start3A_280 = tpu.memref_slice %arg4[%add3A_273, %dma_start3A_279] : memref<2562x64xi32, #tpu.memory_space<hbm>> -> memref<1x64xi32, #tpu.memory_space<hbm>>
      %dma_start3A_281 = tpu.memref_squeeze %dma_start3A_280 : memref<1x64xi32, #tpu.memory_space<hbm>> -> memref<64xi32, #tpu.memory_space<hbm>>
      %dma_start3A_282 = arith.constant 0 : i32
      %dma_start3A_283 = tpu.memref_slice %arg8[%rem3A_275, %dma_start3A_282] : memref<4x64xi32, #tpu.memory_space<vmem>> -> memref<1x64xi32, #tpu.memory_space<vmem>>
      %dma_start3A_284 = tpu.memref_squeeze %dma_start3A_283 : memref<1x64xi32, #tpu.memory_space<vmem>> -> memref<64xi32, #tpu.memory_space<vmem>>
      %dma_start3A_285 = arith.constant 0 : i32
      %dma_start3A_286 = tpu.memref_slice %arg4[%add3A_273, %dma_start3A_285] : memref<2562x64xi32, #tpu.memory_space<hbm>> -> memref<1x64xi32, #tpu.memory_space<hbm>>
      %dma_start3A_287 = tpu.memref_squeeze %dma_start3A_286 : memref<1x64xi32, #tpu.memory_space<hbm>> -> memref<64xi32, #tpu.memory_space<hbm>>
      tpu.enqueue_dma source(%dma_start3A_287 : memref<64xi32, #tpu.memory_space<hbm>>) target(%dma_start3A_284 : memref<64xi32, #tpu.memory_space<vmem>>) target_semaphore(%arg15 : memref<!tpu.dma_semaphore, #tpu.memory_space<semaphore_mem>>)
      %dma_start3A_288 = arith.constant 0 : i32
      %dma_start3A_289 = tpu.memref_slice %arg9[%rem3A_275, %dma_start3A_288] : memref<4x64xi32, #tpu.memory_space<vmem>> -> memref<1x64xi32, #tpu.memory_space<vmem>>
      %dma_start3A_290 = tpu.memref_squeeze %dma_start3A_289 : memref<1x64xi32, #tpu.memory_space<vmem>> -> memref<64xi32, #tpu.memory_space<vmem>>
      %dma_start3A_291 = arith.constant 0 : i32
      %dma_start3A_292 = tpu.memref_slice %arg5[%add3A_273, %dma_start3A_291] : memref<2562x64xi32, #tpu.memory_space<hbm>> -> memref<1x64xi32, #tpu.memory_space<hbm>>
      %dma_start3A_293 = tpu.memref_squeeze %dma_start3A_292 : memref<1x64xi32, #tpu.memory_space<hbm>> -> memref<64xi32, #tpu.memory_space<hbm>>
      %dma_start3A_294 = arith.constant 0 : i32
      %dma_start3A_295 = tpu.memref_slice %arg9[%rem3A_275, %dma_start3A_294] : memref<4x64xi32, #tpu.memory_space<vmem>> -> memref<1x64xi32, #tpu.memory_space<vmem>>
      %dma_start3A_296 = tpu.memref_squeeze %dma_start3A_295 : memref<1x64xi32, #tpu.memory_space<vmem>> -> memref<64xi32, #tpu.memory_space<vmem>>
      %dma_start3A_297 = arith.constant 0 : i32
      %dma_start3A_298 = tpu.memref_slice %arg5[%add3A_273, %dma_start3A_297] : memref<2562x64xi32, #tpu.memory_space<hbm>> -> memref<1x64xi32, #tpu.memory_space<hbm>>
      %dma_start3A_299 = tpu.memref_squeeze %dma_start3A_298 : memref<1x64xi32, #tpu.memory_space<hbm>> -> memref<64xi32, #tpu.memory_space<hbm>>
      tpu.enqueue_dma source(%dma_start3A_299 : memref<64xi32, #tpu.memory_space<hbm>>) target(%dma_start3A_296 : memref<64xi32, #tpu.memory_space<vmem>>) target_semaphore(%arg15 : memref<!tpu.dma_semaphore, #tpu.memory_space<semaphore_mem>>)
      %gt3A = arith.constant 0 : i32
      %gt3A_300 = arith.cmpi sgt, %scan3A_198, %gt3A : i32
      %convert_element_type3A = arith.extui %gt3A_300 : i1 to i32
      %cond3A = arith.constant 0 : i32
      %cond3A_301 = arith.cmpi ne, %convert_element_type3A, %cond3A : i32
      scf.if %cond3A_301 {
        %sub3A_442 = arith.constant 2 : i32
        %sub3A_443 = arith.subi %add3A_201, %sub3A_442 : i32
        %rem3A_444 = arith.constant 4 : i32
        %rem3A_445 = arith.remsi %sub3A_443, %rem3A_444 : i32
        %dma_wait3A_446 = arith.constant 0 : i32
        %dma_wait3A_447 = arith.constant 0 : i32
        %dma_wait3A_448 = arith.constant 0 : i32
        %dma_wait3A_449 = tpu.memref_slice %arg13[%dma_wait3A_446, %dma_wait3A_447, %dma_wait3A_448] : memref<2x64x128xf32, #tpu.memory_space<vmem>> -> memref<1x64x128xf32, #tpu.memory_space<vmem>>
        %dma_wait3A_450 = tpu.memref_squeeze %dma_wait3A_449 : memref<1x64x128xf32, #tpu.memory_space<vmem>> -> memref<64x128xf32, #tpu.memory_space<vmem>>
        %dma_wait3A_451 = arith.constant 0 : i32
        %dma_wait3A_452 = tpu.memref_slice %arg9[%rem3A_445, %dma_wait3A_451] : memref<4x64xi32, #tpu.memory_space<vmem>> -> memref<1x64xi32, #tpu.memory_space<vmem>>
        %dma_wait3A_453 = tpu.memref_squeeze %dma_wait3A_452 : memref<1x64xi32, #tpu.memory_space<vmem>> -> memref<64xi32, #tpu.memory_space<vmem>>
        %dma_wait3A_454 = arith.constant 0 : i32
        %dma_wait3A_455 = arith.constant 0 : i32
        %dma_wait3A_456 = tpu.memref_slice %arg14[%dma_wait3A_454, %dma_wait3A_455] : memref<10112x128xf32, #tpu.memory_space<vmem_shared>> -> memref<10112x128xf32, #tpu.memory_space<vmem_shared>>
        tpu.wait_indirect_dma semaphore(%arg17 : memref<!tpu.dma_semaphore, #tpu.memory_space<semaphore_mem>>) src(%dma_wait3A_450 : memref<64x128xf32, #tpu.memory_space<vmem>>) dst(%dma_wait3A_456 : memref<10112x128xf32, #tpu.memory_space<vmem_shared>>)
      } else {
      }
      %parallel_loop3A = arith.constant 0 : i32
      %parallel_loop3A_302 = arith.constant 64 : i32
      %parallel_loop3A_303 = arith.constant 1 : i32
      %parallel_loop3A_304 = arith.constant 0 : i32
      %parallel_loop3A_305 = arith.constant 0 : i32
      scf.for %parallel_loop3A_442 = %parallel_loop3A to %parallel_loop3A_302 step %parallel_loop3A_303  : i32 {
        %parallel_loop3A_443 = arith.constant 0 : i32
        %parallel_loop3A_444 = arith.constant 0 : i32
        %parallel_loop3A_445 = tpu.memref_slice %arg10[%parallel_loop3A_304, %parallel_loop3A_443, %parallel_loop3A_444] : memref<2x64x128xf32, #tpu.memory_space<vmem>> -> memref<1x64x128xf32, #tpu.memory_space<vmem>>
        %parallel_loop3A_446 = tpu.memref_squeeze %parallel_loop3A_445 : memref<1x64x128xf32, #tpu.memory_space<vmem>> -> memref<64x128xf32, #tpu.memory_space<vmem>>
        %parallel_loop3A_447 = arith.index_cast %parallel_loop3A_442 : i32 to index
        %parallel_loop3A_448 = arith.constant 0 : index
        %parallel_loop3A_449 = tpu.vector_load %parallel_loop3A_446[%parallel_loop3A_447, %parallel_loop3A_448] {strides = array<i32>} : memref<64x128xf32, #tpu.memory_space<vmem>>, vector<1x16xf32>,
        %parallel_loop3A_450 = vector.shape_cast %parallel_loop3A_449 : vector<1x16xf32> to vector<16xf32>
        %parallel_loop3A_451 = arith.index_cast %parallel_loop3A_442 : i32 to index
        %parallel_loop3A_452 = arith.constant 0 : index
        %parallel_loop3A_453 = tpu.vector_load %arg11[%parallel_loop3A_451, %parallel_loop3A_452] {strides = array<i32>} : memref<64x128xf32, #tpu.memory_space<vmem>>, vector<1x16xf32>,
        %parallel_loop3A_454 = vector.shape_cast %parallel_loop3A_453 : vector<1x16xf32> to vector<16xf32>
        %parallel_loop3A_455 = arith.addf %parallel_loop3A_450, %parallel_loop3A_454 : vector<16xf32>
        %parallel_loop3A_456 = arith.constant 0.000000e+00 : f32
        %parallel_loop3A_457 = vector.broadcast %parallel_loop3A_456 : f32 to vector<16xf32>
        %parallel_loop3A_458 = arith.maximumf %parallel_loop3A_455, %parallel_loop3A_457 : vector<16xf32>
        %parallel_loop3A_459 = arith.constant 0 : i32
        %parallel_loop3A_460 = arith.constant 0 : i32
        %parallel_loop3A_461 = tpu.memref_slice %arg13[%parallel_loop3A_305, %parallel_loop3A_459, %parallel_loop3A_460] : memref<2x64x128xf32, #tpu.memory_space<vmem>> -> memref<1x64x128xf32, #tpu.memory_space<vmem>>
        %parallel_loop3A_462 = tpu.memref_squeeze %parallel_loop3A_461 : memref<1x64x128xf32, #tpu.memory_space<vmem>> -> memref<64x128xf32, #tpu.memory_space<vmem>>
        %parallel_loop3A_463 = arith.index_cast %parallel_loop3A_442 : i32 to index
        %parallel_loop3A_464 = arith.constant 0 : index
        %parallel_loop3A_465 = tpu.vector_load %parallel_loop3A_462[%parallel_loop3A_463, %parallel_loop3A_464] {strides = array<i32>} : memref<64x128xf32, #tpu.memory_space<vmem>>, vector<1x16xf32>,
        %parallel_loop3A_466 = vector.shape_cast %parallel_loop3A_465 : vector<1x16xf32> to vector<16xf32>
        %parallel_loop3A_467 = vector.shape_cast %parallel_loop3A_458 : vector<16xf32> to vector<1x16xf32>
        tpu.vector_store %parallel_loop3A_462[%parallel_loop3A_463, %parallel_loop3A_464], %parallel_loop3A_467 {strides = array<i32>} : memref<64x128xf32, #tpu.memory_space<vmem>>, vector<1x16xf32>,
        %parallel_loop3A_468 = arith.constant 0 : i32
        %parallel_loop3A_469 = arith.constant 0 : i32
        %parallel_loop3A_470 = tpu.memref_slice %arg10[%parallel_loop3A_304, %parallel_loop3A_468, %parallel_loop3A_469] : memref<2x64x128xf32, #tpu.memory_space<vmem>> -> memref<1x64x128xf32, #tpu.memory_space<vmem>>
        %parallel_loop3A_471 = tpu.memref_squeeze %parallel_loop3A_470 : memref<1x64x128xf32, #tpu.memory_space<vmem>> -> memref<64x128xf32, #tpu.memory_space<vmem>>
        %parallel_loop3A_472 = arith.index_cast %parallel_loop3A_442 : i32 to index
        %parallel_loop3A_473 = arith.constant 16 : index
        %parallel_loop3A_474 = tpu.vector_load %parallel_loop3A_471[%parallel_loop3A_472, %parallel_loop3A_473] {strides = array<i32>} : memref<64x128xf32, #tpu.memory_space<vmem>>, vector<1x16xf32>,
        %parallel_loop3A_475 = vector.shape_cast %parallel_loop3A_474 : vector<1x16xf32> to vector<16xf32>
        %parallel_loop3A_476 = arith.index_cast %parallel_loop3A_442 : i32 to index
        %parallel_loop3A_477 = arith.constant 16 : index
        %parallel_loop3A_478 = tpu.vector_load %arg11[%parallel_loop3A_476, %parallel_loop3A_477] {strides = array<i32>} : memref<64x128xf32, #tpu.memory_space<vmem>>, vector<1x16xf32>,
        %parallel_loop3A_479 = vector.shape_cast %parallel_loop3A_478 : vector<1x16xf32> to vector<16xf32>
        %parallel_loop3A_480 = arith.addf %parallel_loop3A_475, %parallel_loop3A_479 : vector<16xf32>
        %parallel_loop3A_481 = arith.constant 0.000000e+00 : f32
        %parallel_loop3A_482 = vector.broadcast %parallel_loop3A_481 : f32 to vector<16xf32>
        %parallel_loop3A_483 = arith.maximumf %parallel_loop3A_480, %parallel_loop3A_482 : vector<16xf32>
        %parallel_loop3A_484 = arith.constant 0 : i32
        %parallel_loop3A_485 = arith.constant 0 : i32
        %parallel_loop3A_486 = tpu.memref_slice %arg13[%parallel_loop3A_305, %parallel_loop3A_484, %parallel_loop3A_485] : memref<2x64x128xf32, #tpu.memory_space<vmem>> -> memref<1x64x128xf32, #tpu.memory_space<vmem>>
        %parallel_loop3A_487 = tpu.memref_squeeze %parallel_loop3A_486 : memref<1x64x128xf32, #tpu.memory_space<vmem>> -> memref<64x128xf32, #tpu.memory_space<vmem>>
        %parallel_loop3A_488 = arith.index_cast %parallel_loop3A_442 : i32 to index
        %parallel_loop3A_489 = arith.constant 16 : index
        %parallel_loop3A_490 = tpu.vector_load %parallel_loop3A_487[%parallel_loop3A_488, %parallel_loop3A_489] {strides = array<i32>} : memref<64x128xf32, #tpu.memory_space<vmem>>, vector<1x16xf32>,
        %parallel_loop3A_491 = vector.shape_cast %parallel_loop3A_490 : vector<1x16xf32> to vector<16xf32>
        %parallel_loop3A_492 = vector.shape_cast %parallel_loop3A_483 : vector<16xf32> to vector<1x16xf32>
        tpu.vector_store %parallel_loop3A_487[%parallel_loop3A_488, %parallel_loop3A_489], %parallel_loop3A_492 {strides = array<i32>} : memref<64x128xf32, #tpu.memory_space<vmem>>, vector<1x16xf32>,
        %parallel_loop3A_493 = arith.constant 0 : i32
        %parallel_loop3A_494 = arith.constant 0 : i32
        %parallel_loop3A_495 = tpu.memref_slice %arg10[%parallel_loop3A_304, %parallel_loop3A_493, %parallel_loop3A_494] : memref<2x64x128xf32, #tpu.memory_space<vmem>> -> memref<1x64x128xf32, #tpu.memory_space<vmem>>
        %parallel_loop3A_496 = tpu.memref_squeeze %parallel_loop3A_495 : memref<1x64x128xf32, #tpu.memory_space<vmem>> -> memref<64x128xf32, #tpu.memory_space<vmem>>
        %parallel_loop3A_497 = arith.index_cast %parallel_loop3A_442 : i32 to index
        %parallel_loop3A_498 = arith.constant 32 : index
        %parallel_loop3A_499 = tpu.vector_load %parallel_loop3A_496[%parallel_loop3A_497, %parallel_loop3A_498] {strides = array<i32>} : memref<64x128xf32, #tpu.memory_space<vmem>>, vector<1x16xf32>,
        %parallel_loop3A_500 = vector.shape_cast %parallel_loop3A_499 : vector<1x16xf32> to vector<16xf32>
        %parallel_loop3A_501 = arith.index_cast %parallel_loop3A_442 : i32 to index
        %parallel_loop3A_502 = arith.constant 32 : index
        %parallel_loop3A_503 = tpu.vector_load %arg11[%parallel_loop3A_501, %parallel_loop3A_502] {strides = array<i32>} : memref<64x128xf32, #tpu.memory_space<vmem>>, vector<1x16xf32>,
        %parallel_loop3A_504 = vector.shape_cast %parallel_loop3A_503 : vector<1x16xf32> to vector<16xf32>
        %parallel_loop3A_505 = arith.addf %parallel_loop3A_500, %parallel_loop3A_504 : vector<16xf32>
        %parallel_loop3A_506 = arith.constant 0.000000e+00 : f32
        %parallel_loop3A_507 = vector.broadcast %parallel_loop3A_506 : f32 to vector<16xf32>
        %parallel_loop3A_508 = arith.maximumf %parallel_loop3A_505, %parallel_loop3A_507 : vector<16xf32>
        %parallel_loop3A_509 = arith.constant 0 : i32
        %parallel_loop3A_510 = arith.constant 0 : i32
        %parallel_loop3A_511 = tpu.memref_slice %arg13[%parallel_loop3A_305, %parallel_loop3A_509, %parallel_loop3A_510] : memref<2x64x128xf32, #tpu.memory_space<vmem>> -> memref<1x64x128xf32, #tpu.memory_space<vmem>>
        %parallel_loop3A_512 = tpu.memref_squeeze %parallel_loop3A_511 : memref<1x64x128xf32, #tpu.memory_space<vmem>> -> memref<64x128xf32, #tpu.memory_space<vmem>>
        %parallel_loop3A_513 = arith.index_cast %parallel_loop3A_442 : i32 to index
        %parallel_loop3A_514 = arith.constant 32 : index
        %parallel_loop3A_515 = tpu.vector_load %parallel_loop3A_512[%parallel_loop3A_513, %parallel_loop3A_514] {strides = array<i32>} : memref<64x128xf32, #tpu.memory_space<vmem>>, vector<1x16xf32>,
        %parallel_loop3A_516 = vector.shape_cast %parallel_loop3A_515 : vector<1x16xf32> to vector<16xf32>
        %parallel_loop3A_517 = vector.shape_cast %parallel_loop3A_508 : vector<16xf32> to vector<1x16xf32>
        tpu.vector_store %parallel_loop3A_512[%parallel_loop3A_513, %parallel_loop3A_514], %parallel_loop3A_517 {strides = array<i32>} : memref<64x128xf32, #tpu.memory_space<vmem>>, vector<1x16xf32>,
        %parallel_loop3A_518 = arith.constant 0 : i32
        %parallel_loop3A_519 = arith.constant 0 : i32
        %parallel_loop3A_520 = tpu.memref_slice %arg10[%parallel_loop3A_304, %parallel_loop3A_518, %parallel_loop3A_519] : memref<2x64x128xf32, #tpu.memory_space<vmem>> -> memref<1x64x128xf32, #tpu.memory_space<vmem>>
        %parallel_loop3A_521 = tpu.memref_squeeze %parallel_loop3A_520 : memref<1x64x128xf32, #tpu.memory_space<vmem>> -> memref<64x128xf32, #tpu.memory_space<vmem>>
        %parallel_loop3A_522 = arith.index_cast %parallel_loop3A_442 : i32 to index
        %parallel_loop3A_523 = arith.constant 48 : index
        %parallel_loop3A_524 = tpu.vector_load %parallel_loop3A_521[%parallel_loop3A_522, %parallel_loop3A_523] {strides = array<i32>} : memref<64x128xf32, #tpu.memory_space<vmem>>, vector<1x16xf32>,
        %parallel_loop3A_525 = vector.shape_cast %parallel_loop3A_524 : vector<1x16xf32> to vector<16xf32>
        %parallel_loop3A_526 = arith.index_cast %parallel_loop3A_442 : i32 to index
        %parallel_loop3A_527 = arith.constant 48 : index
        %parallel_loop3A_528 = tpu.vector_load %arg11[%parallel_loop3A_526, %parallel_loop3A_527] {strides = array<i32>} : memref<64x128xf32, #tpu.memory_space<vmem>>, vector<1x16xf32>,
        %parallel_loop3A_529 = vector.shape_cast %parallel_loop3A_528 : vector<1x16xf32> to vector<16xf32>
        %parallel_loop3A_530 = arith.addf %parallel_loop3A_525, %parallel_loop3A_529 : vector<16xf32>
        %parallel_loop3A_531 = arith.constant 0.000000e+00 : f32
        %parallel_loop3A_532 = vector.broadcast %parallel_loop3A_531 : f32 to vector<16xf32>
        %parallel_loop3A_533 = arith.maximumf %parallel_loop3A_530, %parallel_loop3A_532 : vector<16xf32>
        %parallel_loop3A_534 = arith.constant 0 : i32
        %parallel_loop3A_535 = arith.constant 0 : i32
        %parallel_loop3A_536 = tpu.memref_slice %arg13[%parallel_loop3A_305, %parallel_loop3A_534, %parallel_loop3A_535] : memref<2x64x128xf32, #tpu.memory_space<vmem>> -> memref<1x64x128xf32, #tpu.memory_space<vmem>>
        %parallel_loop3A_537 = tpu.memref_squeeze %parallel_loop3A_536 : memref<1x64x128xf32, #tpu.memory_space<vmem>> -> memref<64x128xf32, #tpu.memory_space<vmem>>
        %parallel_loop3A_538 = arith.index_cast %parallel_loop3A_442 : i32 to index
        %parallel_loop3A_539 = arith.constant 48 : index
        %parallel_loop3A_540 = tpu.vector_load %parallel_loop3A_537[%parallel_loop3A_538, %parallel_loop3A_539] {strides = array<i32>} : memref<64x128xf32, #tpu.memory_space<vmem>>, vector<1x16xf32>,
        %parallel_loop3A_541 = vector.shape_cast %parallel_loop3A_540 : vector<1x16xf32> to vector<16xf32>
        %parallel_loop3A_542 = vector.shape_cast %parallel_loop3A_533 : vector<16xf32> to vector<1x16xf32>
        tpu.vector_store %parallel_loop3A_537[%parallel_loop3A_538, %parallel_loop3A_539], %parallel_loop3A_542 {strides = array<i32>} : memref<64x128xf32, #tpu.memory_space<vmem>>, vector<1x16xf32>,
        %parallel_loop3A_543 = arith.constant 0 : i32
        %parallel_loop3A_544 = arith.constant 0 : i32
        %parallel_loop3A_545 = tpu.memref_slice %arg10[%parallel_loop3A_304, %parallel_loop3A_543, %parallel_loop3A_544] : memref<2x64x128xf32, #tpu.memory_space<vmem>> -> memref<1x64x128xf32, #tpu.memory_space<vmem>>
        %parallel_loop3A_546 = tpu.memref_squeeze %parallel_loop3A_545 : memref<1x64x128xf32, #tpu.memory_space<vmem>> -> memref<64x128xf32, #tpu.memory_space<vmem>>
        %parallel_loop3A_547 = arith.index_cast %parallel_loop3A_442 : i32 to index
        %parallel_loop3A_548 = arith.constant 64 : index
        %parallel_loop3A_549 = tpu.vector_load %parallel_loop3A_546[%parallel_loop3A_547, %parallel_loop3A_548] {strides = array<i32>} : memref<64x128xf32, #tpu.memory_space<vmem>>, vector<1x16xf32>,
        %parallel_loop3A_550 = vector.shape_cast %parallel_loop3A_549 : vector<1x16xf32> to vector<16xf32>
        %parallel_loop3A_551 = arith.index_cast %parallel_loop3A_442 : i32 to index
        %parallel_loop3A_552 = arith.constant 64 : index
        %parallel_loop3A_553 = tpu.vector_load %arg11[%parallel_loop3A_551, %parallel_loop3A_552] {strides = array<i32>} : memref<64x128xf32, #tpu.memory_space<vmem>>, vector<1x16xf32>,
        %parallel_loop3A_554 = vector.shape_cast %parallel_loop3A_553 : vector<1x16xf32> to vector<16xf32>
        %parallel_loop3A_555 = arith.addf %parallel_loop3A_550, %parallel_loop3A_554 : vector<16xf32>
        %parallel_loop3A_556 = arith.constant 0.000000e+00 : f32
        %parallel_loop3A_557 = vector.broadcast %parallel_loop3A_556 : f32 to vector<16xf32>
        %parallel_loop3A_558 = arith.maximumf %parallel_loop3A_555, %parallel_loop3A_557 : vector<16xf32>
        %parallel_loop3A_559 = arith.constant 0 : i32
        %parallel_loop3A_560 = arith.constant 0 : i32
        %parallel_loop3A_561 = tpu.memref_slice %arg13[%parallel_loop3A_305, %parallel_loop3A_559, %parallel_loop3A_560] : memref<2x64x128xf32, #tpu.memory_space<vmem>> -> memref<1x64x128xf32, #tpu.memory_space<vmem>>
        %parallel_loop3A_562 = tpu.memref_squeeze %parallel_loop3A_561 : memref<1x64x128xf32, #tpu.memory_space<vmem>> -> memref<64x128xf32, #tpu.memory_space<vmem>>
        %parallel_loop3A_563 = arith.index_cast %parallel_loop3A_442 : i32 to index
        %parallel_loop3A_564 = arith.constant 64 : index
        %parallel_loop3A_565 = tpu.vector_load %parallel_loop3A_562[%parallel_loop3A_563, %parallel_loop3A_564] {strides = array<i32>} : memref<64x128xf32, #tpu.memory_space<vmem>>, vector<1x16xf32>,
        %parallel_loop3A_566 = vector.shape_cast %parallel_loop3A_565 : vector<1x16xf32> to vector<16xf32>
        %parallel_loop3A_567 = vector.shape_cast %parallel_loop3A_558 : vector<16xf32> to vector<1x16xf32>
        tpu.vector_store %parallel_loop3A_562[%parallel_loop3A_563, %parallel_loop3A_564], %parallel_loop3A_567 {strides = array<i32>} : memref<64x128xf32, #tpu.memory_space<vmem>>, vector<1x16xf32>,
        %parallel_loop3A_568 = arith.constant 0 : i32
        %parallel_loop3A_569 = arith.constant 0 : i32
        %parallel_loop3A_570 = tpu.memref_slice %arg10[%parallel_loop3A_304, %parallel_loop3A_568, %parallel_loop3A_569] : memref<2x64x128xf32, #tpu.memory_space<vmem>> -> memref<1x64x128xf32, #tpu.memory_space<vmem>>
        %parallel_loop3A_571 = tpu.memref_squeeze %parallel_loop3A_570 : memref<1x64x128xf32, #tpu.memory_space<vmem>> -> memref<64x128xf32, #tpu.memory_space<vmem>>
        %parallel_loop3A_572 = arith.index_cast %parallel_loop3A_442 : i32 to index
        %parallel_loop3A_573 = arith.constant 80 : index
        %parallel_loop3A_574 = tpu.vector_load %parallel_loop3A_571[%parallel_loop3A_572, %parallel_loop3A_573] {strides = array<i32>} : memref<64x128xf32, #tpu.memory_space<vmem>>, vector<1x16xf32>,
        %parallel_loop3A_575 = vector.shape_cast %parallel_loop3A_574 : vector<1x16xf32> to vector<16xf32>
        %parallel_loop3A_576 = arith.index_cast %parallel_loop3A_442 : i32 to index
        %parallel_loop3A_577 = arith.constant 80 : index
        %parallel_loop3A_578 = tpu.vector_load %arg11[%parallel_loop3A_576, %parallel_loop3A_577] {strides = array<i32>} : memref<64x128xf32, #tpu.memory_space<vmem>>, vector<1x16xf32>,
        %parallel_loop3A_579 = vector.shape_cast %parallel_loop3A_578 : vector<1x16xf32> to vector<16xf32>
        %parallel_loop3A_580 = arith.addf %parallel_loop3A_575, %parallel_loop3A_579 : vector<16xf32>
        %parallel_loop3A_581 = arith.constant 0.000000e+00 : f32
        %parallel_loop3A_582 = vector.broadcast %parallel_loop3A_581 : f32 to vector<16xf32>
        %parallel_loop3A_583 = arith.maximumf %parallel_loop3A_580, %parallel_loop3A_582 : vector<16xf32>
        %parallel_loop3A_584 = arith.constant 0 : i32
        %parallel_loop3A_585 = arith.constant 0 : i32
        %parallel_loop3A_586 = tpu.memref_slice %arg13[%parallel_loop3A_305, %parallel_loop3A_584, %parallel_loop3A_585] : memref<2x64x128xf32, #tpu.memory_space<vmem>> -> memref<1x64x128xf32, #tpu.memory_space<vmem>>
        %parallel_loop3A_587 = tpu.memref_squeeze %parallel_loop3A_586 : memref<1x64x128xf32, #tpu.memory_space<vmem>> -> memref<64x128xf32, #tpu.memory_space<vmem>>
        %parallel_loop3A_588 = arith.index_cast %parallel_loop3A_442 : i32 to index
        %parallel_loop3A_589 = arith.constant 80 : index
        %parallel_loop3A_590 = tpu.vector_load %parallel_loop3A_587[%parallel_loop3A_588, %parallel_loop3A_589] {strides = array<i32>} : memref<64x128xf32, #tpu.memory_space<vmem>>, vector<1x16xf32>,
        %parallel_loop3A_591 = vector.shape_cast %parallel_loop3A_590 : vector<1x16xf32> to vector<16xf32>
        %parallel_loop3A_592 = vector.shape_cast %parallel_loop3A_583 : vector<16xf32> to vector<1x16xf32>
        tpu.vector_store %parallel_loop3A_587[%parallel_loop3A_588, %parallel_loop3A_589], %parallel_loop3A_592 {strides = array<i32>} : memref<64x128xf32, #tpu.memory_space<vmem>>, vector<1x16xf32>,
        %parallel_loop3A_593 = arith.constant 0 : i32
        %parallel_loop3A_594 = arith.constant 0 : i32
        %parallel_loop3A_595 = tpu.memref_slice %arg10[%parallel_loop3A_304, %parallel_loop3A_593, %parallel_loop3A_594] : memref<2x64x128xf32, #tpu.memory_space<vmem>> -> memref<1x64x128xf32, #tpu.memory_space<vmem>>
        %parallel_loop3A_596 = tpu.memref_squeeze %parallel_loop3A_595 : memref<1x64x128xf32, #tpu.memory_space<vmem>> -> memref<64x128xf32, #tpu.memory_space<vmem>>
        %parallel_loop3A_597 = arith.index_cast %parallel_loop3A_442 : i32 to index
        %parallel_loop3A_598 = arith.constant 96 : index
        %parallel_loop3A_599 = tpu.vector_load %parallel_loop3A_596[%parallel_loop3A_597, %parallel_loop3A_598] {strides = array<i32>} : memref<64x128xf32, #tpu.memory_space<vmem>>, vector<1x16xf32>,
        %parallel_loop3A_600 = vector.shape_cast %parallel_loop3A_599 : vector<1x16xf32> to vector<16xf32>
        %parallel_loop3A_601 = arith.index_cast %parallel_loop3A_442 : i32 to index
        %parallel_loop3A_602 = arith.constant 96 : index
        %parallel_loop3A_603 = tpu.vector_load %arg11[%parallel_loop3A_601, %parallel_loop3A_602] {strides = array<i32>} : memref<64x128xf32, #tpu.memory_space<vmem>>, vector<1x16xf32>,
        %parallel_loop3A_604 = vector.shape_cast %parallel_loop3A_603 : vector<1x16xf32> to vector<16xf32>
        %parallel_loop3A_605 = arith.addf %parallel_loop3A_600, %parallel_loop3A_604 : vector<16xf32>
        %parallel_loop3A_606 = arith.constant 0.000000e+00 : f32
        %parallel_loop3A_607 = vector.broadcast %parallel_loop3A_606 : f32 to vector<16xf32>
        %parallel_loop3A_608 = arith.maximumf %parallel_loop3A_605, %parallel_loop3A_607 : vector<16xf32>
        %parallel_loop3A_609 = arith.constant 0 : i32
        %parallel_loop3A_610 = arith.constant 0 : i32
        %parallel_loop3A_611 = tpu.memref_slice %arg13[%parallel_loop3A_305, %parallel_loop3A_609, %parallel_loop3A_610] : memref<2x64x128xf32, #tpu.memory_space<vmem>> -> memref<1x64x128xf32, #tpu.memory_space<vmem>>
        %parallel_loop3A_612 = tpu.memref_squeeze %parallel_loop3A_611 : memref<1x64x128xf32, #tpu.memory_space<vmem>> -> memref<64x128xf32, #tpu.memory_space<vmem>>
        %parallel_loop3A_613 = arith.index_cast %parallel_loop3A_442 : i32 to index
        %parallel_loop3A_614 = arith.constant 96 : index
        %parallel_loop3A_615 = tpu.vector_load %parallel_loop3A_612[%parallel_loop3A_613, %parallel_loop3A_614] {strides = array<i32>} : memref<64x128xf32, #tpu.memory_space<vmem>>, vector<1x16xf32>,
        %parallel_loop3A_616 = vector.shape_cast %parallel_loop3A_615 : vector<1x16xf32> to vector<16xf32>
        %parallel_loop3A_617 = vector.shape_cast %parallel_loop3A_608 : vector<16xf32> to vector<1x16xf32>
        tpu.vector_store %parallel_loop3A_612[%parallel_loop3A_613, %parallel_loop3A_614], %parallel_loop3A_617 {strides = array<i32>} : memref<64x128xf32, #tpu.memory_space<vmem>>, vector<1x16xf32>,
        %parallel_loop3A_618 = arith.constant 0 : i32
        %parallel_loop3A_619 = arith.constant 0 : i32
        %parallel_loop3A_620 = tpu.memref_slice %arg10[%parallel_loop3A_304, %parallel_loop3A_618, %parallel_loop3A_619] : memref<2x64x128xf32, #tpu.memory_space<vmem>> -> memref<1x64x128xf32, #tpu.memory_space<vmem>>
        %parallel_loop3A_621 = tpu.memref_squeeze %parallel_loop3A_620 : memref<1x64x128xf32, #tpu.memory_space<vmem>> -> memref<64x128xf32, #tpu.memory_space<vmem>>
        %parallel_loop3A_622 = arith.index_cast %parallel_loop3A_442 : i32 to index
        %parallel_loop3A_623 = arith.constant 112 : index
        %parallel_loop3A_624 = tpu.vector_load %parallel_loop3A_621[%parallel_loop3A_622, %parallel_loop3A_623] {strides = array<i32>} : memref<64x128xf32, #tpu.memory_space<vmem>>, vector<1x16xf32>,
        %parallel_loop3A_625 = vector.shape_cast %parallel_loop3A_624 : vector<1x16xf32> to vector<16xf32>
        %parallel_loop3A_626 = arith.index_cast %parallel_loop3A_442 : i32 to index
        %parallel_loop3A_627 = arith.constant 112 : index
        %parallel_loop3A_628 = tpu.vector_load %arg11[%parallel_loop3A_626, %parallel_loop3A_627] {strides = array<i32>} : memref<64x128xf32, #tpu.memory_space<vmem>>, vector<1x16xf32>,
        %parallel_loop3A_629 = vector.shape_cast %parallel_loop3A_628 : vector<1x16xf32> to vector<16xf32>
        %parallel_loop3A_630 = arith.addf %parallel_loop3A_625, %parallel_loop3A_629 : vector<16xf32>
        %parallel_loop3A_631 = arith.constant 0.000000e+00 : f32
        %parallel_loop3A_632 = vector.broadcast %parallel_loop3A_631 : f32 to vector<16xf32>
        %parallel_loop3A_633 = arith.maximumf %parallel_loop3A_630, %parallel_loop3A_632 : vector<16xf32>
        %parallel_loop3A_634 = arith.constant 0 : i32
        %parallel_loop3A_635 = arith.constant 0 : i32
        %parallel_loop3A_636 = tpu.memref_slice %arg13[%parallel_loop3A_305, %parallel_loop3A_634, %parallel_loop3A_635] : memref<2x64x128xf32, #tpu.memory_space<vmem>> -> memref<1x64x128xf32, #tpu.memory_space<vmem>>
        %parallel_loop3A_637 = tpu.memref_squeeze %parallel_loop3A_636 : memref<1x64x128xf32, #tpu.memory_space<vmem>> -> memref<64x128xf32, #tpu.memory_space<vmem>>
        %parallel_loop3A_638 = arith.index_cast %parallel_loop3A_442 : i32 to index
        %parallel_loop3A_639 = arith.constant 112 : index
        %parallel_loop3A_640 = tpu.vector_load %parallel_loop3A_637[%parallel_loop3A_638, %parallel_loop3A_639] {strides = array<i32>} : memref<64x128xf32, #tpu.memory_space<vmem>>, vector<1x16xf32>,
        %parallel_loop3A_641 = vector.shape_cast %parallel_loop3A_640 : vector<1x16xf32> to vector<16xf32>
        %parallel_loop3A_642 = vector.shape_cast %parallel_loop3A_633 : vector<16xf32> to vector<1x16xf32>
        tpu.vector_store %parallel_loop3A_637[%parallel_loop3A_638, %parallel_loop3A_639], %parallel_loop3A_642 {strides = array<i32>} : memref<64x128xf32, #tpu.memory_space<vmem>>, vector<1x16xf32>,
      } {sc.loop_unroll_factor = 4 : i64, sc.parallel_access}
      %rem3A_306 = arith.constant 4 : i32
      %rem3A_307 = arith.remsi %add3A_201, %rem3A_306 : i32
      %dma_start3A_308 = arith.constant 0 : i32
      %dma_start3A_309 = arith.constant 0 : i32
      %dma_start3A_310 = arith.constant 0 : i32
      %dma_start3A_311 = tpu.memref_slice %arg13[%dma_start3A_308, %dma_start3A_309, %dma_start3A_310] : memref<2x64x128xf32, #tpu.memory_space<vmem>> -> memref<1x64x128xf32, #tpu.memory_space<vmem>>
      %dma_start3A_312 = tpu.memref_squeeze %dma_start3A_311 : memref<1x64x128xf32, #tpu.memory_space<vmem>> -> memref<64x128xf32, #tpu.memory_space<vmem>>
      %dma_start3A_313 = arith.constant 0 : i32
      %dma_start3A_314 = tpu.memref_slice %arg9[%rem3A_307, %dma_start3A_313] : memref<4x64xi32, #tpu.memory_space<vmem>> -> memref<1x64xi32, #tpu.memory_space<vmem>>
      %dma_start3A_315 = tpu.memref_squeeze %dma_start3A_314 : memref<1x64xi32, #tpu.memory_space<vmem>> -> memref<64xi32, #tpu.memory_space<vmem>>
      %dma_start3A_316 = arith.constant 0 : i32
      %dma_start3A_317 = arith.constant 0 : i32
      %dma_start3A_318 = tpu.memref_slice %arg14[%dma_start3A_316, %dma_start3A_317] : memref<10112x128xf32, #tpu.memory_space<vmem_shared>> -> memref<10112x128xf32, #tpu.memory_space<vmem_shared>>
      tpu.enqueue_indirect_dma source(%dma_start3A_312 : memref<64x128xf32, #tpu.memory_space<vmem>>) target(%dma_start3A_318 : memref<10112x128xf32, #tpu.memory_space<vmem_shared>>) offsets(%dma_start3A_315 : memref<64xi32, #tpu.memory_space<vmem>>) semaphore(%arg17 : memref<!tpu.dma_semaphore, #tpu.memory_space<semaphore_mem>>) {add = true}
      %rem3A_319 = arith.constant 4 : i32
      %rem3A_320 = arith.remsi %add3A_203, %rem3A_319 : i32
      %min3A_321 = arith.constant 2499 : i32
      %min3A_322 = arith.minsi %add3A_203, %min3A_321 : i32
      %mul3A_323 = arith.constant 64 : i32
      %mul3A_324 = arith.muli %min3A_322, %mul3A_323 : i32
      %dma_wait3A_325 = arith.constant 1 : i32
      %dma_wait3A_326 = arith.constant 0 : i32
      %dma_wait3A_327 = arith.constant 0 : i32
      %dma_wait3A_328 = tpu.memref_slice %arg10[%dma_wait3A_325, %dma_wait3A_326, %dma_wait3A_327] : memref<2x64x128xf32, #tpu.memory_space<vmem>> -> memref<1x64x128xf32, #tpu.memory_space<vmem>>
      %dma_wait3A_329 = tpu.memref_squeeze %dma_wait3A_328 : memref<1x64x128xf32, #tpu.memory_space<vmem>> -> memref<64x128xf32, #tpu.memory_space<vmem>>
      %dma_wait3A_330 = arith.constant 0 : i32
      %dma_wait3A_331 = tpu.memref_slice %arg8[%rem3A_320, %dma_wait3A_330] : memref<4x64xi32, #tpu.memory_space<vmem>> -> memref<1x64xi32, #tpu.memory_space<vmem>>
      %dma_wait3A_332 = tpu.memref_squeeze %dma_wait3A_331 : memref<1x64xi32, #tpu.memory_space<vmem>> -> memref<64xi32, #tpu.memory_space<vmem>>
      %dma_wait3A_333 = arith.constant 0 : i32
      %dma_wait3A_334 = arith.constant 0 : i32
      %dma_wait3A_335 = tpu.memref_slice %arg3[%dma_wait3A_333, %dma_wait3A_334] : memref<10000x128xf32, #tpu.memory_space<hbm>> -> memref<10000x128xf32, #tpu.memory_space<hbm>>
      tpu.wait_indirect_dma semaphore(%arg16 : memref<!tpu.dma_semaphore, #tpu.memory_space<semaphore_mem>>) src(%dma_wait3A_335 : memref<10000x128xf32, #tpu.memory_space<hbm>>) dst(%dma_wait3A_329 : memref<64x128xf32, #tpu.memory_space<vmem>>)
      %dma_wait3A_336 = arith.constant 0 : i32
      %dma_wait3A_337 = tpu.memref_slice %arg2[%mul3A_324, %dma_wait3A_336] : memref<160000x128xf32, #tpu.memory_space<hbm>> -> memref<64x128xf32, #tpu.memory_space<hbm>>
      %dma_wait3A_338 = arith.constant 0 : i32
      %dma_wait3A_339 = tpu.memref_slice %arg2[%mul3A_324, %dma_wait3A_338] : memref<160000x128xf32, #tpu.memory_space<hbm>> -> memref<64x128xf32, #tpu.memory_space<hbm>>
      tpu.wait_dma2 semaphore(%arg16 : memref<!tpu.dma_semaphore, #tpu.memory_space<semaphore_mem>>) src(%dma_wait3A_339 : memref<64x128xf32, #tpu.memory_space<hbm>>) dst(%arg12 : memref<64x128xf32, #tpu.memory_space<vmem>>)
      %add3A_340 = arith.constant 2 : i32
      %add3A_341 = arith.addi %add3A_201, %add3A_340 : i32
      %rem3A_342 = arith.constant 4 : i32
      %rem3A_343 = arith.remsi %add3A_341, %rem3A_342 : i32
      %dma_wait3A_344 = arith.constant 0 : i32
      %dma_wait3A_345 = tpu.memref_slice %arg8[%rem3A_343, %dma_wait3A_344] : memref<4x64xi32, #tpu.memory_space<vmem>> -> memref<1x64xi32, #tpu.memory_space<vmem>>
      %dma_wait3A_346 = tpu.memref_squeeze %dma_wait3A_345 : memref<1x64xi32, #tpu.memory_space<vmem>> -> memref<64xi32, #tpu.memory_space<vmem>>
      %dma_wait3A_347 = arith.constant 0 : i32
      %dma_wait3A_348 = tpu.memref_slice %arg4[%add3A_341, %dma_wait3A_347] : memref<2562x64xi32, #tpu.memory_space<hbm>> -> memref<1x64xi32, #tpu.memory_space<hbm>>
      %dma_wait3A_349 = tpu.memref_squeeze %dma_wait3A_348 : memref<1x64xi32, #tpu.memory_space<hbm>> -> memref<64xi32, #tpu.memory_space<hbm>>
      %dma_wait3A_350 = arith.constant 0 : i32
      %dma_wait3A_351 = tpu.memref_slice %arg8[%rem3A_343, %dma_wait3A_350] : memref<4x64xi32, #tpu.memory_space<vmem>> -> memref<1x64xi32, #tpu.memory_space<vmem>>
      %dma_wait3A_352 = tpu.memref_squeeze %dma_wait3A_351 : memref<1x64xi32, #tpu.memory_space<vmem>> -> memref<64xi32, #tpu.memory_space<vmem>>
      %dma_wait3A_353 = arith.constant 0 : i32
      %dma_wait3A_354 = tpu.memref_slice %arg4[%add3A_341, %dma_wait3A_353] : memref<2562x64xi32, #tpu.memory_space<hbm>> -> memref<1x64xi32, #tpu.memory_space<hbm>>
      %dma_wait3A_355 = tpu.memref_squeeze %dma_wait3A_354 : memref<1x64xi32, #tpu.memory_space<hbm>> -> memref<64xi32, #tpu.memory_space<hbm>>
      tpu.wait_dma2 semaphore(%arg15 : memref<!tpu.dma_semaphore, #tpu.memory_space<semaphore_mem>>) src(%dma_wait3A_355 : memref<64xi32, #tpu.memory_space<hbm>>) dst(%dma_wait3A_352 : memref<64xi32, #tpu.memory_space<vmem>>)
      %dma_wait3A_356 = arith.constant 0 : i32
      %dma_wait3A_357 = tpu.memref_slice %arg9[%rem3A_343, %dma_wait3A_356] : memref<4x64xi32, #tpu.memory_space<vmem>> -> memref<1x64xi32, #tpu.memory_space<vmem>>
      %dma_wait3A_358 = tpu.memref_squeeze %dma_wait3A_357 : memref<1x64xi32, #tpu.memory_space<vmem>> -> memref<64xi32, #tpu.memory_space<vmem>>
      %dma_wait3A_359 = arith.constant 0 : i32
      %dma_wait3A_360 = tpu.memref_slice %arg5[%add3A_341, %dma_wait3A_359] : memref<2562x64xi32, #tpu.memory_space<hbm>> -> memref<1x64xi32, #tpu.memory_space<hbm>>
      %dma_wait3A_361 = tpu.memref_squeeze %dma_wait3A_360 : memref<1x64xi32, #tpu.memory_space<hbm>> -> memref<64xi32, #tpu.memory_space<hbm>>
      %dma_wait3A_362 = arith.constant 0 : i32
      %dma_wait3A_363 = tpu.memref_slice %arg9[%rem3A_343, %dma_wait3A_362] : memref<4x64xi32, #tpu.memory_space<vmem>> -> memref<1x64xi32, #tpu.memory_space<vmem>>
      %dma_wait3A_364 = tpu.memref_squeeze %dma_wait3A_363 : memref<1x64xi32, #tpu.memory_space<vmem>> -> memref<64xi32, #tpu.memory_space<vmem>>
      %dma_wait3A_365 = arith.constant 0 : i32
      %dma_wait3A_366 = tpu.memref_slice %arg5[%add3A_341, %dma_wait3A_365] : memref<2562x64xi32, #tpu.memory_space<hbm>> -> memref<1x64xi32, #tpu.memory_space<hbm>>
      %dma_wait3A_367 = tpu.memref_squeeze %dma_wait3A_366 : memref<1x64xi32, #tpu.memory_space<hbm>> -> memref<64xi32, #tpu.memory_space<hbm>>
      tpu.wait_dma2 semaphore(%arg15 : memref<!tpu.dma_semaphore, #tpu.memory_space<semaphore_mem>>) src(%dma_wait3A_367 : memref<64xi32, #tpu.memory_space<hbm>>) dst(%dma_wait3A_364 : memref<64xi32, #tpu.memory_space<vmem>>)
      %add3A_368 = arith.constant 2 : i32
      %add3A_369 = arith.addi %add3A_201, %add3A_368 : i32
      %rem3A_370 = arith.constant 4 : i32
      %rem3A_371 = arith.remsi %add3A_369, %rem3A_370 : i32
      %min3A_372 = arith.constant 2499 : i32
      %min3A_373 = arith.minsi %add3A_369, %min3A_372 : i32
      %mul3A_374 = arith.constant 64 : i32
      %mul3A_375 = arith.muli %min3A_373, %mul3A_374 : i32
      %dma_start3A_376 = arith.constant 0 : i32
      %dma_start3A_377 = arith.constant 0 : i32
      %dma_start3A_378 = arith.constant 0 : i32
      %dma_start3A_379 = tpu.memref_slice %arg10[%dma_start3A_376, %dma_start3A_377, %dma_start3A_378] : memref<2x64x128xf32, #tpu.memory_space<vmem>> -> memref<1x64x128xf32, #tpu.memory_space<vmem>>
      %dma_start3A_380 = tpu.memref_squeeze %dma_start3A_379 : memref<1x64x128xf32, #tpu.memory_space<vmem>> -> memref<64x128xf32, #tpu.memory_space<vmem>>
      %dma_start3A_381 = arith.constant 0 : i32
      %dma_start3A_382 = tpu.memref_slice %arg8[%rem3A_371, %dma_start3A_381] : memref<4x64xi32, #tpu.memory_space<vmem>> -> memref<1x64xi32, #tpu.memory_space<vmem>>
      %dma_start3A_383 = tpu.memref_squeeze %dma_start3A_382 : memref<1x64xi32, #tpu.memory_space<vmem>> -> memref<64xi32, #tpu.memory_space<vmem>>
      %dma_start3A_384 = arith.constant 0 : i32
      %dma_start3A_385 = arith.constant 0 : i32
      %dma_start3A_386 = tpu.memref_slice %arg3[%dma_start3A_384, %dma_start3A_385] : memref<10000x128xf32, #tpu.memory_space<hbm>> -> memref<10000x128xf32, #tpu.memory_space<hbm>>
      tpu.enqueue_indirect_dma source(%dma_start3A_386 : memref<10000x128xf32, #tpu.memory_space<hbm>>) target(%dma_start3A_380 : memref<64x128xf32, #tpu.memory_space<vmem>>) offsets(%dma_start3A_383 : memref<64xi32, #tpu.memory_space<vmem>>) semaphore(%arg16 : memref<!tpu.dma_semaphore, #tpu.memory_space<semaphore_mem>>)
      %dma_start3A_387 = arith.constant 0 : i32
      %dma_start3A_388 = tpu.memref_slice %arg2[%mul3A_375, %dma_start3A_387] : memref<160000x128xf32, #tpu.memory_space<hbm>> -> memref<64x128xf32, #tpu.memory_space<hbm>>
      %dma_start3A_389 = arith.constant 0 : i32
      %dma_start3A_390 = tpu.memref_slice %arg2[%mul3A_375, %dma_start3A_389] : memref<160000x128xf32, #tpu.memory_space<hbm>> -> memref<64x128xf32, #tpu.memory_space<hbm>>
      tpu.enqueue_dma source(%dma_start3A_390 : memref<64x128xf32, #tpu.memory_space<hbm>>) target(%arg11 : memref<64x128xf32, #tpu.memory_space<vmem>>) target_semaphore(%arg16 : memref<!tpu.dma_semaphore, #tpu.memory_space<semaphore_mem>>)
      %add3A_391 = arith.constant 2 : i32
      %add3A_392 = arith.addi %add3A_203, %add3A_391 : i32
      %rem3A_393 = arith.constant 4 : i32
      %rem3A_394 = arith.remsi %add3A_392, %rem3A_393 : i32
      %dma_start3A_395 = arith.constant 0 : i32
      %dma_start3A_396 = tpu.memref_slice %arg8[%rem3A_394, %dma_start3A_395] : memref<4x64xi32, #tpu.memory_space<vmem>> -> memref<1x64xi32, #tpu.memory_space<vmem>>
      %dma_start3A_397 = tpu.memref_squeeze %dma_start3A_396 : memref<1x64xi32, #tpu.memory_space<vmem>> -> memref<64xi32, #tpu.memory_space<vmem>>
      %dma_start3A_398 = arith.constant 0 : i32
      %dma_start3A_399 = tpu.memref_slice %arg4[%add3A_392, %dma_start3A_398] : memref<2562x64xi32, #tpu.memory_space<hbm>> -> memref<1x64xi32, #tpu.memory_space<hbm>>
      %dma_start3A_400 = tpu.memref_squeeze %dma_start3A_399 : memref<1x64xi32, #tpu.memory_space<hbm>> -> memref<64xi32, #tpu.memory_space<hbm>>
      %dma_start3A_401 = arith.constant 0 : i32
      %dma_start3A_402 = tpu.memref_slice %arg8[%rem3A_394, %dma_start3A_401] : memref<4x64xi32, #tpu.memory_space<vmem>> -> memref<1x64xi32, #tpu.memory_space<vmem>>
      %dma_start3A_403 = tpu.memref_squeeze %dma_start3A_402 : memref<1x64xi32, #tpu.memory_space<vmem>> -> memref<64xi32, #tpu.memory_space<vmem>>
      %dma_start3A_404 = arith.constant 0 : i32
      %dma_start3A_405 = tpu.memref_slice %arg4[%add3A_392, %dma_start3A_404] : memref<2562x64xi32, #tpu.memory_space<hbm>> -> memref<1x64xi32, #tpu.memory_space<hbm>>
      %dma_start3A_406 = tpu.memref_squeeze %dma_start3A_405 : memref<1x64xi32, #tpu.memory_space<hbm>> -> memref<64xi32, #tpu.memory_space<hbm>>
      tpu.enqueue_dma source(%dma_start3A_406 : memref<64xi32, #tpu.memory_space<hbm>>) target(%dma_start3A_403 : memref<64xi32, #tpu.memory_space<vmem>>) target_semaphore(%arg15 : memref<!tpu.dma_semaphore, #tpu.memory_space<semaphore_mem>>)
      %dma_start3A_407 = arith.constant 0 : i32
      %dma_start3A_408 = tpu.memref_slice %arg9[%rem3A_394, %dma_start3A_407] : memref<4x64xi32, #tpu.memory_space<vmem>> -> memref<1x64xi32, #tpu.memory_space<vmem>>
      %dma_start3A_409 = tpu.memref_squeeze %dma_start3A_408 : memref<1x64xi32, #tpu.memory_space<vmem>> -> memref<64xi32, #tpu.memory_space<vmem>>
      %dma_start3A_410 = arith.constant 0 : i32
      %dma_start3A_411 = tpu.memref_slice %arg5[%add3A_392, %dma_start3A_410] : memref<2562x64xi32, #tpu.memory_space<hbm>> -> memref<1x64xi32, #tpu.memory_space<hbm>>
      %dma_start3A_412 = tpu.memref_squeeze %dma_start3A_411 : memref<1x64xi32, #tpu.memory_space<hbm>> -> memref<64xi32, #tpu.memory_space<hbm>>
      %dma_start3A_413 = arith.constant 0 : i32
      %dma_start3A_414 = tpu.memref_slice %arg9[%rem3A_394, %dma_start3A_413] : memref<4x64xi32, #tpu.memory_space<vmem>> -> memref<1x64xi32, #tpu.memory_space<vmem>>
      %dma_start3A_415 = tpu.memref_squeeze %dma_start3A_414 : memref<1x64xi32, #tpu.memory_space<vmem>> -> memref<64xi32, #tpu.memory_space<vmem>>
      %dma_start3A_416 = arith.constant 0 : i32
      %dma_start3A_417 = tpu.memref_slice %arg5[%add3A_392, %dma_start3A_416] : memref<2562x64xi32, #tpu.memory_space<hbm>> -> memref<1x64xi32, #tpu.memory_space<hbm>>
      %dma_start3A_418 = tpu.memref_squeeze %dma_start3A_417 : memref<1x64xi32, #tpu.memory_space<hbm>> -> memref<64xi32, #tpu.memory_space<hbm>>
      tpu.enqueue_dma source(%dma_start3A_418 : memref<64xi32, #tpu.memory_space<hbm>>) target(%dma_start3A_415 : memref<64xi32, #tpu.memory_space<vmem>>) target_semaphore(%arg15 : memref<!tpu.dma_semaphore, #tpu.memory_space<semaphore_mem>>)
      %gt3A_419 = arith.constant 0 : i32
      %gt3A_420 = arith.cmpi sgt, %scan3A_198, %gt3A_419 : i32
      %convert_element_type3A_421 = arith.extui %gt3A_420 : i1 to i32
      %cond3A_422 = arith.constant 0 : i32
      %cond3A_423 = arith.cmpi ne, %convert_element_type3A_421, %cond3A_422 : i32
      scf.if %cond3A_423 {
        %sub3A_442 = arith.constant 2 : i32
        %sub3A_443 = arith.subi %add3A_203, %sub3A_442 : i32
        %rem3A_444 = arith.constant 4 : i32
        %rem3A_445 = arith.remsi %sub3A_443, %rem3A_444 : i32
        %dma_wait3A_446 = arith.constant 1 : i32
        %dma_wait3A_447 = arith.constant 0 : i32
        %dma_wait3A_448 = arith.constant 0 : i32
        %dma_wait3A_449 = tpu.memref_slice %arg13[%dma_wait3A_446, %dma_wait3A_447, %dma_wait3A_448] : memref<2x64x128xf32, #tpu.memory_space<vmem>> -> memref<1x64x128xf32, #tpu.memory_space<vmem>>
        %dma_wait3A_450 = tpu.memref_squeeze %dma_wait3A_449 : memref<1x64x128xf32, #tpu.memory_space<vmem>> -> memref<64x128xf32, #tpu.memory_space<vmem>>
        %dma_wait3A_451 = arith.constant 0 : i32
        %dma_wait3A_452 = tpu.memref_slice %arg9[%rem3A_445, %dma_wait3A_451] : memref<4x64xi32, #tpu.memory_space<vmem>> -> memref<1x64xi32, #tpu.memory_space<vmem>>
        %dma_wait3A_453 = tpu.memref_squeeze %dma_wait3A_452 : memref<1x64xi32, #tpu.memory_space<vmem>> -> memref<64xi32, #tpu.memory_space<vmem>>
        %dma_wait3A_454 = arith.constant 0 : i32
        %dma_wait3A_455 = arith.constant 0 : i32
        %dma_wait3A_456 = tpu.memref_slice %arg14[%dma_wait3A_454, %dma_wait3A_455] : memref<10112x128xf32, #tpu.memory_space<vmem_shared>> -> memref<10112x128xf32, #tpu.memory_space<vmem_shared>>
        tpu.wait_indirect_dma semaphore(%arg18 : memref<!tpu.dma_semaphore, #tpu.memory_space<semaphore_mem>>) src(%dma_wait3A_450 : memref<64x128xf32, #tpu.memory_space<vmem>>) dst(%dma_wait3A_456 : memref<10112x128xf32, #tpu.memory_space<vmem_shared>>)
      } else {
      }
      %parallel_loop3A_424 = arith.constant 0 : i32
      %parallel_loop3A_425 = arith.constant 64 : i32
      %parallel_loop3A_426 = arith.constant 1 : i32
      %parallel_loop3A_427 = arith.constant 1 : i32
      %parallel_loop3A_428 = arith.constant 1 : i32
      scf.for %parallel_loop3A_442 = %parallel_loop3A_424 to %parallel_loop3A_425 step %parallel_loop3A_426  : i32 {
        %parallel_loop3A_443 = arith.constant 0 : i32
        %parallel_loop3A_444 = arith.constant 0 : i32
        %parallel_loop3A_445 = tpu.memref_slice %arg10[%parallel_loop3A_427, %parallel_loop3A_443, %parallel_loop3A_444] : memref<2x64x128xf32, #tpu.memory_space<vmem>> -> memref<1x64x128xf32, #tpu.memory_space<vmem>>
        %parallel_loop3A_446 = tpu.memref_squeeze %parallel_loop3A_445 : memref<1x64x128xf32, #tpu.memory_space<vmem>> -> memref<64x128xf32, #tpu.memory_space<vmem>>
        %parallel_loop3A_447 = arith.index_cast %parallel_loop3A_442 : i32 to index
        %parallel_loop3A_448 = arith.constant 0 : index
        %parallel_loop3A_449 = tpu.vector_load %parallel_loop3A_446[%parallel_loop3A_447, %parallel_loop3A_448] {strides = array<i32>} : memref<64x128xf32, #tpu.memory_space<vmem>>, vector<1x16xf32>,
        %parallel_loop3A_450 = vector.shape_cast %parallel_loop3A_449 : vector<1x16xf32> to vector<16xf32>
        %parallel_loop3A_451 = arith.index_cast %parallel_loop3A_442 : i32 to index
        %parallel_loop3A_452 = arith.constant 0 : index
        %parallel_loop3A_453 = tpu.vector_load %arg12[%parallel_loop3A_451, %parallel_loop3A_452] {strides = array<i32>} : memref<64x128xf32, #tpu.memory_space<vmem>>, vector<1x16xf32>,
        %parallel_loop3A_454 = vector.shape_cast %parallel_loop3A_453 : vector<1x16xf32> to vector<16xf32>
        %parallel_loop3A_455 = arith.addf %parallel_loop3A_450, %parallel_loop3A_454 : vector<16xf32>
        %parallel_loop3A_456 = arith.constant 0.000000e+00 : f32
        %parallel_loop3A_457 = vector.broadcast %parallel_loop3A_456 : f32 to vector<16xf32>
        %parallel_loop3A_458 = arith.maximumf %parallel_loop3A_455, %parallel_loop3A_457 : vector<16xf32>
        %parallel_loop3A_459 = arith.constant 0 : i32
        %parallel_loop3A_460 = arith.constant 0 : i32
        %parallel_loop3A_461 = tpu.memref_slice %arg13[%parallel_loop3A_428, %parallel_loop3A_459, %parallel_loop3A_460] : memref<2x64x128xf32, #tpu.memory_space<vmem>> -> memref<1x64x128xf32, #tpu.memory_space<vmem>>
        %parallel_loop3A_462 = tpu.memref_squeeze %parallel_loop3A_461 : memref<1x64x128xf32, #tpu.memory_space<vmem>> -> memref<64x128xf32, #tpu.memory_space<vmem>>
        %parallel_loop3A_463 = arith.index_cast %parallel_loop3A_442 : i32 to index
        %parallel_loop3A_464 = arith.constant 0 : index
        %parallel_loop3A_465 = tpu.vector_load %parallel_loop3A_462[%parallel_loop3A_463, %parallel_loop3A_464] {strides = array<i32>} : memref<64x128xf32, #tpu.memory_space<vmem>>, vector<1x16xf32>,
        %parallel_loop3A_466 = vector.shape_cast %parallel_loop3A_465 : vector<1x16xf32> to vector<16xf32>
        %parallel_loop3A_467 = vector.shape_cast %parallel_loop3A_458 : vector<16xf32> to vector<1x16xf32>
        tpu.vector_store %parallel_loop3A_462[%parallel_loop3A_463, %parallel_loop3A_464], %parallel_loop3A_467 {strides = array<i32>} : memref<64x128xf32, #tpu.memory_space<vmem>>, vector<1x16xf32>,
        %parallel_loop3A_468 = arith.constant 0 : i32
        %parallel_loop3A_469 = arith.constant 0 : i32
        %parallel_loop3A_470 = tpu.memref_slice %arg10[%parallel_loop3A_427, %parallel_loop3A_468, %parallel_loop3A_469] : memref<2x64x128xf32, #tpu.memory_space<vmem>> -> memref<1x64x128xf32, #tpu.memory_space<vmem>>
        %parallel_loop3A_471 = tpu.memref_squeeze %parallel_loop3A_470 : memref<1x64x128xf32, #tpu.memory_space<vmem>> -> memref<64x128xf32, #tpu.memory_space<vmem>>
        %parallel_loop3A_472 = arith.index_cast %parallel_loop3A_442 : i32 to index
        %parallel_loop3A_473 = arith.constant 16 : index
        %parallel_loop3A_474 = tpu.vector_load %parallel_loop3A_471[%parallel_loop3A_472, %parallel_loop3A_473] {strides = array<i32>} : memref<64x128xf32, #tpu.memory_space<vmem>>, vector<1x16xf32>,
        %parallel_loop3A_475 = vector.shape_cast %parallel_loop3A_474 : vector<1x16xf32> to vector<16xf32>
        %parallel_loop3A_476 = arith.index_cast %parallel_loop3A_442 : i32 to index
        %parallel_loop3A_477 = arith.constant 16 : index
        %parallel_loop3A_478 = tpu.vector_load %arg12[%parallel_loop3A_476, %parallel_loop3A_477] {strides = array<i32>} : memref<64x128xf32, #tpu.memory_space<vmem>>, vector<1x16xf32>,
        %parallel_loop3A_479 = vector.shape_cast %parallel_loop3A_478 : vector<1x16xf32> to vector<16xf32>
        %parallel_loop3A_480 = arith.addf %parallel_loop3A_475, %parallel_loop3A_479 : vector<16xf32>
        %parallel_loop3A_481 = arith.constant 0.000000e+00 : f32
        %parallel_loop3A_482 = vector.broadcast %parallel_loop3A_481 : f32 to vector<16xf32>
        %parallel_loop3A_483 = arith.maximumf %parallel_loop3A_480, %parallel_loop3A_482 : vector<16xf32>
        %parallel_loop3A_484 = arith.constant 0 : i32
        %parallel_loop3A_485 = arith.constant 0 : i32
        %parallel_loop3A_486 = tpu.memref_slice %arg13[%parallel_loop3A_428, %parallel_loop3A_484, %parallel_loop3A_485] : memref<2x64x128xf32, #tpu.memory_space<vmem>> -> memref<1x64x128xf32, #tpu.memory_space<vmem>>
        %parallel_loop3A_487 = tpu.memref_squeeze %parallel_loop3A_486 : memref<1x64x128xf32, #tpu.memory_space<vmem>> -> memref<64x128xf32, #tpu.memory_space<vmem>>
        %parallel_loop3A_488 = arith.index_cast %parallel_loop3A_442 : i32 to index
        %parallel_loop3A_489 = arith.constant 16 : index
        %parallel_loop3A_490 = tpu.vector_load %parallel_loop3A_487[%parallel_loop3A_488, %parallel_loop3A_489] {strides = array<i32>} : memref<64x128xf32, #tpu.memory_space<vmem>>, vector<1x16xf32>,
        %parallel_loop3A_491 = vector.shape_cast %parallel_loop3A_490 : vector<1x16xf32> to vector<16xf32>
        %parallel_loop3A_492 = vector.shape_cast %parallel_loop3A_483 : vector<16xf32> to vector<1x16xf32>
        tpu.vector_store %parallel_loop3A_487[%parallel_loop3A_488, %parallel_loop3A_489], %parallel_loop3A_492 {strides = array<i32>} : memref<64x128xf32, #tpu.memory_space<vmem>>, vector<1x16xf32>,
        %parallel_loop3A_493 = arith.constant 0 : i32
        %parallel_loop3A_494 = arith.constant 0 : i32
        %parallel_loop3A_495 = tpu.memref_slice %arg10[%parallel_loop3A_427, %parallel_loop3A_493, %parallel_loop3A_494] : memref<2x64x128xf32, #tpu.memory_space<vmem>> -> memref<1x64x128xf32, #tpu.memory_space<vmem>>
        %parallel_loop3A_496 = tpu.memref_squeeze %parallel_loop3A_495 : memref<1x64x128xf32, #tpu.memory_space<vmem>> -> memref<64x128xf32, #tpu.memory_space<vmem>>
        %parallel_loop3A_497 = arith.index_cast %parallel_loop3A_442 : i32 to index
        %parallel_loop3A_498 = arith.constant 32 : index
        %parallel_loop3A_499 = tpu.vector_load %parallel_loop3A_496[%parallel_loop3A_497, %parallel_loop3A_498] {strides = array<i32>} : memref<64x128xf32, #tpu.memory_space<vmem>>, vector<1x16xf32>,
        %parallel_loop3A_500 = vector.shape_cast %parallel_loop3A_499 : vector<1x16xf32> to vector<16xf32>
        %parallel_loop3A_501 = arith.index_cast %parallel_loop3A_442 : i32 to index
        %parallel_loop3A_502 = arith.constant 32 : index
        %parallel_loop3A_503 = tpu.vector_load %arg12[%parallel_loop3A_501, %parallel_loop3A_502] {strides = array<i32>} : memref<64x128xf32, #tpu.memory_space<vmem>>, vector<1x16xf32>,
        %parallel_loop3A_504 = vector.shape_cast %parallel_loop3A_503 : vector<1x16xf32> to vector<16xf32>
        %parallel_loop3A_505 = arith.addf %parallel_loop3A_500, %parallel_loop3A_504 : vector<16xf32>
        %parallel_loop3A_506 = arith.constant 0.000000e+00 : f32
        %parallel_loop3A_507 = vector.broadcast %parallel_loop3A_506 : f32 to vector<16xf32>
        %parallel_loop3A_508 = arith.maximumf %parallel_loop3A_505, %parallel_loop3A_507 : vector<16xf32>
        %parallel_loop3A_509 = arith.constant 0 : i32
        %parallel_loop3A_510 = arith.constant 0 : i32
        %parallel_loop3A_511 = tpu.memref_slice %arg13[%parallel_loop3A_428, %parallel_loop3A_509, %parallel_loop3A_510] : memref<2x64x128xf32, #tpu.memory_space<vmem>> -> memref<1x64x128xf32, #tpu.memory_space<vmem>>
        %parallel_loop3A_512 = tpu.memref_squeeze %parallel_loop3A_511 : memref<1x64x128xf32, #tpu.memory_space<vmem>> -> memref<64x128xf32, #tpu.memory_space<vmem>>
        %parallel_loop3A_513 = arith.index_cast %parallel_loop3A_442 : i32 to index
        %parallel_loop3A_514 = arith.constant 32 : index
        %parallel_loop3A_515 = tpu.vector_load %parallel_loop3A_512[%parallel_loop3A_513, %parallel_loop3A_514] {strides = array<i32>} : memref<64x128xf32, #tpu.memory_space<vmem>>, vector<1x16xf32>,
        %parallel_loop3A_516 = vector.shape_cast %parallel_loop3A_515 : vector<1x16xf32> to vector<16xf32>
        %parallel_loop3A_517 = vector.shape_cast %parallel_loop3A_508 : vector<16xf32> to vector<1x16xf32>
        tpu.vector_store %parallel_loop3A_512[%parallel_loop3A_513, %parallel_loop3A_514], %parallel_loop3A_517 {strides = array<i32>} : memref<64x128xf32, #tpu.memory_space<vmem>>, vector<1x16xf32>,
        %parallel_loop3A_518 = arith.constant 0 : i32
        %parallel_loop3A_519 = arith.constant 0 : i32
        %parallel_loop3A_520 = tpu.memref_slice %arg10[%parallel_loop3A_427, %parallel_loop3A_518, %parallel_loop3A_519] : memref<2x64x128xf32, #tpu.memory_space<vmem>> -> memref<1x64x128xf32, #tpu.memory_space<vmem>>
        %parallel_loop3A_521 = tpu.memref_squeeze %parallel_loop3A_520 : memref<1x64x128xf32, #tpu.memory_space<vmem>> -> memref<64x128xf32, #tpu.memory_space<vmem>>
        %parallel_loop3A_522 = arith.index_cast %parallel_loop3A_442 : i32 to index
        %parallel_loop3A_523 = arith.constant 48 : index
        %parallel_loop3A_524 = tpu.vector_load %parallel_loop3A_521[%parallel_loop3A_522, %parallel_loop3A_523] {strides = array<i32>} : memref<64x128xf32, #tpu.memory_space<vmem>>, vector<1x16xf32>,
        %parallel_loop3A_525 = vector.shape_cast %parallel_loop3A_524 : vector<1x16xf32> to vector<16xf32>
        %parallel_loop3A_526 = arith.index_cast %parallel_loop3A_442 : i32 to index
        %parallel_loop3A_527 = arith.constant 48 : index
        %parallel_loop3A_528 = tpu.vector_load %arg12[%parallel_loop3A_526, %parallel_loop3A_527] {strides = array<i32>} : memref<64x128xf32, #tpu.memory_space<vmem>>, vector<1x16xf32>,
        %parallel_loop3A_529 = vector.shape_cast %parallel_loop3A_528 : vector<1x16xf32> to vector<16xf32>
        %parallel_loop3A_530 = arith.addf %parallel_loop3A_525, %parallel_loop3A_529 : vector<16xf32>
        %parallel_loop3A_531 = arith.constant 0.000000e+00 : f32
        %parallel_loop3A_532 = vector.broadcast %parallel_loop3A_531 : f32 to vector<16xf32>
        %parallel_loop3A_533 = arith.maximumf %parallel_loop3A_530, %parallel_loop3A_532 : vector<16xf32>
        %parallel_loop3A_534 = arith.constant 0 : i32
        %parallel_loop3A_535 = arith.constant 0 : i32
        %parallel_loop3A_536 = tpu.memref_slice %arg13[%parallel_loop3A_428, %parallel_loop3A_534, %parallel_loop3A_535] : memref<2x64x128xf32, #tpu.memory_space<vmem>> -> memref<1x64x128xf32, #tpu.memory_space<vmem>>
        %parallel_loop3A_537 = tpu.memref_squeeze %parallel_loop3A_536 : memref<1x64x128xf32, #tpu.memory_space<vmem>> -> memref<64x128xf32, #tpu.memory_space<vmem>>
        %parallel_loop3A_538 = arith.index_cast %parallel_loop3A_442 : i32 to index
        %parallel_loop3A_539 = arith.constant 48 : index
        %parallel_loop3A_540 = tpu.vector_load %parallel_loop3A_537[%parallel_loop3A_538, %parallel_loop3A_539] {strides = array<i32>} : memref<64x128xf32, #tpu.memory_space<vmem>>, vector<1x16xf32>,
        %parallel_loop3A_541 = vector.shape_cast %parallel_loop3A_540 : vector<1x16xf32> to vector<16xf32>
        %parallel_loop3A_542 = vector.shape_cast %parallel_loop3A_533 : vector<16xf32> to vector<1x16xf32>
        tpu.vector_store %parallel_loop3A_537[%parallel_loop3A_538, %parallel_loop3A_539], %parallel_loop3A_542 {strides = array<i32>} : memref<64x128xf32, #tpu.memory_space<vmem>>, vector<1x16xf32>,
        %parallel_loop3A_543 = arith.constant 0 : i32
        %parallel_loop3A_544 = arith.constant 0 : i32
        %parallel_loop3A_545 = tpu.memref_slice %arg10[%parallel_loop3A_427, %parallel_loop3A_543, %parallel_loop3A_544] : memref<2x64x128xf32, #tpu.memory_space<vmem>> -> memref<1x64x128xf32, #tpu.memory_space<vmem>>
        %parallel_loop3A_546 = tpu.memref_squeeze %parallel_loop3A_545 : memref<1x64x128xf32, #tpu.memory_space<vmem>> -> memref<64x128xf32, #tpu.memory_space<vmem>>
        %parallel_loop3A_547 = arith.index_cast %parallel_loop3A_442 : i32 to index
        %parallel_loop3A_548 = arith.constant 64 : index
        %parallel_loop3A_549 = tpu.vector_load %parallel_loop3A_546[%parallel_loop3A_547, %parallel_loop3A_548] {strides = array<i32>} : memref<64x128xf32, #tpu.memory_space<vmem>>, vector<1x16xf32>,
        %parallel_loop3A_550 = vector.shape_cast %parallel_loop3A_549 : vector<1x16xf32> to vector<16xf32>
        %parallel_loop3A_551 = arith.index_cast %parallel_loop3A_442 : i32 to index
        %parallel_loop3A_552 = arith.constant 64 : index
        %parallel_loop3A_553 = tpu.vector_load %arg12[%parallel_loop3A_551, %parallel_loop3A_552] {strides = array<i32>} : memref<64x128xf32, #tpu.memory_space<vmem>>, vector<1x16xf32>,
        %parallel_loop3A_554 = vector.shape_cast %parallel_loop3A_553 : vector<1x16xf32> to vector<16xf32>
        %parallel_loop3A_555 = arith.addf %parallel_loop3A_550, %parallel_loop3A_554 : vector<16xf32>
        %parallel_loop3A_556 = arith.constant 0.000000e+00 : f32
        %parallel_loop3A_557 = vector.broadcast %parallel_loop3A_556 : f32 to vector<16xf32>
        %parallel_loop3A_558 = arith.maximumf %parallel_loop3A_555, %parallel_loop3A_557 : vector<16xf32>
        %parallel_loop3A_559 = arith.constant 0 : i32
        %parallel_loop3A_560 = arith.constant 0 : i32
        %parallel_loop3A_561 = tpu.memref_slice %arg13[%parallel_loop3A_428, %parallel_loop3A_559, %parallel_loop3A_560] : memref<2x64x128xf32, #tpu.memory_space<vmem>> -> memref<1x64x128xf32, #tpu.memory_space<vmem>>
        %parallel_loop3A_562 = tpu.memref_squeeze %parallel_loop3A_561 : memref<1x64x128xf32, #tpu.memory_space<vmem>> -> memref<64x128xf32, #tpu.memory_space<vmem>>
        %parallel_loop3A_563 = arith.index_cast %parallel_loop3A_442 : i32 to index
        %parallel_loop3A_564 = arith.constant 64 : index
        %parallel_loop3A_565 = tpu.vector_load %parallel_loop3A_562[%parallel_loop3A_563, %parallel_loop3A_564] {strides = array<i32>} : memref<64x128xf32, #tpu.memory_space<vmem>>, vector<1x16xf32>,
        %parallel_loop3A_566 = vector.shape_cast %parallel_loop3A_565 : vector<1x16xf32> to vector<16xf32>
        %parallel_loop3A_567 = vector.shape_cast %parallel_loop3A_558 : vector<16xf32> to vector<1x16xf32>
        tpu.vector_store %parallel_loop3A_562[%parallel_loop3A_563, %parallel_loop3A_564], %parallel_loop3A_567 {strides = array<i32>} : memref<64x128xf32, #tpu.memory_space<vmem>>, vector<1x16xf32>,
        %parallel_loop3A_568 = arith.constant 0 : i32
        %parallel_loop3A_569 = arith.constant 0 : i32
        %parallel_loop3A_570 = tpu.memref_slice %arg10[%parallel_loop3A_427, %parallel_loop3A_568, %parallel_loop3A_569] : memref<2x64x128xf32, #tpu.memory_space<vmem>> -> memref<1x64x128xf32, #tpu.memory_space<vmem>>
        %parallel_loop3A_571 = tpu.memref_squeeze %parallel_loop3A_570 : memref<1x64x128xf32, #tpu.memory_space<vmem>> -> memref<64x128xf32, #tpu.memory_space<vmem>>
        %parallel_loop3A_572 = arith.index_cast %parallel_loop3A_442 : i32 to index
        %parallel_loop3A_573 = arith.constant 80 : index
        %parallel_loop3A_574 = tpu.vector_load %parallel_loop3A_571[%parallel_loop3A_572, %parallel_loop3A_573] {strides = array<i32>} : memref<64x128xf32, #tpu.memory_space<vmem>>, vector<1x16xf32>,
        %parallel_loop3A_575 = vector.shape_cast %parallel_loop3A_574 : vector<1x16xf32> to vector<16xf32>
        %parallel_loop3A_576 = arith.index_cast %parallel_loop3A_442 : i32 to index
        %parallel_loop3A_577 = arith.constant 80 : index
        %parallel_loop3A_578 = tpu.vector_load %arg12[%parallel_loop3A_576, %parallel_loop3A_577] {strides = array<i32>} : memref<64x128xf32, #tpu.memory_space<vmem>>, vector<1x16xf32>,
        %parallel_loop3A_579 = vector.shape_cast %parallel_loop3A_578 : vector<1x16xf32> to vector<16xf32>
        %parallel_loop3A_580 = arith.addf %parallel_loop3A_575, %parallel_loop3A_579 : vector<16xf32>
        %parallel_loop3A_581 = arith.constant 0.000000e+00 : f32
        %parallel_loop3A_582 = vector.broadcast %parallel_loop3A_581 : f32 to vector<16xf32>
        %parallel_loop3A_583 = arith.maximumf %parallel_loop3A_580, %parallel_loop3A_582 : vector<16xf32>
        %parallel_loop3A_584 = arith.constant 0 : i32
        %parallel_loop3A_585 = arith.constant 0 : i32
        %parallel_loop3A_586 = tpu.memref_slice %arg13[%parallel_loop3A_428, %parallel_loop3A_584, %parallel_loop3A_585] : memref<2x64x128xf32, #tpu.memory_space<vmem>> -> memref<1x64x128xf32, #tpu.memory_space<vmem>>
        %parallel_loop3A_587 = tpu.memref_squeeze %parallel_loop3A_586 : memref<1x64x128xf32, #tpu.memory_space<vmem>> -> memref<64x128xf32, #tpu.memory_space<vmem>>
        %parallel_loop3A_588 = arith.index_cast %parallel_loop3A_442 : i32 to index
        %parallel_loop3A_589 = arith.constant 80 : index
        %parallel_loop3A_590 = tpu.vector_load %parallel_loop3A_587[%parallel_loop3A_588, %parallel_loop3A_589] {strides = array<i32>} : memref<64x128xf32, #tpu.memory_space<vmem>>, vector<1x16xf32>,
        %parallel_loop3A_591 = vector.shape_cast %parallel_loop3A_590 : vector<1x16xf32> to vector<16xf32>
        %parallel_loop3A_592 = vector.shape_cast %parallel_loop3A_583 : vector<16xf32> to vector<1x16xf32>
        tpu.vector_store %parallel_loop3A_587[%parallel_loop3A_588, %parallel_loop3A_589], %parallel_loop3A_592 {strides = array<i32>} : memref<64x128xf32, #tpu.memory_space<vmem>>, vector<1x16xf32>,
        %parallel_loop3A_593 = arith.constant 0 : i32
        %parallel_loop3A_594 = arith.constant 0 : i32
        %parallel_loop3A_595 = tpu.memref_slice %arg10[%parallel_loop3A_427, %parallel_loop3A_593, %parallel_loop3A_594] : memref<2x64x128xf32, #tpu.memory_space<vmem>> -> memref<1x64x128xf32, #tpu.memory_space<vmem>>
        %parallel_loop3A_596 = tpu.memref_squeeze %parallel_loop3A_595 : memref<1x64x128xf32, #tpu.memory_space<vmem>> -> memref<64x128xf32, #tpu.memory_space<vmem>>
        %parallel_loop3A_597 = arith.index_cast %parallel_loop3A_442 : i32 to index
        %parallel_loop3A_598 = arith.constant 96 : index
        %parallel_loop3A_599 = tpu.vector_load %parallel_loop3A_596[%parallel_loop3A_597, %parallel_loop3A_598] {strides = array<i32>} : memref<64x128xf32, #tpu.memory_space<vmem>>, vector<1x16xf32>,
        %parallel_loop3A_600 = vector.shape_cast %parallel_loop3A_599 : vector<1x16xf32> to vector<16xf32>
        %parallel_loop3A_601 = arith.index_cast %parallel_loop3A_442 : i32 to index
        %parallel_loop3A_602 = arith.constant 96 : index
        %parallel_loop3A_603 = tpu.vector_load %arg12[%parallel_loop3A_601, %parallel_loop3A_602] {strides = array<i32>} : memref<64x128xf32, #tpu.memory_space<vmem>>, vector<1x16xf32>,
        %parallel_loop3A_604 = vector.shape_cast %parallel_loop3A_603 : vector<1x16xf32> to vector<16xf32>
        %parallel_loop3A_605 = arith.addf %parallel_loop3A_600, %parallel_loop3A_604 : vector<16xf32>
        %parallel_loop3A_606 = arith.constant 0.000000e+00 : f32
        %parallel_loop3A_607 = vector.broadcast %parallel_loop3A_606 : f32 to vector<16xf32>
        %parallel_loop3A_608 = arith.maximumf %parallel_loop3A_605, %parallel_loop3A_607 : vector<16xf32>
        %parallel_loop3A_609 = arith.constant 0 : i32
        %parallel_loop3A_610 = arith.constant 0 : i32
        %parallel_loop3A_611 = tpu.memref_slice %arg13[%parallel_loop3A_428, %parallel_loop3A_609, %parallel_loop3A_610] : memref<2x64x128xf32, #tpu.memory_space<vmem>> -> memref<1x64x128xf32, #tpu.memory_space<vmem>>
        %parallel_loop3A_612 = tpu.memref_squeeze %parallel_loop3A_611 : memref<1x64x128xf32, #tpu.memory_space<vmem>> -> memref<64x128xf32, #tpu.memory_space<vmem>>
        %parallel_loop3A_613 = arith.index_cast %parallel_loop3A_442 : i32 to index
        %parallel_loop3A_614 = arith.constant 96 : index
        %parallel_loop3A_615 = tpu.vector_load %parallel_loop3A_612[%parallel_loop3A_613, %parallel_loop3A_614] {strides = array<i32>} : memref<64x128xf32, #tpu.memory_space<vmem>>, vector<1x16xf32>,
        %parallel_loop3A_616 = vector.shape_cast %parallel_loop3A_615 : vector<1x16xf32> to vector<16xf32>
        %parallel_loop3A_617 = vector.shape_cast %parallel_loop3A_608 : vector<16xf32> to vector<1x16xf32>
        tpu.vector_store %parallel_loop3A_612[%parallel_loop3A_613, %parallel_loop3A_614], %parallel_loop3A_617 {strides = array<i32>} : memref<64x128xf32, #tpu.memory_space<vmem>>, vector<1x16xf32>,
        %parallel_loop3A_618 = arith.constant 0 : i32
        %parallel_loop3A_619 = arith.constant 0 : i32
        %parallel_loop3A_620 = tpu.memref_slice %arg10[%parallel_loop3A_427, %parallel_loop3A_618, %parallel_loop3A_619] : memref<2x64x128xf32, #tpu.memory_space<vmem>> -> memref<1x64x128xf32, #tpu.memory_space<vmem>>
        %parallel_loop3A_621 = tpu.memref_squeeze %parallel_loop3A_620 : memref<1x64x128xf32, #tpu.memory_space<vmem>> -> memref<64x128xf32, #tpu.memory_space<vmem>>
        %parallel_loop3A_622 = arith.index_cast %parallel_loop3A_442 : i32 to index
        %parallel_loop3A_623 = arith.constant 112 : index
        %parallel_loop3A_624 = tpu.vector_load %parallel_loop3A_621[%parallel_loop3A_622, %parallel_loop3A_623] {strides = array<i32>} : memref<64x128xf32, #tpu.memory_space<vmem>>, vector<1x16xf32>,
        %parallel_loop3A_625 = vector.shape_cast %parallel_loop3A_624 : vector<1x16xf32> to vector<16xf32>
        %parallel_loop3A_626 = arith.index_cast %parallel_loop3A_442 : i32 to index
        %parallel_loop3A_627 = arith.constant 112 : index
        %parallel_loop3A_628 = tpu.vector_load %arg12[%parallel_loop3A_626, %parallel_loop3A_627] {strides = array<i32>} : memref<64x128xf32, #tpu.memory_space<vmem>>, vector<1x16xf32>,
        %parallel_loop3A_629 = vector.shape_cast %parallel_loop3A_628 : vector<1x16xf32> to vector<16xf32>
        %parallel_loop3A_630 = arith.addf %parallel_loop3A_625, %parallel_loop3A_629 : vector<16xf32>
        %parallel_loop3A_631 = arith.constant 0.000000e+00 : f32
        %parallel_loop3A_632 = vector.broadcast %parallel_loop3A_631 : f32 to vector<16xf32>
        %parallel_loop3A_633 = arith.maximumf %parallel_loop3A_630, %parallel_loop3A_632 : vector<16xf32>
        %parallel_loop3A_634 = arith.constant 0 : i32
        %parallel_loop3A_635 = arith.constant 0 : i32
        %parallel_loop3A_636 = tpu.memref_slice %arg13[%parallel_loop3A_428, %parallel_loop3A_634, %parallel_loop3A_635] : memref<2x64x128xf32, #tpu.memory_space<vmem>> -> memref<1x64x128xf32, #tpu.memory_space<vmem>>
        %parallel_loop3A_637 = tpu.memref_squeeze %parallel_loop3A_636 : memref<1x64x128xf32, #tpu.memory_space<vmem>> -> memref<64x128xf32, #tpu.memory_space<vmem>>
        %parallel_loop3A_638 = arith.index_cast %parallel_loop3A_442 : i32 to index
        %parallel_loop3A_639 = arith.constant 112 : index
        %parallel_loop3A_640 = tpu.vector_load %parallel_loop3A_637[%parallel_loop3A_638, %parallel_loop3A_639] {strides = array<i32>} : memref<64x128xf32, #tpu.memory_space<vmem>>, vector<1x16xf32>,
        %parallel_loop3A_641 = vector.shape_cast %parallel_loop3A_640 : vector<1x16xf32> to vector<16xf32>
        %parallel_loop3A_642 = vector.shape_cast %parallel_loop3A_633 : vector<16xf32> to vector<1x16xf32>
        tpu.vector_store %parallel_loop3A_637[%parallel_loop3A_638, %parallel_loop3A_639], %parallel_loop3A_642 {strides = array<i32>} : memref<64x128xf32, #tpu.memory_space<vmem>>, vector<1x16xf32>,
      } {sc.loop_unroll_factor = 4 : i64, sc.parallel_access}
      %rem3A_429 = arith.constant 4 : i32
      %rem3A_430 = arith.remsi %add3A_203, %rem3A_429 : i32
      %dma_start3A_431 = arith.constant 1 : i32
      %dma_start3A_432 = arith.constant 0 : i32
      %dma_start3A_433 = arith.constant 0 : i32
      %dma_start3A_434 = tpu.memref_slice %arg13[%dma_start3A_431, %dma_start3A_432, %dma_start3A_433] : memref<2x64x128xf32, #tpu.memory_space<vmem>> -> memref<1x64x128xf32, #tpu.memory_space<vmem>>
      %dma_start3A_435 = tpu.memref_squeeze %dma_start3A_434 : memref<1x64x128xf32, #tpu.memory_space<vmem>> -> memref<64x128xf32, #tpu.memory_space<vmem>>
      %dma_start3A_436 = arith.constant 0 : i32
      %dma_start3A_437 = tpu.memref_slice %arg9[%rem3A_430, %dma_start3A_436] : memref<4x64xi32, #tpu.memory_space<vmem>> -> memref<1x64xi32, #tpu.memory_space<vmem>>
      %dma_start3A_438 = tpu.memref_squeeze %dma_start3A_437 : memref<1x64xi32, #tpu.memory_space<vmem>> -> memref<64xi32, #tpu.memory_space<vmem>>
      %dma_start3A_439 = arith.constant 0 : i32
      %dma_start3A_440 = arith.constant 0 : i32
      %dma_start3A_441 = tpu.memref_slice %arg14[%dma_start3A_439, %dma_start3A_440] : memref<10112x128xf32, #tpu.memory_space<vmem_shared>> -> memref<10112x128xf32, #tpu.memory_space<vmem_shared>>
      tpu.enqueue_indirect_dma source(%dma_start3A_435 : memref<64x128xf32, #tpu.memory_space<vmem>>) target(%dma_start3A_441 : memref<10112x128xf32, #tpu.memory_space<vmem_shared>>) offsets(%dma_start3A_438 : memref<64xi32, #tpu.memory_space<vmem>>) semaphore(%arg18 : memref<!tpu.dma_semaphore, #tpu.memory_space<semaphore_mem>>) {add = true}
    }
    %scan3A_106 = arith.constant 40 : i32
    %add3A_107 = arith.constant 80 : i32
    %add3A_108 = arith.addi %mul3A_4, %add3A_107 : i32
    %sub3A = arith.constant 2 : i32
    %sub3A_109 = arith.subi %add3A_108, %sub3A : i32
    %rem3A_110 = arith.constant 4 : i32
    %rem3A_111 = arith.remsi %sub3A_109, %rem3A_110 : i32
    %dma_wait3A_112 = arith.constant 0 : i32
    %dma_wait3A_113 = arith.constant 0 : i32
    %dma_wait3A_114 = arith.constant 0 : i32
    %dma_wait3A_115 = tpu.memref_slice %arg13[%dma_wait3A_112, %dma_wait3A_113, %dma_wait3A_114] : memref<2x64x128xf32, #tpu.memory_space<vmem>> -> memref<1x64x128xf32, #tpu.memory_space<vmem>>
    %dma_wait3A_116 = tpu.memref_squeeze %dma_wait3A_115 : memref<1x64x128xf32, #tpu.memory_space<vmem>> -> memref<64x128xf32, #tpu.memory_space<vmem>>
    %dma_wait3A_117 = arith.constant 0 : i32
    %dma_wait3A_118 = tpu.memref_slice %arg9[%rem3A_111, %dma_wait3A_117] : memref<4x64xi32, #tpu.memory_space<vmem>> -> memref<1x64xi32, #tpu.memory_space<vmem>>
    %dma_wait3A_119 = tpu.memref_squeeze %dma_wait3A_118 : memref<1x64xi32, #tpu.memory_space<vmem>> -> memref<64xi32, #tpu.memory_space<vmem>>
    %dma_wait3A_120 = arith.constant 0 : i32
    %dma_wait3A_121 = arith.constant 0 : i32
    %dma_wait3A_122 = tpu.memref_slice %arg14[%dma_wait3A_120, %dma_wait3A_121] : memref<10112x128xf32, #tpu.memory_space<vmem_shared>> -> memref<10112x128xf32, #tpu.memory_space<vmem_shared>>
    tpu.wait_indirect_dma semaphore(%arg17 : memref<!tpu.dma_semaphore, #tpu.memory_space<semaphore_mem>>) src(%dma_wait3A_116 : memref<64x128xf32, #tpu.memory_space<vmem>>) dst(%dma_wait3A_122 : memref<10112x128xf32, #tpu.memory_space<vmem_shared>>)
    %add3A_123 = arith.constant 80 : i32
    %add3A_124 = arith.addi %mul3A_4, %add3A_123 : i32
    %sub3A_125 = arith.constant 1 : i32
    %sub3A_126 = arith.subi %add3A_124, %sub3A_125 : i32
    %rem3A_127 = arith.constant 4 : i32
    %rem3A_128 = arith.remsi %sub3A_126, %rem3A_127 : i32
    %dma_wait3A_129 = arith.constant 1 : i32
    %dma_wait3A_130 = arith.constant 0 : i32
    %dma_wait3A_131 = arith.constant 0 : i32
    %dma_wait3A_132 = tpu.memref_slice %arg13[%dma_wait3A_129, %dma_wait3A_130, %dma_wait3A_131] : memref<2x64x128xf32, #tpu.memory_space<vmem>> -> memref<1x64x128xf32, #tpu.memory_space<vmem>>
    %dma_wait3A_133 = tpu.memref_squeeze %dma_wait3A_132 : memref<1x64x128xf32, #tpu.memory_space<vmem>> -> memref<64x128xf32, #tpu.memory_space<vmem>>
    %dma_wait3A_134 = arith.constant 0 : i32
    %dma_wait3A_135 = tpu.memref_slice %arg9[%rem3A_128, %dma_wait3A_134] : memref<4x64xi32, #tpu.memory_space<vmem>> -> memref<1x64xi32, #tpu.memory_space<vmem>>
    %dma_wait3A_136 = tpu.memref_squeeze %dma_wait3A_135 : memref<1x64xi32, #tpu.memory_space<vmem>> -> memref<64xi32, #tpu.memory_space<vmem>>
    %dma_wait3A_137 = arith.constant 0 : i32
    %dma_wait3A_138 = arith.constant 0 : i32
    %dma_wait3A_139 = tpu.memref_slice %arg14[%dma_wait3A_137, %dma_wait3A_138] : memref<10112x128xf32, #tpu.memory_space<vmem_shared>> -> memref<10112x128xf32, #tpu.memory_space<vmem_shared>>
    tpu.wait_indirect_dma semaphore(%arg18 : memref<!tpu.dma_semaphore, #tpu.memory_space<semaphore_mem>>) src(%dma_wait3A_133 : memref<64x128xf32, #tpu.memory_space<vmem>>) dst(%dma_wait3A_139 : memref<10112x128xf32, #tpu.memory_space<vmem_shared>>)
    %add3A_140 = arith.constant 80 : i32
    %add3A_141 = arith.addi %mul3A_4, %add3A_140 : i32
    %rem3A_142 = arith.constant 4 : i32
    %rem3A_143 = arith.remsi %add3A_141, %rem3A_142 : i32
    %min3A_144 = arith.constant 2499 : i32
    %min3A_145 = arith.minsi %add3A_141, %min3A_144 : i32
    %mul3A_146 = arith.constant 64 : i32
    %mul3A_147 = arith.muli %min3A_145, %mul3A_146 : i32
    %dma_wait3A_148 = arith.constant 0 : i32
    %dma_wait3A_149 = arith.constant 0 : i32
    %dma_wait3A_150 = arith.constant 0 : i32
    %dma_wait3A_151 = tpu.memref_slice %arg10[%dma_wait3A_148, %dma_wait3A_149, %dma_wait3A_150] : memref<2x64x128xf32, #tpu.memory_space<vmem>> -> memref<1x64x128xf32, #tpu.memory_space<vmem>>
    %dma_wait3A_152 = tpu.memref_squeeze %dma_wait3A_151 : memref<1x64x128xf32, #tpu.memory_space<vmem>> -> memref<64x128xf32, #tpu.memory_space<vmem>>
    %dma_wait3A_153 = arith.constant 0 : i32
    %dma_wait3A_154 = tpu.memref_slice %arg8[%rem3A_143, %dma_wait3A_153] : memref<4x64xi32, #tpu.memory_space<vmem>> -> memref<1x64xi32, #tpu.memory_space<vmem>>
    %dma_wait3A_155 = tpu.memref_squeeze %dma_wait3A_154 : memref<1x64xi32, #tpu.memory_space<vmem>> -> memref<64xi32, #tpu.memory_space<vmem>>
    %dma_wait3A_156 = arith.constant 0 : i32
    %dma_wait3A_157 = arith.constant 0 : i32
    %dma_wait3A_158 = tpu.memref_slice %arg3[%dma_wait3A_156, %dma_wait3A_157] : memref<10000x128xf32, #tpu.memory_space<hbm>> -> memref<10000x128xf32, #tpu.memory_space<hbm>>
    tpu.wait_indirect_dma semaphore(%arg16 : memref<!tpu.dma_semaphore, #tpu.memory_space<semaphore_mem>>) src(%dma_wait3A_158 : memref<10000x128xf32, #tpu.memory_space<hbm>>) dst(%dma_wait3A_152 : memref<64x128xf32, #tpu.memory_space<vmem>>)
    %dma_wait3A_159 = arith.constant 0 : i32
    %dma_wait3A_160 = tpu.memref_slice %arg2[%mul3A_147, %dma_wait3A_159] : memref<160000x128xf32, #tpu.memory_space<hbm>> -> memref<64x128xf32, #tpu.memory_space<hbm>>
    %dma_wait3A_161 = arith.constant 0 : i32
    %dma_wait3A_162 = tpu.memref_slice %arg2[%mul3A_147, %dma_wait3A_161] : memref<160000x128xf32, #tpu.memory_space<hbm>> -> memref<64x128xf32, #tpu.memory_space<hbm>>
    tpu.wait_dma2 semaphore(%arg16 : memref<!tpu.dma_semaphore, #tpu.memory_space<semaphore_mem>>) src(%dma_wait3A_162 : memref<64x128xf32, #tpu.memory_space<hbm>>) dst(%arg11 : memref<64x128xf32, #tpu.memory_space<vmem>>)
    %add3A_163 = arith.constant 80 : i32
    %add3A_164 = arith.addi %mul3A_4, %add3A_163 : i32
    %add3A_165 = arith.constant 1 : i32
    %add3A_166 = arith.addi %add3A_164, %add3A_165 : i32
    %rem3A_167 = arith.constant 4 : i32
    %rem3A_168 = arith.remsi %add3A_166, %rem3A_167 : i32
    %dma_wait3A_169 = arith.constant 0 : i32
    %dma_wait3A_170 = tpu.memref_slice %arg8[%rem3A_168, %dma_wait3A_169] : memref<4x64xi32, #tpu.memory_space<vmem>> -> memref<1x64xi32, #tpu.memory_space<vmem>>
    %dma_wait3A_171 = tpu.memref_squeeze %dma_wait3A_170 : memref<1x64xi32, #tpu.memory_space<vmem>> -> memref<64xi32, #tpu.memory_space<vmem>>
    %dma_wait3A_172 = arith.constant 0 : i32
    %dma_wait3A_173 = tpu.memref_slice %arg4[%add3A_166, %dma_wait3A_172] : memref<2562x64xi32, #tpu.memory_space<hbm>> -> memref<1x64xi32, #tpu.memory_space<hbm>>
    %dma_wait3A_174 = tpu.memref_squeeze %dma_wait3A_173 : memref<1x64xi32, #tpu.memory_space<hbm>> -> memref<64xi32, #tpu.memory_space<hbm>>
    %dma_wait3A_175 = arith.constant 0 : i32
    %dma_wait3A_176 = tpu.memref_slice %arg8[%rem3A_168, %dma_wait3A_175] : memref<4x64xi32, #tpu.memory_space<vmem>> -> memref<1x64xi32, #tpu.memory_space<vmem>>
    %dma_wait3A_177 = tpu.memref_squeeze %dma_wait3A_176 : memref<1x64xi32, #tpu.memory_space<vmem>> -> memref<64xi32, #tpu.memory_space<vmem>>
    %dma_wait3A_178 = arith.constant 0 : i32
    %dma_wait3A_179 = tpu.memref_slice %arg4[%add3A_166, %dma_wait3A_178] : memref<2562x64xi32, #tpu.memory_space<hbm>> -> memref<1x64xi32, #tpu.memory_space<hbm>>
    %dma_wait3A_180 = tpu.memref_squeeze %dma_wait3A_179 : memref<1x64xi32, #tpu.memory_space<hbm>> -> memref<64xi32, #tpu.memory_space<hbm>>
    tpu.wait_dma2 semaphore(%arg15 : memref<!tpu.dma_semaphore, #tpu.memory_space<semaphore_mem>>) src(%dma_wait3A_180 : memref<64xi32, #tpu.memory_space<hbm>>) dst(%dma_wait3A_177 : memref<64xi32, #tpu.memory_space<vmem>>)
    %dma_wait3A_181 = arith.constant 0 : i32
    %dma_wait3A_182 = tpu.memref_slice %arg9[%rem3A_168, %dma_wait3A_181] : memref<4x64xi32, #tpu.memory_space<vmem>> -> memref<1x64xi32, #tpu.memory_space<vmem>>
    %dma_wait3A_183 = tpu.memref_squeeze %dma_wait3A_182 : memref<1x64xi32, #tpu.memory_space<vmem>> -> memref<64xi32, #tpu.memory_space<vmem>>
    %dma_wait3A_184 = arith.constant 0 : i32
    %dma_wait3A_185 = tpu.memref_slice %arg5[%add3A_166, %dma_wait3A_184] : memref<2562x64xi32, #tpu.memory_space<hbm>> -> memref<1x64xi32, #tpu.memory_space<hbm>>
    %dma_wait3A_186 = tpu.memref_squeeze %dma_wait3A_185 : memref<1x64xi32, #tpu.memory_space<hbm>> -> memref<64xi32, #tpu.memory_space<hbm>>
    %dma_wait3A_187 = arith.constant 0 : i32
    %dma_wait3A_188 = tpu.memref_slice %arg9[%rem3A_168, %dma_wait3A_187] : memref<4x64xi32, #tpu.memory_space<vmem>> -> memref<1x64xi32, #tpu.memory_space<vmem>>
    %dma_wait3A_189 = tpu.memref_squeeze %dma_wait3A_188 : memref<1x64xi32, #tpu.memory_space<vmem>> -> memref<64xi32, #tpu.memory_space<vmem>>
    %dma_wait3A_190 = arith.constant 0 : i32
    %dma_wait3A_191 = tpu.memref_slice %arg5[%add3A_166, %dma_wait3A_190] : memref<2562x64xi32, #tpu.memory_space<hbm>> -> memref<1x64xi32, #tpu.memory_space<hbm>>
    %dma_wait3A_192 = tpu.memref_squeeze %dma_wait3A_191 : memref<1x64xi32, #tpu.memory_space<hbm>> -> memref<64xi32, #tpu.memory_space<hbm>>
    tpu.wait_dma2 semaphore(%arg15 : memref<!tpu.dma_semaphore, #tpu.memory_space<semaphore_mem>>) src(%dma_wait3A_192 : memref<64xi32, #tpu.memory_space<hbm>>) dst(%dma_wait3A_189 : memref<64xi32, #tpu.memory_space<vmem>>)
    %barrier3A_193 = arith.constant 0 : index
    tpu.barrier barrier_id(%barrier3A_193)
    %mul3A_194 = arith.constant 632 : i32
    %mul3A_195 = arith.muli %arg1, %mul3A_194 : i32
    %mul3A_196 = arith.constant 632 : i32
    %mul3A_197 = arith.muli %arg1, %mul3A_196 : i32
    "tpu.region"() ({
      %run_scoped3A = tpu.sem_alloc : memref<!tpu.dma_semaphore, #tpu.memory_space<semaphore_mem>>
      %dma_start3A_198 = arith.constant 0 : i32
      %dma_start3A_199 = tpu.memref_slice %arg7[%arg0, %mul3A_197, %dma_start3A_198] : memref<2x10112x128xf32, #tpu.memory_space<hbm>> -> memref<1x632x128xf32, #tpu.memory_space<hbm>>
      %dma_start3A_200 = tpu.memref_squeeze %dma_start3A_199 : memref<1x632x128xf32, #tpu.memory_space<hbm>> -> memref<632x128xf32, #tpu.memory_space<hbm>>
      %dma_start3A_201 = arith.constant 0 : i32
      %dma_start3A_202 = tpu.memref_slice %arg14[%mul3A_195, %dma_start3A_201] : memref<10112x128xf32, #tpu.memory_space<vmem_shared>> -> memref<632x128xf32, #tpu.memory_space<vmem_shared>>
      tpu.enqueue_dma source(%dma_start3A_202 : memref<632x128xf32, #tpu.memory_space<vmem_shared>>) target(%dma_start3A_200 : memref<632x128xf32, #tpu.memory_space<hbm>>) target_semaphore(%run_scoped3A : memref<!tpu.dma_semaphore, #tpu.memory_space<semaphore_mem>>)
      %dma_wait3A_203 = arith.constant 0 : i32
      %dma_wait3A_204 = tpu.memref_slice %arg7[%arg0, %mul3A_197, %dma_wait3A_203] : memref<2x10112x128xf32, #tpu.memory_space<hbm>> -> memref<1x632x128xf32, #tpu.memory_space<hbm>>
      %dma_wait3A_205 = tpu.memref_squeeze %dma_wait3A_204 : memref<1x632x128xf32, #tpu.memory_space<hbm>> -> memref<632x128xf32, #tpu.memory_space<hbm>>
      %dma_wait3A_206 = arith.constant 0 : i32
      %dma_wait3A_207 = tpu.memref_slice %arg14[%mul3A_195, %dma_wait3A_206] : memref<10112x128xf32, #tpu.memory_space<vmem_shared>> -> memref<632x128xf32, #tpu.memory_space<vmem_shared>>
      tpu.wait_dma2 semaphore(%run_scoped3A : memref<!tpu.dma_semaphore, #tpu.memory_space<semaphore_mem>>) src(%dma_wait3A_207 : memref<632x128xf32, #tpu.memory_space<vmem_shared>>) dst(%dma_wait3A_205 : memref<632x128xf32, #tpu.memory_space<hbm>>)
      tpu.yield
    }) : () -> ()
    return
  }
}

#map = affine_map<(d0, d1) -> (0, 0)>
#map1 = affine_map<(d0, d1) -> (0, 0, 0)>
module attributes {stable_mosaic.version = 14 : i64} {
  func.func @body(%arg0: i32, %arg1: i32, %arg2: memref<160000x128xf32, #tpu.memory_space<hbm>>, %arg3: memref<10000x128xf32, #tpu.memory_space<hbm>>, %arg4: memref<2562x64xi32, #tpu.memory_space<hbm>>, %arg5: memref<2562x64xi32, #tpu.memory_space<hbm>>, %arg6: memref<632x128xf32, #tpu.memory_space<hbm>>, %arg7: memref<2x10112x128xf32, #tpu.memory_space<hbm>>, %arg8: memref<4x64xi32, #tpu.memory_space<vmem>>, %arg9: memref<4x64xi32, #tpu.memory_space<vmem>>, %arg10: memref<2x64x128xf32, #tpu.memory_space<vmem>>, %arg11: memref<64x128xf32, #tpu.memory_space<vmem>>, %arg12: memref<64x128xf32, #tpu.memory_space<vmem>>, %arg13: memref<2x64x128xf32, #tpu.memory_space<vmem>>, %arg14: memref<10112x128xf32, #tpu.memory_space<vmem_shared>>, %arg15: memref<!tpu.dma_semaphore, #tpu.memory_space<semaphore_mem>>, %arg16: memref<!tpu.dma_semaphore, #tpu.memory_space<semaphore_mem>>, %arg17: memref<!tpu.dma_semaphore, #tpu.memory_space<semaphore_mem>>, %arg18: memref<!tpu.dma_semaphore, #tpu.memory_space<semaphore_mem>>) attributes {dimension_semantics = [#tpu.dimension_semantics<core_parallel>, #tpu.dimension_semantics<subcore_parallel>], iteration_bounds = array<i64: 2, 16>, scalar_prefetch = 0 : i64, scratch_operands = 11 : i64, tpu.core_type = #tpu.core_type<sc_vector_subcore>, window_params = [{transform_indices = #map}, {transform_indices = #map}, {transform_indices = #map}, {transform_indices = #map}, {transform_indices = #map}, {transform_indices = #map1}]} {
    %mul3A = arith.constant 16 : i32
    %mul3A_0 = arith.muli %arg0, %mul3A : i32
    %add3A = arith.addi %mul3A_0, %arg1 : i32
    %mul3A_1 = arith.constant 632 : i32
    %mul3A_2 = arith.muli %arg1, %mul3A_1 : i32
    "tpu.region"() ({
      %run_scoped3A = tpu.sem_alloc : memref<!tpu.dma_semaphore, #tpu.memory_space<semaphore_mem>>
      %dma_start3A_198 = arith.constant 0 : i32
      %dma_start3A_199 = tpu.memref_slice %arg14[%mul3A_2, %dma_start3A_198] : memref<10112x128xf32, #tpu.memory_space<vmem_shared>> -> memref<632x128xf32, #tpu.memory_space<vmem_shared>>
      tpu.enqueue_dma source(%arg6 : memref<632x128xf32, #tpu.memory_space<hbm>>) target(%dma_start3A_199 : memref<632x128xf32, #tpu.memory_space<vmem_shared>>) target_semaphore(%run_scoped3A : memref<!tpu.dma_semaphore, #tpu.memory_space<semaphore_mem>>)
      %dma_wait3A_200 = arith.constant 0 : i32
      %dma_wait3A_201 = tpu.memref_slice %arg14[%mul3A_2, %dma_wait3A_200] : memref<10112x128xf32, #tpu.memory_space<vmem_shared>> -> memref<632x128xf32, #tpu.memory_space<vmem_shared>>
      tpu.wait_dma2 semaphore(%run_scoped3A : memref<!tpu.dma_semaphore, #tpu.memory_space<semaphore_mem>>) src(%arg6 : memref<632x128xf32, #tpu.memory_space<hbm>>) dst(%dma_wait3A_201 : memref<632x128xf32, #tpu.memory_space<vmem_shared>>)
      tpu.yield
    }) : () -> ()
    %barrier3A = arith.constant 0 : index
    tpu.barrier barrier_id(%barrier3A)
    %mul3A_3 = arith.constant 80 : i32
    %mul3A_4 = arith.muli %add3A, %mul3A_3 : i32
    %rem3A = arith.constant 4 : i32
    %rem3A_5 = arith.remsi %mul3A_4, %rem3A : i32
    %dma_start3A = arith.constant 0 : i32
    %dma_start3A_6 = tpu.memref_slice %arg8[%rem3A_5, %dma_start3A] : memref<4x64xi32, #tpu.memory_space<vmem>> -> memref<1x64xi32, #tpu.memory_space<vmem>>
    %dma_start3A_7 = tpu.memref_squeeze %dma_start3A_6 : memref<1x64xi32, #tpu.memory_space<vmem>> -> memref<64xi32, #tpu.memory_space<vmem>>
    %dma_start3A_8 = arith.constant 0 : i32
    %dma_start3A_9 = tpu.memref_slice %arg4[%mul3A_4, %dma_start3A_8] : memref<2562x64xi32, #tpu.memory_space<hbm>> -> memref<1x64xi32, #tpu.memory_space<hbm>>
    %dma_start3A_10 = tpu.memref_squeeze %dma_start3A_9 : memref<1x64xi32, #tpu.memory_space<hbm>> -> memref<64xi32, #tpu.memory_space<hbm>>
    %dma_start3A_11 = arith.constant 0 : i32
    %dma_start3A_12 = tpu.memref_slice %arg8[%rem3A_5, %dma_start3A_11] : memref<4x64xi32, #tpu.memory_space<vmem>> -> memref<1x64xi32, #tpu.memory_space<vmem>>
    %dma_start3A_13 = tpu.memref_squeeze %dma_start3A_12 : memref<1x64xi32, #tpu.memory_space<vmem>> -> memref<64xi32, #tpu.memory_space<vmem>>
    %dma_start3A_14 = arith.constant 0 : i32
    %dma_start3A_15 = tpu.memref_slice %arg4[%mul3A_4, %dma_start3A_14] : memref<2562x64xi32, #tpu.memory_space<hbm>> -> memref<1x64xi32, #tpu.memory_space<hbm>>
    %dma_start3A_16 = tpu.memref_squeeze %dma_start3A_15 : memref<1x64xi32, #tpu.memory_space<hbm>> -> memref<64xi32, #tpu.memory_space<hbm>>
    tpu.enqueue_dma source(%dma_start3A_16 : memref<64xi32, #tpu.memory_space<hbm>>) target(%dma_start3A_13 : memref<64xi32, #tpu.memory_space<vmem>>) target_semaphore(%arg15 : memref<!tpu.dma_semaphore, #tpu.memory_space<semaphore_mem>>)
    %dma_start3A_17 = arith.constant 0 : i32
    %dma_start3A_18 = tpu.memref_slice %arg9[%rem3A_5, %dma_start3A_17] : memref<4x64xi32, #tpu.memory_space<vmem>> -> memref<1x64xi32, #tpu.memory_space<vmem>>
    %dma_start3A_19 = tpu.memref_squeeze %dma_start3A_18 : memref<1x64xi32, #tpu.memory_space<vmem>> -> memref<64xi32, #tpu.memory_space<vmem>>
    %dma_start3A_20 = arith.constant 0 : i32
    %dma_start3A_21 = tpu.memref_slice %arg5[%mul3A_4, %dma_start3A_20] : memref<2562x64xi32, #tpu.memory_space<hbm>> -> memref<1x64xi32, #tpu.memory_space<hbm>>
    %dma_start3A_22 = tpu.memref_squeeze %dma_start3A_21 : memref<1x64xi32, #tpu.memory_space<hbm>> -> memref<64xi32, #tpu.memory_space<hbm>>
    %dma_start3A_23 = arith.constant 0 : i32
    %dma_start3A_24 = tpu.memref_slice %arg9[%rem3A_5, %dma_start3A_23] : memref<4x64xi32, #tpu.memory_space<vmem>> -> memref<1x64xi32, #tpu.memory_space<vmem>>
    %dma_start3A_25 = tpu.memref_squeeze %dma_start3A_24 : memref<1x64xi32, #tpu.memory_space<vmem>> -> memref<64xi32, #tpu.memory_space<vmem>>
    %dma_start3A_26 = arith.constant 0 : i32
    %dma_start3A_27 = tpu.memref_slice %arg5[%mul3A_4, %dma_start3A_26] : memref<2562x64xi32, #tpu.memory_space<hbm>> -> memref<1x64xi32, #tpu.memory_space<hbm>>
    %dma_start3A_28 = tpu.memref_squeeze %dma_start3A_27 : memref<1x64xi32, #tpu.memory_space<hbm>> -> memref<64xi32, #tpu.memory_space<hbm>>
    tpu.enqueue_dma source(%dma_start3A_28 : memref<64xi32, #tpu.memory_space<hbm>>) target(%dma_start3A_25 : memref<64xi32, #tpu.memory_space<vmem>>) target_semaphore(%arg15 : memref<!tpu.dma_semaphore, #tpu.memory_space<semaphore_mem>>)
    %rem3A_29 = arith.constant 4 : i32
    %rem3A_30 = arith.remsi %mul3A_4, %rem3A_29 : i32
    %dma_wait3A = arith.constant 0 : i32
    %dma_wait3A_31 = tpu.memref_slice %arg8[%rem3A_30, %dma_wait3A] : memref<4x64xi32, #tpu.memory_space<vmem>> -> memref<1x64xi32, #tpu.memory_space<vmem>>
    %dma_wait3A_32 = tpu.memref_squeeze %dma_wait3A_31 : memref<1x64xi32, #tpu.memory_space<vmem>> -> memref<64xi32, #tpu.memory_space<vmem>>
    %dma_wait3A_33 = arith.constant 0 : i32
    %dma_wait3A_34 = tpu.memref_slice %arg4[%mul3A_4, %dma_wait3A_33] : memref<2562x64xi32, #tpu.memory_space<hbm>> -> memref<1x64xi32, #tpu.memory_space<hbm>>
    %dma_wait3A_35 = tpu.memref_squeeze %dma_wait3A_34 : memref<1x64xi32, #tpu.memory_space<hbm>> -> memref<64xi32, #tpu.memory_space<hbm>>
    %dma_wait3A_36 = arith.constant 0 : i32
    %dma_wait3A_37 = tpu.memref_slice %arg8[%rem3A_30, %dma_wait3A_36] : memref<4x64xi32, #tpu.memory_space<vmem>> -> memref<1x64xi32, #tpu.memory_space<vmem>>
    %dma_wait3A_38 = tpu.memref_squeeze %dma_wait3A_37 : memref<1x64xi32, #tpu.memory_space<vmem>> -> memref<64xi32, #tpu.memory_space<vmem>>
    %dma_wait3A_39 = arith.constant 0 : i32
    %dma_wait3A_40 = tpu.memref_slice %arg4[%mul3A_4, %dma_wait3A_39] : memref<2562x64xi32, #tpu.memory_space<hbm>> -> memref<1x64xi32, #tpu.memory_space<hbm>>
    %dma_wait3A_41 = tpu.memref_squeeze %dma_wait3A_40 : memref<1x64xi32, #tpu.memory_space<hbm>> -> memref<64xi32, #tpu.memory_space<hbm>>
    tpu.wait_dma2 semaphore(%arg15 : memref<!tpu.dma_semaphore, #tpu.memory_space<semaphore_mem>>) src(%dma_wait3A_41 : memref<64xi32, #tpu.memory_space<hbm>>) dst(%dma_wait3A_38 : memref<64xi32, #tpu.memory_space<vmem>>)
    %dma_wait3A_42 = arith.constant 0 : i32
    %dma_wait3A_43 = tpu.memref_slice %arg9[%rem3A_30, %dma_wait3A_42] : memref<4x64xi32, #tpu.memory_space<vmem>> -> memref<1x64xi32, #tpu.memory_space<vmem>>
    %dma_wait3A_44 = tpu.memref_squeeze %dma_wait3A_43 : memref<1x64xi32, #tpu.memory_space<vmem>> -> memref<64xi32, #tpu.memory_space<vmem>>
    %dma_wait3A_45 = arith.constant 0 : i32
    %dma_wait3A_46 = tpu.memref_slice %arg5[%mul3A_4, %dma_wait3A_45] : memref<2562x64xi32, #tpu.memory_space<hbm>> -> memref<1x64xi32, #tpu.memory_space<hbm>>
    %dma_wait3A_47 = tpu.memref_squeeze %dma_wait3A_46 : memref<1x64xi32, #tpu.memory_space<hbm>> -> memref<64xi32, #tpu.memory_space<hbm>>
    %dma_wait3A_48 = arith.constant 0 : i32
    %dma_wait3A_49 = tpu.memref_slice %arg9[%rem3A_30, %dma_wait3A_48] : memref<4x64xi32, #tpu.memory_space<vmem>> -> memref<1x64xi32, #tpu.memory_space<vmem>>
    %dma_wait3A_50 = tpu.memref_squeeze %dma_wait3A_49 : memref<1x64xi32, #tpu.memory_space<vmem>> -> memref<64xi32, #tpu.memory_space<vmem>>
    %dma_wait3A_51 = arith.constant 0 : i32
    %dma_wait3A_52 = tpu.memref_slice %arg5[%mul3A_4, %dma_wait3A_51] : memref<2562x64xi32, #tpu.memory_space<hbm>> -> memref<1x64xi32, #tpu.memory_space<hbm>>
    %dma_wait3A_53 = tpu.memref_squeeze %dma_wait3A_52 : memref<1x64xi32, #tpu.memory_space<hbm>> -> memref<64xi32, #tpu.memory_space<hbm>>
    tpu.wait_dma2 semaphore(%arg15 : memref<!tpu.dma_semaphore, #tpu.memory_space<semaphore_mem>>) src(%dma_wait3A_53 : memref<64xi32, #tpu.memory_space<hbm>>) dst(%dma_wait3A_50 : memref<64xi32, #tpu.memory_space<vmem>>)
    %rem3A_54 = arith.constant 4 : i32
    %rem3A_55 = arith.remsi %mul3A_4, %rem3A_54 : i32
    %min3A = arith.constant 2499 : i32
    %min3A_56 = arith.minsi %mul3A_4, %min3A : i32
    %mul3A_57 = arith.constant 64 : i32
    %mul3A_58 = arith.muli %min3A_56, %mul3A_57 : i32
    %dma_start3A_59 = arith.constant 0 : i32
    %dma_start3A_60 = arith.constant 0 : i32
    %dma_start3A_61 = arith.constant 0 : i32
    %dma_start3A_62 = tpu.memref_slice %arg10[%dma_start3A_59, %dma_start3A_60, %dma_start3A_61] : memref<2x64x128xf32, #tpu.memory_space<vmem>> -> memref<1x64x128xf32, #tpu.memory_space<vmem>>
    %dma_start3A_63 = tpu.memref_squeeze %dma_start3A_62 : memref<1x64x128xf32, #tpu.memory_space<vmem>> -> memref<64x128xf32, #tpu.memory_space<vmem>>
    %dma_start3A_64 = arith.constant 0 : i32
    %dma_start3A_65 = tpu.memref_slice %arg8[%rem3A_55, %dma_start3A_64] : memref<4x64xi32, #tpu.memory_space<vmem>> -> memref<1x64xi32, #tpu.memory_space<vmem>>
    %dma_start3A_66 = tpu.memref_squeeze %dma_start3A_65 : memref<1x64xi32, #tpu.memory_space<vmem>> -> memref<64xi32, #tpu.memory_space<vmem>>
    %dma_start3A_67 = arith.constant 0 : i32
    %dma_start3A_68 = arith.constant 0 : i32
    %dma_start3A_69 = tpu.memref_slice %arg3[%dma_start3A_67, %dma_start3A_68] : memref<10000x128xf32, #tpu.memory_space<hbm>> -> memref<10000x128xf32, #tpu.memory_space<hbm>>
    tpu.enqueue_indirect_dma source(%dma_start3A_69 : memref<10000x128xf32, #tpu.memory_space<hbm>>) target(%dma_start3A_63 : memref<64x128xf32, #tpu.memory_space<vmem>>) offsets(%dma_start3A_66 : memref<64xi32, #tpu.memory_space<vmem>>) semaphore(%arg16 : memref<!tpu.dma_semaphore, #tpu.memory_space<semaphore_mem>>)
    %dma_start3A_70 = arith.constant 0 : i32
    %dma_start3A_71 = tpu.memref_slice %arg2[%mul3A_58, %dma_start3A_70] : memref<160000x128xf32, #tpu.memory_space<hbm>> -> memref<64x128xf32, #tpu.memory_space<hbm>>
    %dma_start3A_72 = arith.constant 0 : i32
    %dma_start3A_73 = tpu.memref_slice %arg2[%mul3A_58, %dma_start3A_72] : memref<160000x128xf32, #tpu.memory_space<hbm>> -> memref<64x128xf32, #tpu.memory_space<hbm>>
    tpu.enqueue_dma source(%dma_start3A_73 : memref<64x128xf32, #tpu.memory_space<hbm>>) target(%arg11 : memref<64x128xf32, #tpu.memory_space<vmem>>) target_semaphore(%arg16 : memref<!tpu.dma_semaphore, #tpu.memory_space<semaphore_mem>>)
    %add3A_74 = arith.constant 1 : i32
    %add3A_75 = arith.addi %mul3A_4, %add3A_74 : i32
    %rem3A_76 = arith.constant 4 : i32
    %rem3A_77 = arith.remsi %add3A_75, %rem3A_76 : i32
    %dma_start3A_78 = arith.constant 0 : i32
    %dma_start3A_79 = tpu.memref_slice %arg8[%rem3A_77, %dma_start3A_78] : memref<4x64xi32, #tpu.memory_space<vmem>> -> memref<1x64xi32, #tpu.memory_space<vmem>>
    %dma_start3A_80 = tpu.memref_squeeze %dma_start3A_79 : memref<1x64xi32, #tpu.memory_space<vmem>> -> memref<64xi32, #tpu.memory_space<vmem>>
    %dma_start3A_81 = arith.constant 0 : i32
    %dma_start3A_82 = tpu.memref_slice %arg4[%add3A_75, %dma_start3A_81] : memref<2562x64xi32, #tpu.memory_space<hbm>> -> memref<1x64xi32, #tpu.memory_space<hbm>>
    %dma_start3A_83 = tpu.memref_squeeze %dma_start3A_82 : memref<1x64xi32, #tpu.memory_space<hbm>> -> memref<64xi32, #tpu.memory_space<hbm>>
    %dma_start3A_84 = arith.constant 0 : i32
    %dma_start3A_85 = tpu.memref_slice %arg8[%rem3A_77, %dma_start3A_84] : memref<4x64xi32, #tpu.memory_space<vmem>> -> memref<1x64xi32, #tpu.memory_space<vmem>>
    %dma_start3A_86 = tpu.memref_squeeze %dma_start3A_85 : memref<1x64xi32, #tpu.memory_space<vmem>> -> memref<64xi32, #tpu.memory_space<vmem>>
    %dma_start3A_87 = arith.constant 0 : i32
    %dma_start3A_88 = tpu.memref_slice %arg4[%add3A_75, %dma_start3A_87] : memref<2562x64xi32, #tpu.memory_space<hbm>> -> memref<1x64xi32, #tpu.memory_space<hbm>>
    %dma_start3A_89 = tpu.memref_squeeze %dma_start3A_88 : memref<1x64xi32, #tpu.memory_space<hbm>> -> memref<64xi32, #tpu.memory_space<hbm>>
    tpu.enqueue_dma source(%dma_start3A_89 : memref<64xi32, #tpu.memory_space<hbm>>) target(%dma_start3A_86 : memref<64xi32, #tpu.memory_space<vmem>>) target_semaphore(%arg15 : memref<!tpu.dma_semaphore, #tpu.memory_space<semaphore_mem>>)
    %dma_start3A_90 = arith.constant 0 : i32
    %dma_start3A_91 = tpu.memref_slice %arg9[%rem3A_77, %dma_start3A_90] : memref<4x64xi32, #tpu.memory_space<vmem>> -> memref<1x64xi32, #tpu.memory_space<vmem>>
    %dma_start3A_92 = tpu.memref_squeeze %dma_start3A_91 : memref<1x64xi32, #tpu.memory_space<vmem>> -> memref<64xi32, #tpu.memory_space<vmem>>
    %dma_start3A_93 = arith.constant 0 : i32
    %dma_start3A_94 = tpu.memref_slice %arg5[%add3A_75, %dma_start3A_93] : memref<2562x64xi32, #tpu.memory_space<hbm>> -> memref<1x64xi32, #tpu.memory_space<hbm>>
    %dma_start3A_95 = tpu.memref_squeeze %dma_start3A_94 : memref<1x64xi32, #tpu.memory_space<hbm>> -> memref<64xi32, #tpu.memory_space<hbm>>
    %dma_start3A_96 = arith.constant 0 : i32
    %dma_start3A_97 = tpu.memref_slice %arg9[%rem3A_77, %dma_start3A_96] : memref<4x64xi32, #tpu.memory_space<vmem>> -> memref<1x64xi32, #tpu.memory_space<vmem>>
    %dma_start3A_98 = tpu.memref_squeeze %dma_start3A_97 : memref<1x64xi32, #tpu.memory_space<vmem>> -> memref<64xi32, #tpu.memory_space<vmem>>
    %dma_start3A_99 = arith.constant 0 : i32
    %dma_start3A_100 = tpu.memref_slice %arg5[%add3A_75, %dma_start3A_99] : memref<2562x64xi32, #tpu.memory_space<hbm>> -> memref<1x64xi32, #tpu.memory_space<hbm>>
    %dma_start3A_101 = tpu.memref_squeeze %dma_start3A_100 : memref<1x64xi32, #tpu.memory_space<hbm>> -> memref<64xi32, #tpu.memory_space<hbm>>
    tpu.enqueue_dma source(%dma_start3A_101 : memref<64xi32, #tpu.memory_space<hbm>>) target(%dma_start3A_98 : memref<64xi32, #tpu.memory_space<vmem>>) target_semaphore(%arg15 : memref<!tpu.dma_semaphore, #tpu.memory_space<semaphore_mem>>)
    %scan3A = arith.constant 0 : i32
    %scan3A_102 = arith.constant 0 : i32
    %scan3A_103 = arith.constant 40 : i32
    %scan3A_104 = arith.addi %scan3A_102, %scan3A_103 : i32
    %scan3A_105 = arith.constant 1 : i32
    scf.for %scan3A_198 = %scan3A_102 to %scan3A_104 step %scan3A_105  : i32 {
      %mul3A_199 = arith.constant 2 : i32
      %mul3A_200 = arith.muli %mul3A_199, %scan3A_198 : i32
      %add3A_201 = arith.addi %mul3A_4, %mul3A_200 : i32
      %add3A_202 = arith.constant 1 : i32
      %add3A_203 = arith.addi %add3A_201, %add3A_202 : i32
      %rem3A_204 = arith.constant 4 : i32
      %rem3A_205 = arith.remsi %add3A_201, %rem3A_204 : i32
      %min3A_206 = arith.constant 2499 : i32
      %min3A_207 = arith.minsi %add3A_201, %min3A_206 : i32
      %mul3A_208 = arith.constant 64 : i32
      %mul3A_209 = arith.muli %min3A_207, %mul3A_208 : i32
      %dma_wait3A_210 = arith.constant 0 : i32
      %dma_wait3A_211 = arith.constant 0 : i32
      %dma_wait3A_212 = arith.constant 0 : i32
      %dma_wait3A_213 = tpu.memref_slice %arg10[%dma_wait3A_210, %dma_wait3A_211, %dma_wait3A_212] : memref<2x64x128xf32, #tpu.memory_space<vmem>> -> memref<1x64x128xf32, #tpu.memory_space<vmem>>
      %dma_wait3A_214 = tpu.memref_squeeze %dma_wait3A_213 : memref<1x64x128xf32, #tpu.memory_space<vmem>> -> memref<64x128xf32, #tpu.memory_space<vmem>>
      %dma_wait3A_215 = arith.constant 0 : i32
      %dma_wait3A_216 = tpu.memref_slice %arg8[%rem3A_205, %dma_wait3A_215] : memref<4x64xi32, #tpu.memory_space<vmem>> -> memref<1x64xi32, #tpu.memory_space<vmem>>
      %dma_wait3A_217 = tpu.memref_squeeze %dma_wait3A_216 : memref<1x64xi32, #tpu.memory_space<vmem>> -> memref<64xi32, #tpu.memory_space<vmem>>
      %dma_wait3A_218 = arith.constant 0 : i32
      %dma_wait3A_219 = arith.constant 0 : i32
      %dma_wait3A_220 = tpu.memref_slice %arg3[%dma_wait3A_218, %dma_wait3A_219] : memref<10000x128xf32, #tpu.memory_space<hbm>> -> memref<10000x128xf32, #tpu.memory_space<hbm>>
      tpu.wait_indirect_dma semaphore(%arg16 : memref<!tpu.dma_semaphore, #tpu.memory_space<semaphore_mem>>) src(%dma_wait3A_220 : memref<10000x128xf32, #tpu.memory_space<hbm>>) dst(%dma_wait3A_214 : memref<64x128xf32, #tpu.memory_space<vmem>>)
      %dma_wait3A_221 = arith.constant 0 : i32
      %dma_wait3A_222 = tpu.memref_slice %arg2[%mul3A_209, %dma_wait3A_221] : memref<160000x128xf32, #tpu.memory_space<hbm>> -> memref<64x128xf32, #tpu.memory_space<hbm>>
      %dma_wait3A_223 = arith.constant 0 : i32
      %dma_wait3A_224 = tpu.memref_slice %arg2[%mul3A_209, %dma_wait3A_223] : memref<160000x128xf32, #tpu.memory_space<hbm>> -> memref<64x128xf32, #tpu.memory_space<hbm>>
      tpu.wait_dma2 semaphore(%arg16 : memref<!tpu.dma_semaphore, #tpu.memory_space<semaphore_mem>>) src(%dma_wait3A_224 : memref<64x128xf32, #tpu.memory_space<hbm>>) dst(%arg11 : memref<64x128xf32, #tpu.memory_space<vmem>>)
      %rem3A_225 = arith.constant 4 : i32
      %rem3A_226 = arith.remsi %add3A_203, %rem3A_225 : i32
      %dma_wait3A_227 = arith.constant 0 : i32
      %dma_wait3A_228 = tpu.memref_slice %arg8[%rem3A_226, %dma_wait3A_227] : memref<4x64xi32, #tpu.memory_space<vmem>> -> memref<1x64xi32, #tpu.memory_space<vmem>>
      %dma_wait3A_229 = tpu.memref_squeeze %dma_wait3A_228 : memref<1x64xi32, #tpu.memory_space<vmem>> -> memref<64xi32, #tpu.memory_space<vmem>>
      %dma_wait3A_230 = arith.constant 0 : i32
      %dma_wait3A_231 = tpu.memref_slice %arg4[%add3A_203, %dma_wait3A_230] : memref<2562x64xi32, #tpu.memory_space<hbm>> -> memref<1x64xi32, #tpu.memory_space<hbm>>
      %dma_wait3A_232 = tpu.memref_squeeze %dma_wait3A_231 : memref<1x64xi32, #tpu.memory_space<hbm>> -> memref<64xi32, #tpu.memory_space<hbm>>
      %dma_wait3A_233 = arith.constant 0 : i32
      %dma_wait3A_234 = tpu.memref_slice %arg8[%rem3A_226, %dma_wait3A_233] : memref<4x64xi32, #tpu.memory_space<vmem>> -> memref<1x64xi32, #tpu.memory_space<vmem>>
      %dma_wait3A_235 = tpu.memref_squeeze %dma_wait3A_234 : memref<1x64xi32, #tpu.memory_space<vmem>> -> memref<64xi32, #tpu.memory_space<vmem>>
      %dma_wait3A_236 = arith.constant 0 : i32
      %dma_wait3A_237 = tpu.memref_slice %arg4[%add3A_203, %dma_wait3A_236] : memref<2562x64xi32, #tpu.memory_space<hbm>> -> memref<1x64xi32, #tpu.memory_space<hbm>>
      %dma_wait3A_238 = tpu.memref_squeeze %dma_wait3A_237 : memref<1x64xi32, #tpu.memory_space<hbm>> -> memref<64xi32, #tpu.memory_space<hbm>>
      tpu.wait_dma2 semaphore(%arg15 : memref<!tpu.dma_semaphore, #tpu.memory_space<semaphore_mem>>) src(%dma_wait3A_238 : memref<64xi32, #tpu.memory_space<hbm>>) dst(%dma_wait3A_235 : memref<64xi32, #tpu.memory_space<vmem>>)
      %dma_wait3A_239 = arith.constant 0 : i32
      %dma_wait3A_240 = tpu.memref_slice %arg9[%rem3A_226, %dma_wait3A_239] : memref<4x64xi32, #tpu.memory_space<vmem>> -> memref<1x64xi32, #tpu.memory_space<vmem>>
      %dma_wait3A_241 = tpu.memref_squeeze %dma_wait3A_240 : memref<1x64xi32, #tpu.memory_space<vmem>> -> memref<64xi32, #tpu.memory_space<vmem>>
      %dma_wait3A_242 = arith.constant 0 : i32
      %dma_wait3A_243 = tpu.memref_slice %arg5[%add3A_203, %dma_wait3A_242] : memref<2562x64xi32, #tpu.memory_space<hbm>> -> memref<1x64xi32, #tpu.memory_space<hbm>>
      %dma_wait3A_244 = tpu.memref_squeeze %dma_wait3A_243 : memref<1x64xi32, #tpu.memory_space<hbm>> -> memref<64xi32, #tpu.memory_space<hbm>>
      %dma_wait3A_245 = arith.constant 0 : i32
      %dma_wait3A_246 = tpu.memref_slice %arg9[%rem3A_226, %dma_wait3A_245] : memref<4x64xi32, #tpu.memory_space<vmem>> -> memref<1x64xi32, #tpu.memory_space<vmem>>
      %dma_wait3A_247 = tpu.memref_squeeze %dma_wait3A_246 : memref<1x64xi32, #tpu.memory_space<vmem>> -> memref<64xi32, #tpu.memory_space<vmem>>
      %dma_wait3A_248 = arith.constant 0 : i32
      %dma_wait3A_249 = tpu.memref_slice %arg5[%add3A_203, %dma_wait3A_248] : memref<2562x64xi32, #tpu.memory_space<hbm>> -> memref<1x64xi32, #tpu.memory_space<hbm>>
      %dma_wait3A_250 = tpu.memref_squeeze %dma_wait3A_249 : memref<1x64xi32, #tpu.memory_space<hbm>> -> memref<64xi32, #tpu.memory_space<hbm>>
      tpu.wait_dma2 semaphore(%arg15 : memref<!tpu.dma_semaphore, #tpu.memory_space<semaphore_mem>>) src(%dma_wait3A_250 : memref<64xi32, #tpu.memory_space<hbm>>) dst(%dma_wait3A_247 : memref<64xi32, #tpu.memory_space<vmem>>)
      %rem3A_251 = arith.constant 4 : i32
      %rem3A_252 = arith.remsi %add3A_203, %rem3A_251 : i32
      %min3A_253 = arith.constant 2499 : i32
      %min3A_254 = arith.minsi %add3A_203, %min3A_253 : i32
      %mul3A_255 = arith.constant 64 : i32
      %mul3A_256 = arith.muli %min3A_254, %mul3A_255 : i32
      %dma_start3A_257 = arith.constant 1 : i32
      %dma_start3A_258 = arith.constant 0 : i32
      %dma_start3A_259 = arith.constant 0 : i32
      %dma_start3A_260 = tpu.memref_slice %arg10[%dma_start3A_257, %dma_start3A_258, %dma_start3A_259] : memref<2x64x128xf32, #tpu.memory_space<vmem>> -> memref<1x64x128xf32, #tpu.memory_space<vmem>>
      %dma_start3A_261 = tpu.memref_squeeze %dma_start3A_260 : memref<1x64x128xf32, #tpu.memory_space<vmem>> -> memref<64x128xf32, #tpu.memory_space<vmem>>
      %dma_start3A_262 = arith.constant 0 : i32
      %dma_start3A_263 = tpu.memref_slice %arg8[%rem3A_252, %dma_start3A_262] : memref<4x64xi32, #tpu.memory_space<vmem>> -> memref<1x64xi32, #tpu.memory_space<vmem>>
      %dma_start3A_264 = tpu.memref_squeeze %dma_start3A_263 : memref<1x64xi32, #tpu.memory_space<vmem>> -> memref<64xi32, #tpu.memory_space<vmem>>
      %dma_start3A_265 = arith.constant 0 : i32
      %dma_start3A_266 = arith.constant 0 : i32
      %dma_start3A_267 = tpu.memref_slice %arg3[%dma_start3A_265, %dma_start3A_266] : memref<10000x128xf32, #tpu.memory_space<hbm>> -> memref<10000x128xf32, #tpu.memory_space<hbm>>
      tpu.enqueue_indirect_dma source(%dma_start3A_267 : memref<10000x128xf32, #tpu.memory_space<hbm>>) target(%dma_start3A_261 : memref<64x128xf32, #tpu.memory_space<vmem>>) offsets(%dma_start3A_264 : memref<64xi32, #tpu.memory_space<vmem>>) semaphore(%arg16 : memref<!tpu.dma_semaphore, #tpu.memory_space<semaphore_mem>>)
      %dma_start3A_268 = arith.constant 0 : i32
      %dma_start3A_269 = tpu.memref_slice %arg2[%mul3A_256, %dma_start3A_268] : memref<160000x128xf32, #tpu.memory_space<hbm>> -> memref<64x128xf32, #tpu.memory_space<hbm>>
      %dma_start3A_270 = arith.constant 0 : i32
      %dma_start3A_271 = tpu.memref_slice %arg2[%mul3A_256, %dma_start3A_270] : memref<160000x128xf32, #tpu.memory_space<hbm>> -> memref<64x128xf32, #tpu.memory_space<hbm>>
      tpu.enqueue_dma source(%dma_start3A_271 : memref<64x128xf32, #tpu.memory_space<hbm>>) target(%arg12 : memref<64x128xf32, #tpu.memory_space<vmem>>) target_semaphore(%arg16 : memref<!tpu.dma_semaphore, #tpu.memory_space<semaphore_mem>>)
      %add3A_272 = arith.constant 2 : i32
      %add3A_273 = arith.addi %add3A_201, %add3A_272 : i32
      %rem3A_274 = arith.constant 4 : i32
      %rem3A_275 = arith.remsi %add3A_273, %rem3A_274 : i32
      %dma_start3A_276 = arith.constant 0 : i32
      %dma_start3A_277 = tpu.memref_slice %arg8[%rem3A_275, %dma_start3A_276] : memref<4x64xi32, #tpu.memory_space<vmem>> -> memref<1x64xi32, #tpu.memory_space<vmem>>
      %dma_start3A_278 = tpu.memref_squeeze %dma_start3A_277 : memref<1x64xi32, #tpu.memory_space<vmem>> -> memref<64xi32, #tpu.memory_space<vmem>>
      %dma_start3A_279 = arith.constant 0 : i32
      %dma_start3A_280 = tpu.memref_slice %arg4[%add3A_273, %dma_start3A_279] : memref<2562x64xi32, #tpu.memory_space<hbm>> -> memref<1x64xi32, #tpu.memory_space<hbm>>
      %dma_start3A_281 = tpu.memref_squeeze %dma_start3A_280 : memref<1x64xi32, #tpu.memory_space<hbm>> -> memref<64xi32, #tpu.memory_space<hbm>>
      %dma_start3A_282 = arith.constant 0 : i32
      %dma_start3A_283 = tpu.memref_slice %arg8[%rem3A_275, %dma_start3A_282] : memref<4x64xi32, #tpu.memory_space<vmem>> -> memref<1x64xi32, #tpu.memory_space<vmem>>
      %dma_start3A_284 = tpu.memref_squeeze %dma_start3A_283 : memref<1x64xi32, #tpu.memory_space<vmem>> -> memref<64xi32, #tpu.memory_space<vmem>>
      %dma_start3A_285 = arith.constant 0 : i32
      %dma_start3A_286 = tpu.memref_slice %arg4[%add3A_273, %dma_start3A_285] : memref<2562x64xi32, #tpu.memory_space<hbm>> -> memref<1x64xi32, #tpu.memory_space<hbm>>
      %dma_start3A_287 = tpu.memref_squeeze %dma_start3A_286 : memref<1x64xi32, #tpu.memory_space<hbm>> -> memref<64xi32, #tpu.memory_space<hbm>>
      tpu.enqueue_dma source(%dma_start3A_287 : memref<64xi32, #tpu.memory_space<hbm>>) target(%dma_start3A_284 : memref<64xi32, #tpu.memory_space<vmem>>) target_semaphore(%arg15 : memref<!tpu.dma_semaphore, #tpu.memory_space<semaphore_mem>>)
      %dma_start3A_288 = arith.constant 0 : i32
      %dma_start3A_289 = tpu.memref_slice %arg9[%rem3A_275, %dma_start3A_288] : memref<4x64xi32, #tpu.memory_space<vmem>> -> memref<1x64xi32, #tpu.memory_space<vmem>>
      %dma_start3A_290 = tpu.memref_squeeze %dma_start3A_289 : memref<1x64xi32, #tpu.memory_space<vmem>> -> memref<64xi32, #tpu.memory_space<vmem>>
      %dma_start3A_291 = arith.constant 0 : i32
      %dma_start3A_292 = tpu.memref_slice %arg5[%add3A_273, %dma_start3A_291] : memref<2562x64xi32, #tpu.memory_space<hbm>> -> memref<1x64xi32, #tpu.memory_space<hbm>>
      %dma_start3A_293 = tpu.memref_squeeze %dma_start3A_292 : memref<1x64xi32, #tpu.memory_space<hbm>> -> memref<64xi32, #tpu.memory_space<hbm>>
      %dma_start3A_294 = arith.constant 0 : i32
      %dma_start3A_295 = tpu.memref_slice %arg9[%rem3A_275, %dma_start3A_294] : memref<4x64xi32, #tpu.memory_space<vmem>> -> memref<1x64xi32, #tpu.memory_space<vmem>>
      %dma_start3A_296 = tpu.memref_squeeze %dma_start3A_295 : memref<1x64xi32, #tpu.memory_space<vmem>> -> memref<64xi32, #tpu.memory_space<vmem>>
      %dma_start3A_297 = arith.constant 0 : i32
      %dma_start3A_298 = tpu.memref_slice %arg5[%add3A_273, %dma_start3A_297] : memref<2562x64xi32, #tpu.memory_space<hbm>> -> memref<1x64xi32, #tpu.memory_space<hbm>>
      %dma_start3A_299 = tpu.memref_squeeze %dma_start3A_298 : memref<1x64xi32, #tpu.memory_space<hbm>> -> memref<64xi32, #tpu.memory_space<hbm>>
      tpu.enqueue_dma source(%dma_start3A_299 : memref<64xi32, #tpu.memory_space<hbm>>) target(%dma_start3A_296 : memref<64xi32, #tpu.memory_space<vmem>>) target_semaphore(%arg15 : memref<!tpu.dma_semaphore, #tpu.memory_space<semaphore_mem>>)
      %gt3A = arith.constant 0 : i32
      %gt3A_300 = arith.cmpi sgt, %scan3A_198, %gt3A : i32
      %convert_element_type3A = arith.extui %gt3A_300 : i1 to i32
      %cond3A = arith.constant 0 : i32
      %cond3A_301 = arith.cmpi ne, %convert_element_type3A, %cond3A : i32
      scf.if %cond3A_301 {
        %sub3A_442 = arith.constant 2 : i32
        %sub3A_443 = arith.subi %add3A_201, %sub3A_442 : i32
        %rem3A_444 = arith.constant 4 : i32
        %rem3A_445 = arith.remsi %sub3A_443, %rem3A_444 : i32
        %dma_wait3A_446 = arith.constant 0 : i32
        %dma_wait3A_447 = arith.constant 0 : i32
        %dma_wait3A_448 = arith.constant 0 : i32
        %dma_wait3A_449 = tpu.memref_slice %arg13[%dma_wait3A_446, %dma_wait3A_447, %dma_wait3A_448] : memref<2x64x128xf32, #tpu.memory_space<vmem>> -> memref<1x64x128xf32, #tpu.memory_space<vmem>>
        %dma_wait3A_450 = tpu.memref_squeeze %dma_wait3A_449 : memref<1x64x128xf32, #tpu.memory_space<vmem>> -> memref<64x128xf32, #tpu.memory_space<vmem>>
        %dma_wait3A_451 = arith.constant 0 : i32
        %dma_wait3A_452 = tpu.memref_slice %arg9[%rem3A_445, %dma_wait3A_451] : memref<4x64xi32, #tpu.memory_space<vmem>> -> memref<1x64xi32, #tpu.memory_space<vmem>>
        %dma_wait3A_453 = tpu.memref_squeeze %dma_wait3A_452 : memref<1x64xi32, #tpu.memory_space<vmem>> -> memref<64xi32, #tpu.memory_space<vmem>>
        %dma_wait3A_454 = arith.constant 0 : i32
        %dma_wait3A_455 = arith.constant 0 : i32
        %dma_wait3A_456 = tpu.memref_slice %arg14[%dma_wait3A_454, %dma_wait3A_455] : memref<10112x128xf32, #tpu.memory_space<vmem_shared>> -> memref<10112x128xf32, #tpu.memory_space<vmem_shared>>
        tpu.wait_indirect_dma semaphore(%arg17 : memref<!tpu.dma_semaphore, #tpu.memory_space<semaphore_mem>>) src(%dma_wait3A_450 : memref<64x128xf32, #tpu.memory_space<vmem>>) dst(%dma_wait3A_456 : memref<10112x128xf32, #tpu.memory_space<vmem_shared>>)
      } else {
      }
      %parallel_loop3A = arith.constant 0 : i32
      %parallel_loop3A_302 = arith.constant 64 : i32
      %parallel_loop3A_303 = arith.constant 1 : i32
      %parallel_loop3A_304 = arith.constant 0 : i32
      %parallel_loop3A_305 = arith.constant 0 : i32
      scf.for %parallel_loop3A_442 = %parallel_loop3A to %parallel_loop3A_302 step %parallel_loop3A_303  : i32 {
        %parallel_loop3A_443 = arith.constant 0 : i32
        %parallel_loop3A_444 = arith.constant 0 : i32
        %parallel_loop3A_445 = tpu.memref_slice %arg10[%parallel_loop3A_304, %parallel_loop3A_443, %parallel_loop3A_444] : memref<2x64x128xf32, #tpu.memory_space<vmem>> -> memref<1x64x128xf32, #tpu.memory_space<vmem>>
        %parallel_loop3A_446 = tpu.memref_squeeze %parallel_loop3A_445 : memref<1x64x128xf32, #tpu.memory_space<vmem>> -> memref<64x128xf32, #tpu.memory_space<vmem>>
        %parallel_loop3A_447 = arith.index_cast %parallel_loop3A_442 : i32 to index
        %parallel_loop3A_448 = arith.constant 0 : index
        %parallel_loop3A_449 = tpu.vector_load %parallel_loop3A_446[%parallel_loop3A_447, %parallel_loop3A_448] {strides = array<i32>} : memref<64x128xf32, #tpu.memory_space<vmem>>, vector<1x16xf32>,
        %parallel_loop3A_450 = vector.shape_cast %parallel_loop3A_449 : vector<1x16xf32> to vector<16xf32>
        %parallel_loop3A_451 = arith.index_cast %parallel_loop3A_442 : i32 to index
        %parallel_loop3A_452 = arith.constant 0 : index
        %parallel_loop3A_453 = tpu.vector_load %arg11[%parallel_loop3A_451, %parallel_loop3A_452] {strides = array<i32>} : memref<64x128xf32, #tpu.memory_space<vmem>>, vector<1x16xf32>,
        %parallel_loop3A_454 = vector.shape_cast %parallel_loop3A_453 : vector<1x16xf32> to vector<16xf32>
        %parallel_loop3A_455 = arith.addf %parallel_loop3A_450, %parallel_loop3A_454 : vector<16xf32>
        %parallel_loop3A_456 = arith.constant 0.000000e+00 : f32
        %parallel_loop3A_457 = vector.broadcast %parallel_loop3A_456 : f32 to vector<16xf32>
        %parallel_loop3A_458 = arith.maximumf %parallel_loop3A_455, %parallel_loop3A_457 : vector<16xf32>
        %parallel_loop3A_459 = arith.constant 0 : i32
        %parallel_loop3A_460 = arith.constant 0 : i32
        %parallel_loop3A_461 = tpu.memref_slice %arg13[%parallel_loop3A_305, %parallel_loop3A_459, %parallel_loop3A_460] : memref<2x64x128xf32, #tpu.memory_space<vmem>> -> memref<1x64x128xf32, #tpu.memory_space<vmem>>
        %parallel_loop3A_462 = tpu.memref_squeeze %parallel_loop3A_461 : memref<1x64x128xf32, #tpu.memory_space<vmem>> -> memref<64x128xf32, #tpu.memory_space<vmem>>
        %parallel_loop3A_463 = arith.index_cast %parallel_loop3A_442 : i32 to index
        %parallel_loop3A_464 = arith.constant 0 : index
        %parallel_loop3A_465 = tpu.vector_load %parallel_loop3A_462[%parallel_loop3A_463, %parallel_loop3A_464] {strides = array<i32>} : memref<64x128xf32, #tpu.memory_space<vmem>>, vector<1x16xf32>,
        %parallel_loop3A_466 = vector.shape_cast %parallel_loop3A_465 : vector<1x16xf32> to vector<16xf32>
        %parallel_loop3A_467 = vector.shape_cast %parallel_loop3A_458 : vector<16xf32> to vector<1x16xf32>
        tpu.vector_store %parallel_loop3A_462[%parallel_loop3A_463, %parallel_loop3A_464], %parallel_loop3A_467 {strides = array<i32>} : memref<64x128xf32, #tpu.memory_space<vmem>>, vector<1x16xf32>,
        %parallel_loop3A_468 = arith.constant 0 : i32
        %parallel_loop3A_469 = arith.constant 0 : i32
        %parallel_loop3A_470 = tpu.memref_slice %arg10[%parallel_loop3A_304, %parallel_loop3A_468, %parallel_loop3A_469] : memref<2x64x128xf32, #tpu.memory_space<vmem>> -> memref<1x64x128xf32, #tpu.memory_space<vmem>>
        %parallel_loop3A_471 = tpu.memref_squeeze %parallel_loop3A_470 : memref<1x64x128xf32, #tpu.memory_space<vmem>> -> memref<64x128xf32, #tpu.memory_space<vmem>>
        %parallel_loop3A_472 = arith.index_cast %parallel_loop3A_442 : i32 to index
        %parallel_loop3A_473 = arith.constant 16 : index
        %parallel_loop3A_474 = tpu.vector_load %parallel_loop3A_471[%parallel_loop3A_472, %parallel_loop3A_473] {strides = array<i32>} : memref<64x128xf32, #tpu.memory_space<vmem>>, vector<1x16xf32>,
        %parallel_loop3A_475 = vector.shape_cast %parallel_loop3A_474 : vector<1x16xf32> to vector<16xf32>
        %parallel_loop3A_476 = arith.index_cast %parallel_loop3A_442 : i32 to index
        %parallel_loop3A_477 = arith.constant 16 : index
        %parallel_loop3A_478 = tpu.vector_load %arg11[%parallel_loop3A_476, %parallel_loop3A_477] {strides = array<i32>} : memref<64x128xf32, #tpu.memory_space<vmem>>, vector<1x16xf32>,
        %parallel_loop3A_479 = vector.shape_cast %parallel_loop3A_478 : vector<1x16xf32> to vector<16xf32>
        %parallel_loop3A_480 = arith.addf %parallel_loop3A_475, %parallel_loop3A_479 : vector<16xf32>
        %parallel_loop3A_481 = arith.constant 0.000000e+00 : f32
        %parallel_loop3A_482 = vector.broadcast %parallel_loop3A_481 : f32 to vector<16xf32>
        %parallel_loop3A_483 = arith.maximumf %parallel_loop3A_480, %parallel_loop3A_482 : vector<16xf32>
        %parallel_loop3A_484 = arith.constant 0 : i32
        %parallel_loop3A_485 = arith.constant 0 : i32
        %parallel_loop3A_486 = tpu.memref_slice %arg13[%parallel_loop3A_305, %parallel_loop3A_484, %parallel_loop3A_485] : memref<2x64x128xf32, #tpu.memory_space<vmem>> -> memref<1x64x128xf32, #tpu.memory_space<vmem>>
        %parallel_loop3A_487 = tpu.memref_squeeze %parallel_loop3A_486 : memref<1x64x128xf32, #tpu.memory_space<vmem>> -> memref<64x128xf32, #tpu.memory_space<vmem>>
        %parallel_loop3A_488 = arith.index_cast %parallel_loop3A_442 : i32 to index
        %parallel_loop3A_489 = arith.constant 16 : index
        %parallel_loop3A_490 = tpu.vector_load %parallel_loop3A_487[%parallel_loop3A_488, %parallel_loop3A_489] {strides = array<i32>} : memref<64x128xf32, #tpu.memory_space<vmem>>, vector<1x16xf32>,
        %parallel_loop3A_491 = vector.shape_cast %parallel_loop3A_490 : vector<1x16xf32> to vector<16xf32>
        %parallel_loop3A_492 = vector.shape_cast %parallel_loop3A_483 : vector<16xf32> to vector<1x16xf32>
        tpu.vector_store %parallel_loop3A_487[%parallel_loop3A_488, %parallel_loop3A_489], %parallel_loop3A_492 {strides = array<i32>} : memref<64x128xf32, #tpu.memory_space<vmem>>, vector<1x16xf32>,
        %parallel_loop3A_493 = arith.constant 0 : i32
        %parallel_loop3A_494 = arith.constant 0 : i32
        %parallel_loop3A_495 = tpu.memref_slice %arg10[%parallel_loop3A_304, %parallel_loop3A_493, %parallel_loop3A_494] : memref<2x64x128xf32, #tpu.memory_space<vmem>> -> memref<1x64x128xf32, #tpu.memory_space<vmem>>
        %parallel_loop3A_496 = tpu.memref_squeeze %parallel_loop3A_495 : memref<1x64x128xf32, #tpu.memory_space<vmem>> -> memref<64x128xf32, #tpu.memory_space<vmem>>
        %parallel_loop3A_497 = arith.index_cast %parallel_loop3A_442 : i32 to index
        %parallel_loop3A_498 = arith.constant 32 : index
        %parallel_loop3A_499 = tpu.vector_load %parallel_loop3A_496[%parallel_loop3A_497, %parallel_loop3A_498] {strides = array<i32>} : memref<64x128xf32, #tpu.memory_space<vmem>>, vector<1x16xf32>,
        %parallel_loop3A_500 = vector.shape_cast %parallel_loop3A_499 : vector<1x16xf32> to vector<16xf32>
        %parallel_loop3A_501 = arith.index_cast %parallel_loop3A_442 : i32 to index
        %parallel_loop3A_502 = arith.constant 32 : index
        %parallel_loop3A_503 = tpu.vector_load %arg11[%parallel_loop3A_501, %parallel_loop3A_502] {strides = array<i32>} : memref<64x128xf32, #tpu.memory_space<vmem>>, vector<1x16xf32>,
        %parallel_loop3A_504 = vector.shape_cast %parallel_loop3A_503 : vector<1x16xf32> to vector<16xf32>
        %parallel_loop3A_505 = arith.addf %parallel_loop3A_500, %parallel_loop3A_504 : vector<16xf32>
        %parallel_loop3A_506 = arith.constant 0.000000e+00 : f32
        %parallel_loop3A_507 = vector.broadcast %parallel_loop3A_506 : f32 to vector<16xf32>
        %parallel_loop3A_508 = arith.maximumf %parallel_loop3A_505, %parallel_loop3A_507 : vector<16xf32>
        %parallel_loop3A_509 = arith.constant 0 : i32
        %parallel_loop3A_510 = arith.constant 0 : i32
        %parallel_loop3A_511 = tpu.memref_slice %arg13[%parallel_loop3A_305, %parallel_loop3A_509, %parallel_loop3A_510] : memref<2x64x128xf32, #tpu.memory_space<vmem>> -> memref<1x64x128xf32, #tpu.memory_space<vmem>>
        %parallel_loop3A_512 = tpu.memref_squeeze %parallel_loop3A_511 : memref<1x64x128xf32, #tpu.memory_space<vmem>> -> memref<64x128xf32, #tpu.memory_space<vmem>>
        %parallel_loop3A_513 = arith.index_cast %parallel_loop3A_442 : i32 to index
        %parallel_loop3A_514 = arith.constant 32 : index
        %parallel_loop3A_515 = tpu.vector_load %parallel_loop3A_512[%parallel_loop3A_513, %parallel_loop3A_514] {strides = array<i32>} : memref<64x128xf32, #tpu.memory_space<vmem>>, vector<1x16xf32>,
        %parallel_loop3A_516 = vector.shape_cast %parallel_loop3A_515 : vector<1x16xf32> to vector<16xf32>
        %parallel_loop3A_517 = vector.shape_cast %parallel_loop3A_508 : vector<16xf32> to vector<1x16xf32>
        tpu.vector_store %parallel_loop3A_512[%parallel_loop3A_513, %parallel_loop3A_514], %parallel_loop3A_517 {strides = array<i32>} : memref<64x128xf32, #tpu.memory_space<vmem>>, vector<1x16xf32>,
        %parallel_loop3A_518 = arith.constant 0 : i32
        %parallel_loop3A_519 = arith.constant 0 : i32
        %parallel_loop3A_520 = tpu.memref_slice %arg10[%parallel_loop3A_304, %parallel_loop3A_518, %parallel_loop3A_519] : memref<2x64x128xf32, #tpu.memory_space<vmem>> -> memref<1x64x128xf32, #tpu.memory_space<vmem>>
        %parallel_loop3A_521 = tpu.memref_squeeze %parallel_loop3A_520 : memref<1x64x128xf32, #tpu.memory_space<vmem>> -> memref<64x128xf32, #tpu.memory_space<vmem>>
        %parallel_loop3A_522 = arith.index_cast %parallel_loop3A_442 : i32 to index
        %parallel_loop3A_523 = arith.constant 48 : index
        %parallel_loop3A_524 = tpu.vector_load %parallel_loop3A_521[%parallel_loop3A_522, %parallel_loop3A_523] {strides = array<i32>} : memref<64x128xf32, #tpu.memory_space<vmem>>, vector<1x16xf32>,
        %parallel_loop3A_525 = vector.shape_cast %parallel_loop3A_524 : vector<1x16xf32> to vector<16xf32>
        %parallel_loop3A_526 = arith.index_cast %parallel_loop3A_442 : i32 to index
        %parallel_loop3A_527 = arith.constant 48 : index
        %parallel_loop3A_528 = tpu.vector_load %arg11[%parallel_loop3A_526, %parallel_loop3A_527] {strides = array<i32>} : memref<64x128xf32, #tpu.memory_space<vmem>>, vector<1x16xf32>,
        %parallel_loop3A_529 = vector.shape_cast %parallel_loop3A_528 : vector<1x16xf32> to vector<16xf32>
        %parallel_loop3A_530 = arith.addf %parallel_loop3A_525, %parallel_loop3A_529 : vector<16xf32>
        %parallel_loop3A_531 = arith.constant 0.000000e+00 : f32
        %parallel_loop3A_532 = vector.broadcast %parallel_loop3A_531 : f32 to vector<16xf32>
        %parallel_loop3A_533 = arith.maximumf %parallel_loop3A_530, %parallel_loop3A_532 : vector<16xf32>
        %parallel_loop3A_534 = arith.constant 0 : i32
        %parallel_loop3A_535 = arith.constant 0 : i32
        %parallel_loop3A_536 = tpu.memref_slice %arg13[%parallel_loop3A_305, %parallel_loop3A_534, %parallel_loop3A_535] : memref<2x64x128xf32, #tpu.memory_space<vmem>> -> memref<1x64x128xf32, #tpu.memory_space<vmem>>
        %parallel_loop3A_537 = tpu.memref_squeeze %parallel_loop3A_536 : memref<1x64x128xf32, #tpu.memory_space<vmem>> -> memref<64x128xf32, #tpu.memory_space<vmem>>
        %parallel_loop3A_538 = arith.index_cast %parallel_loop3A_442 : i32 to index
        %parallel_loop3A_539 = arith.constant 48 : index
        %parallel_loop3A_540 = tpu.vector_load %parallel_loop3A_537[%parallel_loop3A_538, %parallel_loop3A_539] {strides = array<i32>} : memref<64x128xf32, #tpu.memory_space<vmem>>, vector<1x16xf32>,
        %parallel_loop3A_541 = vector.shape_cast %parallel_loop3A_540 : vector<1x16xf32> to vector<16xf32>
        %parallel_loop3A_542 = vector.shape_cast %parallel_loop3A_533 : vector<16xf32> to vector<1x16xf32>
        tpu.vector_store %parallel_loop3A_537[%parallel_loop3A_538, %parallel_loop3A_539], %parallel_loop3A_542 {strides = array<i32>} : memref<64x128xf32, #tpu.memory_space<vmem>>, vector<1x16xf32>,
        %parallel_loop3A_543 = arith.constant 0 : i32
        %parallel_loop3A_544 = arith.constant 0 : i32
        %parallel_loop3A_545 = tpu.memref_slice %arg10[%parallel_loop3A_304, %parallel_loop3A_543, %parallel_loop3A_544] : memref<2x64x128xf32, #tpu.memory_space<vmem>> -> memref<1x64x128xf32, #tpu.memory_space<vmem>>
        %parallel_loop3A_546 = tpu.memref_squeeze %parallel_loop3A_545 : memref<1x64x128xf32, #tpu.memory_space<vmem>> -> memref<64x128xf32, #tpu.memory_space<vmem>>
        %parallel_loop3A_547 = arith.index_cast %parallel_loop3A_442 : i32 to index
        %parallel_loop3A_548 = arith.constant 64 : index
        %parallel_loop3A_549 = tpu.vector_load %parallel_loop3A_546[%parallel_loop3A_547, %parallel_loop3A_548] {strides = array<i32>} : memref<64x128xf32, #tpu.memory_space<vmem>>, vector<1x16xf32>,
        %parallel_loop3A_550 = vector.shape_cast %parallel_loop3A_549 : vector<1x16xf32> to vector<16xf32>
        %parallel_loop3A_551 = arith.index_cast %parallel_loop3A_442 : i32 to index
        %parallel_loop3A_552 = arith.constant 64 : index
        %parallel_loop3A_553 = tpu.vector_load %arg11[%parallel_loop3A_551, %parallel_loop3A_552] {strides = array<i32>} : memref<64x128xf32, #tpu.memory_space<vmem>>, vector<1x16xf32>,
        %parallel_loop3A_554 = vector.shape_cast %parallel_loop3A_553 : vector<1x16xf32> to vector<16xf32>
        %parallel_loop3A_555 = arith.addf %parallel_loop3A_550, %parallel_loop3A_554 : vector<16xf32>
        %parallel_loop3A_556 = arith.constant 0.000000e+00 : f32
        %parallel_loop3A_557 = vector.broadcast %parallel_loop3A_556 : f32 to vector<16xf32>
        %parallel_loop3A_558 = arith.maximumf %parallel_loop3A_555, %parallel_loop3A_557 : vector<16xf32>
        %parallel_loop3A_559 = arith.constant 0 : i32
        %parallel_loop3A_560 = arith.constant 0 : i32
        %parallel_loop3A_561 = tpu.memref_slice %arg13[%parallel_loop3A_305, %parallel_loop3A_559, %parallel_loop3A_560] : memref<2x64x128xf32, #tpu.memory_space<vmem>> -> memref<1x64x128xf32, #tpu.memory_space<vmem>>
        %parallel_loop3A_562 = tpu.memref_squeeze %parallel_loop3A_561 : memref<1x64x128xf32, #tpu.memory_space<vmem>> -> memref<64x128xf32, #tpu.memory_space<vmem>>
        %parallel_loop3A_563 = arith.index_cast %parallel_loop3A_442 : i32 to index
        %parallel_loop3A_564 = arith.constant 64 : index
        %parallel_loop3A_565 = tpu.vector_load %parallel_loop3A_562[%parallel_loop3A_563, %parallel_loop3A_564] {strides = array<i32>} : memref<64x128xf32, #tpu.memory_space<vmem>>, vector<1x16xf32>,
        %parallel_loop3A_566 = vector.shape_cast %parallel_loop3A_565 : vector<1x16xf32> to vector<16xf32>
        %parallel_loop3A_567 = vector.shape_cast %parallel_loop3A_558 : vector<16xf32> to vector<1x16xf32>
        tpu.vector_store %parallel_loop3A_562[%parallel_loop3A_563, %parallel_loop3A_564], %parallel_loop3A_567 {strides = array<i32>} : memref<64x128xf32, #tpu.memory_space<vmem>>, vector<1x16xf32>,
        %parallel_loop3A_568 = arith.constant 0 : i32
        %parallel_loop3A_569 = arith.constant 0 : i32
        %parallel_loop3A_570 = tpu.memref_slice %arg10[%parallel_loop3A_304, %parallel_loop3A_568, %parallel_loop3A_569] : memref<2x64x128xf32, #tpu.memory_space<vmem>> -> memref<1x64x128xf32, #tpu.memory_space<vmem>>
        %parallel_loop3A_571 = tpu.memref_squeeze %parallel_loop3A_570 : memref<1x64x128xf32, #tpu.memory_space<vmem>> -> memref<64x128xf32, #tpu.memory_space<vmem>>
        %parallel_loop3A_572 = arith.index_cast %parallel_loop3A_442 : i32 to index
        %parallel_loop3A_573 = arith.constant 80 : index
        %parallel_loop3A_574 = tpu.vector_load %parallel_loop3A_571[%parallel_loop3A_572, %parallel_loop3A_573] {strides = array<i32>} : memref<64x128xf32, #tpu.memory_space<vmem>>, vector<1x16xf32>,
        %parallel_loop3A_575 = vector.shape_cast %parallel_loop3A_574 : vector<1x16xf32> to vector<16xf32>
        %parallel_loop3A_576 = arith.index_cast %parallel_loop3A_442 : i32 to index
        %parallel_loop3A_577 = arith.constant 80 : index
        %parallel_loop3A_578 = tpu.vector_load %arg11[%parallel_loop3A_576, %parallel_loop3A_577] {strides = array<i32>} : memref<64x128xf32, #tpu.memory_space<vmem>>, vector<1x16xf32>,
        %parallel_loop3A_579 = vector.shape_cast %parallel_loop3A_578 : vector<1x16xf32> to vector<16xf32>
        %parallel_loop3A_580 = arith.addf %parallel_loop3A_575, %parallel_loop3A_579 : vector<16xf32>
        %parallel_loop3A_581 = arith.constant 0.000000e+00 : f32
        %parallel_loop3A_582 = vector.broadcast %parallel_loop3A_581 : f32 to vector<16xf32>
        %parallel_loop3A_583 = arith.maximumf %parallel_loop3A_580, %parallel_loop3A_582 : vector<16xf32>
        %parallel_loop3A_584 = arith.constant 0 : i32
        %parallel_loop3A_585 = arith.constant 0 : i32
        %parallel_loop3A_586 = tpu.memref_slice %arg13[%parallel_loop3A_305, %parallel_loop3A_584, %parallel_loop3A_585] : memref<2x64x128xf32, #tpu.memory_space<vmem>> -> memref<1x64x128xf32, #tpu.memory_space<vmem>>
        %parallel_loop3A_587 = tpu.memref_squeeze %parallel_loop3A_586 : memref<1x64x128xf32, #tpu.memory_space<vmem>> -> memref<64x128xf32, #tpu.memory_space<vmem>>
        %parallel_loop3A_588 = arith.index_cast %parallel_loop3A_442 : i32 to index
        %parallel_loop3A_589 = arith.constant 80 : index
        %parallel_loop3A_590 = tpu.vector_load %parallel_loop3A_587[%parallel_loop3A_588, %parallel_loop3A_589] {strides = array<i32>} : memref<64x128xf32, #tpu.memory_space<vmem>>, vector<1x16xf32>,
        %parallel_loop3A_591 = vector.shape_cast %parallel_loop3A_590 : vector<1x16xf32> to vector<16xf32>
        %parallel_loop3A_592 = vector.shape_cast %parallel_loop3A_583 : vector<16xf32> to vector<1x16xf32>
        tpu.vector_store %parallel_loop3A_587[%parallel_loop3A_588, %parallel_loop3A_589], %parallel_loop3A_592 {strides = array<i32>} : memref<64x128xf32, #tpu.memory_space<vmem>>, vector<1x16xf32>,
        %parallel_loop3A_593 = arith.constant 0 : i32
        %parallel_loop3A_594 = arith.constant 0 : i32
        %parallel_loop3A_595 = tpu.memref_slice %arg10[%parallel_loop3A_304, %parallel_loop3A_593, %parallel_loop3A_594] : memref<2x64x128xf32, #tpu.memory_space<vmem>> -> memref<1x64x128xf32, #tpu.memory_space<vmem>>
        %parallel_loop3A_596 = tpu.memref_squeeze %parallel_loop3A_595 : memref<1x64x128xf32, #tpu.memory_space<vmem>> -> memref<64x128xf32, #tpu.memory_space<vmem>>
        %parallel_loop3A_597 = arith.index_cast %parallel_loop3A_442 : i32 to index
        %parallel_loop3A_598 = arith.constant 96 : index
        %parallel_loop3A_599 = tpu.vector_load %parallel_loop3A_596[%parallel_loop3A_597, %parallel_loop3A_598] {strides = array<i32>} : memref<64x128xf32, #tpu.memory_space<vmem>>, vector<1x16xf32>,
        %parallel_loop3A_600 = vector.shape_cast %parallel_loop3A_599 : vector<1x16xf32> to vector<16xf32>
        %parallel_loop3A_601 = arith.index_cast %parallel_loop3A_442 : i32 to index
        %parallel_loop3A_602 = arith.constant 96 : index
        %parallel_loop3A_603 = tpu.vector_load %arg11[%parallel_loop3A_601, %parallel_loop3A_602] {strides = array<i32>} : memref<64x128xf32, #tpu.memory_space<vmem>>, vector<1x16xf32>,
        %parallel_loop3A_604 = vector.shape_cast %parallel_loop3A_603 : vector<1x16xf32> to vector<16xf32>
        %parallel_loop3A_605 = arith.addf %parallel_loop3A_600, %parallel_loop3A_604 : vector<16xf32>
        %parallel_loop3A_606 = arith.constant 0.000000e+00 : f32
        %parallel_loop3A_607 = vector.broadcast %parallel_loop3A_606 : f32 to vector<16xf32>
        %parallel_loop3A_608 = arith.maximumf %parallel_loop3A_605, %parallel_loop3A_607 : vector<16xf32>
        %parallel_loop3A_609 = arith.constant 0 : i32
        %parallel_loop3A_610 = arith.constant 0 : i32
        %parallel_loop3A_611 = tpu.memref_slice %arg13[%parallel_loop3A_305, %parallel_loop3A_609, %parallel_loop3A_610] : memref<2x64x128xf32, #tpu.memory_space<vmem>> -> memref<1x64x128xf32, #tpu.memory_space<vmem>>
        %parallel_loop3A_612 = tpu.memref_squeeze %parallel_loop3A_611 : memref<1x64x128xf32, #tpu.memory_space<vmem>> -> memref<64x128xf32, #tpu.memory_space<vmem>>
        %parallel_loop3A_613 = arith.index_cast %parallel_loop3A_442 : i32 to index
        %parallel_loop3A_614 = arith.constant 96 : index
        %parallel_loop3A_615 = tpu.vector_load %parallel_loop3A_612[%parallel_loop3A_613, %parallel_loop3A_614] {strides = array<i32>} : memref<64x128xf32, #tpu.memory_space<vmem>>, vector<1x16xf32>,
        %parallel_loop3A_616 = vector.shape_cast %parallel_loop3A_615 : vector<1x16xf32> to vector<16xf32>
        %parallel_loop3A_617 = vector.shape_cast %parallel_loop3A_608 : vector<16xf32> to vector<1x16xf32>
        tpu.vector_store %parallel_loop3A_612[%parallel_loop3A_613, %parallel_loop3A_614], %parallel_loop3A_617 {strides = array<i32>} : memref<64x128xf32, #tpu.memory_space<vmem>>, vector<1x16xf32>,
        %parallel_loop3A_618 = arith.constant 0 : i32
        %parallel_loop3A_619 = arith.constant 0 : i32
        %parallel_loop3A_620 = tpu.memref_slice %arg10[%parallel_loop3A_304, %parallel_loop3A_618, %parallel_loop3A_619] : memref<2x64x128xf32, #tpu.memory_space<vmem>> -> memref<1x64x128xf32, #tpu.memory_space<vmem>>
        %parallel_loop3A_621 = tpu.memref_squeeze %parallel_loop3A_620 : memref<1x64x128xf32, #tpu.memory_space<vmem>> -> memref<64x128xf32, #tpu.memory_space<vmem>>
        %parallel_loop3A_622 = arith.index_cast %parallel_loop3A_442 : i32 to index
        %parallel_loop3A_623 = arith.constant 112 : index
        %parallel_loop3A_624 = tpu.vector_load %parallel_loop3A_621[%parallel_loop3A_622, %parallel_loop3A_623] {strides = array<i32>} : memref<64x128xf32, #tpu.memory_space<vmem>>, vector<1x16xf32>,
        %parallel_loop3A_625 = vector.shape_cast %parallel_loop3A_624 : vector<1x16xf32> to vector<16xf32>
        %parallel_loop3A_626 = arith.index_cast %parallel_loop3A_442 : i32 to index
        %parallel_loop3A_627 = arith.constant 112 : index
        %parallel_loop3A_628 = tpu.vector_load %arg11[%parallel_loop3A_626, %parallel_loop3A_627] {strides = array<i32>} : memref<64x128xf32, #tpu.memory_space<vmem>>, vector<1x16xf32>,
        %parallel_loop3A_629 = vector.shape_cast %parallel_loop3A_628 : vector<1x16xf32> to vector<16xf32>
        %parallel_loop3A_630 = arith.addf %parallel_loop3A_625, %parallel_loop3A_629 : vector<16xf32>
        %parallel_loop3A_631 = arith.constant 0.000000e+00 : f32
        %parallel_loop3A_632 = vector.broadcast %parallel_loop3A_631 : f32 to vector<16xf32>
        %parallel_loop3A_633 = arith.maximumf %parallel_loop3A_630, %parallel_loop3A_632 : vector<16xf32>
        %parallel_loop3A_634 = arith.constant 0 : i32
        %parallel_loop3A_635 = arith.constant 0 : i32
        %parallel_loop3A_636 = tpu.memref_slice %arg13[%parallel_loop3A_305, %parallel_loop3A_634, %parallel_loop3A_635] : memref<2x64x128xf32, #tpu.memory_space<vmem>> -> memref<1x64x128xf32, #tpu.memory_space<vmem>>
        %parallel_loop3A_637 = tpu.memref_squeeze %parallel_loop3A_636 : memref<1x64x128xf32, #tpu.memory_space<vmem>> -> memref<64x128xf32, #tpu.memory_space<vmem>>
        %parallel_loop3A_638 = arith.index_cast %parallel_loop3A_442 : i32 to index
        %parallel_loop3A_639 = arith.constant 112 : index
        %parallel_loop3A_640 = tpu.vector_load %parallel_loop3A_637[%parallel_loop3A_638, %parallel_loop3A_639] {strides = array<i32>} : memref<64x128xf32, #tpu.memory_space<vmem>>, vector<1x16xf32>,
        %parallel_loop3A_641 = vector.shape_cast %parallel_loop3A_640 : vector<1x16xf32> to vector<16xf32>
        %parallel_loop3A_642 = vector.shape_cast %parallel_loop3A_633 : vector<16xf32> to vector<1x16xf32>
        tpu.vector_store %parallel_loop3A_637[%parallel_loop3A_638, %parallel_loop3A_639], %parallel_loop3A_642 {strides = array<i32>} : memref<64x128xf32, #tpu.memory_space<vmem>>, vector<1x16xf32>,
      } {sc.loop_unroll_factor = 4 : i64, sc.parallel_access}
      %rem3A_306 = arith.constant 4 : i32
      %rem3A_307 = arith.remsi %add3A_201, %rem3A_306 : i32
      %dma_start3A_308 = arith.constant 0 : i32
      %dma_start3A_309 = arith.constant 0 : i32
      %dma_start3A_310 = arith.constant 0 : i32
      %dma_start3A_311 = tpu.memref_slice %arg13[%dma_start3A_308, %dma_start3A_309, %dma_start3A_310] : memref<2x64x128xf32, #tpu.memory_space<vmem>> -> memref<1x64x128xf32, #tpu.memory_space<vmem>>
      %dma_start3A_312 = tpu.memref_squeeze %dma_start3A_311 : memref<1x64x128xf32, #tpu.memory_space<vmem>> -> memref<64x128xf32, #tpu.memory_space<vmem>>
      %dma_start3A_313 = arith.constant 0 : i32
      %dma_start3A_314 = tpu.memref_slice %arg9[%rem3A_307, %dma_start3A_313] : memref<4x64xi32, #tpu.memory_space<vmem>> -> memref<1x64xi32, #tpu.memory_space<vmem>>
      %dma_start3A_315 = tpu.memref_squeeze %dma_start3A_314 : memref<1x64xi32, #tpu.memory_space<vmem>> -> memref<64xi32, #tpu.memory_space<vmem>>
      %dma_start3A_316 = arith.constant 0 : i32
      %dma_start3A_317 = arith.constant 0 : i32
      %dma_start3A_318 = tpu.memref_slice %arg14[%dma_start3A_316, %dma_start3A_317] : memref<10112x128xf32, #tpu.memory_space<vmem_shared>> -> memref<10112x128xf32, #tpu.memory_space<vmem_shared>>
      tpu.enqueue_indirect_dma source(%dma_start3A_312 : memref<64x128xf32, #tpu.memory_space<vmem>>) target(%dma_start3A_318 : memref<10112x128xf32, #tpu.memory_space<vmem_shared>>) offsets(%dma_start3A_315 : memref<64xi32, #tpu.memory_space<vmem>>) semaphore(%arg17 : memref<!tpu.dma_semaphore, #tpu.memory_space<semaphore_mem>>) {add = true}
      %rem3A_319 = arith.constant 4 : i32
      %rem3A_320 = arith.remsi %add3A_203, %rem3A_319 : i32
      %min3A_321 = arith.constant 2499 : i32
      %min3A_322 = arith.minsi %add3A_203, %min3A_321 : i32
      %mul3A_323 = arith.constant 64 : i32
      %mul3A_324 = arith.muli %min3A_322, %mul3A_323 : i32
      %dma_wait3A_325 = arith.constant 1 : i32
      %dma_wait3A_326 = arith.constant 0 : i32
      %dma_wait3A_327 = arith.constant 0 : i32
      %dma_wait3A_328 = tpu.memref_slice %arg10[%dma_wait3A_325, %dma_wait3A_326, %dma_wait3A_327] : memref<2x64x128xf32, #tpu.memory_space<vmem>> -> memref<1x64x128xf32, #tpu.memory_space<vmem>>
      %dma_wait3A_329 = tpu.memref_squeeze %dma_wait3A_328 : memref<1x64x128xf32, #tpu.memory_space<vmem>> -> memref<64x128xf32, #tpu.memory_space<vmem>>
      %dma_wait3A_330 = arith.constant 0 : i32
      %dma_wait3A_331 = tpu.memref_slice %arg8[%rem3A_320, %dma_wait3A_330] : memref<4x64xi32, #tpu.memory_space<vmem>> -> memref<1x64xi32, #tpu.memory_space<vmem>>
      %dma_wait3A_332 = tpu.memref_squeeze %dma_wait3A_331 : memref<1x64xi32, #tpu.memory_space<vmem>> -> memref<64xi32, #tpu.memory_space<vmem>>
      %dma_wait3A_333 = arith.constant 0 : i32
      %dma_wait3A_334 = arith.constant 0 : i32
      %dma_wait3A_335 = tpu.memref_slice %arg3[%dma_wait3A_333, %dma_wait3A_334] : memref<10000x128xf32, #tpu.memory_space<hbm>> -> memref<10000x128xf32, #tpu.memory_space<hbm>>
      tpu.wait_indirect_dma semaphore(%arg16 : memref<!tpu.dma_semaphore, #tpu.memory_space<semaphore_mem>>) src(%dma_wait3A_335 : memref<10000x128xf32, #tpu.memory_space<hbm>>) dst(%dma_wait3A_329 : memref<64x128xf32, #tpu.memory_space<vmem>>)
      %dma_wait3A_336 = arith.constant 0 : i32
      %dma_wait3A_337 = tpu.memref_slice %arg2[%mul3A_324, %dma_wait3A_336] : memref<160000x128xf32, #tpu.memory_space<hbm>> -> memref<64x128xf32, #tpu.memory_space<hbm>>
      %dma_wait3A_338 = arith.constant 0 : i32
      %dma_wait3A_339 = tpu.memref_slice %arg2[%mul3A_324, %dma_wait3A_338] : memref<160000x128xf32, #tpu.memory_space<hbm>> -> memref<64x128xf32, #tpu.memory_space<hbm>>
      tpu.wait_dma2 semaphore(%arg16 : memref<!tpu.dma_semaphore, #tpu.memory_space<semaphore_mem>>) src(%dma_wait3A_339 : memref<64x128xf32, #tpu.memory_space<hbm>>) dst(%arg12 : memref<64x128xf32, #tpu.memory_space<vmem>>)
      %add3A_340 = arith.constant 2 : i32
      %add3A_341 = arith.addi %add3A_201, %add3A_340 : i32
      %rem3A_342 = arith.constant 4 : i32
      %rem3A_343 = arith.remsi %add3A_341, %rem3A_342 : i32
      %dma_wait3A_344 = arith.constant 0 : i32
      %dma_wait3A_345 = tpu.memref_slice %arg8[%rem3A_343, %dma_wait3A_344] : memref<4x64xi32, #tpu.memory_space<vmem>> -> memref<1x64xi32, #tpu.memory_space<vmem>>
      %dma_wait3A_346 = tpu.memref_squeeze %dma_wait3A_345 : memref<1x64xi32, #tpu.memory_space<vmem>> -> memref<64xi32, #tpu.memory_space<vmem>>
      %dma_wait3A_347 = arith.constant 0 : i32
      %dma_wait3A_348 = tpu.memref_slice %arg4[%add3A_341, %dma_wait3A_347] : memref<2562x64xi32, #tpu.memory_space<hbm>> -> memref<1x64xi32, #tpu.memory_space<hbm>>
      %dma_wait3A_349 = tpu.memref_squeeze %dma_wait3A_348 : memref<1x64xi32, #tpu.memory_space<hbm>> -> memref<64xi32, #tpu.memory_space<hbm>>
      %dma_wait3A_350 = arith.constant 0 : i32
      %dma_wait3A_351 = tpu.memref_slice %arg8[%rem3A_343, %dma_wait3A_350] : memref<4x64xi32, #tpu.memory_space<vmem>> -> memref<1x64xi32, #tpu.memory_space<vmem>>
      %dma_wait3A_352 = tpu.memref_squeeze %dma_wait3A_351 : memref<1x64xi32, #tpu.memory_space<vmem>> -> memref<64xi32, #tpu.memory_space<vmem>>
      %dma_wait3A_353 = arith.constant 0 : i32
      %dma_wait3A_354 = tpu.memref_slice %arg4[%add3A_341, %dma_wait3A_353] : memref<2562x64xi32, #tpu.memory_space<hbm>> -> memref<1x64xi32, #tpu.memory_space<hbm>>
      %dma_wait3A_355 = tpu.memref_squeeze %dma_wait3A_354 : memref<1x64xi32, #tpu.memory_space<hbm>> -> memref<64xi32, #tpu.memory_space<hbm>>
      tpu.wait_dma2 semaphore(%arg15 : memref<!tpu.dma_semaphore, #tpu.memory_space<semaphore_mem>>) src(%dma_wait3A_355 : memref<64xi32, #tpu.memory_space<hbm>>) dst(%dma_wait3A_352 : memref<64xi32, #tpu.memory_space<vmem>>)
      %dma_wait3A_356 = arith.constant 0 : i32
      %dma_wait3A_357 = tpu.memref_slice %arg9[%rem3A_343, %dma_wait3A_356] : memref<4x64xi32, #tpu.memory_space<vmem>> -> memref<1x64xi32, #tpu.memory_space<vmem>>
      %dma_wait3A_358 = tpu.memref_squeeze %dma_wait3A_357 : memref<1x64xi32, #tpu.memory_space<vmem>> -> memref<64xi32, #tpu.memory_space<vmem>>
      %dma_wait3A_359 = arith.constant 0 : i32
      %dma_wait3A_360 = tpu.memref_slice %arg5[%add3A_341, %dma_wait3A_359] : memref<2562x64xi32, #tpu.memory_space<hbm>> -> memref<1x64xi32, #tpu.memory_space<hbm>>
      %dma_wait3A_361 = tpu.memref_squeeze %dma_wait3A_360 : memref<1x64xi32, #tpu.memory_space<hbm>> -> memref<64xi32, #tpu.memory_space<hbm>>
      %dma_wait3A_362 = arith.constant 0 : i32
      %dma_wait3A_363 = tpu.memref_slice %arg9[%rem3A_343, %dma_wait3A_362] : memref<4x64xi32, #tpu.memory_space<vmem>> -> memref<1x64xi32, #tpu.memory_space<vmem>>
      %dma_wait3A_364 = tpu.memref_squeeze %dma_wait3A_363 : memref<1x64xi32, #tpu.memory_space<vmem>> -> memref<64xi32, #tpu.memory_space<vmem>>
      %dma_wait3A_365 = arith.constant 0 : i32
      %dma_wait3A_366 = tpu.memref_slice %arg5[%add3A_341, %dma_wait3A_365] : memref<2562x64xi32, #tpu.memory_space<hbm>> -> memref<1x64xi32, #tpu.memory_space<hbm>>
      %dma_wait3A_367 = tpu.memref_squeeze %dma_wait3A_366 : memref<1x64xi32, #tpu.memory_space<hbm>> -> memref<64xi32, #tpu.memory_space<hbm>>
      tpu.wait_dma2 semaphore(%arg15 : memref<!tpu.dma_semaphore, #tpu.memory_space<semaphore_mem>>) src(%dma_wait3A_367 : memref<64xi32, #tpu.memory_space<hbm>>) dst(%dma_wait3A_364 : memref<64xi32, #tpu.memory_space<vmem>>)
      %add3A_368 = arith.constant 2 : i32
      %add3A_369 = arith.addi %add3A_201, %add3A_368 : i32
      %rem3A_370 = arith.constant 4 : i32
      %rem3A_371 = arith.remsi %add3A_369, %rem3A_370 : i32
      %min3A_372 = arith.constant 2499 : i32
      %min3A_373 = arith.minsi %add3A_369, %min3A_372 : i32
      %mul3A_374 = arith.constant 64 : i32
      %mul3A_375 = arith.muli %min3A_373, %mul3A_374 : i32
      %dma_start3A_376 = arith.constant 0 : i32
      %dma_start3A_377 = arith.constant 0 : i32
      %dma_start3A_378 = arith.constant 0 : i32
      %dma_start3A_379 = tpu.memref_slice %arg10[%dma_start3A_376, %dma_start3A_377, %dma_start3A_378] : memref<2x64x128xf32, #tpu.memory_space<vmem>> -> memref<1x64x128xf32, #tpu.memory_space<vmem>>
      %dma_start3A_380 = tpu.memref_squeeze %dma_start3A_379 : memref<1x64x128xf32, #tpu.memory_space<vmem>> -> memref<64x128xf32, #tpu.memory_space<vmem>>
      %dma_start3A_381 = arith.constant 0 : i32
      %dma_start3A_382 = tpu.memref_slice %arg8[%rem3A_371, %dma_start3A_381] : memref<4x64xi32, #tpu.memory_space<vmem>> -> memref<1x64xi32, #tpu.memory_space<vmem>>
      %dma_start3A_383 = tpu.memref_squeeze %dma_start3A_382 : memref<1x64xi32, #tpu.memory_space<vmem>> -> memref<64xi32, #tpu.memory_space<vmem>>
      %dma_start3A_384 = arith.constant 0 : i32
      %dma_start3A_385 = arith.constant 0 : i32
      %dma_start3A_386 = tpu.memref_slice %arg3[%dma_start3A_384, %dma_start3A_385] : memref<10000x128xf32, #tpu.memory_space<hbm>> -> memref<10000x128xf32, #tpu.memory_space<hbm>>
      tpu.enqueue_indirect_dma source(%dma_start3A_386 : memref<10000x128xf32, #tpu.memory_space<hbm>>) target(%dma_start3A_380 : memref<64x128xf32, #tpu.memory_space<vmem>>) offsets(%dma_start3A_383 : memref<64xi32, #tpu.memory_space<vmem>>) semaphore(%arg16 : memref<!tpu.dma_semaphore, #tpu.memory_space<semaphore_mem>>)
      %dma_start3A_387 = arith.constant 0 : i32
      %dma_start3A_388 = tpu.memref_slice %arg2[%mul3A_375, %dma_start3A_387] : memref<160000x128xf32, #tpu.memory_space<hbm>> -> memref<64x128xf32, #tpu.memory_space<hbm>>
      %dma_start3A_389 = arith.constant 0 : i32
      %dma_start3A_390 = tpu.memref_slice %arg2[%mul3A_375, %dma_start3A_389] : memref<160000x128xf32, #tpu.memory_space<hbm>> -> memref<64x128xf32, #tpu.memory_space<hbm>>
      tpu.enqueue_dma source(%dma_start3A_390 : memref<64x128xf32, #tpu.memory_space<hbm>>) target(%arg11 : memref<64x128xf32, #tpu.memory_space<vmem>>) target_semaphore(%arg16 : memref<!tpu.dma_semaphore, #tpu.memory_space<semaphore_mem>>)
      %add3A_391 = arith.constant 2 : i32
      %add3A_392 = arith.addi %add3A_203, %add3A_391 : i32
      %rem3A_393 = arith.constant 4 : i32
      %rem3A_394 = arith.remsi %add3A_392, %rem3A_393 : i32
      %dma_start3A_395 = arith.constant 0 : i32
      %dma_start3A_396 = tpu.memref_slice %arg8[%rem3A_394, %dma_start3A_395] : memref<4x64xi32, #tpu.memory_space<vmem>> -> memref<1x64xi32, #tpu.memory_space<vmem>>
      %dma_start3A_397 = tpu.memref_squeeze %dma_start3A_396 : memref<1x64xi32, #tpu.memory_space<vmem>> -> memref<64xi32, #tpu.memory_space<vmem>>
      %dma_start3A_398 = arith.constant 0 : i32
      %dma_start3A_399 = tpu.memref_slice %arg4[%add3A_392, %dma_start3A_398] : memref<2562x64xi32, #tpu.memory_space<hbm>> -> memref<1x64xi32, #tpu.memory_space<hbm>>
      %dma_start3A_400 = tpu.memref_squeeze %dma_start3A_399 : memref<1x64xi32, #tpu.memory_space<hbm>> -> memref<64xi32, #tpu.memory_space<hbm>>
      %dma_start3A_401 = arith.constant 0 : i32
      %dma_start3A_402 = tpu.memref_slice %arg8[%rem3A_394, %dma_start3A_401] : memref<4x64xi32, #tpu.memory_space<vmem>> -> memref<1x64xi32, #tpu.memory_space<vmem>>
      %dma_start3A_403 = tpu.memref_squeeze %dma_start3A_402 : memref<1x64xi32, #tpu.memory_space<vmem>> -> memref<64xi32, #tpu.memory_space<vmem>>
      %dma_start3A_404 = arith.constant 0 : i32
      %dma_start3A_405 = tpu.memref_slice %arg4[%add3A_392, %dma_start3A_404] : memref<2562x64xi32, #tpu.memory_space<hbm>> -> memref<1x64xi32, #tpu.memory_space<hbm>>
      %dma_start3A_406 = tpu.memref_squeeze %dma_start3A_405 : memref<1x64xi32, #tpu.memory_space<hbm>> -> memref<64xi32, #tpu.memory_space<hbm>>
      tpu.enqueue_dma source(%dma_start3A_406 : memref<64xi32, #tpu.memory_space<hbm>>) target(%dma_start3A_403 : memref<64xi32, #tpu.memory_space<vmem>>) target_semaphore(%arg15 : memref<!tpu.dma_semaphore, #tpu.memory_space<semaphore_mem>>)
      %dma_start3A_407 = arith.constant 0 : i32
      %dma_start3A_408 = tpu.memref_slice %arg9[%rem3A_394, %dma_start3A_407] : memref<4x64xi32, #tpu.memory_space<vmem>> -> memref<1x64xi32, #tpu.memory_space<vmem>>
      %dma_start3A_409 = tpu.memref_squeeze %dma_start3A_408 : memref<1x64xi32, #tpu.memory_space<vmem>> -> memref<64xi32, #tpu.memory_space<vmem>>
      %dma_start3A_410 = arith.constant 0 : i32
      %dma_start3A_411 = tpu.memref_slice %arg5[%add3A_392, %dma_start3A_410] : memref<2562x64xi32, #tpu.memory_space<hbm>> -> memref<1x64xi32, #tpu.memory_space<hbm>>
      %dma_start3A_412 = tpu.memref_squeeze %dma_start3A_411 : memref<1x64xi32, #tpu.memory_space<hbm>> -> memref<64xi32, #tpu.memory_space<hbm>>
      %dma_start3A_413 = arith.constant 0 : i32
      %dma_start3A_414 = tpu.memref_slice %arg9[%rem3A_394, %dma_start3A_413] : memref<4x64xi32, #tpu.memory_space<vmem>> -> memref<1x64xi32, #tpu.memory_space<vmem>>
      %dma_start3A_415 = tpu.memref_squeeze %dma_start3A_414 : memref<1x64xi32, #tpu.memory_space<vmem>> -> memref<64xi32, #tpu.memory_space<vmem>>
      %dma_start3A_416 = arith.constant 0 : i32
      %dma_start3A_417 = tpu.memref_slice %arg5[%add3A_392, %dma_start3A_416] : memref<2562x64xi32, #tpu.memory_space<hbm>> -> memref<1x64xi32, #tpu.memory_space<hbm>>
      %dma_start3A_418 = tpu.memref_squeeze %dma_start3A_417 : memref<1x64xi32, #tpu.memory_space<hbm>> -> memref<64xi32, #tpu.memory_space<hbm>>
      tpu.enqueue_dma source(%dma_start3A_418 : memref<64xi32, #tpu.memory_space<hbm>>) target(%dma_start3A_415 : memref<64xi32, #tpu.memory_space<vmem>>) target_semaphore(%arg15 : memref<!tpu.dma_semaphore, #tpu.memory_space<semaphore_mem>>)
      %gt3A_419 = arith.constant 0 : i32
      %gt3A_420 = arith.cmpi sgt, %scan3A_198, %gt3A_419 : i32
      %convert_element_type3A_421 = arith.extui %gt3A_420 : i1 to i32
      %cond3A_422 = arith.constant 0 : i32
      %cond3A_423 = arith.cmpi ne, %convert_element_type3A_421, %cond3A_422 : i32
      scf.if %cond3A_423 {
        %sub3A_442 = arith.constant 2 : i32
        %sub3A_443 = arith.subi %add3A_203, %sub3A_442 : i32
        %rem3A_444 = arith.constant 4 : i32
        %rem3A_445 = arith.remsi %sub3A_443, %rem3A_444 : i32
        %dma_wait3A_446 = arith.constant 1 : i32
        %dma_wait3A_447 = arith.constant 0 : i32
        %dma_wait3A_448 = arith.constant 0 : i32
        %dma_wait3A_449 = tpu.memref_slice %arg13[%dma_wait3A_446, %dma_wait3A_447, %dma_wait3A_448] : memref<2x64x128xf32, #tpu.memory_space<vmem>> -> memref<1x64x128xf32, #tpu.memory_space<vmem>>
        %dma_wait3A_450 = tpu.memref_squeeze %dma_wait3A_449 : memref<1x64x128xf32, #tpu.memory_space<vmem>> -> memref<64x128xf32, #tpu.memory_space<vmem>>
        %dma_wait3A_451 = arith.constant 0 : i32
        %dma_wait3A_452 = tpu.memref_slice %arg9[%rem3A_445, %dma_wait3A_451] : memref<4x64xi32, #tpu.memory_space<vmem>> -> memref<1x64xi32, #tpu.memory_space<vmem>>
        %dma_wait3A_453 = tpu.memref_squeeze %dma_wait3A_452 : memref<1x64xi32, #tpu.memory_space<vmem>> -> memref<64xi32, #tpu.memory_space<vmem>>
        %dma_wait3A_454 = arith.constant 0 : i32
        %dma_wait3A_455 = arith.constant 0 : i32
        %dma_wait3A_456 = tpu.memref_slice %arg14[%dma_wait3A_454, %dma_wait3A_455] : memref<10112x128xf32, #tpu.memory_space<vmem_shared>> -> memref<10112x128xf32, #tpu.memory_space<vmem_shared>>
        tpu.wait_indirect_dma semaphore(%arg18 : memref<!tpu.dma_semaphore, #tpu.memory_space<semaphore_mem>>) src(%dma_wait3A_450 : memref<64x128xf32, #tpu.memory_space<vmem>>) dst(%dma_wait3A_456 : memref<10112x128xf32, #tpu.memory_space<vmem_shared>>)
      } else {
      }
      %parallel_loop3A_424 = arith.constant 0 : i32
      %parallel_loop3A_425 = arith.constant 64 : i32
      %parallel_loop3A_426 = arith.constant 1 : i32
      %parallel_loop3A_427 = arith.constant 1 : i32
      %parallel_loop3A_428 = arith.constant 1 : i32
      scf.for %parallel_loop3A_442 = %parallel_loop3A_424 to %parallel_loop3A_425 step %parallel_loop3A_426  : i32 {
        %parallel_loop3A_443 = arith.constant 0 : i32
        %parallel_loop3A_444 = arith.constant 0 : i32
        %parallel_loop3A_445 = tpu.memref_slice %arg10[%parallel_loop3A_427, %parallel_loop3A_443, %parallel_loop3A_444] : memref<2x64x128xf32, #tpu.memory_space<vmem>> -> memref<1x64x128xf32, #tpu.memory_space<vmem>>
        %parallel_loop3A_446 = tpu.memref_squeeze %parallel_loop3A_445 : memref<1x64x128xf32, #tpu.memory_space<vmem>> -> memref<64x128xf32, #tpu.memory_space<vmem>>
        %parallel_loop3A_447 = arith.index_cast %parallel_loop3A_442 : i32 to index
        %parallel_loop3A_448 = arith.constant 0 : index
        %parallel_loop3A_449 = tpu.vector_load %parallel_loop3A_446[%parallel_loop3A_447, %parallel_loop3A_448] {strides = array<i32>} : memref<64x128xf32, #tpu.memory_space<vmem>>, vector<1x16xf32>,
        %parallel_loop3A_450 = vector.shape_cast %parallel_loop3A_449 : vector<1x16xf32> to vector<16xf32>
        %parallel_loop3A_451 = arith.index_cast %parallel_loop3A_442 : i32 to index
        %parallel_loop3A_452 = arith.constant 0 : index
        %parallel_loop3A_453 = tpu.vector_load %arg12[%parallel_loop3A_451, %parallel_loop3A_452] {strides = array<i32>} : memref<64x128xf32, #tpu.memory_space<vmem>>, vector<1x16xf32>,
        %parallel_loop3A_454 = vector.shape_cast %parallel_loop3A_453 : vector<1x16xf32> to vector<16xf32>
        %parallel_loop3A_455 = arith.addf %parallel_loop3A_450, %parallel_loop3A_454 : vector<16xf32>
        %parallel_loop3A_456 = arith.constant 0.000000e+00 : f32
        %parallel_loop3A_457 = vector.broadcast %parallel_loop3A_456 : f32 to vector<16xf32>
        %parallel_loop3A_458 = arith.maximumf %parallel_loop3A_455, %parallel_loop3A_457 : vector<16xf32>
        %parallel_loop3A_459 = arith.constant 0 : i32
        %parallel_loop3A_460 = arith.constant 0 : i32
        %parallel_loop3A_461 = tpu.memref_slice %arg13[%parallel_loop3A_428, %parallel_loop3A_459, %parallel_loop3A_460] : memref<2x64x128xf32, #tpu.memory_space<vmem>> -> memref<1x64x128xf32, #tpu.memory_space<vmem>>
        %parallel_loop3A_462 = tpu.memref_squeeze %parallel_loop3A_461 : memref<1x64x128xf32, #tpu.memory_space<vmem>> -> memref<64x128xf32, #tpu.memory_space<vmem>>
        %parallel_loop3A_463 = arith.index_cast %parallel_loop3A_442 : i32 to index
        %parallel_loop3A_464 = arith.constant 0 : index
        %parallel_loop3A_465 = tpu.vector_load %parallel_loop3A_462[%parallel_loop3A_463, %parallel_loop3A_464] {strides = array<i32>} : memref<64x128xf32, #tpu.memory_space<vmem>>, vector<1x16xf32>,
        %parallel_loop3A_466 = vector.shape_cast %parallel_loop3A_465 : vector<1x16xf32> to vector<16xf32>
        %parallel_loop3A_467 = vector.shape_cast %parallel_loop3A_458 : vector<16xf32> to vector<1x16xf32>
        tpu.vector_store %parallel_loop3A_462[%parallel_loop3A_463, %parallel_loop3A_464], %parallel_loop3A_467 {strides = array<i32>} : memref<64x128xf32, #tpu.memory_space<vmem>>, vector<1x16xf32>,
        %parallel_loop3A_468 = arith.constant 0 : i32
        %parallel_loop3A_469 = arith.constant 0 : i32
        %parallel_loop3A_470 = tpu.memref_slice %arg10[%parallel_loop3A_427, %parallel_loop3A_468, %parallel_loop3A_469] : memref<2x64x128xf32, #tpu.memory_space<vmem>> -> memref<1x64x128xf32, #tpu.memory_space<vmem>>
        %parallel_loop3A_471 = tpu.memref_squeeze %parallel_loop3A_470 : memref<1x64x128xf32, #tpu.memory_space<vmem>> -> memref<64x128xf32, #tpu.memory_space<vmem>>
        %parallel_loop3A_472 = arith.index_cast %parallel_loop3A_442 : i32 to index
        %parallel_loop3A_473 = arith.constant 16 : index
        %parallel_loop3A_474 = tpu.vector_load %parallel_loop3A_471[%parallel_loop3A_472, %parallel_loop3A_473] {strides = array<i32>} : memref<64x128xf32, #tpu.memory_space<vmem>>, vector<1x16xf32>,
        %parallel_loop3A_475 = vector.shape_cast %parallel_loop3A_474 : vector<1x16xf32> to vector<16xf32>
        %parallel_loop3A_476 = arith.index_cast %parallel_loop3A_442 : i32 to index
        %parallel_loop3A_477 = arith.constant 16 : index
        %parallel_loop3A_478 = tpu.vector_load %arg12[%parallel_loop3A_476, %parallel_loop3A_477] {strides = array<i32>} : memref<64x128xf32, #tpu.memory_space<vmem>>, vector<1x16xf32>,
        %parallel_loop3A_479 = vector.shape_cast %parallel_loop3A_478 : vector<1x16xf32> to vector<16xf32>
        %parallel_loop3A_480 = arith.addf %parallel_loop3A_475, %parallel_loop3A_479 : vector<16xf32>
        %parallel_loop3A_481 = arith.constant 0.000000e+00 : f32
        %parallel_loop3A_482 = vector.broadcast %parallel_loop3A_481 : f32 to vector<16xf32>
        %parallel_loop3A_483 = arith.maximumf %parallel_loop3A_480, %parallel_loop3A_482 : vector<16xf32>
        %parallel_loop3A_484 = arith.constant 0 : i32
        %parallel_loop3A_485 = arith.constant 0 : i32
        %parallel_loop3A_486 = tpu.memref_slice %arg13[%parallel_loop3A_428, %parallel_loop3A_484, %parallel_loop3A_485] : memref<2x64x128xf32, #tpu.memory_space<vmem>> -> memref<1x64x128xf32, #tpu.memory_space<vmem>>
        %parallel_loop3A_487 = tpu.memref_squeeze %parallel_loop3A_486 : memref<1x64x128xf32, #tpu.memory_space<vmem>> -> memref<64x128xf32, #tpu.memory_space<vmem>>
        %parallel_loop3A_488 = arith.index_cast %parallel_loop3A_442 : i32 to index
        %parallel_loop3A_489 = arith.constant 16 : index
        %parallel_loop3A_490 = tpu.vector_load %parallel_loop3A_487[%parallel_loop3A_488, %parallel_loop3A_489] {strides = array<i32>} : memref<64x128xf32, #tpu.memory_space<vmem>>, vector<1x16xf32>,
        %parallel_loop3A_491 = vector.shape_cast %parallel_loop3A_490 : vector<1x16xf32> to vector<16xf32>
        %parallel_loop3A_492 = vector.shape_cast %parallel_loop3A_483 : vector<16xf32> to vector<1x16xf32>
        tpu.vector_store %parallel_loop3A_487[%parallel_loop3A_488, %parallel_loop3A_489], %parallel_loop3A_492 {strides = array<i32>} : memref<64x128xf32, #tpu.memory_space<vmem>>, vector<1x16xf32>,
        %parallel_loop3A_493 = arith.constant 0 : i32
        %parallel_loop3A_494 = arith.constant 0 : i32
        %parallel_loop3A_495 = tpu.memref_slice %arg10[%parallel_loop3A_427, %parallel_loop3A_493, %parallel_loop3A_494] : memref<2x64x128xf32, #tpu.memory_space<vmem>> -> memref<1x64x128xf32, #tpu.memory_space<vmem>>
        %parallel_loop3A_496 = tpu.memref_squeeze %parallel_loop3A_495 : memref<1x64x128xf32, #tpu.memory_space<vmem>> -> memref<64x128xf32, #tpu.memory_space<vmem>>
        %parallel_loop3A_497 = arith.index_cast %parallel_loop3A_442 : i32 to index
        %parallel_loop3A_498 = arith.constant 32 : index
        %parallel_loop3A_499 = tpu.vector_load %parallel_loop3A_496[%parallel_loop3A_497, %parallel_loop3A_498] {strides = array<i32>} : memref<64x128xf32, #tpu.memory_space<vmem>>, vector<1x16xf32>,
        %parallel_loop3A_500 = vector.shape_cast %parallel_loop3A_499 : vector<1x16xf32> to vector<16xf32>
        %parallel_loop3A_501 = arith.index_cast %parallel_loop3A_442 : i32 to index
        %parallel_loop3A_502 = arith.constant 32 : index
        %parallel_loop3A_503 = tpu.vector_load %arg12[%parallel_loop3A_501, %parallel_loop3A_502] {strides = array<i32>} : memref<64x128xf32, #tpu.memory_space<vmem>>, vector<1x16xf32>,
        %parallel_loop3A_504 = vector.shape_cast %parallel_loop3A_503 : vector<1x16xf32> to vector<16xf32>
        %parallel_loop3A_505 = arith.addf %parallel_loop3A_500, %parallel_loop3A_504 : vector<16xf32>
        %parallel_loop3A_506 = arith.constant 0.000000e+00 : f32
        %parallel_loop3A_507 = vector.broadcast %parallel_loop3A_506 : f32 to vector<16xf32>
        %parallel_loop3A_508 = arith.maximumf %parallel_loop3A_505, %parallel_loop3A_507 : vector<16xf32>
        %parallel_loop3A_509 = arith.constant 0 : i32
        %parallel_loop3A_510 = arith.constant 0 : i32
        %parallel_loop3A_511 = tpu.memref_slice %arg13[%parallel_loop3A_428, %parallel_loop3A_509, %parallel_loop3A_510] : memref<2x64x128xf32, #tpu.memory_space<vmem>> -> memref<1x64x128xf32, #tpu.memory_space<vmem>>
        %parallel_loop3A_512 = tpu.memref_squeeze %parallel_loop3A_511 : memref<1x64x128xf32, #tpu.memory_space<vmem>> -> memref<64x128xf32, #tpu.memory_space<vmem>>
        %parallel_loop3A_513 = arith.index_cast %parallel_loop3A_442 : i32 to index
        %parallel_loop3A_514 = arith.constant 32 : index
        %parallel_loop3A_515 = tpu.vector_load %parallel_loop3A_512[%parallel_loop3A_513, %parallel_loop3A_514] {strides = array<i32>} : memref<64x128xf32, #tpu.memory_space<vmem>>, vector<1x16xf32>,
        %parallel_loop3A_516 = vector.shape_cast %parallel_loop3A_515 : vector<1x16xf32> to vector<16xf32>
        %parallel_loop3A_517 = vector.shape_cast %parallel_loop3A_508 : vector<16xf32> to vector<1x16xf32>
        tpu.vector_store %parallel_loop3A_512[%parallel_loop3A_513, %parallel_loop3A_514], %parallel_loop3A_517 {strides = array<i32>} : memref<64x128xf32, #tpu.memory_space<vmem>>, vector<1x16xf32>,
        %parallel_loop3A_518 = arith.constant 0 : i32
        %parallel_loop3A_519 = arith.constant 0 : i32
        %parallel_loop3A_520 = tpu.memref_slice %arg10[%parallel_loop3A_427, %parallel_loop3A_518, %parallel_loop3A_519] : memref<2x64x128xf32, #tpu.memory_space<vmem>> -> memref<1x64x128xf32, #tpu.memory_space<vmem>>
        %parallel_loop3A_521 = tpu.memref_squeeze %parallel_loop3A_520 : memref<1x64x128xf32, #tpu.memory_space<vmem>> -> memref<64x128xf32, #tpu.memory_space<vmem>>
        %parallel_loop3A_522 = arith.index_cast %parallel_loop3A_442 : i32 to index
        %parallel_loop3A_523 = arith.constant 48 : index
        %parallel_loop3A_524 = tpu.vector_load %parallel_loop3A_521[%parallel_loop3A_522, %parallel_loop3A_523] {strides = array<i32>} : memref<64x128xf32, #tpu.memory_space<vmem>>, vector<1x16xf32>,
        %parallel_loop3A_525 = vector.shape_cast %parallel_loop3A_524 : vector<1x16xf32> to vector<16xf32>
        %parallel_loop3A_526 = arith.index_cast %parallel_loop3A_442 : i32 to index
        %parallel_loop3A_527 = arith.constant 48 : index
        %parallel_loop3A_528 = tpu.vector_load %arg12[%parallel_loop3A_526, %parallel_loop3A_527] {strides = array<i32>} : memref<64x128xf32, #tpu.memory_space<vmem>>, vector<1x16xf32>,
        %parallel_loop3A_529 = vector.shape_cast %parallel_loop3A_528 : vector<1x16xf32> to vector<16xf32>
        %parallel_loop3A_530 = arith.addf %parallel_loop3A_525, %parallel_loop3A_529 : vector<16xf32>
        %parallel_loop3A_531 = arith.constant 0.000000e+00 : f32
        %parallel_loop3A_532 = vector.broadcast %parallel_loop3A_531 : f32 to vector<16xf32>
        %parallel_loop3A_533 = arith.maximumf %parallel_loop3A_530, %parallel_loop3A_532 : vector<16xf32>
        %parallel_loop3A_534 = arith.constant 0 : i32
        %parallel_loop3A_535 = arith.constant 0 : i32
        %parallel_loop3A_536 = tpu.memref_slice %arg13[%parallel_loop3A_428, %parallel_loop3A_534, %parallel_loop3A_535] : memref<2x64x128xf32, #tpu.memory_space<vmem>> -> memref<1x64x128xf32, #tpu.memory_space<vmem>>
        %parallel_loop3A_537 = tpu.memref_squeeze %parallel_loop3A_536 : memref<1x64x128xf32, #tpu.memory_space<vmem>> -> memref<64x128xf32, #tpu.memory_space<vmem>>
        %parallel_loop3A_538 = arith.index_cast %parallel_loop3A_442 : i32 to index
        %parallel_loop3A_539 = arith.constant 48 : index
        %parallel_loop3A_540 = tpu.vector_load %parallel_loop3A_537[%parallel_loop3A_538, %parallel_loop3A_539] {strides = array<i32>} : memref<64x128xf32, #tpu.memory_space<vmem>>, vector<1x16xf32>,
        %parallel_loop3A_541 = vector.shape_cast %parallel_loop3A_540 : vector<1x16xf32> to vector<16xf32>
        %parallel_loop3A_542 = vector.shape_cast %parallel_loop3A_533 : vector<16xf32> to vector<1x16xf32>
        tpu.vector_store %parallel_loop3A_537[%parallel_loop3A_538, %parallel_loop3A_539], %parallel_loop3A_542 {strides = array<i32>} : memref<64x128xf32, #tpu.memory_space<vmem>>, vector<1x16xf32>,
        %parallel_loop3A_543 = arith.constant 0 : i32
        %parallel_loop3A_544 = arith.constant 0 : i32
        %parallel_loop3A_545 = tpu.memref_slice %arg10[%parallel_loop3A_427, %parallel_loop3A_543, %parallel_loop3A_544] : memref<2x64x128xf32, #tpu.memory_space<vmem>> -> memref<1x64x128xf32, #tpu.memory_space<vmem>>
        %parallel_loop3A_546 = tpu.memref_squeeze %parallel_loop3A_545 : memref<1x64x128xf32, #tpu.memory_space<vmem>> -> memref<64x128xf32, #tpu.memory_space<vmem>>
        %parallel_loop3A_547 = arith.index_cast %parallel_loop3A_442 : i32 to index
        %parallel_loop3A_548 = arith.constant 64 : index
        %parallel_loop3A_549 = tpu.vector_load %parallel_loop3A_546[%parallel_loop3A_547, %parallel_loop3A_548] {strides = array<i32>} : memref<64x128xf32, #tpu.memory_space<vmem>>, vector<1x16xf32>,
        %parallel_loop3A_550 = vector.shape_cast %parallel_loop3A_549 : vector<1x16xf32> to vector<16xf32>
        %parallel_loop3A_551 = arith.index_cast %parallel_loop3A_442 : i32 to index
        %parallel_loop3A_552 = arith.constant 64 : index
        %parallel_loop3A_553 = tpu.vector_load %arg12[%parallel_loop3A_551, %parallel_loop3A_552] {strides = array<i32>} : memref<64x128xf32, #tpu.memory_space<vmem>>, vector<1x16xf32>,
        %parallel_loop3A_554 = vector.shape_cast %parallel_loop3A_553 : vector<1x16xf32> to vector<16xf32>
        %parallel_loop3A_555 = arith.addf %parallel_loop3A_550, %parallel_loop3A_554 : vector<16xf32>
        %parallel_loop3A_556 = arith.constant 0.000000e+00 : f32
        %parallel_loop3A_557 = vector.broadcast %parallel_loop3A_556 : f32 to vector<16xf32>
        %parallel_loop3A_558 = arith.maximumf %parallel_loop3A_555, %parallel_loop3A_557 : vector<16xf32>
        %parallel_loop3A_559 = arith.constant 0 : i32
        %parallel_loop3A_560 = arith.constant 0 : i32
        %parallel_loop3A_561 = tpu.memref_slice %arg13[%parallel_loop3A_428, %parallel_loop3A_559, %parallel_loop3A_560] : memref<2x64x128xf32, #tpu.memory_space<vmem>> -> memref<1x64x128xf32, #tpu.memory_space<vmem>>
        %parallel_loop3A_562 = tpu.memref_squeeze %parallel_loop3A_561 : memref<1x64x128xf32, #tpu.memory_space<vmem>> -> memref<64x128xf32, #tpu.memory_space<vmem>>
        %parallel_loop3A_563 = arith.index_cast %parallel_loop3A_442 : i32 to index
        %parallel_loop3A_564 = arith.constant 64 : index
        %parallel_loop3A_565 = tpu.vector_load %parallel_loop3A_562[%parallel_loop3A_563, %parallel_loop3A_564] {strides = array<i32>} : memref<64x128xf32, #tpu.memory_space<vmem>>, vector<1x16xf32>,
        %parallel_loop3A_566 = vector.shape_cast %parallel_loop3A_565 : vector<1x16xf32> to vector<16xf32>
        %parallel_loop3A_567 = vector.shape_cast %parallel_loop3A_558 : vector<16xf32> to vector<1x16xf32>
        tpu.vector_store %parallel_loop3A_562[%parallel_loop3A_563, %parallel_loop3A_564], %parallel_loop3A_567 {strides = array<i32>} : memref<64x128xf32, #tpu.memory_space<vmem>>, vector<1x16xf32>,
        %parallel_loop3A_568 = arith.constant 0 : i32
        %parallel_loop3A_569 = arith.constant 0 : i32
        %parallel_loop3A_570 = tpu.memref_slice %arg10[%parallel_loop3A_427, %parallel_loop3A_568, %parallel_loop3A_569] : memref<2x64x128xf32, #tpu.memory_space<vmem>> -> memref<1x64x128xf32, #tpu.memory_space<vmem>>
        %parallel_loop3A_571 = tpu.memref_squeeze %parallel_loop3A_570 : memref<1x64x128xf32, #tpu.memory_space<vmem>> -> memref<64x128xf32, #tpu.memory_space<vmem>>
        %parallel_loop3A_572 = arith.index_cast %parallel_loop3A_442 : i32 to index
        %parallel_loop3A_573 = arith.constant 80 : index
        %parallel_loop3A_574 = tpu.vector_load %parallel_loop3A_571[%parallel_loop3A_572, %parallel_loop3A_573] {strides = array<i32>} : memref<64x128xf32, #tpu.memory_space<vmem>>, vector<1x16xf32>,
        %parallel_loop3A_575 = vector.shape_cast %parallel_loop3A_574 : vector<1x16xf32> to vector<16xf32>
        %parallel_loop3A_576 = arith.index_cast %parallel_loop3A_442 : i32 to index
        %parallel_loop3A_577 = arith.constant 80 : index
        %parallel_loop3A_578 = tpu.vector_load %arg12[%parallel_loop3A_576, %parallel_loop3A_577] {strides = array<i32>} : memref<64x128xf32, #tpu.memory_space<vmem>>, vector<1x16xf32>,
        %parallel_loop3A_579 = vector.shape_cast %parallel_loop3A_578 : vector<1x16xf32> to vector<16xf32>
        %parallel_loop3A_580 = arith.addf %parallel_loop3A_575, %parallel_loop3A_579 : vector<16xf32>
        %parallel_loop3A_581 = arith.constant 0.000000e+00 : f32
        %parallel_loop3A_582 = vector.broadcast %parallel_loop3A_581 : f32 to vector<16xf32>
        %parallel_loop3A_583 = arith.maximumf %parallel_loop3A_580, %parallel_loop3A_582 : vector<16xf32>
        %parallel_loop3A_584 = arith.constant 0 : i32
        %parallel_loop3A_585 = arith.constant 0 : i32
        %parallel_loop3A_586 = tpu.memref_slice %arg13[%parallel_loop3A_428, %parallel_loop3A_584, %parallel_loop3A_585] : memref<2x64x128xf32, #tpu.memory_space<vmem>> -> memref<1x64x128xf32, #tpu.memory_space<vmem>>
        %parallel_loop3A_587 = tpu.memref_squeeze %parallel_loop3A_586 : memref<1x64x128xf32, #tpu.memory_space<vmem>> -> memref<64x128xf32, #tpu.memory_space<vmem>>
        %parallel_loop3A_588 = arith.index_cast %parallel_loop3A_442 : i32 to index
        %parallel_loop3A_589 = arith.constant 80 : index
        %parallel_loop3A_590 = tpu.vector_load %parallel_loop3A_587[%parallel_loop3A_588, %parallel_loop3A_589] {strides = array<i32>} : memref<64x128xf32, #tpu.memory_space<vmem>>, vector<1x16xf32>,
        %parallel_loop3A_591 = vector.shape_cast %parallel_loop3A_590 : vector<1x16xf32> to vector<16xf32>
        %parallel_loop3A_592 = vector.shape_cast %parallel_loop3A_583 : vector<16xf32> to vector<1x16xf32>
        tpu.vector_store %parallel_loop3A_587[%parallel_loop3A_588, %parallel_loop3A_589], %parallel_loop3A_592 {strides = array<i32>} : memref<64x128xf32, #tpu.memory_space<vmem>>, vector<1x16xf32>,
        %parallel_loop3A_593 = arith.constant 0 : i32
        %parallel_loop3A_594 = arith.constant 0 : i32
        %parallel_loop3A_595 = tpu.memref_slice %arg10[%parallel_loop3A_427, %parallel_loop3A_593, %parallel_loop3A_594] : memref<2x64x128xf32, #tpu.memory_space<vmem>> -> memref<1x64x128xf32, #tpu.memory_space<vmem>>
        %parallel_loop3A_596 = tpu.memref_squeeze %parallel_loop3A_595 : memref<1x64x128xf32, #tpu.memory_space<vmem>> -> memref<64x128xf32, #tpu.memory_space<vmem>>
        %parallel_loop3A_597 = arith.index_cast %parallel_loop3A_442 : i32 to index
        %parallel_loop3A_598 = arith.constant 96 : index
        %parallel_loop3A_599 = tpu.vector_load %parallel_loop3A_596[%parallel_loop3A_597, %parallel_loop3A_598] {strides = array<i32>} : memref<64x128xf32, #tpu.memory_space<vmem>>, vector<1x16xf32>,
        %parallel_loop3A_600 = vector.shape_cast %parallel_loop3A_599 : vector<1x16xf32> to vector<16xf32>
        %parallel_loop3A_601 = arith.index_cast %parallel_loop3A_442 : i32 to index
        %parallel_loop3A_602 = arith.constant 96 : index
        %parallel_loop3A_603 = tpu.vector_load %arg12[%parallel_loop3A_601, %parallel_loop3A_602] {strides = array<i32>} : memref<64x128xf32, #tpu.memory_space<vmem>>, vector<1x16xf32>,
        %parallel_loop3A_604 = vector.shape_cast %parallel_loop3A_603 : vector<1x16xf32> to vector<16xf32>
        %parallel_loop3A_605 = arith.addf %parallel_loop3A_600, %parallel_loop3A_604 : vector<16xf32>
        %parallel_loop3A_606 = arith.constant 0.000000e+00 : f32
        %parallel_loop3A_607 = vector.broadcast %parallel_loop3A_606 : f32 to vector<16xf32>
        %parallel_loop3A_608 = arith.maximumf %parallel_loop3A_605, %parallel_loop3A_607 : vector<16xf32>
        %parallel_loop3A_609 = arith.constant 0 : i32
        %parallel_loop3A_610 = arith.constant 0 : i32
        %parallel_loop3A_611 = tpu.memref_slice %arg13[%parallel_loop3A_428, %parallel_loop3A_609, %parallel_loop3A_610] : memref<2x64x128xf32, #tpu.memory_space<vmem>> -> memref<1x64x128xf32, #tpu.memory_space<vmem>>
        %parallel_loop3A_612 = tpu.memref_squeeze %parallel_loop3A_611 : memref<1x64x128xf32, #tpu.memory_space<vmem>> -> memref<64x128xf32, #tpu.memory_space<vmem>>
        %parallel_loop3A_613 = arith.index_cast %parallel_loop3A_442 : i32 to index
        %parallel_loop3A_614 = arith.constant 96 : index
        %parallel_loop3A_615 = tpu.vector_load %parallel_loop3A_612[%parallel_loop3A_613, %parallel_loop3A_614] {strides = array<i32>} : memref<64x128xf32, #tpu.memory_space<vmem>>, vector<1x16xf32>,
        %parallel_loop3A_616 = vector.shape_cast %parallel_loop3A_615 : vector<1x16xf32> to vector<16xf32>
        %parallel_loop3A_617 = vector.shape_cast %parallel_loop3A_608 : vector<16xf32> to vector<1x16xf32>
        tpu.vector_store %parallel_loop3A_612[%parallel_loop3A_613, %parallel_loop3A_614], %parallel_loop3A_617 {strides = array<i32>} : memref<64x128xf32, #tpu.memory_space<vmem>>, vector<1x16xf32>,
        %parallel_loop3A_618 = arith.constant 0 : i32
        %parallel_loop3A_619 = arith.constant 0 : i32
        %parallel_loop3A_620 = tpu.memref_slice %arg10[%parallel_loop3A_427, %parallel_loop3A_618, %parallel_loop3A_619] : memref<2x64x128xf32, #tpu.memory_space<vmem>> -> memref<1x64x128xf32, #tpu.memory_space<vmem>>
        %parallel_loop3A_621 = tpu.memref_squeeze %parallel_loop3A_620 : memref<1x64x128xf32, #tpu.memory_space<vmem>> -> memref<64x128xf32, #tpu.memory_space<vmem>>
        %parallel_loop3A_622 = arith.index_cast %parallel_loop3A_442 : i32 to index
        %parallel_loop3A_623 = arith.constant 112 : index
        %parallel_loop3A_624 = tpu.vector_load %parallel_loop3A_621[%parallel_loop3A_622, %parallel_loop3A_623] {strides = array<i32>} : memref<64x128xf32, #tpu.memory_space<vmem>>, vector<1x16xf32>,
        %parallel_loop3A_625 = vector.shape_cast %parallel_loop3A_624 : vector<1x16xf32> to vector<16xf32>
        %parallel_loop3A_626 = arith.index_cast %parallel_loop3A_442 : i32 to index
        %parallel_loop3A_627 = arith.constant 112 : index
        %parallel_loop3A_628 = tpu.vector_load %arg12[%parallel_loop3A_626, %parallel_loop3A_627] {strides = array<i32>} : memref<64x128xf32, #tpu.memory_space<vmem>>, vector<1x16xf32>,
        %parallel_loop3A_629 = vector.shape_cast %parallel_loop3A_628 : vector<1x16xf32> to vector<16xf32>
        %parallel_loop3A_630 = arith.addf %parallel_loop3A_625, %parallel_loop3A_629 : vector<16xf32>
        %parallel_loop3A_631 = arith.constant 0.000000e+00 : f32
        %parallel_loop3A_632 = vector.broadcast %parallel_loop3A_631 : f32 to vector<16xf32>
        %parallel_loop3A_633 = arith.maximumf %parallel_loop3A_630, %parallel_loop3A_632 : vector<16xf32>
        %parallel_loop3A_634 = arith.constant 0 : i32
        %parallel_loop3A_635 = arith.constant 0 : i32
        %parallel_loop3A_636 = tpu.memref_slice %arg13[%parallel_loop3A_428, %parallel_loop3A_634, %parallel_loop3A_635] : memref<2x64x128xf32, #tpu.memory_space<vmem>> -> memref<1x64x128xf32, #tpu.memory_space<vmem>>
        %parallel_loop3A_637 = tpu.memref_squeeze %parallel_loop3A_636 : memref<1x64x128xf32, #tpu.memory_space<vmem>> -> memref<64x128xf32, #tpu.memory_space<vmem>>
        %parallel_loop3A_638 = arith.index_cast %parallel_loop3A_442 : i32 to index
        %parallel_loop3A_639 = arith.constant 112 : index
        %parallel_loop3A_640 = tpu.vector_load %parallel_loop3A_637[%parallel_loop3A_638, %parallel_loop3A_639] {strides = array<i32>} : memref<64x128xf32, #tpu.memory_space<vmem>>, vector<1x16xf32>,
        %parallel_loop3A_641 = vector.shape_cast %parallel_loop3A_640 : vector<1x16xf32> to vector<16xf32>
        %parallel_loop3A_642 = vector.shape_cast %parallel_loop3A_633 : vector<16xf32> to vector<1x16xf32>
        tpu.vector_store %parallel_loop3A_637[%parallel_loop3A_638, %parallel_loop3A_639], %parallel_loop3A_642 {strides = array<i32>} : memref<64x128xf32, #tpu.memory_space<vmem>>, vector<1x16xf32>,
      } {sc.loop_unroll_factor = 4 : i64, sc.parallel_access}
      %rem3A_429 = arith.constant 4 : i32
      %rem3A_430 = arith.remsi %add3A_203, %rem3A_429 : i32
      %dma_start3A_431 = arith.constant 1 : i32
      %dma_start3A_432 = arith.constant 0 : i32
      %dma_start3A_433 = arith.constant 0 : i32
      %dma_start3A_434 = tpu.memref_slice %arg13[%dma_start3A_431, %dma_start3A_432, %dma_start3A_433] : memref<2x64x128xf32, #tpu.memory_space<vmem>> -> memref<1x64x128xf32, #tpu.memory_space<vmem>>
      %dma_start3A_435 = tpu.memref_squeeze %dma_start3A_434 : memref<1x64x128xf32, #tpu.memory_space<vmem>> -> memref<64x128xf32, #tpu.memory_space<vmem>>
      %dma_start3A_436 = arith.constant 0 : i32
      %dma_start3A_437 = tpu.memref_slice %arg9[%rem3A_430, %dma_start3A_436] : memref<4x64xi32, #tpu.memory_space<vmem>> -> memref<1x64xi32, #tpu.memory_space<vmem>>
      %dma_start3A_438 = tpu.memref_squeeze %dma_start3A_437 : memref<1x64xi32, #tpu.memory_space<vmem>> -> memref<64xi32, #tpu.memory_space<vmem>>
      %dma_start3A_439 = arith.constant 0 : i32
      %dma_start3A_440 = arith.constant 0 : i32
      %dma_start3A_441 = tpu.memref_slice %arg14[%dma_start3A_439, %dma_start3A_440] : memref<10112x128xf32, #tpu.memory_space<vmem_shared>> -> memref<10112x128xf32, #tpu.memory_space<vmem_shared>>
      tpu.enqueue_indirect_dma source(%dma_start3A_435 : memref<64x128xf32, #tpu.memory_space<vmem>>) target(%dma_start3A_441 : memref<10112x128xf32, #tpu.memory_space<vmem_shared>>) offsets(%dma_start3A_438 : memref<64xi32, #tpu.memory_space<vmem>>) semaphore(%arg18 : memref<!tpu.dma_semaphore, #tpu.memory_space<semaphore_mem>>) {add = true}
    }
    %scan3A_106 = arith.constant 40 : i32
    %add3A_107 = arith.constant 80 : i32
    %add3A_108 = arith.addi %mul3A_4, %add3A_107 : i32
    %sub3A = arith.constant 2 : i32
    %sub3A_109 = arith.subi %add3A_108, %sub3A : i32
    %rem3A_110 = arith.constant 4 : i32
    %rem3A_111 = arith.remsi %sub3A_109, %rem3A_110 : i32
    %dma_wait3A_112 = arith.constant 0 : i32
    %dma_wait3A_113 = arith.constant 0 : i32
    %dma_wait3A_114 = arith.constant 0 : i32
    %dma_wait3A_115 = tpu.memref_slice %arg13[%dma_wait3A_112, %dma_wait3A_113, %dma_wait3A_114] : memref<2x64x128xf32, #tpu.memory_space<vmem>> -> memref<1x64x128xf32, #tpu.memory_space<vmem>>
    %dma_wait3A_116 = tpu.memref_squeeze %dma_wait3A_115 : memref<1x64x128xf32, #tpu.memory_space<vmem>> -> memref<64x128xf32, #tpu.memory_space<vmem>>
    %dma_wait3A_117 = arith.constant 0 : i32
    %dma_wait3A_118 = tpu.memref_slice %arg9[%rem3A_111, %dma_wait3A_117] : memref<4x64xi32, #tpu.memory_space<vmem>> -> memref<1x64xi32, #tpu.memory_space<vmem>>
    %dma_wait3A_119 = tpu.memref_squeeze %dma_wait3A_118 : memref<1x64xi32, #tpu.memory_space<vmem>> -> memref<64xi32, #tpu.memory_space<vmem>>
    %dma_wait3A_120 = arith.constant 0 : i32
    %dma_wait3A_121 = arith.constant 0 : i32
    %dma_wait3A_122 = tpu.memref_slice %arg14[%dma_wait3A_120, %dma_wait3A_121] : memref<10112x128xf32, #tpu.memory_space<vmem_shared>> -> memref<10112x128xf32, #tpu.memory_space<vmem_shared>>
    tpu.wait_indirect_dma semaphore(%arg17 : memref<!tpu.dma_semaphore, #tpu.memory_space<semaphore_mem>>) src(%dma_wait3A_116 : memref<64x128xf32, #tpu.memory_space<vmem>>) dst(%dma_wait3A_122 : memref<10112x128xf32, #tpu.memory_space<vmem_shared>>)
    %add3A_123 = arith.constant 80 : i32
    %add3A_124 = arith.addi %mul3A_4, %add3A_123 : i32
    %sub3A_125 = arith.constant 1 : i32
    %sub3A_126 = arith.subi %add3A_124, %sub3A_125 : i32
    %rem3A_127 = arith.constant 4 : i32
    %rem3A_128 = arith.remsi %sub3A_126, %rem3A_127 : i32
    %dma_wait3A_129 = arith.constant 1 : i32
    %dma_wait3A_130 = arith.constant 0 : i32
    %dma_wait3A_131 = arith.constant 0 : i32
    %dma_wait3A_132 = tpu.memref_slice %arg13[%dma_wait3A_129, %dma_wait3A_130, %dma_wait3A_131] : memref<2x64x128xf32, #tpu.memory_space<vmem>> -> memref<1x64x128xf32, #tpu.memory_space<vmem>>
    %dma_wait3A_133 = tpu.memref_squeeze %dma_wait3A_132 : memref<1x64x128xf32, #tpu.memory_space<vmem>> -> memref<64x128xf32, #tpu.memory_space<vmem>>
    %dma_wait3A_134 = arith.constant 0 : i32
    %dma_wait3A_135 = tpu.memref_slice %arg9[%rem3A_128, %dma_wait3A_134] : memref<4x64xi32, #tpu.memory_space<vmem>> -> memref<1x64xi32, #tpu.memory_space<vmem>>
    %dma_wait3A_136 = tpu.memref_squeeze %dma_wait3A_135 : memref<1x64xi32, #tpu.memory_space<vmem>> -> memref<64xi32, #tpu.memory_space<vmem>>
    %dma_wait3A_137 = arith.constant 0 : i32
    %dma_wait3A_138 = arith.constant 0 : i32
    %dma_wait3A_139 = tpu.memref_slice %arg14[%dma_wait3A_137, %dma_wait3A_138] : memref<10112x128xf32, #tpu.memory_space<vmem_shared>> -> memref<10112x128xf32, #tpu.memory_space<vmem_shared>>
    tpu.wait_indirect_dma semaphore(%arg18 : memref<!tpu.dma_semaphore, #tpu.memory_space<semaphore_mem>>) src(%dma_wait3A_133 : memref<64x128xf32, #tpu.memory_space<vmem>>) dst(%dma_wait3A_139 : memref<10112x128xf32, #tpu.memory_space<vmem_shared>>)
    %add3A_140 = arith.constant 80 : i32
    %add3A_141 = arith.addi %mul3A_4, %add3A_140 : i32
    %rem3A_142 = arith.constant 4 : i32
    %rem3A_143 = arith.remsi %add3A_141, %rem3A_142 : i32
    %min3A_144 = arith.constant 2499 : i32
    %min3A_145 = arith.minsi %add3A_141, %min3A_144 : i32
    %mul3A_146 = arith.constant 64 : i32
    %mul3A_147 = arith.muli %min3A_145, %mul3A_146 : i32
    %dma_wait3A_148 = arith.constant 0 : i32
    %dma_wait3A_149 = arith.constant 0 : i32
    %dma_wait3A_150 = arith.constant 0 : i32
    %dma_wait3A_151 = tpu.memref_slice %arg10[%dma_wait3A_148, %dma_wait3A_149, %dma_wait3A_150] : memref<2x64x128xf32, #tpu.memory_space<vmem>> -> memref<1x64x128xf32, #tpu.memory_space<vmem>>
    %dma_wait3A_152 = tpu.memref_squeeze %dma_wait3A_151 : memref<1x64x128xf32, #tpu.memory_space<vmem>> -> memref<64x128xf32, #tpu.memory_space<vmem>>
    %dma_wait3A_153 = arith.constant 0 : i32
    %dma_wait3A_154 = tpu.memref_slice %arg8[%rem3A_143, %dma_wait3A_153] : memref<4x64xi32, #tpu.memory_space<vmem>> -> memref<1x64xi32, #tpu.memory_space<vmem>>
    %dma_wait3A_155 = tpu.memref_squeeze %dma_wait3A_154 : memref<1x64xi32, #tpu.memory_space<vmem>> -> memref<64xi32, #tpu.memory_space<vmem>>
    %dma_wait3A_156 = arith.constant 0 : i32
    %dma_wait3A_157 = arith.constant 0 : i32
    %dma_wait3A_158 = tpu.memref_slice %arg3[%dma_wait3A_156, %dma_wait3A_157] : memref<10000x128xf32, #tpu.memory_space<hbm>> -> memref<10000x128xf32, #tpu.memory_space<hbm>>
    tpu.wait_indirect_dma semaphore(%arg16 : memref<!tpu.dma_semaphore, #tpu.memory_space<semaphore_mem>>) src(%dma_wait3A_158 : memref<10000x128xf32, #tpu.memory_space<hbm>>) dst(%dma_wait3A_152 : memref<64x128xf32, #tpu.memory_space<vmem>>)
    %dma_wait3A_159 = arith.constant 0 : i32
    %dma_wait3A_160 = tpu.memref_slice %arg2[%mul3A_147, %dma_wait3A_159] : memref<160000x128xf32, #tpu.memory_space<hbm>> -> memref<64x128xf32, #tpu.memory_space<hbm>>
    %dma_wait3A_161 = arith.constant 0 : i32
    %dma_wait3A_162 = tpu.memref_slice %arg2[%mul3A_147, %dma_wait3A_161] : memref<160000x128xf32, #tpu.memory_space<hbm>> -> memref<64x128xf32, #tpu.memory_space<hbm>>
    tpu.wait_dma2 semaphore(%arg16 : memref<!tpu.dma_semaphore, #tpu.memory_space<semaphore_mem>>) src(%dma_wait3A_162 : memref<64x128xf32, #tpu.memory_space<hbm>>) dst(%arg11 : memref<64x128xf32, #tpu.memory_space<vmem>>)
    %add3A_163 = arith.constant 80 : i32
    %add3A_164 = arith.addi %mul3A_4, %add3A_163 : i32
    %add3A_165 = arith.constant 1 : i32
    %add3A_166 = arith.addi %add3A_164, %add3A_165 : i32
    %rem3A_167 = arith.constant 4 : i32
    %rem3A_168 = arith.remsi %add3A_166, %rem3A_167 : i32
    %dma_wait3A_169 = arith.constant 0 : i32
    %dma_wait3A_170 = tpu.memref_slice %arg8[%rem3A_168, %dma_wait3A_169] : memref<4x64xi32, #tpu.memory_space<vmem>> -> memref<1x64xi32, #tpu.memory_space<vmem>>
    %dma_wait3A_171 = tpu.memref_squeeze %dma_wait3A_170 : memref<1x64xi32, #tpu.memory_space<vmem>> -> memref<64xi32, #tpu.memory_space<vmem>>
    %dma_wait3A_172 = arith.constant 0 : i32
    %dma_wait3A_173 = tpu.memref_slice %arg4[%add3A_166, %dma_wait3A_172] : memref<2562x64xi32, #tpu.memory_space<hbm>> -> memref<1x64xi32, #tpu.memory_space<hbm>>
    %dma_wait3A_174 = tpu.memref_squeeze %dma_wait3A_173 : memref<1x64xi32, #tpu.memory_space<hbm>> -> memref<64xi32, #tpu.memory_space<hbm>>
    %dma_wait3A_175 = arith.constant 0 : i32
    %dma_wait3A_176 = tpu.memref_slice %arg8[%rem3A_168, %dma_wait3A_175] : memref<4x64xi32, #tpu.memory_space<vmem>> -> memref<1x64xi32, #tpu.memory_space<vmem>>
    %dma_wait3A_177 = tpu.memref_squeeze %dma_wait3A_176 : memref<1x64xi32, #tpu.memory_space<vmem>> -> memref<64xi32, #tpu.memory_space<vmem>>
    %dma_wait3A_178 = arith.constant 0 : i32
    %dma_wait3A_179 = tpu.memref_slice %arg4[%add3A_166, %dma_wait3A_178] : memref<2562x64xi32, #tpu.memory_space<hbm>> -> memref<1x64xi32, #tpu.memory_space<hbm>>
    %dma_wait3A_180 = tpu.memref_squeeze %dma_wait3A_179 : memref<1x64xi32, #tpu.memory_space<hbm>> -> memref<64xi32, #tpu.memory_space<hbm>>
    tpu.wait_dma2 semaphore(%arg15 : memref<!tpu.dma_semaphore, #tpu.memory_space<semaphore_mem>>) src(%dma_wait3A_180 : memref<64xi32, #tpu.memory_space<hbm>>) dst(%dma_wait3A_177 : memref<64xi32, #tpu.memory_space<vmem>>)
    %dma_wait3A_181 = arith.constant 0 : i32
    %dma_wait3A_182 = tpu.memref_slice %arg9[%rem3A_168, %dma_wait3A_181] : memref<4x64xi32, #tpu.memory_space<vmem>> -> memref<1x64xi32, #tpu.memory_space<vmem>>
    %dma_wait3A_183 = tpu.memref_squeeze %dma_wait3A_182 : memref<1x64xi32, #tpu.memory_space<vmem>> -> memref<64xi32, #tpu.memory_space<vmem>>
    %dma_wait3A_184 = arith.constant 0 : i32
    %dma_wait3A_185 = tpu.memref_slice %arg5[%add3A_166, %dma_wait3A_184] : memref<2562x64xi32, #tpu.memory_space<hbm>> -> memref<1x64xi32, #tpu.memory_space<hbm>>
    %dma_wait3A_186 = tpu.memref_squeeze %dma_wait3A_185 : memref<1x64xi32, #tpu.memory_space<hbm>> -> memref<64xi32, #tpu.memory_space<hbm>>
    %dma_wait3A_187 = arith.constant 0 : i32
    %dma_wait3A_188 = tpu.memref_slice %arg9[%rem3A_168, %dma_wait3A_187] : memref<4x64xi32, #tpu.memory_space<vmem>> -> memref<1x64xi32, #tpu.memory_space<vmem>>
    %dma_wait3A_189 = tpu.memref_squeeze %dma_wait3A_188 : memref<1x64xi32, #tpu.memory_space<vmem>> -> memref<64xi32, #tpu.memory_space<vmem>>
    %dma_wait3A_190 = arith.constant 0 : i32
    %dma_wait3A_191 = tpu.memref_slice %arg5[%add3A_166, %dma_wait3A_190] : memref<2562x64xi32, #tpu.memory_space<hbm>> -> memref<1x64xi32, #tpu.memory_space<hbm>>
    %dma_wait3A_192 = tpu.memref_squeeze %dma_wait3A_191 : memref<1x64xi32, #tpu.memory_space<hbm>> -> memref<64xi32, #tpu.memory_space<hbm>>
    tpu.wait_dma2 semaphore(%arg15 : memref<!tpu.dma_semaphore, #tpu.memory_space<semaphore_mem>>) src(%dma_wait3A_192 : memref<64xi32, #tpu.memory_space<hbm>>) dst(%dma_wait3A_189 : memref<64xi32, #tpu.memory_space<vmem>>)
    %barrier3A_193 = arith.constant 0 : index
    tpu.barrier barrier_id(%barrier3A_193)
    %mul3A_194 = arith.constant 632 : i32
    %mul3A_195 = arith.muli %arg1, %mul3A_194 : i32
    %mul3A_196 = arith.constant 632 : i32
    %mul3A_197 = arith.muli %arg1, %mul3A_196 : i32
    "tpu.region"() ({
      %run_scoped3A = tpu.sem_alloc : memref<!tpu.dma_semaphore, #tpu.memory_space<semaphore_mem>>
      %dma_start3A_198 = arith.constant 0 : i32
      %dma_start3A_199 = tpu.memref_slice %arg7[%arg0, %mul3A_197, %dma_start3A_198] : memref<2x10112x128xf32, #tpu.memory_space<hbm>> -> memref<1x632x128xf32, #tpu.memory_space<hbm>>
      %dma_start3A_200 = tpu.memref_squeeze %dma_start3A_199 : memref<1x632x128xf32, #tpu.memory_space<hbm>> -> memref<632x128xf32, #tpu.memory_space<hbm>>
      %dma_start3A_201 = arith.constant 0 : i32
      %dma_start3A_202 = tpu.memref_slice %arg14[%mul3A_195, %dma_start3A_201] : memref<10112x128xf32, #tpu.memory_space<vmem_shared>> -> memref<632x128xf32, #tpu.memory_space<vmem_shared>>
      tpu.enqueue_dma source(%dma_start3A_202 : memref<632x128xf32, #tpu.memory_space<vmem_shared>>) target(%dma_start3A_200 : memref<632x128xf32, #tpu.memory_space<hbm>>) target_semaphore(%run_scoped3A : memref<!tpu.dma_semaphore, #tpu.memory_space<semaphore_mem>>)
      %dma_wait3A_203 = arith.constant 0 : i32
      %dma_wait3A_204 = tpu.memref_slice %arg7[%arg0, %mul3A_197, %dma_wait3A_203] : memref<2x10112x128xf32, #tpu.memory_space<hbm>> -> memref<1x632x128xf32, #tpu.memory_space<hbm>>
      %dma_wait3A_205 = tpu.memref_squeeze %dma_wait3A_204 : memref<1x632x128xf32, #tpu.memory_space<hbm>> -> memref<632x128xf32, #tpu.memory_space<hbm>>
      %dma_wait3A_206 = arith.constant 0 : i32
      %dma_wait3A_207 = tpu.memref_slice %arg14[%mul3A_195, %dma_wait3A_206] : memref<10112x128xf32, #tpu.memory_space<vmem_shared>> -> memref<632x128xf32, #tpu.memory_space<vmem_shared>>
      tpu.wait_dma2 semaphore(%run_scoped3A : memref<!tpu.dma_semaphore, #tpu.memory_space<semaphore_mem>>) src(%dma_wait3A_207 : memref<632x128xf32, #tpu.memory_space<vmem_shared>>) dst(%dma_wait3A_205 : memref<632x128xf32, #tpu.memory_space<hbm>>)
      tpu.yield
    }) : () -> ()
    return
  }
}

module attributes {stable_mosaic.version = 14 : i64} {
  func.func @_edge_linear_body(%arg0: i32, %arg1: memref<2000x128xf32, #tpu.memory_space<vmem>>, %arg2: memref<128x128xf32, #tpu.memory_space<vmem>>, %arg3: memref<1x128xf32, #tpu.memory_space<vmem>>, %arg4: memref<2000x128xf32, #tpu.memory_space<vmem>>) attributes {dimension_semantics = [#tpu.dimension_semantics<arbitrary>], iteration_bounds = array<i64: 80>, scalar_prefetch = 0 : i64, scratch_operands = 0 : i64, tpu.core_type = #tpu.core_type<tc>, window_params = [{transform_indices = @transform_0, window_bounds = array<i64: 2000, 128>}, {pipeline_mode = #tpu.pipeline_mode<synchronous>, transform_indices = @transform_1, window_bounds = array<i64: 128, 128>}, {pipeline_mode = #tpu.pipeline_mode<synchronous>, transform_indices = @transform_2, window_bounds = array<i64: 1, 128>}, {transform_indices = @transform_3, window_bounds = array<i64: 2000, 128>}]} {
    %get3A = arith.constant 0 : index
    %get3A_0 = arith.constant 0 : index
    %get3A_1 = vector.load %arg1[%get3A, %get3A_0] : memref<2000x128xf32, #tpu.memory_space<vmem>>, vector<2000x128xf32>
    %get3A_2 = arith.constant 0 : index
    %get3A_3 = arith.constant 0 : index
    %get3A_4 = vector.load %arg2[%get3A_2, %get3A_3] : memref<128x128xf32, #tpu.memory_space<vmem>>, vector<128x128xf32>
    %dot_general3A = arith.constant dense<0.000000e+00> : vector<2000x128xf32>
    %dot_general3A_5 = tpu.matmul %get3A_1, %get3A_4, %dot_general3A {dimension_numbers = #tpu.dot_dimension_numbers<[1], [0], [0], [1], [0, 0, 1, 1], [], []>, transpose_lhs_hint = false} : vector<2000x128xf32>, vector<128x128xf32>, vector<2000x128xf32> -> vector<2000x128xf32>
    %get3A_6 = arith.constant 0 : index
    %get3A_7 = arith.constant 0 : index
    %get3A_8 = vector.load %arg3[%get3A_6, %get3A_7] : memref<1x128xf32, #tpu.memory_space<vmem>>, vector<1x128xf32>
    %add3A = vector.broadcast %get3A_8 : vector<1x128xf32> to vector<2000x128xf32>
    %add3A_9 = arith.addf %dot_general3A_5, %add3A : vector<2000x128xf32>
    %swap3A = arith.constant 0 : index
    %swap3A_10 = arith.constant 0 : index
    %swap3A_11 = vector.load %arg4[%swap3A, %swap3A_10] : memref<2000x128xf32, #tpu.memory_space<vmem>>, vector<2000x128xf32>
    tpu.vector_store %arg4[%swap3A, %swap3A_10], %add3A_9 {strides = array<i32>} : memref<2000x128xf32, #tpu.memory_space<vmem>>, vector<2000x128xf32>,
    return
  }
  func.func @transform_0(%arg0: i32) -> (i32, i32) {
    %add3A = arith.constant 80 : i32
    %add3A_0 = arith.addi %arg0, %add3A : i32
    %c0_i32 = arith.constant 0 : i32
    %c0_i32_1 = arith.constant 0 : i32
    return %add3A_0, %c0_i32 : i32, i32
  }
  func.func @transform_1(%arg0: i32) -> (i32, i32) {
    %c0_i32 = arith.constant 0 : i32
    %c0_i32_0 = arith.constant 0 : i32
    %c0_i32_1 = arith.constant 0 : i32
    return %c0_i32, %c0_i32_0 : i32, i32
  }
  func.func @transform_2(%arg0: i32) -> (i32, i32) {
    %c0_i32 = arith.constant 0 : i32
    %c0_i32_0 = arith.constant 0 : i32
    %c0_i32_1 = arith.constant 0 : i32
    return %c0_i32, %c0_i32_0 : i32, i32
  }
  func.func @transform_3(%arg0: i32) -> (i32, i32) {
    %c0_i32 = arith.constant 0 : i32
    %c0_i32_0 = arith.constant 0 : i32
    return %arg0, %c0_i32 : i32, i32
  }
}

module attributes {stable_mosaic.version = 14 : i64} {
  func.func @_edge_linear_body(%arg0: i32, %arg1: memref<2000x128xf32, #tpu.memory_space<vmem>>, %arg2: memref<128x128xf32, #tpu.memory_space<vmem>>, %arg3: memref<1x128xf32, #tpu.memory_space<vmem>>, %arg4: memref<2000x128xf32, #tpu.memory_space<vmem>>) attributes {dimension_semantics = [#tpu.dimension_semantics<arbitrary>], iteration_bounds = array<i64: 80>, scalar_prefetch = 0 : i64, scratch_operands = 0 : i64, tpu.core_type = #tpu.core_type<tc>, window_params = [{transform_indices = @transform_0, window_bounds = array<i64: 2000, 128>}, {pipeline_mode = #tpu.pipeline_mode<synchronous>, transform_indices = @transform_1, window_bounds = array<i64: 128, 128>}, {pipeline_mode = #tpu.pipeline_mode<synchronous>, transform_indices = @transform_2, window_bounds = array<i64: 1, 128>}, {transform_indices = @transform_3, window_bounds = array<i64: 2000, 128>}]} {
    %get3A = arith.constant 0 : index
    %get3A_0 = arith.constant 0 : index
    %get3A_1 = vector.load %arg1[%get3A, %get3A_0] : memref<2000x128xf32, #tpu.memory_space<vmem>>, vector<2000x128xf32>
    %get3A_2 = arith.constant 0 : index
    %get3A_3 = arith.constant 0 : index
    %get3A_4 = vector.load %arg2[%get3A_2, %get3A_3] : memref<128x128xf32, #tpu.memory_space<vmem>>, vector<128x128xf32>
    %dot_general3A = arith.constant dense<0.000000e+00> : vector<2000x128xf32>
    %dot_general3A_5 = tpu.matmul %get3A_1, %get3A_4, %dot_general3A {dimension_numbers = #tpu.dot_dimension_numbers<[1], [0], [0], [1], [0, 0, 1, 1], [], []>, transpose_lhs_hint = false} : vector<2000x128xf32>, vector<128x128xf32>, vector<2000x128xf32> -> vector<2000x128xf32>
    %get3A_6 = arith.constant 0 : index
    %get3A_7 = arith.constant 0 : index
    %get3A_8 = vector.load %arg3[%get3A_6, %get3A_7] : memref<1x128xf32, #tpu.memory_space<vmem>>, vector<1x128xf32>
    %add3A = vector.broadcast %get3A_8 : vector<1x128xf32> to vector<2000x128xf32>
    %add3A_9 = arith.addf %dot_general3A_5, %add3A : vector<2000x128xf32>
    %swap3A = arith.constant 0 : index
    %swap3A_10 = arith.constant 0 : index
    %swap3A_11 = vector.load %arg4[%swap3A, %swap3A_10] : memref<2000x128xf32, #tpu.memory_space<vmem>>, vector<2000x128xf32>
    tpu.vector_store %arg4[%swap3A, %swap3A_10], %add3A_9 {strides = array<i32>} : memref<2000x128xf32, #tpu.memory_space<vmem>>, vector<2000x128xf32>,
    return
  }
  func.func @transform_0(%arg0: i32) -> (i32, i32) {
    %add3A = arith.constant 0 : i32
    %add3A_0 = arith.addi %arg0, %add3A : i32
    %c0_i32 = arith.constant 0 : i32
    %c0_i32_1 = arith.constant 0 : i32
    return %add3A_0, %c0_i32 : i32, i32
  }
  func.func @transform_1(%arg0: i32) -> (i32, i32) {
    %c0_i32 = arith.constant 0 : i32
    %c0_i32_0 = arith.constant 0 : i32
    %c0_i32_1 = arith.constant 0 : i32
    return %c0_i32, %c0_i32_0 : i32, i32
  }
  func.func @transform_2(%arg0: i32) -> (i32, i32) {
    %c0_i32 = arith.constant 0 : i32
    %c0_i32_0 = arith.constant 0 : i32
    %c0_i32_1 = arith.constant 0 : i32
    return %c0_i32, %c0_i32_0 : i32, i32
  }
  func.func @transform_3(%arg0: i32) -> (i32, i32) {
    %c0_i32 = arith.constant 0 : i32
    %c0_i32_0 = arith.constant 0 : i32
    return %arg0, %c0_i32 : i32, i32
  }
}

module attributes {stable_mosaic.version = 14 : i64} {
  func.func @_finalize_body(%arg0: memref<10000x128xf32, #tpu.memory_space<vmem>>, %arg1: memref<2x10112x128xf32, #tpu.memory_space<vmem>>, %arg2: memref<2x10112x128xf32, #tpu.memory_space<vmem>>, %arg3: memref<128x128xf32, #tpu.memory_space<vmem>>, %arg4: memref<1x128xf32, #tpu.memory_space<vmem>>, %arg5: memref<128x128xf32, #tpu.memory_space<vmem>>, %arg6: memref<1x128xf32, #tpu.memory_space<vmem>>, %arg7: memref<1x128xf32, #tpu.memory_space<vmem>>, %arg8: memref<1x128xf32, #tpu.memory_space<vmem>>, %arg9: memref<10000x128xf32, #tpu.memory_space<vmem>>) attributes {dimension_semantics = [], scalar_prefetch = 0 : i64, scratch_operands = 0 : i64, tpu.core_type = #tpu.core_type<tc>} {
    %get3A = arith.constant 0 : index
    %get3A_0 = arith.constant 0 : index
    %get3A_1 = vector.load %arg0[%get3A, %get3A_0] : memref<10000x128xf32, #tpu.memory_space<vmem>>, vector<10000x128xf32>
    %get3A_2 = arith.constant 0 : index
    %get3A_3 = arith.constant 0 : index
    %get3A_4 = arith.constant 0 : index
    %get3A_5 = vector.load %arg1[%get3A_2, %get3A_3, %get3A_4] : memref<2x10112x128xf32, #tpu.memory_space<vmem>>, vector<1x10000x128xf32>
    %get3A_6 = vector.shape_cast %get3A_5 : vector<1x10000x128xf32> to vector<10000x128xf32>
    %add3A = arith.addf %get3A_1, %get3A_6 : vector<10000x128xf32>
    %get3A_7 = arith.constant 1 : index
    %get3A_8 = arith.constant 0 : index
    %get3A_9 = arith.constant 0 : index
    %get3A_10 = vector.load %arg1[%get3A_7, %get3A_8, %get3A_9] : memref<2x10112x128xf32, #tpu.memory_space<vmem>>, vector<1x10000x128xf32>
    %get3A_11 = vector.shape_cast %get3A_10 : vector<1x10000x128xf32> to vector<10000x128xf32>
    %add3A_12 = arith.addf %add3A, %get3A_11 : vector<10000x128xf32>
    %get3A_13 = arith.constant 0 : index
    %get3A_14 = arith.constant 0 : index
    %get3A_15 = arith.constant 0 : index
    %get3A_16 = vector.load %arg2[%get3A_13, %get3A_14, %get3A_15] : memref<2x10112x128xf32, #tpu.memory_space<vmem>>, vector<1x10000x128xf32>
    %get3A_17 = vector.shape_cast %get3A_16 : vector<1x10000x128xf32> to vector<10000x128xf32>
    %get3A_18 = arith.constant 1 : index
    %get3A_19 = arith.constant 0 : index
    %get3A_20 = arith.constant 0 : index
    %get3A_21 = vector.load %arg2[%get3A_18, %get3A_19, %get3A_20] : memref<2x10112x128xf32, #tpu.memory_space<vmem>>, vector<1x10000x128xf32>
    %get3A_22 = vector.shape_cast %get3A_21 : vector<1x10000x128xf32> to vector<10000x128xf32>
    %add3A_23 = arith.addf %get3A_17, %get3A_22 : vector<10000x128xf32>
    %add3A_24 = arith.addf %add3A_12, %add3A_23 : vector<10000x128xf32>
    %get3A_25 = arith.constant 0 : index
    %get3A_26 = arith.constant 0 : index
    %get3A_27 = vector.load %arg3[%get3A_25, %get3A_26] : memref<128x128xf32, #tpu.memory_space<vmem>>, vector<128x128xf32>
    %dot_general3A = arith.constant dense<0.000000e+00> : vector<10000x128xf32>
    %dot_general3A_28 = tpu.matmul %add3A_24, %get3A_27, %dot_general3A {dimension_numbers = #tpu.dot_dimension_numbers<[1], [0], [0], [1], [0, 0, 1, 1], [], []>, transpose_lhs_hint = false} : vector<10000x128xf32>, vector<128x128xf32>, vector<10000x128xf32> -> vector<10000x128xf32>
    %get3A_29 = arith.constant 0 : index
    %get3A_30 = arith.constant 0 : index
    %get3A_31 = vector.load %arg4[%get3A_29, %get3A_30] : memref<1x128xf32, #tpu.memory_space<vmem>>, vector<1x128xf32>
    %add3A_32 = vector.broadcast %get3A_31 : vector<1x128xf32> to vector<10000x128xf32>
    %add3A_33 = arith.addf %dot_general3A_28, %add3A_32 : vector<10000x128xf32>
    %max3A = arith.constant 0.000000e+00 : f32
    %max3A_34 = vector.broadcast %max3A : f32 to vector<10000x128xf32>
    %max3A_35 = arith.maximumf %add3A_33, %max3A_34 : vector<10000x128xf32>
    %get3A_36 = arith.constant 0 : index
    %get3A_37 = arith.constant 0 : index
    %get3A_38 = vector.load %arg5[%get3A_36, %get3A_37] : memref<128x128xf32, #tpu.memory_space<vmem>>, vector<128x128xf32>
    %dot_general3A_39 = arith.constant dense<0.000000e+00> : vector<10000x128xf32>
    %dot_general3A_40 = tpu.matmul %max3A_35, %get3A_38, %dot_general3A_39 {dimension_numbers = #tpu.dot_dimension_numbers<[1], [0], [0], [1], [0, 0, 1, 1], [], []>, transpose_lhs_hint = false} : vector<10000x128xf32>, vector<128x128xf32>, vector<10000x128xf32> -> vector<10000x128xf32>
    %get3A_41 = arith.constant 0 : index
    %get3A_42 = arith.constant 0 : index
    %get3A_43 = vector.load %arg6[%get3A_41, %get3A_42] : memref<1x128xf32, #tpu.memory_space<vmem>>, vector<1x128xf32>
    %add3A_44 = vector.broadcast %get3A_43 : vector<1x128xf32> to vector<10000x128xf32>
    %add3A_45 = arith.addf %dot_general3A_40, %add3A_44 : vector<10000x128xf32>
    %reduce_sum3A = arith.constant dense<0.000000e+00> : vector<128xf32>
    %reduce_sum3A_46 = vector.multi_reduction <add>, %add3A_45, %reduce_sum3A [0] : vector<10000x128xf32> to vector<128xf32>
    %broadcast_in_dim3A = vector.shape_cast %reduce_sum3A_46 : vector<128xf32> to vector<1x128xf32>
    %div3A = arith.constant 1.000000e+04 : f32
    %div3A_47 = vector.broadcast %div3A : f32 to vector<1x128xf32>
    %div3A_48 = arith.divf %broadcast_in_dim3A, %div3A_47 : vector<1x128xf32>
    %sub3A = vector.broadcast %div3A_48 : vector<1x128xf32> to vector<10000x128xf32>
    %sub3A_49 = arith.subf %add3A_45, %sub3A : vector<10000x128xf32>
    %mul3A = arith.mulf %sub3A_49, %sub3A_49 : vector<10000x128xf32>
    %reduce_sum3A_50 = arith.constant dense<0.000000e+00> : vector<128xf32>
    %reduce_sum3A_51 = vector.multi_reduction <add>, %mul3A, %reduce_sum3A_50 [0] : vector<10000x128xf32> to vector<128xf32>
    %broadcast_in_dim3A_52 = vector.shape_cast %reduce_sum3A_51 : vector<128xf32> to vector<1x128xf32>
    %div3A_53 = arith.constant 1.000000e+04 : f32
    %div3A_54 = vector.broadcast %div3A_53 : f32 to vector<1x128xf32>
    %div3A_55 = arith.divf %broadcast_in_dim3A_52, %div3A_54 : vector<1x128xf32>
    %add3A_56 = arith.constant 9.99999974E-6 : f32
    %add3A_57 = vector.broadcast %add3A_56 : f32 to vector<1x128xf32>
    %add3A_58 = arith.addf %div3A_55, %add3A_57 : vector<1x128xf32>
    %rsqrt3A = math.rsqrt %add3A_58 : vector<1x128xf32>
    %mul3A_59 = vector.broadcast %rsqrt3A : vector<1x128xf32> to vector<10000x128xf32>
    %mul3A_60 = arith.mulf %sub3A_49, %mul3A_59 : vector<10000x128xf32>
    %get3A_61 = arith.constant 0 : index
    %get3A_62 = arith.constant 0 : index
    %get3A_63 = vector.load %arg7[%get3A_61, %get3A_62] : memref<1x128xf32, #tpu.memory_space<vmem>>, vector<1x128xf32>
    %mul3A_64 = vector.broadcast %get3A_63 : vector<1x128xf32> to vector<10000x128xf32>
    %mul3A_65 = arith.mulf %mul3A_60, %mul3A_64 : vector<10000x128xf32>
    %get3A_66 = arith.constant 0 : index
    %get3A_67 = arith.constant 0 : index
    %get3A_68 = vector.load %arg8[%get3A_66, %get3A_67] : memref<1x128xf32, #tpu.memory_space<vmem>>, vector<1x128xf32>
    %add3A_69 = vector.broadcast %get3A_68 : vector<1x128xf32> to vector<10000x128xf32>
    %add3A_70 = arith.addf %mul3A_65, %add3A_69 : vector<10000x128xf32>
    %swap3A = arith.constant 0 : index
    %swap3A_71 = arith.constant 0 : index
    %swap3A_72 = vector.load %arg9[%swap3A, %swap3A_71] : memref<10000x128xf32, #tpu.memory_space<vmem>>, vector<10000x128xf32>
    tpu.vector_store %arg9[%swap3A, %swap3A_71], %add3A_70 {strides = array<i32>} : memref<10000x128xf32, #tpu.memory_space<vmem>>, vector<10000x128xf32>,
    return
  }
}

</mosaic_0001>

<sc_bundles>
// kernel: kernel.10.cloned.1.call-start
scs
__scs_entry_jumppad:
0x0: {  	(pc) =	sbr.rel $0x88, $3  }
0x1: {  	(tag) =	ssettag $0x0;
	lr =	simm.s32 $0x1  }
0x2: {  	[smem:$0x3F96] =	sst lr;
	_ =	strace $0xD0000000  }
0x3: {  	_ = 	snop  }
0x4: {  	_ = 	snop  }
0x5: {  	_ = 	snop  }
0x6: {  	_ = 	snop  }
0x7: {  	_ = 	snop  }
__scs_overlays_trampoline_lowered:
0x8: {  	[smem:$0x3FA5] =	sst s0  }
0x9: {  	[smem:$0x3FA6] =	sst s1  }
0xa: {  	[smem:$0x3FA7] =	sst s2  }
0xb: {  	[smem:$0x3FA8] =	sst s3  }
0xc: {  	[smem:$0x3FA9] =	sst s4  }
0xd: {  	[smem:$0x3FAA] =	sst s5  }
0xe: {  	[smem:$0x3FAB] =	sst s6  }
0xf: {  	[smem:$0x3FAC] =	sst s7  }
0x10: {  	[smem:$0x3FAD] =	sst s8  }
0x11: {  	[smem:$0x3FAE] =	sst s9;
	s0 =	simm.s32 @!p0 $0x0  }
0x12: {  	s1 =	sld [smem:$0x3F94];
	s0 =	simm.s32 @p0 $0x1  }
0x13: {  	[smem:$0x3FAF] =	sst s0;
	s0 =	simm.s32 @!p1 $0x0  }
0x14: {  	s2 =	sld [smem:$0x3F93];
	s0 =	simm.s32 @p1 $0x1  }
0x15: {  	[smem:$0x3FB0] =	sst s0;
	s0 =	simm.s32 @!p2 $0x0  }
0x16: {  	s3 =	sld [smem:$0x3FDB];
	s0 =	simm.s32 @p2 $0x1  }
0x17: {  	s4 =	simm.s32 $0x1BF5;
	[smem:$0x3FB2] =	sst s0  }
0x18: {  	s0 =	sld [smem:$0x3F95];
	_ =	swait.ge [sflag:s4], $0x0  }
0x19: {  	s7 =	sld [smem:$0x3F96]  }
0x1a: {  	s8 =	sadd.s32 $0xFFFFE003, lr  }
0x1b: {  	s9 =	sadd.s32 $0xFFFFFEF7, lr;
	s5 =	simm.s32 $0xFFFFFFFF;
	p2 =	slt.u32 s8, $0xFFFFF086  }
0x1c: {  	p1 =	slt.u32 s9, $0xF7A;
	s5 =	simm.s32 @!p2 $0x0  }
0x1d: {  	s5 =	simm.s32 @p1 $0x1;
	p0 =	seq.s32 s7, s2  }
0x1e: {  	s7 =	smul.u32 @!p0 $0xF7A, s2;
	p2 =	seq.s32 @!p0 s5, $0x0  }
0x1f: {  	s9 =	smul.u32 $0xF7A, s1;
	s8 =	simm.s32 @!p0 $0x1BF5;
	p2 =	por !p2, p0  }
0x20: {  	[sflag:s8] =	ssyncset.s32 @!p0 $0xFFFFF086;
	s6 =	sadd.s32 @!p0 s3, s7;
	s7 =	simm.s32 @!p0 $0x108  }
0x21: {  	s3 =	sadd.s32 s3, s9;
	s6 =	sadd.s32 @!p0 $0x88, s6;
	s7 =	simm.s32 @p2 $0x1082  }
0x22: {  	[simem:s7], [sflag:s8] =	dma.local @!p0 [hbm:s6], $0xF7A  }
0x23: {  	s9 =	sor.u32 $0xD0000000, s2;
	s6 =	simm.s32 $0x108;
	_ =	swait.ge @!p0 [sflag:s8], $0x0  }
0x24: {  	s3 =	sadd.s32 $0x88, s3;
	s6 =	simm.s32 @!p1 $0x1082;
	[sflag:s4] =	ssyncset.s32 $0xFFFFF086  }
0x25: {  	[simem:s6], [sflag:s4] =	dma.local [hbm:s3], $0xF7A  }
0x26: {  	[smem:$0x3F96] =	sst s1;
	(tag) =	ssettag s2;
	_ =	strace s9  }
0x27: {  	s1 =	sld [smem:$0x3FA6]  }
0x28: {  	s2 =	sld [smem:$0x3FA7]  }
0x29: {  	s4 =	sld [smem:$0x3FA9]  }
0x2a: {  	p0 =	seq.s32 s5, $0x0;
	s5 =	sld [smem:$0x3FAA]  }
0x2b: {  	s6 =	sld [smem:$0x3FAB]  }
0x2c: {  	s7 =	sld [smem:$0x3FAC]  }
0x2d: {  	s3 =	simm.s32 $0x108;
	s8 =	sld [smem:$0x3FAD]  }
0x2e: {  	s3 =	simm.s32 @!p0 $0x1082;
	s9 =	sld [smem:$0x3FAE]  }
0x2f: {  	lr =	sadd.s32 s0, s3;
	s0 =	sld [smem:$0x3FA5]  }
0x30: {  	s3 =	sld [smem:$0x3FA8]  }
0x31: {  	[smem:$0x3FB1] =	sst s10  }
0x32: {  	s10 =	sld [smem:$0x3FAF];
	_ =	sdelay $0x3  }
0x33: {  	p0 =	seq.s32 s10, $0x1;
	s10 =	sld [smem:$0x3FB1];
	_ =	sdelay $0x3  }
0x34: {  	[smem:$0x3FB1] =	sst s10  }
0x35: {  	s10 =	sld [smem:$0x3FB0];
	_ =	sdelay $0x3  }
0x36: {  	p1 =	seq.s32 s10, $0x1;
	s10 =	sld [smem:$0x3FB1];
	_ =	sdelay $0x3  }
0x37: {  	[smem:$0x3FB1] =	sst s10  }
0x38: {  	s10 =	sld [smem:$0x3FB2]  }
0x39: {  	_ = 	snop;
	(pc) =	sbr.ind lr, $3  }
0x3a: {  	_ = 	snop  }
0x3b: {  	_ = 	snop  }
0x3c: {  	p2 =	seq.s32 s10, $0x1;
	s10 =	sld [smem:$0x3FB1]  }
0x3d: {  	_ =	shalt  }
0x3e: {  	_ =	shalt  }
0x3f: {  	_ =	shalt  }
0x40: {  	_ =	shalt  }
0x41: {  	_ =	shalt  }
0x42: {  	_ =	shalt  }
0x43: {  	_ =	shalt  }
0x44: {  	_ =	shalt  }
0x45: {  	_ =	shalt  }
0x46: {  	_ =	shalt  }
0x47: {  	_ =	shalt  }
0x48: {  	_ =	shalt  }
0x49: {  	_ =	shalt  }
0x4a: {  	_ =	shalt  }
0x4b: {  	_ =	shalt  }
0x4c: {  	_ =	shalt  }
0x4d: {  	_ =	shalt  }
0x4e: {  	_ =	shalt  }
0x4f: {  	_ =	shalt  }
0x50: {  	_ =	shalt  }
0x51: {  	_ =	shalt  }
0x52: {  	_ =	shalt  }
0x53: {  	_ =	shalt  }
0x54: {  	_ =	shalt  }
0x55: {  	_ =	shalt  }
0x56: {  	_ =	shalt  }
0x57: {  	_ =	shalt  }
0x58: {  	_ =	shalt  }
0x59: {  	_ =	shalt  }
0x5a: {  	_ =	shalt  }
0x5b: {  	_ =	shalt  }
0x5c: {  	_ =	shalt  }
0x5d: {  	_ =	shalt  }
0x5e: {  	_ =	shalt  }
0x5f: {  	_ =	shalt  }
0x60: {  	_ =	shalt  }
0x61: {  	_ =	shalt  }
0x62: {  	_ =	shalt  }
0x63: {  	_ =	shalt  }
0x64: {  	_ =	shalt  }
0x65: {  	_ =	shalt  }
0x66: {  	_ =	shalt  }
0x67: {  	_ =	shalt  }
0x68: {  	_ =	shalt  }
0x69: {  	_ =	shalt  }
0x6a: {  	_ =	shalt  }
0x6b: {  	_ =	shalt  }
0x6c: {  	_ =	shalt  }
0x6d: {  	_ =	shalt  }
0x6e: {  	_ =	shalt  }
0x6f: {  	_ =	shalt  }
0x70: {  	_ =	shalt  }
0x71: {  	_ =	shalt  }
0x72: {  	_ =	shalt  }
0x73: {  	_ =	shalt  }
0x74: {  	_ =	shalt  }
0x75: {  	_ =	shalt  }
0x76: {  	_ =	shalt  }
0x77: {  	_ =	shalt  }
0x78: {  	_ =	shalt  }
0x79: {  	_ =	shalt  }
0x7a: {  	_ =	shalt  }
0x7b: {  	_ =	shalt  }
0x7c: {  	_ =	shalt  }
0x7d: {  	_ =	shalt  }
0x7e: {  	_ =	shalt  }
0x7f: {  	_ =	shalt  }
0x80: {  	_ =	shalt  }
0x81: {  	_ =	shalt  }
0x82: {  	_ =	shalt  }
0x83: {  	_ =	shalt  }
0x84: {  	_ =	shalt  }
0x85: {  	_ =	shalt  }
0x86: {  	_ =	shalt  }
0x87: {  	_ =	shalt  }
.Lfunc_end0:
.L_simem_size_0:
called_computation.1_lowered:
.L_overlay_start_0:
0x88: {  	s2 =	sld [smem:$0x3FD9]  }
0x89: {  	s3 =	sld [smem:$0x3FFE];
	_ =	sdelay $0x1  }
0x8a: {  	s1 =	srdreg.scid  }
0x8b: {  	s0 =	sand.u32 $0x1, s1  }
0x8c: {  	s17 =	sshll.u32 s0, $0xA;
	s2 =	sadd.s32 s3, s2  }
0x8d: {  	s2 =	sadd.s32 s2, s17  }
0x8e: {  	[smem:$0x3FBD] =	sst s2  }
0x8f: {  	_ = 	snop  }
0x90: {  	s2 =	sld [smem:$0x3FC9];
	(tm) =	ssettm $0x1  }
0x91: {  	s18 =	sld [smem:$0x3FFB];
	_ =	sdelay $0x3  }
0x92: {  	_ =	strace s18  }
0x93: {  	s3 =	sld [smem:$0x3FFC];
	_ =	sdelay $0x3  }
0x94: {  	_ =	strace s3  }
0x95: {  	s3 =	sld [smem:$0x3FFD];
	_ =	sdelay $0x3  }
0x96: {  	_ =	strace s3  }
0x97: {  	_ =	strace $0x8FFFFFFF  }
0x98: {  	s19 =	sld [smem:$0x3FDB];
	_ =	sdelay $0x1  }
0x99: {  	s4 =	simm.s32 $_scs_section_size  }
0x9a: {  	s5 =	simm.s32 $_size__tile_overlayer_lowered;
	s6 =	simm.s32 $_tile_overlayer_lowered  }
0x9b: {  	s22 =	simm.s32 $0x1BFF;
	s21 =	sshll.u32 s6, $0x1;
	s3 =	sadd.s32 s4, s19  }
0x9c: {  	s7 =	simm.s32 $0x0;
	s20 =	sshll.u32 s5, $0x1;
	s5 =	sadd.s32 s21, s3  }
0x9d: {  	[timem:s7], [sflag:s22] =	dma.local [hbm:s5], s20  }
0x9e: {  	_ =	swait.ge [sflag:s22], s20  }
0x9f: {  	s4 =	ssub.s32 $0x0, s20;
	[sflag:s22] =	ssyncset.done $0x0  }
0xa0: {  	[sflag:s22] =	ssyncadd.s32 s4;
	_ =	sdelay $0x1  }
0xa1: {  	s23 =	simm.s32 $0x1B8B  }
0xa2: {  	_ =	swait.ge [sflag:s23], $0x1  }
0xa3: {  	[sflag:s23] =	ssyncset.done $0x0  }
0xa4: {  	s25 =	simm.s32 $0x1B8E;
	s24 =	sld [smem:$0x3FFE];
	[sflag:s23] =	ssyncadd.s32 $0xFFFFFFFF  }
0xa5: {  	s26 =	simm.s32 $execute0_lowered;
	[smem:$0x3FD2] =	sst s25  }
0xa6: {  	s5 =	sshll.u32 s26, $0x1;
	_ =	strace $0x80000046;
	[dreg:$0x1] =	wrdreg $0xFFFFFFFF  }
0xa7: {  	s28 =	simm.s32 $_size_execute0_lowered;
	s3 =	sadd.s32 s3, s5;
	[dreg:$0x0] =	wrdreg $0x0  }
0xa8: {  	s5 =	sshll.u32 s28, $0x1;
	[dreg:$0x2] =	wrdreg s3  }
0xa9: {  	[dreg:$0x3] =	wrdreg s5  }
0xaa: {  	[dreg:$0x4] =	wrdreg $0xC0  }
0xab: {  	_ =	task [dreg:s7], $0x5FFFF  }
0xac: {  	[dreg:$0x1] =	wrdreg $0xFFFFFFFF  }
0xad: {  	[dreg:$0x0] =	wrdreg $0x60  }
0xae: {  	[dreg:$0x2] =	wrdreg s24  }
0xaf: {  	[dreg:$0x3] =	wrdreg s2  }
0xb0: {  	[dreg:$0x4] =	wrdreg $0xC4000  }
0xb1: {  	[dreg:$0x5] =	wrdreg $0xA  }
0xb2: {  	_ =	task.clear_ibuf [dreg:s7], $0x6FFFF;
	_ =	strace $0x90000046  }
0xb3: {  	s29 =	simm.s32 $0xA;
	_ =	strace $0x80000048  }
0xb4: {  	_ =	swait.ge [sflag:s29], $0x1  }
0xb5: {  	[sflag:s29] =	ssyncadd.s32 $0xFFFFFFFF  }
0xb6: {  	_ =	strace $0x90000048  }
0xb7: {  	_ =	sfence  }
0xb8: {  	s30 =	sld [smem:$0x0];
	_ =	sdelay $0x2  }
0xb9: {  	s31 =	sshll.u32 s1, $0xD;
	s1 =	sshrl.u32 s1, $0x2  }
0xba: {  	s3 =	sand.u32 $0x4000, s31;
	s1 =	sadd.s32 s1, s30  }
0xbb: {  	s0 =	sor.u32 s3, s0;
	s1 =	sshll.u32 s1, $0x11  }
0xbc: {  	s0 =	sor.u32 s1, s0  }
0xbd: {  	s0 =	sadd.s32 $0x8F2B, s0  }
0xbe: {  	[sflag:s0] =	ssyncadd.remote.s32 $0x1  }
0xbf: {  	_ =	sfence.sel $0xFFFF  }
0xc0: {  	[dreg:$0x0] =	wrdreg $0xFFFFFFFF;
	(pc) =	sbr.abs _section_cstart, $3  }
0xc1: {  	[dreg:$0x1] =	wrdreg $0xFFFFFFFF  }
0xc2: {  	_ =	task.clear_ibuf [dreg:s7], $0x2FFFF;
	_ =	strace $0x9FFFFFFF  }
0xc3: {  	(tm) =	ssettm $0x7FFFFFFF  }
tec
execute0_lowered:
.L_overlay_start_1:
0x0: {  	(tag) =	ssettag $0x1  }
0x1: {  	s0 =	rddreg [dreg:$0x0]  }
0x2: {  	s1 =	rddreg [dreg:$0x1]  }
0x3: {  	s2 =	rddreg [dreg:$0x2]  }
0x4: {  	s3 =	srdreg.scid;
	s4 =	simm.s32 $0x0;
	s12 =	stileid.u32  }
0x5: {  	s28 =	simm.s32 $0x2;
	s29 =	simm.s32 $0x2400;
	s30 =	simm.s32 $0x6400  }
0x6: {  	s31 =	simm.s32 $0x8400;
	s3 =	sand.u32 $0x1, s3;
	[smem:$0x7FF] =	sst s4  }
0x7: {  	s8 =	smul.u32 $0x13C00, s12;
	s5 =	sadd.s32 $0x1AE00, s0;
	s6 =	sadd.s32 $0x6A00, s0  }
0x8: {  	s9 =	sadd.s32 $0x28BE00, s0;
	s10 =	smul.u32 $0x4F000, s12;
	s20 =	sshll.u32 s12, $0x6  }
0x9: {  	s7 =	smul.u32 $0x13C000, s3;
	s17 =	ssub.s32 $0x2, s3;
	s3 =	sshll.u32 s3, $0x4  }
0xa: {  	_ =	strace $0x80000047;
	[dreg:$0x4] =	wrdreg s9;
	s3 =	sor.u32 s12, s3  }
0xb: {  	s13 =	sor.u32 $0x1C05, s20;
	s18 =	sshrl.u32 s17, $0x1;
	s11 =	smul.u32 $0x500, s3  }
0xc: {  	s19 =	sshrl.u32 s10, $0x2;
	s8 =	sadd.s32 s8, s7;
	s21 =	smul.u32 $0x14000, s3  }
0xd: {  	s7 =	sadd.s32 $0x10C00, s0;
	s9 =	sadd.s32 s19, s2;
	s10 =	smul.u32 $0x50, s3  }
0xe: {  	s19 =	simm.s32 $0x5;
	s8 =	sshrl.u32 s8, $0x3;
	s22 =	sadd.s32 s6, s11  }
0xf: {  	s0 =	sadd.s32 s8, s0;
	s23 =	sadd.s32 s7, s11;
	[dreg:$0x5] =	wrdreg s22  }
0x10: {  	s24 =	sadd.s32 s5, s21;
	s25 =	sor.u32 $0x10, s11;
	[dreg:$0x6] =	wrdreg s23  }
0x11: {  	s8 =	ssub.s32 s17, s18;
	[dreg:$0x7] =	wrdreg s24;
	s11 =	sadd.s32 s6, s25  }
0x12: {  	s21 =	simm.s32 $0x1;
	s3 =	sadd.s32 s7, s25;
	[dreg:$0x8] =	wrdreg s11  }
0x13: {  	s0 =	sadd.s32 $0x28E600, s0;
	s26 =	smax.u32 s8, $0x1;
	[dreg:$0x9] =	wrdreg s3  }
0x14: {  	s8 =	sshrl.u32 s9, $0x3;
	s22 =	simm.s32 $0x40;
	[dreg:$0xa] =	wrdreg s0  }
0x15: {  	s23 =	simm.s32 $0x400;
	s24 =	simm.s32 $0x4400;
	[dreg:$0xb] =	wrdreg s26  }
0x16: {  	s25 =	simm.s32 $0x0;
	s0 =	simm.s32 $0xA400;
	[dreg:$0xc] =	wrdreg s8  }
.LBB2_1:
0x17: {  	s3 =	rddreg [dreg:$0x4]  }
0x18: {  	[spmem:s8], [sflag:s13] =	dma.local [hbm:s3], $0x2780  }
0x19: {  	_ =	swait.ge [sflag:s19], $0x2780  }
0x1a: {  	[sflag:s19] =	ssyncset.done $0x0  }
0x1b: {  	[sflag:s19] =	ssyncadd.s32 $0xFFFFD880  }
0x1c: {  	[bflag:$0x0] =	sbarrier.arrive $0xFFFF  }
0x1d: {  	s12 =	rddreg [dreg:$0x5]  }
0x1e: {  	[tilespmem:s4], [sflag:$0x1] =	stream.linear.gather [hbm4b:s12+s4], $0x80, $0x38;
	v63 =	vld [tilespmem:$0x0]  }
0x1f: {  	s18 =	smov.u32 s13;
	s14 =	simm.s32 $0x200;
	s13 =	rddreg [dreg:$0x6]  }
0x20: {  	[tilespmem:s14], [sflag:$0x1] =	stream.linear.gather [hbm4b:s13+s4], $0x80, $0x38;
	v63 =	vld [tilespmem:$0x0]  }
0x21: {  	_ =	swait.ge [sflag:s21], $0x80  }
0x22: {  	[sflag:s21] =	ssyncset.done $0x0  }
0x23: {  	[sflag:s21] =	ssyncadd.s32 $0xFFFFFF80  }
0x24: {  	_ =	swait.ge [sflag:s21], $0x80  }
0x25: {  	[sflag:s21] =	ssyncset.done $0x0  }
0x26: {  	[sflag:s21] =	ssyncadd.s32 $0xFFFFFF80  }
0x27: {  	[tilespmem:s23], [sflag:$0x2] =	stream.indirect.gather [hbm4b:s1+s22], $0x80, s4, s22, $0xb8;
	v63 =	vld [tilespmem:$0x0]  }
0x28: {  	s15 =	rddreg [dreg:$0x7]  }
0x29: {  	[tilespmem:s24], [sflag:$0x2] =	stream.linear.gather [hbm4b:s15+s4], $0x2000, $0x38;
	v63 =	vld [tilespmem:$0x0]  }
0x2a: {  	s17 =	simm.s32 $0x80;
	s16 =	rddreg [dreg:$0x8]  }
0x2b: {  	[tilespmem:s17], [sflag:$0x1] =	stream.linear.gather [hbm4b:s16+s4], $0x80, $0x38;
	v63 =	vld [tilespmem:$0x0]  }
0x2c: {  	s26 =	simm.s32 $0x280;
	s20 =	rddreg [dreg:$0x9]  }
0x2d: {  	[tilespmem:s26], [sflag:$0x1] =	stream.linear.gather [hbm4b:s20+s4], $0x80, $0x38;
	v63 =	vld [tilespmem:$0x0]  }
0x2e: {  	s26 =	simm.s32 $0x0  }
.LBB2_2:
0x2f: {  	_ =	swait.ge [sflag:s28], $0x2000  }
0x30: {  	[sflag:s28] =	ssyncset.done $0x0  }
0x31: {  	[sflag:s28] =	ssyncadd.s32 $0xFFFFE000  }
0x32: {  	_ =	swait.ge [sflag:s28], $0x2000  }
0x33: {  	[sflag:s28] =	ssyncset.done $0x0  }
0x34: {  	[sflag:s28] =	ssyncadd.s32 $0xFFFFE000  }
0x35: {  	_ =	swait.ge [sflag:s21], $0x80  }
0x36: {  	s3 =	sshll.u32 s26, $0x1;
	[sflag:s21] =	ssyncset.done $0x0  }
0x37: {  	s11 =	sadd.s32 s10, s3;
	[sflag:s21] =	ssyncadd.s32 $0xFFFFFF80  }
0x38: {  	s3 =	sor.u32 $0x1, s11;
	s12 =	sadd.s32 $0x2, s11;
	_ =	swait.ge [sflag:s21], $0x80  }
0x39: {  	s8 =	sshll.u32 s3, $0x7;
	s3 =	smin.u32 s3, $0x9C3;
	[sflag:s21] =	ssyncset.done $0x0  }
0x3a: {  	s8 =	sand.u32 $0x180, s8;
	s3 =	sshll.u32 s3, $0xA;
	[sflag:s21] =	ssyncadd.s32 $0xFFFFFF80  }
0x3b: {  	[tilespmem:s29], [sflag:$0x2] =	stream.indirect.gather [hbm4b:s1+s22], $0x80, s8, s22, $0xb8;
	v63 =	vld [tilespmem:$0x0]  }
0x3c: {  	s16 =	sshll.u32 s12, $0x4;
	s3 =	sadd.s32 s5, s3  }
0x3d: {  	[tilespmem:s30], [sflag:$0x2] =	stream.linear.gather [hbm4b:s3+s4], $0x2000, $0x38;
	v63 =	vld [tilespmem:$0x0]  }
0x3e: {  	s9 =	sshll.u32 s12, $0x7;
	s3 =	sand.u32 $0xFFFFFE0, s16  }
0x3f: {  	s13 =	sand.u32 $0x100, s9;
	s17 =	sadd.s32 s6, s3  }
0x40: {  	[tilespmem:s13], [sflag:$0x1] =	stream.linear.gather [hbm4b:s17+s4], $0x80, $0x38;
	v63 =	vld [tilespmem:$0x0]  }
0x41: {  	p0 =	seq.s32 s26, $0x0;
	s20 =	sor.u32 $0x200, s13;
	s3 =	sadd.s32 s7, s3  }
0x42: {  	[tilespmem:s20], [sflag:$0x1] =	stream.linear.gather [hbm4b:s3+s4], $0x80, $0x38;
	v63 =	vld [tilespmem:$0x0]  }
0x43: {  	s3 =	simm.s32 @!p0 $0x3  }
0x44: {  	_ =	swait.ge @!p0 [sflag:s3], $0x2000  }
0x45: {  	[sflag:s3] =	ssyncset.done @!p0 $0x0  }
0x46: {  	s20 =	simm.s32 $0x500;
	[sflag:s3] =	ssyncadd.s32 @!p0 $0xFFFFE000  }
0x47: {  	s9 =	simm.s32 $0x4500;
	v0 =	vld [tilespmem:s20+$0x80]  }
0x48: {  	v1 =	vld [tilespmem:s9+$0x80];
	_ =	sdelay $0x4  }
0x49: {  	v2 =	vld [tilespmem:s20+$0xFFFFFF80];
	v0 =	vadd.f32 v1, v0  }
0x4a: {  	v1 =	vld [tilespmem:s9+$0xFFFFFF80]  }
0x4b: {  	s14 =	simm.s32 $0x8500;
	v3 =	vld [tilespmem:s9+$0xFFFFFF00];
	v0 =	vmax.f32 v0, $0.0e+00  }
0x4c: {  	v4 =	vld [tilespmem:s20+$0xFFFFFF00];
	[tilespmem:s14+$0x80] =	vst v0  }
0x4d: {  	v0 =	vld [tilespmem:s20+$0x90]  }
0x4e: {  	v5 =	vld [tilespmem:s9+$0x90]  }
0x4f: {  	v6 =	vld [tilespmem:s20+$0x0];
	v1 =	vadd.f32 v1, v2  }
0x50: {  	v2 =	vld [tilespmem:s9+$0x0]  }
0x51: {  	v3 =	vadd.f32 v3, v4;
	v1 =	vmax.f32 v1, $0.0e+00  }
0x52: {  	[tilespmem:s14+$0xFFFFFF80] =	vst v1  }
0x53: {  	v3 =	vmax.f32 v3, $0.0e+00;
	v1 =	vld [tilespmem:s20+$0xFFFFFF90];
	v0 =	vadd.f32 v5, v0  }
0x54: {  	[tilespmem:s14+$0xFFFFFF00] =	vst v3;
	v4 =	vld [tilespmem:s9+$0xFFFFFF90]  }
0x55: {  	v3 =	vld [tilespmem:s20+$0xFFFFFF10];
	v2 =	vadd.f32 v2, v6;
	v0 =	vmax.f32 v0, $0.0e+00  }
0x56: {  	v5 =	vld [tilespmem:s9+$0xFFFFFF10];
	[tilespmem:s14+$0x90] =	vst v0  }
0x57: {  	v0 =	vmax.f32 v2, $0.0e+00;
	v2 =	vld [tilespmem:s20+$0xA0]  }
0x58: {  	[tilespmem:s14+$0x0] =	vst v0;
	v0 =	vld [tilespmem:s9+$0xA0]  }
0x59: {  	v6 =	vld [tilespmem:s20+$0x10];
	v1 =	vadd.f32 v4, v1  }
0x5a: {  	v4 =	vld [tilespmem:s9+$0x10]  }
0x5b: {  	v1 =	vmax.f32 v1, $0.0e+00  }
0x5c: {  	v3 =	vadd.f32 v5, v3;
	[tilespmem:s14+$0xFFFFFF90] =	vst v1  }
0x5d: {  	v1 =	vld [tilespmem:s20+$0xFFFFFFA0];
	v0 =	vadd.f32 v0, v2  }
0x5e: {  	v3 =	vmax.f32 v3, $0.0e+00;
	v2 =	vld [tilespmem:s9+$0xFFFFFFA0]  }
0x5f: {  	[tilespmem:s14+$0xFFFFFF10] =	vst v3;
	v3 =	vadd.f32 v4, v6;
	v0 =	vmax.f32 v0, $0.0e+00  }
0x60: {  	[tilespmem:s14+$0xA0] =	vst v0  }
0x61: {  	v0 =	vmax.f32 v3, $0.0e+00;
	v3 =	vld [tilespmem:s20+$0xB0]  }
0x62: {  	[tilespmem:s14+$0x10] =	vst v0;
	v0 =	vld [tilespmem:s9+$0xB0]  }
0x63: {  	v1 =	vadd.f32 v2, v1;
	v2 =	vld [tilespmem:s20+$0x20]  }
0x64: {  	v6 =	vld [tilespmem:s9+$0x20]  }
0x65: {  	v5 =	vld [tilespmem:s9+$0xFFFFFF20];
	v1 =	vmax.f32 v1, $0.0e+00  }
0x66: {  	v4 =	vld [tilespmem:s20+$0xFFFFFF20];
	[tilespmem:s14+$0xFFFFFFA0] =	vst v1  }
0x67: {  	v1 =	vld [tilespmem:s20+$0xFFFFFFB0];
	v0 =	vadd.f32 v0, v3  }
0x68: {  	v3 =	vld [tilespmem:s9+$0xFFFFFFB0]  }
0x69: {  	v2 =	vadd.f32 v6, v2;
	v0 =	vmax.f32 v0, $0.0e+00  }
0x6a: {  	[tilespmem:s14+$0xB0] =	vst v0  }
0x6b: {  	v4 =	vadd.f32 v5, v4;
	v0 =	vmax.f32 v2, $0.0e+00;
	v2 =	vld [tilespmem:s20+$0xC0]  }
0x6c: {  	[tilespmem:s14+$0x20] =	vst v0;
	v0 =	vld [tilespmem:s9+$0xC0]  }
0x6d: {  	v4 =	vmax.f32 v4, $0.0e+00;
	v1 =	vadd.f32 v3, v1;
	v3 =	vld [tilespmem:s20+$0x30]  }
0x6e: {  	[tilespmem:s14+$0xFFFFFF20] =	vst v4;
	v6 =	vld [tilespmem:s9+$0x30]  }
0x6f: {  	v4 =	vld [tilespmem:s20+$0xFFFFFF30];
	v1 =	vmax.f32 v1, $0.0e+00  }
0x70: {  	v5 =	vld [tilespmem:s9+$0xFFFFFF30];
	[tilespmem:s14+$0xFFFFFFB0] =	vst v1  }
0x71: {  	v1 =	vld [tilespmem:s20+$0xFFFFFFC0];
	v0 =	vadd.f32 v0, v2  }
0x72: {  	v2 =	vld [tilespmem:s9+$0xFFFFFFC0]  }
0x73: {  	s17 =	simm.s32 $0x4700;
	v3 =	vadd.f32 v6, v3;
	v0 =	vmax.f32 v0, $0.0e+00  }
0x74: {  	v10 =	vld [tilespmem:s17+$0xFFFFFF00];
	[tilespmem:s14+$0xC0] =	vst v0  }
0x75: {  	v0 =	vmax.f32 v3, $0.0e+00;
	v3 =	vld [tilespmem:s20+$0xD0]  }
0x76: {  	v4 =	vadd.f32 v5, v4;
	[tilespmem:s14+$0x30] =	vst v0;
	v0 =	vld [tilespmem:s9+$0xD0]  }
0x77: {  	v1 =	vadd.f32 v2, v1;
	v2 =	vld [tilespmem:s20+$0x40]  }
0x78: {  	s16 =	simm.s32 $0x700;
	v4 =	vmax.f32 v4, $0.0e+00;
	v6 =	vld [tilespmem:s9+$0x40]  }
0x79: {  	v52 =	vld [tilespmem:s16+$0xFFFFFF00];
	[tilespmem:s14+$0xFFFFFF30] =	vst v4  }
0x7a: {  	v4 =	vld [tilespmem:s20+$0xFFFFFF40]  }
0x7b: {  	v5 =	vld [tilespmem:s9+$0xFFFFFF40];
	v0 =	vadd.f32 v0, v3  }
0x7c: {  	v8 =	vld [tilespmem:s16+$0x80]  }
0x7d: {  	v9 =	vld [tilespmem:s17+$0x80];
	v2 =	vadd.f32 v6, v2;
	v0 =	vmax.f32 v0, $0.0e+00  }
0x7e: {  	v11 =	vld [tilespmem:s17+$0xFFFFFF80];
	v10 =	vadd.f32 v10, v52;
	[tilespmem:s14+$0xD0] =	vst v0  }
0x7f: {  	v0 =	vmax.f32 v2, $0.0e+00;
	v2 =	vld [tilespmem:s20+$0xE0]  }
0x80: {  	s15 =	simm.s32 $0x8700;
	v10 =	vmax.f32 v10, $0.0e+00;
	v4 =	vadd.f32 v5, v4;
	[tilespmem:s14+$0x40] =	vst v0;
	v0 =	vld [tilespmem:s9+$0xE0]  }
0x81: {  	v12 =	vld [tilespmem:s16+$0x0];
	[tilespmem:s15+$0xFFFFFF00] =	vst v10;
	v1 =	vmax.f32 v1, $0.0e+00  }
0x82: {  	v10 =	vld [tilespmem:s16+$0xFFFFFF10];
	[tilespmem:s14+$0xFFFFFFC0] =	vst v1;
	v4 =	vmax.f32 v4, $0.0e+00  }
0x83: {  	v1 =	vld [tilespmem:s20+$0xFFFFFFD0];
	[tilespmem:s14+$0xFFFFFF40] =	vst v4  }
0x84: {  	v4 =	vld [tilespmem:s20+$0xFFFFFF50]  }
0x85: {  	v5 =	vld [tilespmem:s9+$0xFFFFFF50];
	v0 =	vadd.f32 v0, v2  }
0x86: {  	v2 =	vld [tilespmem:s16+$0xFFFFFF80]  }
0x87: {  	v3 =	vld [tilespmem:s9+$0xFFFFFFD0];
	v0 =	vmax.f32 v0, $0.0e+00  }
0x88: {  	v6 =	vld [tilespmem:s20+$0x50];
	[tilespmem:s14+$0xE0] =	vst v0;
	v0 =	vadd.f32 v9, v8  }
0x89: {  	v7 =	vld [tilespmem:s9+$0x50]  }
0x8a: {  	v4 =	vadd.f32 v5, v4;
	v5 =	vld [tilespmem:s17+$0x0];
	v0 =	vmax.f32 v0, $0.0e+00  }
0x8b: {  	v54 =	vld [tilespmem:s17+$0xFFFFFF10];
	v2 =	vadd.f32 v11, v2;
	[tilespmem:s15+$0x80] =	vst v0  }
0x8c: {  	v0 =	vmax.f32 v4, $0.0e+00;
	v4 =	vld [tilespmem:s16+$0x90]  }
0x8d: {  	v1 =	vadd.f32 v3, v1;
	[tilespmem:s14+$0xFFFFFF50] =	vst v0;
	v0 =	vmax.f32 v2, $0.0e+00;
	v2 =	vld [tilespmem:s17+$0x90]  }
0x8e: {  	v6 =	vadd.f32 v7, v6;
	v8 =	vld [tilespmem:s20+$0xF0]  }
0x8f: {  	v1 =	vmax.f32 v1, $0.0e+00;
	v5 =	vadd.f32 v5, v12;
	v51 =	vld [tilespmem:s9+$0xF0];
	[tilespmem:s15+$0xFFFFFF80] =	vst v0  }
0x90: {  	[tilespmem:s14+$0xFFFFFFD0] =	vst v1;
	v6 =	vmax.f32 v6, $0.0e+00;
	v3 =	vld [tilespmem:s16+$0xFFFFFF90]  }
0x91: {  	v1 =	vmax.f32 v5, $0.0e+00;
	[tilespmem:s14+$0x50] =	vst v6;
	v53 =	vld [tilespmem:s17+$0xFFFFFF90]  }
0x92: {  	v6 =	vld [tilespmem:s9+$0xFFFFFFE0];
	[tilespmem:s15+$0x0] =	vst v1;
	v1 =	vadd.f32 v2, v4  }
0x93: {  	v57 =	vld [tilespmem:s20+$0x60]  }
0x94: {  	v58 =	vld [tilespmem:s9+$0x60];
	v1 =	vmax.f32 v1, $0.0e+00  }
0x95: {  	v0 =	vld [tilespmem:s20+$0xFFFFFF60];
	[tilespmem:s15+$0x90] =	vst v1  }
0x96: {  	v3 =	vadd.f32 v53, v3;
	v1 =	vld [tilespmem:s16+$0xA0]  }
0x97: {  	v55 =	vld [tilespmem:s17+$0xA0]  }
0x98: {  	v4 =	vld [tilespmem:s16+$0x10];
	v3 =	vmax.f32 v3, $0.0e+00  }
0x99: {  	[tilespmem:s15+$0xFFFFFF90] =	vst v3;
	v3 =	vld [tilespmem:s17+$0x10]  }
0x9a: {  	v10 =	vadd.f32 v54, v10;
	v7 =	vld [tilespmem:s16+$0xFFFFFFA0]  }
0x9b: {  	v56 =	vld [tilespmem:s17+$0xFFFFFFA0]  }
0x9c: {  	v10 =	vmax.f32 v10, $0.0e+00;
	v5 =	vld [tilespmem:s9+$0xFFFFFF60];
	v1 =	vadd.f32 v55, v1  }
0x9d: {  	[tilespmem:s15+$0xFFFFFF10] =	vst v10;
	v2 =	vld [tilespmem:s20+$0xFFFFFFE0]  }
0x9e: {  	v3 =	vadd.f32 v3, v4;
	v4 =	vld [tilespmem:s16+$0xFFFFFF20];
	v1 =	vmax.f32 v1, $0.0e+00  }
0x9f: {  	[tilespmem:s15+$0xA0] =	vst v1;
	v1 =	vld [tilespmem:s17+$0xFFFFFF20]  }
0xa0: {  	v7 =	vadd.f32 v56, v7;
	v3 =	vmax.f32 v3, $0.0e+00;
	v59 =	vld [tilespmem:s16+$0xB0]  }
0xa1: {  	v0 =	vadd.f32 v5, v0;
	[tilespmem:s15+$0x10] =	vst v3;
	v3 =	vld [tilespmem:s17+$0xB0]  }
0xa2: {  	v5 =	vmax.f32 v7, $0.0e+00;
	v7 =	vld [tilespmem:s16+$0x20]  }
0xa3: {  	v0 =	vmax.f32 v0, $0.0e+00;
	[tilespmem:s15+$0xFFFFFFA0] =	vst v5;
	v5 =	vld [tilespmem:s17+$0x20]  }
0xa4: {  	[tilespmem:s14+$0xFFFFFF60] =	vst v0;
	v0 =	vld [tilespmem:s17+$0xFFFFFFB0];
	v1 =	vadd.f32 v1, v4  }
0xa5: {  	v4 =	vld [tilespmem:s16+$0xFFFFFFB0]  }
0xa6: {  	v60 =	vld [tilespmem:s20+$0xFFFFFF70];
	v3 =	vadd.f32 v3, v59;
	v1 =	vmax.f32 v1, $0.0e+00  }
0xa7: {  	[tilespmem:s15+$0xFFFFFF20] =	vst v1;
	v1 =	vld [tilespmem:s9+$0xFFFFFF70]  }
0xa8: {  	v5 =	vadd.f32 v5, v7;
	v3 =	vmax.f32 v3, $0.0e+00;
	v7 =	vld [tilespmem:s16+$0xFFFFFF30]  }
0xa9: {  	[tilespmem:s15+$0xB0] =	vst v3;
	v3 =	vld [tilespmem:s17+$0xFFFFFF30]  }
0xaa: {  	v0 =	vadd.f32 v0, v4;
	v4 =	vmax.f32 v5, $0.0e+00;
	v5 =	vld [tilespmem:s16+$0xC0]  }
0xab: {  	[tilespmem:s15+$0x20] =	vst v4;
	v4 =	vld [tilespmem:s17+$0xC0]  }
0xac: {  	v2 =	vadd.f32 v6, v2;
	v0 =	vmax.f32 v0, $0.0e+00;
	v6 =	vld [tilespmem:s16+$0x30]  }
0xad: {  	[tilespmem:s15+$0xFFFFFFB0] =	vst v0;
	v0 =	vld [tilespmem:s17+$0x30]  }
0xae: {  	v2 =	vmax.f32 v2, $0.0e+00;
	v3 =	vadd.f32 v3, v7;
	v7 =	vld [tilespmem:s16+$0xFFFFFFC0]  }
0xaf: {  	[tilespmem:s14+$0xFFFFFFE0] =	vst v2;
	v2 =	vld [tilespmem:s17+$0xFFFFFFC0]  }
0xb0: {  	v3 =	vmax.f32 v3, $0.0e+00;
	v4 =	vadd.f32 v4, v5;
	v5 =	vld [tilespmem:s20+$0xFFFFFFF0]  }
0xb1: {  	[tilespmem:s15+$0xFFFFFF30] =	vst v3;
	v3 =	vld [tilespmem:s9+$0xFFFFFFF0]  }
0xb2: {  	v0 =	vadd.f32 v0, v6;
	v6 =	vld [tilespmem:s16+$0xFFFFFF40];
	v4 =	vmax.f32 v4, $0.0e+00  }
0xb3: {  	[tilespmem:s15+$0xC0] =	vst v4;
	v4 =	vld [tilespmem:s17+$0xFFFFFF40]  }
0xb4: {  	v2 =	vadd.f32 v2, v7;
	v0 =	vmax.f32 v0, $0.0e+00;
	v7 =	vld [tilespmem:s16+$0xD0]  }
0xb5: {  	[tilespmem:s15+$0x30] =	vst v0;
	v0 =	vld [tilespmem:s17+$0xD0]  }
0xb6: {  	v10 =	vadd.f32 v58, v57;
	v2 =	vmax.f32 v2, $0.0e+00;
	v61 =	vld [tilespmem:s16+$0x40]  }
0xb7: {  	[tilespmem:s15+$0xFFFFFFC0] =	vst v2;
	v2 =	vld [tilespmem:s17+$0x40]  }
0xb8: {  	v10 =	vmax.f32 v10, $0.0e+00;
	v62 =	vld [tilespmem:s17+$0xFFFFFFD0];
	v4 =	vadd.f32 v4, v6  }
0xb9: {  	v8 =	vadd.f32 v51, v8;
	[tilespmem:s14+$0x60] =	vst v10;
	v6 =	vld [tilespmem:s16+$0xFFFFFFD0]  }
0xba: {  	v10 =	vld [tilespmem:s9+$0x70];
	v4 =	vmax.f32 v4, $0.0e+00;
	v0 =	vadd.f32 v0, v7  }
0xbb: {  	v8 =	vmax.f32 v8, $0.0e+00;
	v1 =	vadd.f32 v1, v60;
	v7 =	vld [tilespmem:s20+$0x70];
	[tilespmem:s15+$0xFFFFFF40] =	vst v4  }
0xbc: {  	[tilespmem:s14+$0xF0] =	vst v8;
	v8 =	vadd.f32 v2, v61;
	v2 =	vld [tilespmem:s16+$0xFFFFFF50];
	v0 =	vmax.f32 v0, $0.0e+00  }
0xbd: {  	v1 =	vmax.f32 v1, $0.0e+00;
	v3 =	vadd.f32 v3, v5;
	v4 =	vld [tilespmem:s17+$0xFFFFFF50];
	[tilespmem:s15+$0xD0] =	vst v0  }
0xbe: {  	[tilespmem:s14+$0xFFFFFF70] =	vst v1;
	v1 =	vadd.f32 v62, v6;
	v5 =	vmax.f32 v8, $0.0e+00;
	v0 =	vld [tilespmem:s16+$0xE0]  }
0xbf: {  	v6 =	vmax.f32 v3, $0.0e+00;
	[tilespmem:s15+$0x40] =	vst v5;
	v3 =	vld [tilespmem:s17+$0xE0]  }
0xc0: {  	s8 =	sor.u32 $0x200, s8;
	[tilespmem:s14+$0xFFFFFFF0] =	vst v6;
	v6 =	vmax.f32 v1, $0.0e+00;
	v5 =	vld [tilespmem:s16+$0x50];
	v1 =	vadd.f32 v10, v7  }
0xc1: {  	s3 =	simm.s32 $0x4700;
	s9 =	simm.s32 $0x900;
	s20 =	simm.s32 $0x4;
	[tilespmem:s15+$0xFFFFFFD0] =	vst v6;
	v6 =	vld [tilespmem:s17+$0x50]  }
.LBB2_3:
0xc2: {  	v7 =	vld [tilespmem:s9+$0x80];
	v2 =	vadd.f32 v4, v2;
	s17 =	sadd.s32 $0x200, s17;
	v1 =	vmax.f32 v1, $0.0e+00  }
0xc3: {  	v4 =	vld [tilespmem:s17+$0x80];
	[tilespmem:s14+$0x70] =	vst v1;
	s14 =	smov.u32 s15  }
0xc4: {  	v1 =	vld [tilespmem:s17+$0xFFFFFF00];
	v2 =	vmax.f32 v2, $0.0e+00;
	v0 =	vadd.f32 v3, v0  }
0xc5: {  	v3 =	vld [tilespmem:s9+$0xFFFFFF80];
	[tilespmem:s15+$0xFFFFFF50] =	vst v2  }
0xc6: {  	v2 =	vld [tilespmem:s17+$0xFFFFFF80];
	v5 =	vadd.f32 v6, v5;
	v0 =	vmax.f32 v0, $0.0e+00  }
0xc7: {  	v6 =	vld [tilespmem:s9+$0x0];
	[tilespmem:s15+$0xE0] =	vst v0  }
0xc8: {  	v0 =	vadd.f32 v4, v7;
	v4 =	vmax.f32 v5, $0.0e+00;
	v5 =	vld [tilespmem:s16+$0xF0]  }
0xc9: {  	[tilespmem:s15+$0x50] =	vst v4;
	v4 =	vld [tilespmem:s3+$0xF0]  }
0xca: {  	s20 =	sadd.s32 $0x4, s20;
	s15 =	sadd.s32 $0x200, s15;
	v7 =	vld [tilespmem:s17+$0x0];
	v0 =	vmax.f32 v0, $0.0e+00  }
0xcb: {  	p1 =	slt.u32 s20, $0x3C;
	v8 =	vld [tilespmem:s9+$0xFFFFFF00];
	v2 =	vadd.f32 v2, v3;
	[tilespmem:s15+$0x80] =	vst v0  }
0xcc: {  	v0 =	vld [tilespmem:s9+$0x90]  }
0xcd: {  	v2 =	vmax.f32 v2, $0.0e+00;
	v3 =	vld [tilespmem:s17+$0x90]  }
0xce: {  	[tilespmem:s15+$0xFFFFFF80] =	vst v2;
	v2 =	vld [tilespmem:s16+$0xFFFFFF60];
	v4 =	vadd.f32 v4, v5  }
0xcf: {  	v5 =	vld [tilespmem:s9+$0xFFFFFF90];
	v6 =	vadd.f32 v7, v6  }
0xd0: {  	v1 =	vadd.f32 v1, v8;
	v7 =	vld [tilespmem:s17+$0xFFFFFF90];
	v4 =	vmax.f32 v4, $0.0e+00  }
0xd1: {  	v6 =	vmax.f32 v6, $0.0e+00;
	v8 =	vld [tilespmem:s3+$0xFFFFFF60];
	[tilespmem:s14+$0xF0] =	vst v4  }
0xd2: {  	v1 =	vmax.f32 v1, $0.0e+00;
	[tilespmem:s15+$0x0] =	vst v6;
	v0 =	vadd.f32 v3, v0;
	v3 =	vld [tilespmem:s16+$0xFFFFFFE0]  }
0xd3: {  	[tilespmem:s15+$0xFFFFFF00] =	vst v1;
	v1 =	vld [tilespmem:s9+$0x10]  }
0xd4: {  	v4 =	vld [tilespmem:s9+$0xFFFFFF10];
	v0 =	vmax.f32 v0, $0.0e+00  }
0xd5: {  	v6 =	vld [tilespmem:s17+$0xFFFFFF10];
	v5 =	vadd.f32 v7, v5;
	[tilespmem:s15+$0x90] =	vst v0  }
0xd6: {  	v0 =	vld [tilespmem:s9+$0xA0];
	v2 =	vadd.f32 v8, v2  }
0xd7: {  	v5 =	vmax.f32 v5, $0.0e+00;
	v7 =	vld [tilespmem:s17+$0xA0]  }
0xd8: {  	[tilespmem:s15+$0xFFFFFF90] =	vst v5;
	v5 =	vld [tilespmem:s17+$0x10];
	v2 =	vmax.f32 v2, $0.0e+00  }
0xd9: {  	v8 =	vld [tilespmem:s9+$0xFFFFFFA0];
	[tilespmem:s14+$0xFFFFFF60] =	vst v2  }
0xda: {  	v2 =	vadd.f32 v6, v4;
	v4 =	vld [tilespmem:s17+$0xFFFFFFA0]  }
0xdb: {  	v6 =	vld [tilespmem:s3+$0xFFFFFFE0]  }
0xdc: {  	v2 =	vmax.f32 v2, $0.0e+00;
	v0 =	vadd.f32 v7, v0;
	v7 =	vld [tilespmem:s16+$0x60]  }
0xdd: {  	[tilespmem:s15+$0xFFFFFF10] =	vst v2;
	v1 =	vadd.f32 v5, v1;
	v2 =	vld [tilespmem:s3+$0x60]  }
0xde: {  	v5 =	vld [tilespmem:s9+$0xFFFFFF20];
	v0 =	vmax.f32 v0, $0.0e+00  }
0xdf: {  	v9 =	vld [tilespmem:s17+$0xFFFFFF20];
	v4 =	vadd.f32 v4, v8;
	v1 =	vmax.f32 v1, $0.0e+00;
	[tilespmem:s15+$0xA0] =	vst v0  }
0xe0: {  	[tilespmem:s15+$0x10] =	vst v1;
	v0 =	vld [tilespmem:s9+$0xB0];
	v1 =	vadd.f32 v6, v3  }
0xe1: {  	v3 =	vmax.f32 v4, $0.0e+00;
	v4 =	vld [tilespmem:s17+$0xB0]  }
0xe2: {  	[tilespmem:s15+$0xFFFFFFA0] =	vst v3;
	v3 =	vld [tilespmem:s9+$0x20];
	v1 =	vmax.f32 v1, $0.0e+00;
	v2 =	vadd.f32 v2, v7  }
0xe3: {  	v6 =	vld [tilespmem:s17+$0x20];
	[tilespmem:s14+$0xFFFFFFE0] =	vst v1  }
0xe4: {  	v1 =	vadd.f32 v9, v5;
	v5 =	vld [tilespmem:s9+$0xFFFFFFB0];
	v2 =	vmax.f32 v2, $0.0e+00  }
0xe5: {  	v7 =	vld [tilespmem:s17+$0xFFFFFFB0];
	[tilespmem:s14+$0x60] =	vst v2  }
0xe6: {  	v1 =	vmax.f32 v1, $0.0e+00;
	v0 =	vadd.f32 v4, v0;
	v2 =	vld [tilespmem:s16+$0xFFFFFF70]  }
0xe7: {  	[tilespmem:s15+$0xFFFFFF20] =	vst v1;
	v1 =	vld [tilespmem:s3+$0xFFFFFF70]  }
0xe8: {  	v4 =	vld [tilespmem:s9+$0xFFFFFF30];
	v3 =	vadd.f32 v6, v3;
	v0 =	vmax.f32 v0, $0.0e+00  }
0xe9: {  	v6 =	vld [tilespmem:s17+$0xFFFFFF30];
	[tilespmem:s15+$0xB0] =	vst v0  }
0xea: {  	v0 =	vadd.f32 v7, v5;
	v3 =	vmax.f32 v3, $0.0e+00;
	v5 =	vld [tilespmem:s9+$0xC0]  }
0xeb: {  	[tilespmem:s15+$0x20] =	vst v3;
	v3 =	vld [tilespmem:s17+$0xC0]  }
0xec: {  	v0 =	vmax.f32 v0, $0.0e+00;
	v7 =	vld [tilespmem:s9+$0x30];
	v1 =	vadd.f32 v1, v2  }
0xed: {  	[tilespmem:s15+$0xFFFFFFB0] =	vst v0;
	v0 =	vld [tilespmem:s17+$0x30]  }
0xee: {  	v2 =	vadd.f32 v6, v4;
	v4 =	vld [tilespmem:s9+$0xFFFFFFC0];
	v1 =	vmax.f32 v1, $0.0e+00  }
0xef: {  	v6 =	vld [tilespmem:s17+$0xFFFFFFC0];
	[tilespmem:s14+$0xFFFFFF70] =	vst v1  }
0xf0: {  	v1 =	vmax.f32 v2, $0.0e+00;
	v2 =	vadd.f32 v3, v5;
	v3 =	vld [tilespmem:s16+$0xFFFFFFF0]  }
0xf1: {  	[tilespmem:s15+$0xFFFFFF30] =	vst v1;
	v1 =	vld [tilespmem:s3+$0xFFFFFFF0]  }
0xf2: {  	v5 =	vld [tilespmem:s9+$0xFFFFFF40];
	v0 =	vadd.f32 v0, v7;
	v2 =	vmax.f32 v2, $0.0e+00  }
0xf3: {  	v7 =	vld [tilespmem:s17+$0xFFFFFF40];
	[tilespmem:s15+$0xC0] =	vst v2  }
0xf4: {  	v2 =	vadd.f32 v6, v4;
	v0 =	vmax.f32 v0, $0.0e+00;
	v4 =	vld [tilespmem:s9+$0xD0]  }
0xf5: {  	[tilespmem:s15+$0x30] =	vst v0;
	v0 =	vld [tilespmem:s17+$0xD0]  }
0xf6: {  	v2 =	vmax.f32 v2, $0.0e+00;
	v6 =	vld [tilespmem:s9+$0x40];
	v1 =	vadd.f32 v1, v3  }
0xf7: {  	[tilespmem:s15+$0xFFFFFFC0] =	vst v2;
	v3 =	vld [tilespmem:s17+$0x40]  }
0xf8: {  	v2 =	vadd.f32 v7, v5;
	v5 =	vld [tilespmem:s9+$0xFFFFFFD0];
	v1 =	vmax.f32 v1, $0.0e+00  }
0xf9: {  	v7 =	vld [tilespmem:s17+$0xFFFFFFD0];
	[tilespmem:s14+$0xFFFFFFF0] =	vst v1  }
0xfa: {  	v1 =	vmax.f32 v2, $0.0e+00;
	v0 =	vadd.f32 v0, v4;
	v8 =	vld [tilespmem:s16+$0x70];
	s16 =	smov.u32 s9  }
0xfb: {  	[tilespmem:s15+$0xFFFFFF40] =	vst v1;
	v1 =	vld [tilespmem:s3+$0x70];
	s3 =	smov.u32 s17  }
0xfc: {  	v2 =	vld [tilespmem:s9+$0xFFFFFF50];
	v3 =	vadd.f32 v3, v6;
	v0 =	vmax.f32 v0, $0.0e+00  }
.Ltmp0:
0xfd: {  	v4 =	vld [tilespmem:s17+$0xFFFFFF50];
	[tilespmem:s15+$0xD0] =	vst v0;
	(pc) =	sbr.rel @p1 .LBB2_3-.Ltmp0, $4  }
0xfe: {  	v5 =	vadd.f32 v7, v5;
	v3 =	vmax.f32 v3, $0.0e+00;
	v0 =	vld [tilespmem:s9+$0xE0]  }
0xff: {  	[tilespmem:s15+$0x40] =	vst v3;
	v3 =	vld [tilespmem:s17+$0xE0]  }
0x100: {  	v6 =	vmax.f32 v5, $0.0e+00;
	v5 =	vld [tilespmem:s9+$0x50];
	v1 =	vadd.f32 v1, v8  }
0x101: {  	s9 =	sadd.s32 $0x200, s9;
	[tilespmem:s15+$0xFFFFFFD0] =	vst v6;
	v6 =	vld [tilespmem:s17+$0x50]  }
0x102: {  	v2 =	vadd.f32 v4, v2;
	_ =	sdelay $0x1  }
0x103: {  	v2 =	vmax.f32 v2, $0.0e+00  }
0x104: {  	[tilespmem:s15+$0xFFFFFF50] =	vst v2  }
0x105: {  	v2 =	vadd.f32 v6, v5;
	v4 =	vld [tilespmem:s16+$0xFFFFFF60]  }
0x106: {  	v5 =	vld [tilespmem:s3+$0xFFFFFF60]  }
0x107: {  	v6 =	vld [tilespmem:s16+$0xFFFFFFE0];
	v2 =	vmax.f32 v2, $0.0e+00  }
0x108: {  	[tilespmem:s15+$0x50] =	vst v2;
	v2 =	vld [tilespmem:s3+$0xFFFFFFE0]  }
0x109: {  	v0 =	vadd.f32 v3, v0;
	v3 =	vld [tilespmem:s16+$0x60]  }
0x10a: {  	v7 =	vld [tilespmem:s3+$0x60]  }
0x10b: {  	v0 =	vmax.f32 v0, $0.0e+00;
	v4 =	vadd.f32 v5, v4  }
0x10c: {  	[tilespmem:s15+$0xE0] =	vst v0  }
0x10d: {  	v0 =	vld [tilespmem:s16+$0xF0];
	v4 =	vmax.f32 v4, $0.0e+00;
	v2 =	vadd.f32 v2, v6  }
0x10e: {  	v5 =	vld [tilespmem:s3+$0xF0];
	[tilespmem:s15+$0xFFFFFF60] =	vst v4  }
0x10f: {  	v3 =	vadd.f32 v7, v3;
	v4 =	vld [tilespmem:s16+$0xFFFFFF70];
	v2 =	vmax.f32 v2, $0.0e+00  }
0x110: {  	[tilespmem:s15+$0xFFFFFFE0] =	vst v2;
	v2 =	vld [tilespmem:s3+$0xFFFFFF70]  }
0x111: {  	v3 =	vmax.f32 v3, $0.0e+00;
	v6 =	vld [tilespmem:s16+$0xFFFFFFF0]  }
0x112: {  	[tilespmem:s15+$0x60] =	vst v3;
	v3 =	vld [tilespmem:s3+$0xFFFFFFF0]  }
0x113: {  	v7 =	vld [tilespmem:s16+$0x70]  }
0x114: {  	v8 =	vld [tilespmem:s3+$0x70];
	_ =	sdelay $0x1  }
0x115: {  	v0 =	vadd.f32 v5, v0  }
0x116: {  	v1 =	vmax.f32 v1, $0.0e+00;
	v2 =	vadd.f32 v2, v4  }
0x117: {  	[tilespmem:s14+$0x70] =	vst v1;
	v0 =	vmax.f32 v0, $0.0e+00;
	v1 =	vadd.f32 v3, v6  }
0x118: {  	[tilespmem:s15+$0xF0] =	vst v0;
	v0 =	vmax.f32 v2, $0.0e+00;
	v2 =	vadd.f32 v8, v7  }
0x119: {  	s9 =	sshll.u32 s26, $0x8;
	[tilespmem:s15+$0xFFFFFF70] =	vst v0;
	v0 =	vmax.f32 v1, $0.0e+00  }
0x11a: {  	s3 =	sand.u32 $0x100, s9;
	[tilespmem:s15+$0xFFFFFFF0] =	vst v0;
	v0 =	vmax.f32 v2, $0.0e+00  }
0x11b: {  	s3 =	sor.u32 $0x200, s3;
	[tilespmem:s15+$0x70] =	vst v0  }
0x11c: {  	[spmem:s2] =	stream.indirect.scatter.add.f32 [tilespmem:s31], [sflag:$0x3], $0x80, s3, s22, $0xb8;
	v63 =	vld [tilespmem:$0x0]  }
0x11d: {  	_ =	swait.ge [sflag:s28], $0x2000  }
0x11e: {  	[sflag:s28] =	ssyncset.done $0x0  }
0x11f: {  	[sflag:s28] =	ssyncadd.s32 $0xFFFFE000  }
0x120: {  	_ =	swait.ge [sflag:s28], $0x2000  }
0x121: {  	[sflag:s28] =	ssyncset.done $0x0  }
0x122: {  	[sflag:s28] =	ssyncadd.s32 $0xFFFFE000  }
0x123: {  	_ =	swait.ge [sflag:s21], $0x80  }
0x124: {  	[sflag:s21] =	ssyncset.done $0x0  }
0x125: {  	[sflag:s21] =	ssyncadd.s32 $0xFFFFFF80  }
0x126: {  	_ =	swait.ge [sflag:s21], $0x80  }
0x127: {  	s14 =	smin.u32 s12, $0x9C3;
	[sflag:s21] =	ssyncset.done $0x0  }
0x128: {  	s15 =	sadd.s32 $0x3, s11;
	s3 =	sshll.u32 s14, $0xA;
	[sflag:s21] =	ssyncadd.s32 $0xFFFFFF80  }
0x129: {  	[tilespmem:s23], [sflag:$0x2] =	stream.indirect.gather [hbm4b:s1+s22], $0x80, s13, s22, $0xb8;
	v63 =	vld [tilespmem:$0x0]  }
0x12a: {  	s9 =	sshll.u32 s15, $0x4;
	s3 =	sadd.s32 s5, s3  }
0x12b: {  	[tilespmem:s24], [sflag:$0x2] =	stream.linear.gather [hbm4b:s3+s4], $0x2000, $0x38;
	v63 =	vld [tilespmem:$0x0]  }
0x12c: {  	s9 =	sand.u32 $0xFFFFFF0, s9;
	s3 =	sshll.u32 s15, $0x7  }
0x12d: {  	s16 =	sadd.s32 s6, s9;
	s3 =	sand.u32 $0x180, s3  }
0x12e: {  	[tilespmem:s3], [sflag:$0x1] =	stream.linear.gather [hbm4b:s16+s4], $0x80, $0x38;
	v63 =	vld [tilespmem:$0x0]  }
0x12f: {  	s9 =	sadd.s32 s7, s9;
	s3 =	sor.u32 $0x200, s3  }
0x130: {  	[tilespmem:s3], [sflag:$0x1] =	stream.linear.gather [hbm4b:s9+s4], $0x80, $0x38;
	v63 =	vld [tilespmem:$0x0]  }
0x131: {  	s3 =	simm.s32 @!p0 $0x4  }
0x132: {  	_ =	swait.ge @!p0 [sflag:s3], $0x2000  }
0x133: {  	[sflag:s3] =	ssyncset.done @!p0 $0x0  }
0x134: {  	s17 =	simm.s32 $0x25F0;
	[sflag:s3] =	ssyncadd.s32 @!p0 $0xFFFFE000  }
0x135: {  	s20 =	simm.s32 $0x6500;
	v0 =	vld [tilespmem:s17+$0xFFFFFF90]  }
0x136: {  	v1 =	vld [tilespmem:s20+$0x80];
	_ =	sdelay $0x4  }
0x137: {  	v2 =	vld [tilespmem:s17+$0xFFFFFE90];
	v0 =	vadd.f32 v1, v0  }
0x138: {  	v1 =	vld [tilespmem:s20+$0xFFFFFF80]  }
0x139: {  	s11 =	simm.s32 $0xA5F0;
	v3 =	vld [tilespmem:s20+$0xFFFFFF00];
	v0 =	vmax.f32 v0, $0.0e+00  }
0x13a: {  	v4 =	vld [tilespmem:s17+$0xFFFFFE10];
	[tilespmem:s11+$0xFFFFFF90] =	vst v0  }
0x13b: {  	v0 =	vld [tilespmem:s17+$0xFFFFFFA0]  }
0x13c: {  	v5 =	vld [tilespmem:s20+$0x90]  }
0x13d: {  	v6 =	vld [tilespmem:s17+$0xFFFFFF10];
	v1 =	vadd.f32 v1, v2  }
0x13e: {  	v2 =	vld [tilespmem:s20+$0x0]  }
0x13f: {  	v3 =	vadd.f32 v3, v4;
	v1 =	vmax.f32 v1, $0.0e+00  }
0x140: {  	[tilespmem:s11+$0xFFFFFE90] =	vst v1  }
0x141: {  	v3 =	vmax.f32 v3, $0.0e+00;
	v1 =	vld [tilespmem:s17+$0xFFFFFEA0];
	v0 =	vadd.f32 v5, v0  }
0x142: {  	[tilespmem:s11+$0xFFFFFE10] =	vst v3;
	v4 =	vld [tilespmem:s20+$0xFFFFFF90]  }
0x143: {  	v3 =	vld [tilespmem:s17+$0xFFFFFE20];
	v2 =	vadd.f32 v2, v6;
	v0 =	vmax.f32 v0, $0.0e+00  }
0x144: {  	v5 =	vld [tilespmem:s20+$0xFFFFFF10];
	[tilespmem:s11+$0xFFFFFFA0] =	vst v0  }
0x145: {  	v0 =	vmax.f32 v2, $0.0e+00;
	v2 =	vld [tilespmem:s17+$0xFFFFFFB0]  }
0x146: {  	[tilespmem:s11+$0xFFFFFF10] =	vst v0;
	v0 =	vld [tilespmem:s20+$0xA0]  }
0x147: {  	v6 =	vld [tilespmem:s17+$0xFFFFFF20];
	v1 =	vadd.f32 v4, v1  }
0x148: {  	v4 =	vld [tilespmem:s20+$0x10]  }
0x149: {  	v1 =	vmax.f32 v1, $0.0e+00  }
0x14a: {  	v3 =	vadd.f32 v5, v3;
	[tilespmem:s11+$0xFFFFFEA0] =	vst v1  }
0x14b: {  	v1 =	vld [tilespmem:s17+$0xFFFFFEB0];
	v0 =	vadd.f32 v0, v2  }
0x14c: {  	v3 =	vmax.f32 v3, $0.0e+00;
	v2 =	vld [tilespmem:s20+$0xFFFFFFA0]  }
0x14d: {  	[tilespmem:s11+$0xFFFFFE20] =	vst v3;
	v3 =	vadd.f32 v4, v6;
	v0 =	vmax.f32 v0, $0.0e+00  }
0x14e: {  	[tilespmem:s11+$0xFFFFFFB0] =	vst v0  }
0x14f: {  	v0 =	vmax.f32 v3, $0.0e+00;
	v3 =	vld [tilespmem:s17+$0xFFFFFFC0]  }
0x150: {  	[tilespmem:s11+$0xFFFFFF20] =	vst v0;
	v0 =	vld [tilespmem:s20+$0xB0]  }
0x151: {  	v1 =	vadd.f32 v2, v1;
	v2 =	vld [tilespmem:s17+$0xFFFFFF30]  }
0x152: {  	v6 =	vld [tilespmem:s20+$0x20]  }
0x153: {  	v5 =	vld [tilespmem:s20+$0xFFFFFF20];
	v1 =	vmax.f32 v1, $0.0e+00  }
0x154: {  	v4 =	vld [tilespmem:s17+$0xFFFFFE30];
	[tilespmem:s11+$0xFFFFFEB0] =	vst v1  }
0x155: {  	v1 =	vld [tilespmem:s17+$0xFFFFFEC0];
	v0 =	vadd.f32 v0, v3  }
0x156: {  	v3 =	vld [tilespmem:s20+$0xFFFFFFB0]  }
0x157: {  	v2 =	vadd.f32 v6, v2;
	v0 =	vmax.f32 v0, $0.0e+00  }
0x158: {  	[tilespmem:s11+$0xFFFFFFC0] =	vst v0  }
0x159: {  	v4 =	vadd.f32 v5, v4;
	v0 =	vmax.f32 v2, $0.0e+00;
	v2 =	vld [tilespmem:s17+$0xFFFFFFD0]  }
0x15a: {  	[tilespmem:s11+$0xFFFFFF30] =	vst v0;
	v0 =	vld [tilespmem:s20+$0xC0]  }
0x15b: {  	v4 =	vmax.f32 v4, $0.0e+00;
	v1 =	vadd.f32 v3, v1;
	v3 =	vld [tilespmem:s17+$0xFFFFFF40]  }
0x15c: {  	[tilespmem:s11+$0xFFFFFE30] =	vst v4;
	v6 =	vld [tilespmem:s20+$0x30]  }
0x15d: {  	v4 =	vld [tilespmem:s17+$0xFFFFFE40];
	v1 =	vmax.f32 v1, $0.0e+00  }
0x15e: {  	v5 =	vld [tilespmem:s20+$0xFFFFFF30];
	[tilespmem:s11+$0xFFFFFEC0] =	vst v1  }
0x15f: {  	v1 =	vld [tilespmem:s17+$0xFFFFFED0];
	v0 =	vadd.f32 v0, v2  }
0x160: {  	v2 =	vld [tilespmem:s20+$0xFFFFFFC0]  }
0x161: {  	s14 =	simm.s32 $0x6700;
	v3 =	vadd.f32 v6, v3;
	v0 =	vmax.f32 v0, $0.0e+00  }
0x162: {  	v10 =	vld [tilespmem:s14+$0xFFFFFF00];
	[tilespmem:s11+$0xFFFFFFD0] =	vst v0  }
0x163: {  	v0 =	vmax.f32 v3, $0.0e+00;
	v3 =	vld [tilespmem:s17+$0xFFFFFFE0]  }
0x164: {  	v4 =	vadd.f32 v5, v4;
	[tilespmem:s11+$0xFFFFFF40] =	vst v0;
	v0 =	vld [tilespmem:s20+$0xD0]  }
0x165: {  	v1 =	vadd.f32 v2, v1;
	v2 =	vld [tilespmem:s17+$0xFFFFFF50]  }
0x166: {  	s12 =	simm.s32 $0x27F0;
	v4 =	vmax.f32 v4, $0.0e+00;
	v6 =	vld [tilespmem:s20+$0x40]  }
0x167: {  	v52 =	vld [tilespmem:s12+$0xFFFFFE10];
	[tilespmem:s11+$0xFFFFFE40] =	vst v4  }
0x168: {  	v4 =	vld [tilespmem:s17+$0xFFFFFE50]  }
0x169: {  	v5 =	vld [tilespmem:s20+$0xFFFFFF40];
	v0 =	vadd.f32 v0, v3  }
0x16a: {  	v8 =	vld [tilespmem:s12+$0xFFFFFF90]  }
0x16b: {  	v9 =	vld [tilespmem:s14+$0x80];
	v2 =	vadd.f32 v6, v2;
	v0 =	vmax.f32 v0, $0.0e+00  }
0x16c: {  	v11 =	vld [tilespmem:s14+$0xFFFFFF80];
	v10 =	vadd.f32 v10, v52;
	[tilespmem:s11+$0xFFFFFFE0] =	vst v0  }
0x16d: {  	v0 =	vmax.f32 v2, $0.0e+00;
	v2 =	vld [tilespmem:s17+$0xFFFFFFF0]  }
0x16e: {  	s13 =	simm.s32 $0xA7F0;
	v10 =	vmax.f32 v10, $0.0e+00;
	v4 =	vadd.f32 v5, v4;
	[tilespmem:s11+$0xFFFFFF50] =	vst v0;
	v0 =	vld [tilespmem:s20+$0xE0]  }
0x16f: {  	v12 =	vld [tilespmem:s12+$0xFFFFFF10];
	[tilespmem:s13+$0xFFFFFE10] =	vst v10;
	v1 =	vmax.f32 v1, $0.0e+00  }
0x170: {  	v10 =	vld [tilespmem:s12+$0xFFFFFE20];
	[tilespmem:s11+$0xFFFFFED0] =	vst v1;
	v4 =	vmax.f32 v4, $0.0e+00  }
0x171: {  	v1 =	vld [tilespmem:s17+$0xFFFFFEE0];
	[tilespmem:s11+$0xFFFFFE50] =	vst v4  }
0x172: {  	v4 =	vld [tilespmem:s17+$0xFFFFFE60]  }
0x173: {  	v5 =	vld [tilespmem:s20+$0xFFFFFF50];
	v0 =	vadd.f32 v0, v2  }
0x174: {  	v2 =	vld [tilespmem:s12+$0xFFFFFE90]  }
0x175: {  	v3 =	vld [tilespmem:s20+$0xFFFFFFD0];
	v0 =	vmax.f32 v0, $0.0e+00  }
0x176: {  	v6 =	vld [tilespmem:s17+$0xFFFFFF60];
	[tilespmem:s11+$0xFFFFFFF0] =	vst v0;
	v0 =	vadd.f32 v9, v8  }
0x177: {  	v7 =	vld [tilespmem:s20+$0x50]  }
0x178: {  	v4 =	vadd.f32 v5, v4;
	v5 =	vld [tilespmem:s14+$0x0];
	v0 =	vmax.f32 v0, $0.0e+00  }
0x179: {  	v54 =	vld [tilespmem:s14+$0xFFFFFF10];
	v2 =	vadd.f32 v11, v2;
	[tilespmem:s13+$0xFFFFFF90] =	vst v0  }
0x17a: {  	v0 =	vmax.f32 v4, $0.0e+00;
	v4 =	vld [tilespmem:s12+$0xFFFFFFA0]  }
0x17b: {  	v1 =	vadd.f32 v3, v1;
	[tilespmem:s11+$0xFFFFFE60] =	vst v0;
	v0 =	vmax.f32 v2, $0.0e+00;
	v2 =	vld [tilespmem:s14+$0x90]  }
0x17c: {  	v6 =	vadd.f32 v7, v6;
	v8 =	vld [tilespmem:s17+$0x0]  }
0x17d: {  	v1 =	vmax.f32 v1, $0.0e+00;
	v5 =	vadd.f32 v5, v12;
	v51 =	vld [tilespmem:s20+$0xF0];
	[tilespmem:s13+$0xFFFFFE90] =	vst v0  }
0x17e: {  	[tilespmem:s11+$0xFFFFFEE0] =	vst v1;
	v6 =	vmax.f32 v6, $0.0e+00;
	v3 =	vld [tilespmem:s12+$0xFFFFFEA0]  }
0x17f: {  	v1 =	vmax.f32 v5, $0.0e+00;
	[tilespmem:s11+$0xFFFFFF60] =	vst v6;
	v53 =	vld [tilespmem:s14+$0xFFFFFF90]  }
0x180: {  	v6 =	vld [tilespmem:s20+$0xFFFFFFE0];
	[tilespmem:s13+$0xFFFFFF10] =	vst v1;
	v1 =	vadd.f32 v2, v4  }
0x181: {  	v57 =	vld [tilespmem:s17+$0xFFFFFF70]  }
0x182: {  	v58 =	vld [tilespmem:s20+$0x60];
	v1 =	vmax.f32 v1, $0.0e+00  }
0x183: {  	v0 =	vld [tilespmem:s17+$0xFFFFFE70];
	[tilespmem:s13+$0xFFFFFFA0] =	vst v1  }
0x184: {  	v3 =	vadd.f32 v53, v3;
	v1 =	vld [tilespmem:s12+$0xFFFFFFB0]  }
0x185: {  	v55 =	vld [tilespmem:s14+$0xA0]  }
0x186: {  	v4 =	vld [tilespmem:s12+$0xFFFFFF20];
	v3 =	vmax.f32 v3, $0.0e+00  }
0x187: {  	[tilespmem:s13+$0xFFFFFEA0] =	vst v3;
	v3 =	vld [tilespmem:s14+$0x10]  }
0x188: {  	v10 =	vadd.f32 v54, v10;
	v7 =	vld [tilespmem:s12+$0xFFFFFEB0]  }
0x189: {  	v56 =	vld [tilespmem:s14+$0xFFFFFFA0]  }
0x18a: {  	v10 =	vmax.f32 v10, $0.0e+00;
	v5 =	vld [tilespmem:s20+$0xFFFFFF60];
	v1 =	vadd.f32 v55, v1  }
0x18b: {  	[tilespmem:s13+$0xFFFFFE20] =	vst v10;
	v2 =	vld [tilespmem:s17+$0xFFFFFEF0]  }
0x18c: {  	v3 =	vadd.f32 v3, v4;
	v4 =	vld [tilespmem:s12+$0xFFFFFE30];
	v1 =	vmax.f32 v1, $0.0e+00  }
0x18d: {  	[tilespmem:s13+$0xFFFFFFB0] =	vst v1;
	v1 =	vld [tilespmem:s14+$0xFFFFFF20]  }
0x18e: {  	v7 =	vadd.f32 v56, v7;
	v3 =	vmax.f32 v3, $0.0e+00;
	v59 =	vld [tilespmem:s12+$0xFFFFFFC0]  }
0x18f: {  	v0 =	vadd.f32 v5, v0;
	[tilespmem:s13+$0xFFFFFF20] =	vst v3;
	v3 =	vld [tilespmem:s14+$0xB0]  }
0x190: {  	v5 =	vmax.f32 v7, $0.0e+00;
	v7 =	vld [tilespmem:s12+$0xFFFFFF30]  }
0x191: {  	v0 =	vmax.f32 v0, $0.0e+00;
	[tilespmem:s13+$0xFFFFFEB0] =	vst v5;
	v5 =	vld [tilespmem:s14+$0x20]  }
0x192: {  	[tilespmem:s11+$0xFFFFFE70] =	vst v0;
	v0 =	vld [tilespmem:s14+$0xFFFFFFB0];
	v1 =	vadd.f32 v1, v4  }
0x193: {  	v4 =	vld [tilespmem:s12+$0xFFFFFEC0]  }
0x194: {  	v60 =	vld [tilespmem:s17+$0xFFFFFE80];
	v3 =	vadd.f32 v3, v59;
	v1 =	vmax.f32 v1, $0.0e+00  }
0x195: {  	[tilespmem:s13+$0xFFFFFE30] =	vst v1;
	v1 =	vld [tilespmem:s20+$0xFFFFFF70]  }
0x196: {  	v5 =	vadd.f32 v5, v7;
	v3 =	vmax.f32 v3, $0.0e+00;
	v7 =	vld [tilespmem:s12+$0xFFFFFE40]  }
0x197: {  	[tilespmem:s13+$0xFFFFFFC0] =	vst v3;
	v3 =	vld [tilespmem:s14+$0xFFFFFF30]  }
0x198: {  	v0 =	vadd.f32 v0, v4;
	v4 =	vmax.f32 v5, $0.0e+00;
	v5 =	vld [tilespmem:s12+$0xFFFFFFD0]  }
0x199: {  	[tilespmem:s13+$0xFFFFFF30] =	vst v4;
	v4 =	vld [tilespmem:s14+$0xC0]  }
0x19a: {  	v2 =	vadd.f32 v6, v2;
	v0 =	vmax.f32 v0, $0.0e+00;
	v6 =	vld [tilespmem:s12+$0xFFFFFF40]  }
0x19b: {  	[tilespmem:s13+$0xFFFFFEC0] =	vst v0;
	v0 =	vld [tilespmem:s14+$0x30]  }
0x19c: {  	v2 =	vmax.f32 v2, $0.0e+00;
	v3 =	vadd.f32 v3, v7;
	v7 =	vld [tilespmem:s12+$0xFFFFFED0]  }
0x19d: {  	[tilespmem:s11+$0xFFFFFEF0] =	vst v2;
	v2 =	vld [tilespmem:s14+$0xFFFFFFC0]  }
0x19e: {  	v3 =	vmax.f32 v3, $0.0e+00;
	v4 =	vadd.f32 v4, v5;
	v5 =	vld [tilespmem:s17+$0xFFFFFF00]  }
0x19f: {  	[tilespmem:s13+$0xFFFFFE40] =	vst v3;
	v3 =	vld [tilespmem:s20+$0xFFFFFFF0]  }
0x1a0: {  	v0 =	vadd.f32 v0, v6;
	v6 =	vld [tilespmem:s12+$0xFFFFFE50];
	v4 =	vmax.f32 v4, $0.0e+00  }
0x1a1: {  	[tilespmem:s13+$0xFFFFFFD0] =	vst v4;
	v4 =	vld [tilespmem:s14+$0xFFFFFF40]  }
0x1a2: {  	v2 =	vadd.f32 v2, v7;
	v0 =	vmax.f32 v0, $0.0e+00;
	v7 =	vld [tilespmem:s12+$0xFFFFFFE0]  }
0x1a3: {  	[tilespmem:s13+$0xFFFFFF40] =	vst v0;
	v0 =	vld [tilespmem:s14+$0xD0]  }
0x1a4: {  	v10 =	vadd.f32 v58, v57;
	v2 =	vmax.f32 v2, $0.0e+00;
	v61 =	vld [tilespmem:s12+$0xFFFFFF50]  }
0x1a5: {  	[tilespmem:s13+$0xFFFFFED0] =	vst v2;
	v2 =	vld [tilespmem:s14+$0x40]  }
0x1a6: {  	v10 =	vmax.f32 v10, $0.0e+00;
	v62 =	vld [tilespmem:s14+$0xFFFFFFD0];
	v4 =	vadd.f32 v4, v6  }
0x1a7: {  	v8 =	vadd.f32 v51, v8;
	[tilespmem:s11+$0xFFFFFF70] =	vst v10;
	v6 =	vld [tilespmem:s12+$0xFFFFFEE0]  }
0x1a8: {  	v10 =	vld [tilespmem:s20+$0x70];
	v4 =	vmax.f32 v4, $0.0e+00;
	v0 =	vadd.f32 v0, v7  }
0x1a9: {  	v8 =	vmax.f32 v8, $0.0e+00;
	v1 =	vadd.f32 v1, v60;
	v7 =	vld [tilespmem:s17+$0xFFFFFF80];
	[tilespmem:s13+$0xFFFFFE50] =	vst v4  }
0x1aa: {  	[tilespmem:s11+$0x0] =	vst v8;
	v8 =	vadd.f32 v2, v61;
	v2 =	vld [tilespmem:s12+$0xFFFFFE60];
	v0 =	vmax.f32 v0, $0.0e+00  }
0x1ab: {  	v1 =	vmax.f32 v1, $0.0e+00;
	v3 =	vadd.f32 v3, v5;
	v4 =	vld [tilespmem:s14+$0xFFFFFF50];
	[tilespmem:s13+$0xFFFFFFE0] =	vst v0  }
0x1ac: {  	[tilespmem:s11+$0xFFFFFE80] =	vst v1;
	v0 =	vadd.f32 v62, v6;
	v5 =	vmax.f32 v8, $0.0e+00;
	v1 =	vld [tilespmem:s12+$0xFFFFFFF0]  }
0x1ad: {  	v6 =	vmax.f32 v3, $0.0e+00;
	[tilespmem:s13+$0xFFFFFF50] =	vst v5;
	v3 =	vld [tilespmem:s14+$0xE0]  }
0x1ae: {  	[tilespmem:s11+$0xFFFFFF00] =	vst v6;
	v6 =	vmax.f32 v0, $0.0e+00;
	v5 =	vld [tilespmem:s12+$0xFFFFFF60];
	v0 =	vadd.f32 v10, v7  }
0x1af: {  	s15 =	simm.s32 $0x4;
	s9 =	simm.s32 $0x29F0;
	s3 =	simm.s32 $0x6700;
	[tilespmem:s13+$0xFFFFFEE0] =	vst v6;
	v6 =	vld [tilespmem:s14+$0x50]  }
.LBB2_5:
0x1b0: {  	v7 =	vld [tilespmem:s9+$0xFFFFFF90];
	v2 =	vadd.f32 v4, v2;
	s14 =	sadd.s32 $0x200, s14;
	v0 =	vmax.f32 v0, $0.0e+00  }
0x1b1: {  	v4 =	vld [tilespmem:s14+$0x80];
	[tilespmem:s11+$0xFFFFFF80] =	vst v0;
	s11 =	smov.u32 s13  }
0x1b2: {  	v0 =	vld [tilespmem:s14+$0xFFFFFF00];
	v2 =	vmax.f32 v2, $0.0e+00;
	v1 =	vadd.f32 v3, v1  }
0x1b3: {  	v3 =	vld [tilespmem:s9+$0xFFFFFE90];
	[tilespmem:s13+$0xFFFFFE60] =	vst v2  }
0x1b4: {  	v2 =	vld [tilespmem:s14+$0xFFFFFF80];
	v5 =	vadd.f32 v6, v5;
	v1 =	vmax.f32 v1, $0.0e+00  }
0x1b5: {  	v6 =	vld [tilespmem:s9+$0xFFFFFF10];
	[tilespmem:s13+$0xFFFFFFF0] =	vst v1  }
0x1b6: {  	v1 =	vadd.f32 v4, v7;
	v4 =	vmax.f32 v5, $0.0e+00;
	v5 =	vld [tilespmem:s12+$0x0]  }
0x1b7: {  	[tilespmem:s13+$0xFFFFFF60] =	vst v4;
	v4 =	vld [tilespmem:s3+$0xF0]  }
0x1b8: {  	s15 =	sadd.s32 $0x4, s15;
	s13 =	sadd.s32 $0x200, s13;
	v7 =	vld [tilespmem:s14+$0x0];
	v1 =	vmax.f32 v1, $0.0e+00  }
0x1b9: {  	p0 =	slt.u32 s15, $0x3C;
	v8 =	vld [tilespmem:s9+$0xFFFFFE10];
	v2 =	vadd.f32 v2, v3;
	[tilespmem:s13+$0xFFFFFF90] =	vst v1  }
0x1ba: {  	v1 =	vld [tilespmem:s9+$0xFFFFFFA0]  }
0x1bb: {  	v2 =	vmax.f32 v2, $0.0e+00;
	v3 =	vld [tilespmem:s14+$0x90]  }
0x1bc: {  	[tilespmem:s13+$0xFFFFFE90] =	vst v2;
	v2 =	vld [tilespmem:s12+$0xFFFFFE70];
	v4 =	vadd.f32 v4, v5  }
0x1bd: {  	v5 =	vld [tilespmem:s9+$0xFFFFFEA0];
	v6 =	vadd.f32 v7, v6  }
0x1be: {  	v0 =	vadd.f32 v0, v8;
	v7 =	vld [tilespmem:s14+$0xFFFFFF90];
	v4 =	vmax.f32 v4, $0.0e+00  }
0x1bf: {  	v6 =	vmax.f32 v6, $0.0e+00;
	v8 =	vld [tilespmem:s3+$0xFFFFFF60];
	[tilespmem:s11+$0x0] =	vst v4  }
0x1c0: {  	v0 =	vmax.f32 v0, $0.0e+00;
	[tilespmem:s13+$0xFFFFFF10] =	vst v6;
	v1 =	vadd.f32 v3, v1;
	v3 =	vld [tilespmem:s12+$0xFFFFFEF0]  }
0x1c1: {  	[tilespmem:s13+$0xFFFFFE10] =	vst v0;
	v0 =	vld [tilespmem:s9+$0xFFFFFF20]  }
0x1c2: {  	v4 =	vld [tilespmem:s9+$0xFFFFFE20];
	v1 =	vmax.f32 v1, $0.0e+00  }
0x1c3: {  	v6 =	vld [tilespmem:s14+$0xFFFFFF10];
	v5 =	vadd.f32 v7, v5;
	[tilespmem:s13+$0xFFFFFFA0] =	vst v1  }
0x1c4: {  	v1 =	vld [tilespmem:s9+$0xFFFFFFB0];
	v2 =	vadd.f32 v8, v2  }
0x1c5: {  	v5 =	vmax.f32 v5, $0.0e+00;
	v7 =	vld [tilespmem:s14+$0xA0]  }
0x1c6: {  	[tilespmem:s13+$0xFFFFFEA0] =	vst v5;
	v5 =	vld [tilespmem:s14+$0x10];
	v2 =	vmax.f32 v2, $0.0e+00  }
0x1c7: {  	v8 =	vld [tilespmem:s9+$0xFFFFFEB0];
	[tilespmem:s11+$0xFFFFFE70] =	vst v2  }
0x1c8: {  	v2 =	vadd.f32 v6, v4;
	v4 =	vld [tilespmem:s14+$0xFFFFFFA0]  }
0x1c9: {  	v6 =	vld [tilespmem:s3+$0xFFFFFFE0]  }
0x1ca: {  	v2 =	vmax.f32 v2, $0.0e+00;
	v1 =	vadd.f32 v7, v1;
	v7 =	vld [tilespmem:s12+$0xFFFFFF70]  }
0x1cb: {  	[tilespmem:s13+$0xFFFFFE20] =	vst v2;
	v0 =	vadd.f32 v5, v0;
	v2 =	vld [tilespmem:s3+$0x60]  }
0x1cc: {  	v5 =	vld [tilespmem:s9+$0xFFFFFE30];
	v1 =	vmax.f32 v1, $0.0e+00  }
0x1cd: {  	v9 =	vld [tilespmem:s14+$0xFFFFFF20];
	v4 =	vadd.f32 v4, v8;
	v0 =	vmax.f32 v0, $0.0e+00;
	[tilespmem:s13+$0xFFFFFFB0] =	vst v1  }
0x1ce: {  	[tilespmem:s13+$0xFFFFFF20] =	vst v0;
	v0 =	vld [tilespmem:s9+$0xFFFFFFC0];
	v1 =	vadd.f32 v6, v3  }
0x1cf: {  	v3 =	vmax.f32 v4, $0.0e+00;
	v4 =	vld [tilespmem:s14+$0xB0]  }
0x1d0: {  	[tilespmem:s13+$0xFFFFFEB0] =	vst v3;
	v3 =	vld [tilespmem:s9+$0xFFFFFF30];
	v1 =	vmax.f32 v1, $0.0e+00;
	v2 =	vadd.f32 v2, v7  }
0x1d1: {  	v6 =	vld [tilespmem:s14+$0x20];
	[tilespmem:s11+$0xFFFFFEF0] =	vst v1  }
0x1d2: {  	v1 =	vadd.f32 v9, v5;
	v5 =	vld [tilespmem:s9+$0xFFFFFEC0];
	v2 =	vmax.f32 v2, $0.0e+00  }
0x1d3: {  	v7 =	vld [tilespmem:s14+$0xFFFFFFB0];
	[tilespmem:s11+$0xFFFFFF70] =	vst v2  }
0x1d4: {  	v1 =	vmax.f32 v1, $0.0e+00;
	v0 =	vadd.f32 v4, v0;
	v2 =	vld [tilespmem:s12+$0xFFFFFE80]  }
0x1d5: {  	[tilespmem:s13+$0xFFFFFE30] =	vst v1;
	v1 =	vld [tilespmem:s3+$0xFFFFFF70]  }
0x1d6: {  	v4 =	vld [tilespmem:s9+$0xFFFFFE40];
	v3 =	vadd.f32 v6, v3;
	v0 =	vmax.f32 v0, $0.0e+00  }
0x1d7: {  	v6 =	vld [tilespmem:s14+$0xFFFFFF30];
	[tilespmem:s13+$0xFFFFFFC0] =	vst v0  }
0x1d8: {  	v0 =	vadd.f32 v7, v5;
	v3 =	vmax.f32 v3, $0.0e+00;
	v5 =	vld [tilespmem:s9+$0xFFFFFFD0]  }
0x1d9: {  	[tilespmem:s13+$0xFFFFFF30] =	vst v3;
	v3 =	vld [tilespmem:s14+$0xC0]  }
0x1da: {  	v0 =	vmax.f32 v0, $0.0e+00;
	v7 =	vld [tilespmem:s9+$0xFFFFFF40];
	v1 =	vadd.f32 v1, v2  }
0x1db: {  	[tilespmem:s13+$0xFFFFFEC0] =	vst v0;
	v0 =	vld [tilespmem:s14+$0x30]  }
0x1dc: {  	v2 =	vadd.f32 v6, v4;
	v4 =	vld [tilespmem:s9+$0xFFFFFED0];
	v1 =	vmax.f32 v1, $0.0e+00  }
0x1dd: {  	v6 =	vld [tilespmem:s14+$0xFFFFFFC0];
	[tilespmem:s11+$0xFFFFFE80] =	vst v1  }
0x1de: {  	v1 =	vmax.f32 v2, $0.0e+00;
	v2 =	vadd.f32 v3, v5;
	v3 =	vld [tilespmem:s12+$0xFFFFFF00]  }
0x1df: {  	[tilespmem:s13+$0xFFFFFE40] =	vst v1;
	v1 =	vld [tilespmem:s3+$0xFFFFFFF0]  }
0x1e0: {  	v5 =	vld [tilespmem:s9+$0xFFFFFE50];
	v0 =	vadd.f32 v0, v7;
	v2 =	vmax.f32 v2, $0.0e+00  }
0x1e1: {  	v7 =	vld [tilespmem:s14+$0xFFFFFF40];
	[tilespmem:s13+$0xFFFFFFD0] =	vst v2  }
0x1e2: {  	v2 =	vadd.f32 v6, v4;
	v0 =	vmax.f32 v0, $0.0e+00;
	v4 =	vld [tilespmem:s9+$0xFFFFFFE0]  }
0x1e3: {  	[tilespmem:s13+$0xFFFFFF40] =	vst v0;
	v0 =	vld [tilespmem:s14+$0xD0]  }
0x1e4: {  	v2 =	vmax.f32 v2, $0.0e+00;
	v6 =	vld [tilespmem:s9+$0xFFFFFF50];
	v1 =	vadd.f32 v1, v3  }
0x1e5: {  	[tilespmem:s13+$0xFFFFFED0] =	vst v2;
	v3 =	vld [tilespmem:s14+$0x40]  }
0x1e6: {  	v2 =	vadd.f32 v7, v5;
	v5 =	vld [tilespmem:s9+$0xFFFFFEE0];
	v1 =	vmax.f32 v1, $0.0e+00  }
0x1e7: {  	v7 =	vld [tilespmem:s14+$0xFFFFFFD0];
	[tilespmem:s11+$0xFFFFFF00] =	vst v1  }
0x1e8: {  	v1 =	vmax.f32 v2, $0.0e+00;
	v0 =	vadd.f32 v0, v4;
	v8 =	vld [tilespmem:s12+$0xFFFFFF80];
	s12 =	smov.u32 s9  }
0x1e9: {  	[tilespmem:s13+$0xFFFFFE50] =	vst v1;
	v9 =	vld [tilespmem:s3+$0x70];
	s3 =	smov.u32 s14  }
0x1ea: {  	v2 =	vld [tilespmem:s9+$0xFFFFFE60];
	v1 =	vadd.f32 v3, v6;
	v0 =	vmax.f32 v0, $0.0e+00  }
.Ltmp1:
0x1eb: {  	v4 =	vld [tilespmem:s14+$0xFFFFFF50];
	[tilespmem:s13+$0xFFFFFFE0] =	vst v0;
	(pc) =	sbr.rel @p0 .LBB2_5-.Ltmp1, $4  }
0x1ec: {  	v0 =	vadd.f32 v7, v5;
	v3 =	vmax.f32 v1, $0.0e+00;
	v1 =	vld [tilespmem:s9+$0xFFFFFFF0]  }
0x1ed: {  	[tilespmem:s13+$0xFFFFFF50] =	vst v3;
	v3 =	vld [tilespmem:s14+$0xE0]  }
0x1ee: {  	v6 =	vmax.f32 v0, $0.0e+00;
	v5 =	vld [tilespmem:s9+$0xFFFFFF60];
	v0 =	vadd.f32 v9, v8  }
0x1ef: {  	s9 =	sadd.s32 $0x200, s9;
	[tilespmem:s13+$0xFFFFFEE0] =	vst v6;
	v6 =	vld [tilespmem:s14+$0x50]  }
0x1f0: {  	_ =	sdelay $0x1  }
0x1f1: {  	v2 =	vadd.f32 v4, v2;
	_ =	sdelay $0x1  }
0x1f2: {  	v49 =	vld [tilespmem:s12+$0xFFFFFEF0];
	v2 =	vmax.f32 v2, $0.0e+00;
	v46 =	vadd.f32 v6, v5  }
0x1f3: {  	v50 =	vld [tilespmem:s3+$0xFFFFFFE0];
	[tilespmem:s13+$0xFFFFFE60] =	vst v2  }
0x1f4: {  	v47 =	vld [tilespmem:s12+$0xFFFFFE70];
	v2 =	vmax.f32 v46, $0.0e+00  }
0x1f5: {  	v48 =	vld [tilespmem:s3+$0xFFFFFF60];
	[tilespmem:s13+$0xFFFFFF60] =	vst v2  }
0x1f6: {  	v1 =	vadd.f32 v3, v1;
	v51 =	vld [tilespmem:s12+$0xFFFFFF70]  }
0x1f7: {  	v7 =	vld [tilespmem:s3+$0x60]  }
0x1f8: {  	v1 =	vmax.f32 v1, $0.0e+00;
	v2 =	vadd.f32 v50, v49  }
0x1f9: {  	[tilespmem:s13+$0xFFFFFFF0] =	vst v1  }
0x1fa: {  	v1 =	vld [tilespmem:s12+$0x0];
	v4 =	vadd.f32 v48, v47;
	v2 =	vmax.f32 v2, $0.0e+00  }
0x1fb: {  	v52 =	vld [tilespmem:s3+$0xF0];
	[tilespmem:s13+$0xFFFFFEF0] =	vst v2  }
0x1fc: {  	v4 =	vmax.f32 v4, $0.0e+00;
	v54 =	vld [tilespmem:s12+$0xFFFFFF00];
	v3 =	vadd.f32 v7, v51  }
0x1fd: {  	v55 =	vld [tilespmem:s3+$0xFFFFFFF0];
	[tilespmem:s13+$0xFFFFFE70] =	vst v4  }
0x1fe: {  	v4 =	vld [tilespmem:s12+$0xFFFFFE80];
	v3 =	vmax.f32 v3, $0.0e+00  }
0x1ff: {  	v53 =	vld [tilespmem:s3+$0xFFFFFF70];
	[tilespmem:s13+$0xFFFFFF70] =	vst v3  }
0x200: {  	v56 =	vld [tilespmem:s12+$0xFFFFFF80]  }
0x201: {  	v8 =	vld [tilespmem:s3+$0x70];
	_ =	sdelay $0x1  }
0x202: {  	v1 =	vadd.f32 v52, v1  }
0x203: {  	v0 =	vmax.f32 v0, $0.0e+00;
	s26 =	sadd.s32 $0x1, s26;
	v58 =	vadd.f32 v55, v54  }
0x204: {  	[tilespmem:s11+$0xFFFFFF80] =	vst v0;
	p0 =	sne.s32 s26, $0x28;
	v57 =	vmax.f32 v1, $0.0e+00;
	v2 =	vadd.f32 v53, v4  }
.Ltmp2:
0x205: {  	[tilespmem:s13+$0x0] =	vst v57;
	v61 =	vmax.f32 v58, $0.0e+00;
	v60 =	vadd.f32 v8, v56;
	(pc) =	sbr.rel @p0 .LBB2_2-.Ltmp2, $4  }
0x206: {  	[tilespmem:s13+$0xFFFFFF00] =	vst v61;
	v59 =	vmax.f32 v2, $0.0e+00  }
0x207: {  	[tilespmem:s13+$0xFFFFFE80] =	vst v59;
	v62 =	vmax.f32 v60, $0.0e+00  }
0x208: {  	[tilespmem:s13+$0xFFFFFF80] =	vst v62  }
0x209: {  	[spmem:s2] =	stream.indirect.scatter.add.f32 [tilespmem:s0], [sflag:$0x4], $0x80, s8, s22, $0xb8;
	v63 =	vld [tilespmem:$0x0]  }
0x20a: {  	s3 =	simm.s32 $0x3  }
0x20b: {  	_ =	swait.ge [sflag:s3], $0x2000  }
0x20c: {  	[sflag:s3] =	ssyncset.done $0x0  }
0x20d: {  	s17 =	simm.s32 $0x4;
	[sflag:s3] =	ssyncadd.s32 $0xFFFFE000  }
0x20e: {  	_ =	swait.ge [sflag:s17], $0x2000  }
0x20f: {  	[sflag:s17] =	ssyncset.done $0x0  }
0x210: {  	[sflag:s17] =	ssyncadd.s32 $0xFFFFE000  }
0x211: {  	_ =	swait.ge [sflag:s28], $0x2000  }
0x212: {  	[sflag:s28] =	ssyncset.done $0x0  }
0x213: {  	[sflag:s28] =	ssyncadd.s32 $0xFFFFE000  }
0x214: {  	_ =	swait.ge [sflag:s28], $0x2000  }
0x215: {  	[sflag:s28] =	ssyncset.done $0x0  }
0x216: {  	[sflag:s28] =	ssyncadd.s32 $0xFFFFE000  }
0x217: {  	_ =	swait.ge [sflag:s21], $0x80  }
0x218: {  	[sflag:s21] =	ssyncset.done $0x0  }
0x219: {  	[sflag:s21] =	ssyncadd.s32 $0xFFFFFF80  }
0x21a: {  	_ =	swait.ge [sflag:s21], $0x80  }
0x21b: {  	[sflag:s21] =	ssyncset.done $0x0  }
0x21c: {  	[sflag:s21] =	ssyncadd.s32 $0xFFFFFF80  }
0x21d: {  	[bflag:$0x0] =	sbarrier.arrive $0xFFFF  }
0x21e: {  	s20 =	rddreg [dreg:$0xa]  }
0x21f: {  	s8 =	rddreg [dreg:$0xc]  }
0x220: {  	[hbm:s20], [sflag:s18] =	dma.local [spmem:s8], $0x2780  }
0x221: {  	_ =	swait.ge [sflag:s19], $0x2780  }
0x222: {  	s25 =	sadd.s32 $0x1, s25;
	s26 =	rddreg [dreg:$0xb]  }
0x223: {  	p0 =	sne.s32 s25, s26  }
.Ltmp3:
0x224: {  	_ = 	snop;
	(pc) =	sbr.rel @p0 .LBB2_1-.Ltmp3, $3  }
0x225: {  	_ =	sdelay $0x1  }
0x226: {  	[sflag:s19] =	ssyncset.done $0x0  }
0x227: {  	s13 =	smov.u32 s18;
	[sflag:s19] =	ssyncadd.s32 $0xFFFFD880  }
0x228: {  	_ =	sfence.sel $0x180000  }
0x229: {  	[bflag:$0x0] =	sbarrier.arrive $0xFFFF  }
0x22a: {  	_ =	strace $0x90000047  }
0x22b: {  	s0 =	stileid.u32;
	[bflag:$0x2] =	sbarrier.arrive $0xFFFF  }
0x22c: {  	p0 =	sne.s32 s0, $0x0;
	s0 =	rddreg [dreg:$0x3]  }
0x22d: {  	s0 =	sadd.s32 @!p0 $0x100000, s0  }
0x22e: {  	[sflag:s0] =	ssyncadd.tile.s32 @!p0 $0x1;
	_ =	shalt  }
.Lfunc_end2:
_tile_overlayer_lowered:
.L_overlay_start_2:
0x22f: {  	(tag) =	ssettag $0x2  }
0x230: {  	s0 =	rddreg [dreg:$0x0];
	s2 =	stileid.u32  }
0x231: {  	s1 =	rddreg [dreg:$0x1];
	p0 =	sne.s32 s2, $0x0  }
0x232: {  	s3 =	rddreg [dreg:$0x2];
	[bflag:$0x3] =	sbarrier.arrive $0xFFFF;
	s2 =	simm.s32 @!p0 $0x1C05  }
0x233: {  	[timem:s3], [sflag:s2] =	dma.local @!p0 [hbm:s0], s1  }
0x234: {  	s0 =	simm.s32 @!p0 $0x5  }
0x235: {  	_ =	swait.ge @!p0 [sflag:s0], s1  }
0x236: {  	s1 =	ssub.s32 @!p0 $0x0, s1;
	[sflag:s0] =	ssyncset.done @!p0 $0x0  }
0x237: {  	[sflag:s0] =	ssyncadd.s32 @!p0 s1  }
0x238: {  	[bflag:$0x3] =	sbarrier.arrive $0xFFFF  }
0x239: {  	_ =	shalt  }

// kernel: kernel.7.cloned.1.call-start
scs
__scs_entry_jumppad:
0x0: {  	(pc) =	sbr.rel $0x88, $3  }
0x1: {  	(tag) =	ssettag $0x0;
	lr =	simm.s32 $0x1  }
0x2: {  	[smem:$0x3F96] =	sst lr;
	_ =	strace $0xD0000000  }
0x3: {  	_ = 	snop  }
0x4: {  	_ = 	snop  }
0x5: {  	_ = 	snop  }
0x6: {  	_ = 	snop  }
0x7: {  	_ = 	snop  }
__scs_overlays_trampoline_lowered:
0x8: {  	[smem:$0x3FA5] =	sst s0  }
0x9: {  	[smem:$0x3FA6] =	sst s1  }
0xa: {  	[smem:$0x3FA7] =	sst s2  }
0xb: {  	[smem:$0x3FA8] =	sst s3  }
0xc: {  	[smem:$0x3FA9] =	sst s4  }
0xd: {  	[smem:$0x3FAA] =	sst s5  }
0xe: {  	[smem:$0x3FAB] =	sst s6  }
0xf: {  	[smem:$0x3FAC] =	sst s7  }
0x10: {  	[smem:$0x3FAD] =	sst s8  }
0x11: {  	[smem:$0x3FAE] =	sst s9;
	s0 =	simm.s32 @!p0 $0x0  }
0x12: {  	s1 =	sld [smem:$0x3F94];
	s0 =	simm.s32 @p0 $0x1  }
0x13: {  	[smem:$0x3FAF] =	sst s0;
	s0 =	simm.s32 @!p1 $0x0  }
0x14: {  	s2 =	sld [smem:$0x3F93];
	s0 =	simm.s32 @p1 $0x1  }
0x15: {  	[smem:$0x3FB0] =	sst s0;
	s0 =	simm.s32 @!p2 $0x0  }
0x16: {  	s3 =	sld [smem:$0x3FDB];
	s0 =	simm.s32 @p2 $0x1  }
0x17: {  	s4 =	simm.s32 $0x1BF5;
	[smem:$0x3FB2] =	sst s0  }
0x18: {  	s0 =	sld [smem:$0x3F95];
	_ =	swait.ge [sflag:s4], $0x0  }
0x19: {  	s7 =	sld [smem:$0x3F96]  }
0x1a: {  	s8 =	sadd.s32 $0xFFFFE003, lr  }
0x1b: {  	s9 =	sadd.s32 $0xFFFFFEF7, lr;
	s5 =	simm.s32 $0xFFFFFFFF;
	p2 =	slt.u32 s8, $0xFFFFF086  }
0x1c: {  	p1 =	slt.u32 s9, $0xF7A;
	s5 =	simm.s32 @!p2 $0x0  }
0x1d: {  	s5 =	simm.s32 @p1 $0x1;
	p0 =	seq.s32 s7, s2  }
0x1e: {  	s7 =	smul.u32 @!p0 $0xF7A, s2;
	p2 =	seq.s32 @!p0 s5, $0x0  }
0x1f: {  	s9 =	smul.u32 $0xF7A, s1;
	s8 =	simm.s32 @!p0 $0x1BF5;
	p2 =	por !p2, p0  }
0x20: {  	[sflag:s8] =	ssyncset.s32 @!p0 $0xFFFFF086;
	s6 =	sadd.s32 @!p0 s3, s7;
	s7 =	simm.s32 @!p0 $0x108  }
0x21: {  	s3 =	sadd.s32 s3, s9;
	s6 =	sadd.s32 @!p0 $0x88, s6;
	s7 =	simm.s32 @p2 $0x1082  }
0x22: {  	[simem:s7], [sflag:s8] =	dma.local @!p0 [hbm:s6], $0xF7A  }
0x23: {  	s9 =	sor.u32 $0xD0000000, s2;
	s6 =	simm.s32 $0x108;
	_ =	swait.ge @!p0 [sflag:s8], $0x0  }
0x24: {  	s3 =	sadd.s32 $0x88, s3;
	s6 =	simm.s32 @!p1 $0x1082;
	[sflag:s4] =	ssyncset.s32 $0xFFFFF086  }
0x25: {  	[simem:s6], [sflag:s4] =	dma.local [hbm:s3], $0xF7A  }
0x26: {  	[smem:$0x3F96] =	sst s1;
	(tag) =	ssettag s2;
	_ =	strace s9  }
0x27: {  	s1 =	sld [smem:$0x3FA6]  }
0x28: {  	s2 =	sld [smem:$0x3FA7]  }
0x29: {  	s4 =	sld [smem:$0x3FA9]  }
0x2a: {  	p0 =	seq.s32 s5, $0x0;
	s5 =	sld [smem:$0x3FAA]  }
0x2b: {  	s6 =	sld [smem:$0x3FAB]  }
0x2c: {  	s7 =	sld [smem:$0x3FAC]  }
0x2d: {  	s3 =	simm.s32 $0x108;
	s8 =	sld [smem:$0x3FAD]  }
0x2e: {  	s3 =	simm.s32 @!p0 $0x1082;
	s9 =	sld [smem:$0x3FAE]  }
0x2f: {  	lr =	sadd.s32 s0, s3;
	s0 =	sld [smem:$0x3FA5]  }
0x30: {  	s3 =	sld [smem:$0x3FA8]  }
0x31: {  	[smem:$0x3FB1] =	sst s10  }
0x32: {  	s10 =	sld [smem:$0x3FAF];
	_ =	sdelay $0x3  }
0x33: {  	p0 =	seq.s32 s10, $0x1;
	s10 =	sld [smem:$0x3FB1];
	_ =	sdelay $0x3  }
0x34: {  	[smem:$0x3FB1] =	sst s10  }
0x35: {  	s10 =	sld [smem:$0x3FB0];
	_ =	sdelay $0x3  }
0x36: {  	p1 =	seq.s32 s10, $0x1;
	s10 =	sld [smem:$0x3FB1];
	_ =	sdelay $0x3  }
0x37: {  	[smem:$0x3FB1] =	sst s10  }
0x38: {  	s10 =	sld [smem:$0x3FB2]  }
0x39: {  	_ = 	snop;
	(pc) =	sbr.ind lr, $3  }
0x3a: {  	_ = 	snop  }
0x3b: {  	_ = 	snop  }
0x3c: {  	p2 =	seq.s32 s10, $0x1;
	s10 =	sld [smem:$0x3FB1]  }
0x3d: {  	_ =	shalt  }
0x3e: {  	_ =	shalt  }
0x3f: {  	_ =	shalt  }
0x40: {  	_ =	shalt  }
0x41: {  	_ =	shalt  }
0x42: {  	_ =	shalt  }
0x43: {  	_ =	shalt  }
0x44: {  	_ =	shalt  }
0x45: {  	_ =	shalt  }
0x46: {  	_ =	shalt  }
0x47: {  	_ =	shalt  }
0x48: {  	_ =	shalt  }
0x49: {  	_ =	shalt  }
0x4a: {  	_ =	shalt  }
0x4b: {  	_ =	shalt  }
0x4c: {  	_ =	shalt  }
0x4d: {  	_ =	shalt  }
0x4e: {  	_ =	shalt  }
0x4f: {  	_ =	shalt  }
0x50: {  	_ =	shalt  }
0x51: {  	_ =	shalt  }
0x52: {  	_ =	shalt  }
0x53: {  	_ =	shalt  }
0x54: {  	_ =	shalt  }
0x55: {  	_ =	shalt  }
0x56: {  	_ =	shalt  }
0x57: {  	_ =	shalt  }
0x58: {  	_ =	shalt  }
0x59: {  	_ =	shalt  }
0x5a: {  	_ =	shalt  }
0x5b: {  	_ =	shalt  }
0x5c: {  	_ =	shalt  }
0x5d: {  	_ =	shalt  }
0x5e: {  	_ =	shalt  }
0x5f: {  	_ =	shalt  }
0x60: {  	_ =	shalt  }
0x61: {  	_ =	shalt  }
0x62: {  	_ =	shalt  }
0x63: {  	_ =	shalt  }
0x64: {  	_ =	shalt  }
0x65: {  	_ =	shalt  }
0x66: {  	_ =	shalt  }
0x67: {  	_ =	shalt  }
0x68: {  	_ =	shalt  }
0x69: {  	_ =	shalt  }
0x6a: {  	_ =	shalt  }
0x6b: {  	_ =	shalt  }
0x6c: {  	_ =	shalt  }
0x6d: {  	_ =	shalt  }
0x6e: {  	_ =	shalt  }
0x6f: {  	_ =	shalt  }
0x70: {  	_ =	shalt  }
0x71: {  	_ =	shalt  }
0x72: {  	_ =	shalt  }
0x73: {  	_ =	shalt  }
0x74: {  	_ =	shalt  }
0x75: {  	_ =	shalt  }
0x76: {  	_ =	shalt  }
0x77: {  	_ =	shalt  }
0x78: {  	_ =	shalt  }
0x79: {  	_ =	shalt  }
0x7a: {  	_ =	shalt  }
0x7b: {  	_ =	shalt  }
0x7c: {  	_ =	shalt  }
0x7d: {  	_ =	shalt  }
0x7e: {  	_ =	shalt  }
0x7f: {  	_ =	shalt  }
0x80: {  	_ =	shalt  }
0x81: {  	_ =	shalt  }
0x82: {  	_ =	shalt  }
0x83: {  	_ =	shalt  }
0x84: {  	_ =	shalt  }
0x85: {  	_ =	shalt  }
0x86: {  	_ =	shalt  }
0x87: {  	_ =	shalt  }
.Lfunc_end0:
.L_simem_size_0:
called_computation_lowered:
.L_overlay_start_0:
0x88: {  	s2 =	sld [smem:$0x3FD9]  }
0x89: {  	s3 =	sld [smem:$0x3FFE];
	_ =	sdelay $0x1  }
0x8a: {  	s1 =	srdreg.scid  }
0x8b: {  	s0 =	sand.u32 $0x1, s1  }
0x8c: {  	s17 =	sshll.u32 s0, $0xA;
	s2 =	sadd.s32 s3, s2  }
0x8d: {  	s2 =	sadd.s32 s2, s17  }
0x8e: {  	[smem:$0x3FBD] =	sst s2  }
0x8f: {  	_ = 	snop  }
0x90: {  	s18 =	sld [smem:$0x3FC9]  }
0x91: {  	s4 =	sld [smem:$0x3FD0];
	(tm) =	ssettm $0x1  }
0x92: {  	s19 =	sld [smem:$0x3FFB];
	_ =	sdelay $0x3  }
0x93: {  	_ =	strace s19  }
0x94: {  	s2 =	sld [smem:$0x3FFC];
	_ =	sdelay $0x3  }
0x95: {  	_ =	strace s2  }
0x96: {  	s2 =	sld [smem:$0x3FFD];
	_ =	sdelay $0x3  }
0x97: {  	_ =	strace s2  }
0x98: {  	_ =	strace $0x8FFFFFFF  }
0x99: {  	s20 =	sld [smem:$0x3FDB];
	_ =	sdelay $0x1  }
0x9a: {  	s5 =	simm.s32 $_scs_section_size  }
0x9b: {  	s6 =	simm.s32 $_size__tile_overlayer_lowered;
	s7 =	simm.s32 $_tile_overlayer_lowered  }
0x9c: {  	s8 =	simm.s32 $0x1BFF;
	s21 =	sshll.u32 s7, $0x1;
	s5 =	sadd.s32 s5, s20  }
0x9d: {  	s22 =	simm.s32 $0x0;
	s6 =	sshll.u32 s6, $0x1;
	s7 =	sadd.s32 s21, s5  }
0x9e: {  	[timem:s22], [sflag:s8] =	dma.local [hbm:s7], s6  }
0x9f: {  	_ =	swait.ge [sflag:s8], s6  }
0xa0: {  	s6 =	ssub.s32 $0x0, s6;
	[sflag:s8] =	ssyncset.done $0x0  }
0xa1: {  	[sflag:s8] =	ssyncadd.s32 s6;
	_ =	sdelay $0x1  }
0xa2: {  	s23 =	simm.s32 $0x1B8B  }
0xa3: {  	_ =	swait.ge [sflag:s23], $0x1  }
0xa4: {  	[sflag:s23] =	ssyncset.done $0x0  }
0xa5: {  	[sflag:s23] =	ssyncadd.s32 $0xFFFFFFFF  }
0xa6: {  	s6 =	sld [smem:$0x0]  }
0xa7: {  	s7 =	sand.u32 $0xFFFFFFFE, s1  }
0xa8: {  	p0 =	sne.s32 s1, s7  }
0xa9: {  	s7 =	sshll.u32 @p0 s7, $0xE  }
0xaa: {  	s7 =	sadd.s32 @p0 $0x11B8D, s7;
	s8 =	sshll.u32 @p0 s6, $0x11  }
0xab: {  	s7 =	sor.u32 @p0 s8, s7  }
0xac: {  	[sflag:s7] =	ssyncadd.remote.s32 @p0 $0x1;
	_ =	sdelay $0x1  }
0xad: {  	s7 =	simm.s32 @p0 $0x1B8D  }
0xae: {  	_ =	swait.eq @p0 [sflag:s7], $0x1  }
0xaf: {  	[sflag:s7] =	ssyncadd.s32 @p0 $0xFFFFFFFF  }
0xb0: {  	s8 =	sshll.u32 @!p0 s1, $0xE  }
0xb1: {  	s8 =	sor.u32 @!p0 $0x4000, s8;
	s7 =	simm.s32 @!p0 $0x1B8D  }
0xb2: {  	s6 =	sshll.u32 @!p0 s6, $0x11;
	s8 =	sadd.s32 @!p0 $0x11B8D, s8;
	_ =	swait.eq @!p0 [sflag:s7], $0x1  }
0xb3: {  	s6 =	sor.u32 @!p0 s6, s8;
	[sflag:s7] =	ssyncadd.s32 @!p0 $0xFFFFFFFF  }
0xb4: {  	s25 =	simm.s32 $0x1B8E;
	s24 =	sld [smem:$0x3FFE];
	[sflag:s6] =	ssyncadd.remote.s32 @!p0 $0x1  }
0xb5: {  	s26 =	simm.s32 $execute0_lowered;
	[smem:$0x3FD2] =	sst s25  }
0xb6: {  	s7 =	sshll.u32 s26, $0x1;
	_ =	strace $0x80000049;
	[dreg:$0x1] =	wrdreg $0xFFFFFFFF  }
0xb7: {  	s28 =	simm.s32 $_size_execute0_lowered;
	s5 =	sadd.s32 s5, s7;
	[dreg:$0x0] =	wrdreg $0x0  }
0xb8: {  	s7 =	sshll.u32 s28, $0x1;
	[dreg:$0x2] =	wrdreg s5  }
0xb9: {  	[dreg:$0x3] =	wrdreg s7  }
0xba: {  	[dreg:$0x4] =	wrdreg $0xC0  }
0xbb: {  	_ =	task [dreg:s22], $0x5FFFF  }
0xbc: {  	[dreg:$0x1] =	wrdreg $0xFFFFFFFF  }
0xbd: {  	[dreg:$0x0] =	wrdreg $0x60  }
0xbe: {  	[dreg:$0x2] =	wrdreg s24  }
0xbf: {  	[dreg:$0x3] =	wrdreg s18  }
0xc0: {  	[dreg:$0x4] =	wrdreg s4  }
0xc1: {  	[dreg:$0x5] =	wrdreg $0xC4000  }
0xc2: {  	[dreg:$0x6] =	wrdreg $0x9  }
0xc3: {  	_ =	task.clear_ibuf [dreg:s22], $0x7FFFF;
	_ =	strace $0x90000049  }
0xc4: {  	s29 =	simm.s32 $0x9;
	_ =	strace $0x8000004B  }
0xc5: {  	_ =	swait.ge [sflag:s29], $0x1  }
0xc6: {  	[sflag:s29] =	ssyncadd.s32 $0xFFFFFFFF  }
0xc7: {  	_ =	strace $0x9000004B  }
0xc8: {  	_ =	sfence  }
0xc9: {  	s30 =	sld [smem:$0x0];
	_ =	sdelay $0x2  }
0xca: {  	s31 =	sshll.u32 s1, $0xD;
	s1 =	sshrl.u32 s1, $0x2  }
0xcb: {  	s4 =	sand.u32 $0x4000, s31;
	s1 =	sadd.s32 s1, s30  }
0xcc: {  	s0 =	sor.u32 s4, s0;
	s1 =	sshll.u32 s1, $0x11  }
0xcd: {  	s0 =	sor.u32 s1, s0  }
0xce: {  	s0 =	sadd.s32 $0x8F2B, s0  }
0xcf: {  	[sflag:s0] =	ssyncadd.remote.s32 $0x1  }
0xd0: {  	_ =	sfence.sel $0xFFFF  }
0xd1: {  	[dreg:$0x0] =	wrdreg $0xFFFFFFFF;
	(pc) =	sbr.abs _section_cstart, $3  }
0xd2: {  	[dreg:$0x1] =	wrdreg $0xFFFFFFFF  }
0xd3: {  	_ =	task.clear_ibuf [dreg:s22], $0x2FFFF;
	_ =	strace $0x9FFFFFFF  }
0xd4: {  	(tm) =	ssettm $0x7FFFFFFF  }
0xd5: {  	_ =	shalt  }
tec
execute0_lowered:
.L_overlay_start_1:
0x0: {  	(tag) =	ssettag $0x1  }
0x1: {  	s1 =	rddreg [dreg:$0x0]  }
0x2: {  	s0 =	rddreg [dreg:$0x1]  }
0x3: {  	s3 =	rddreg [dreg:$0x2];
	s2 =	srdreg.scid  }
0x4: {  	s4 =	rddreg [dreg:$0x3];
	s12 =	stileid.u32  }
0x5: {  	s5 =	simm.s32 $0x0;
	s28 =	simm.s32 $0x2;
	s29 =	simm.s32 $0x2400  }
0x6: {  	s30 =	simm.s32 $0x6400;
	s31 =	simm.s32 $0x8400;
	s2 =	sand.u32 $0x1, s2  }
0x7: {  	s8 =	smul.u32 $0x13C00, s12;
	[smem:$0x7FF] =	sst s5;
	s6 =	sadd.s32 $0x2DD600, s1  }
0x8: {  	s9 =	sadd.s32 $0x28BE00, s1;
	s10 =	smul.u32 $0x4F000, s12;
	s20 =	sshll.u32 s12, $0x6  }
0x9: {  	s7 =	smul.u32 $0x13C000, s2;
	s17 =	ssub.s32 $0x2, s2;
	s2 =	sshll.u32 s2, $0x4  }
0xa: {  	_ =	strace $0x8000004A;
	[dreg:$0x5] =	wrdreg s9;
	s2 =	sor.u32 s12, s2  }
0xb: {  	s13 =	sor.u32 $0x1C05, s20;
	s18 =	sshrl.u32 s17, $0x1;
	s11 =	smul.u32 $0x500, s2  }
0xc: {  	s19 =	sshrl.u32 s10, $0x2;
	s8 =	sadd.s32 s8, s7;
	s21 =	smul.u32 $0x14000, s2  }
0xd: {  	s7 =	sadd.s32 $0x54E600, s1;
	s9 =	sadd.s32 s19, s4;
	s10 =	smul.u32 $0x50, s2  }
0xe: {  	s19 =	simm.s32 $0x5;
	s8 =	sshrl.u32 s8, $0x3;
	s22 =	sadd.s32 s3, s11  }
0xf: {  	s1 =	sadd.s32 s8, s1;
	s23 =	sadd.s32 s7, s11;
	[dreg:$0x6] =	wrdreg s22  }
0x10: {  	s24 =	sadd.s32 s6, s21;
	s25 =	sor.u32 $0x10, s11;
	[dreg:$0x7] =	wrdreg s23  }
0x11: {  	s8 =	ssub.s32 s17, s18;
	[dreg:$0x8] =	wrdreg s24;
	s11 =	sadd.s32 s3, s25  }
0x12: {  	s21 =	simm.s32 $0x1;
	s2 =	sadd.s32 s7, s25;
	[dreg:$0x9] =	wrdreg s11  }
0x13: {  	s1 =	sadd.s32 $0x558800, s1;
	s26 =	smax.u32 s8, $0x1;
	[dreg:$0xa] =	wrdreg s2  }
0x14: {  	s8 =	sshrl.u32 s9, $0x3;
	s22 =	simm.s32 $0x40;
	[dreg:$0xb] =	wrdreg s1  }
0x15: {  	s23 =	simm.s32 $0x400;
	s24 =	simm.s32 $0x4400;
	[dreg:$0xc] =	wrdreg s26  }
0x16: {  	s25 =	simm.s32 $0x0;
	s1 =	simm.s32 $0xA400;
	[dreg:$0xd] =	wrdreg s8  }
.LBB2_1:
0x17: {  	s2 =	rddreg [dreg:$0x5]  }
0x18: {  	[spmem:s8], [sflag:s13] =	dma.local [hbm:s2], $0x2780  }
0x19: {  	_ =	swait.ge [sflag:s19], $0x2780  }
0x1a: {  	[sflag:s19] =	ssyncset.done $0x0  }
0x1b: {  	[sflag:s19] =	ssyncadd.s32 $0xFFFFD880  }
0x1c: {  	[bflag:$0x0] =	sbarrier.arrive $0xFFFF  }
0x1d: {  	s12 =	rddreg [dreg:$0x6]  }
0x1e: {  	[tilespmem:s5], [sflag:$0x1] =	stream.linear.gather [hbm4b:s12+s5], $0x80, $0x38;
	v63 =	vld [tilespmem:$0x0]  }
0x1f: {  	s18 =	smov.u32 s13;
	s14 =	simm.s32 $0x200;
	s13 =	rddreg [dreg:$0x7]  }
0x20: {  	[tilespmem:s14], [sflag:$0x1] =	stream.linear.gather [hbm4b:s13+s5], $0x80, $0x38;
	v63 =	vld [tilespmem:$0x0]  }
0x21: {  	_ =	swait.ge [sflag:s21], $0x80  }
0x22: {  	[sflag:s21] =	ssyncset.done $0x0  }
0x23: {  	[sflag:s21] =	ssyncadd.s32 $0xFFFFFF80  }
0x24: {  	_ =	swait.ge [sflag:s21], $0x80  }
0x25: {  	[sflag:s21] =	ssyncset.done $0x0  }
0x26: {  	[sflag:s21] =	ssyncadd.s32 $0xFFFFFF80  }
0x27: {  	[tilespmem:s23], [sflag:$0x2] =	stream.indirect.gather [hbm4b:s0+s22], $0x80, s5, s22, $0xb8;
	v63 =	vld [tilespmem:$0x0]  }
0x28: {  	s15 =	rddreg [dreg:$0x8]  }
0x29: {  	[tilespmem:s24], [sflag:$0x2] =	stream.linear.gather [hbm4b:s15+s5], $0x2000, $0x38;
	v63 =	vld [tilespmem:$0x0]  }
0x2a: {  	s17 =	simm.s32 $0x80;
	s16 =	rddreg [dreg:$0x9]  }
0x2b: {  	[tilespmem:s17], [sflag:$0x1] =	stream.linear.gather [hbm4b:s16+s5], $0x80, $0x38;
	v63 =	vld [tilespmem:$0x0]  }
0x2c: {  	s26 =	simm.s32 $0x280;
	s20 =	rddreg [dreg:$0xa]  }
0x2d: {  	[tilespmem:s26], [sflag:$0x1] =	stream.linear.gather [hbm4b:s20+s5], $0x80, $0x38;
	v63 =	vld [tilespmem:$0x0]  }
0x2e: {  	s26 =	simm.s32 $0x0  }
.LBB2_2:
0x2f: {  	_ =	swait.ge [sflag:s28], $0x2000  }
0x30: {  	[sflag:s28] =	ssyncset.done $0x0  }
0x31: {  	[sflag:s28] =	ssyncadd.s32 $0xFFFFE000  }
0x32: {  	_ =	swait.ge [sflag:s28], $0x2000  }
0x33: {  	[sflag:s28] =	ssyncset.done $0x0  }
0x34: {  	[sflag:s28] =	ssyncadd.s32 $0xFFFFE000  }
0x35: {  	_ =	swait.ge [sflag:s21], $0x80  }
0x36: {  	s2 =	sshll.u32 s26, $0x1;
	[sflag:s21] =	ssyncset.done $0x0  }
0x37: {  	s11 =	sadd.s32 s10, s2;
	[sflag:s21] =	ssyncadd.s32 $0xFFFFFF80  }
0x38: {  	s2 =	sor.u32 $0x1, s11;
	s12 =	sadd.s32 $0x2, s11;
	_ =	swait.ge [sflag:s21], $0x80  }
0x39: {  	s8 =	sshll.u32 s2, $0x7;
	s2 =	smin.u32 s2, $0x9C3;
	[sflag:s21] =	ssyncset.done $0x0  }
0x3a: {  	s8 =	sand.u32 $0x180, s8;
	s2 =	sshll.u32 s2, $0xA;
	[sflag:s21] =	ssyncadd.s32 $0xFFFFFF80  }
0x3b: {  	[tilespmem:s29], [sflag:$0x2] =	stream.indirect.gather [hbm4b:s0+s22], $0x80, s8, s22, $0xb8;
	v63 =	vld [tilespmem:$0x0]  }
0x3c: {  	s16 =	sshll.u32 s12, $0x4;
	s2 =	sadd.s32 s6, s2  }
0x3d: {  	[tilespmem:s30], [sflag:$0x2] =	stream.linear.gather [hbm4b:s2+s5], $0x2000, $0x38;
	v63 =	vld [tilespmem:$0x0]  }
0x3e: {  	s9 =	sshll.u32 s12, $0x7;
	s2 =	sand.u32 $0xFFFFFE0, s16  }
0x3f: {  	s13 =	sand.u32 $0x100, s9;
	s17 =	sadd.s32 s3, s2  }
0x40: {  	[tilespmem:s13], [sflag:$0x1] =	stream.linear.gather [hbm4b:s17+s5], $0x80, $0x38;
	v63 =	vld [tilespmem:$0x0]  }
0x41: {  	p0 =	seq.s32 s26, $0x0;
	s20 =	sor.u32 $0x200, s13;
	s2 =	sadd.s32 s7, s2  }
0x42: {  	[tilespmem:s20], [sflag:$0x1] =	stream.linear.gather [hbm4b:s2+s5], $0x80, $0x38;
	v63 =	vld [tilespmem:$0x0]  }
0x43: {  	s2 =	simm.s32 @!p0 $0x3  }
0x44: {  	_ =	swait.ge @!p0 [sflag:s2], $0x2000  }
0x45: {  	[sflag:s2] =	ssyncset.done @!p0 $0x0  }
0x46: {  	s20 =	simm.s32 $0x500;
	[sflag:s2] =	ssyncadd.s32 @!p0 $0xFFFFE000  }
0x47: {  	s9 =	simm.s32 $0x4500;
	v0 =	vld [tilespmem:s20+$0x80]  }
0x48: {  	v1 =	vld [tilespmem:s9+$0x80];
	_ =	sdelay $0x4  }
0x49: {  	v2 =	vld [tilespmem:s20+$0xFFFFFF80];
	v0 =	vadd.f32 v1, v0  }
0x4a: {  	v1 =	vld [tilespmem:s9+$0xFFFFFF80]  }
0x4b: {  	s14 =	simm.s32 $0x8500;
	v3 =	vld [tilespmem:s9+$0xFFFFFF00];
	v0 =	vmax.f32 v0, $0.0e+00  }
0x4c: {  	v4 =	vld [tilespmem:s20+$0xFFFFFF00];
	[tilespmem:s14+$0x80] =	vst v0  }
0x4d: {  	v0 =	vld [tilespmem:s20+$0x90]  }
0x4e: {  	v5 =	vld [tilespmem:s9+$0x90]  }
0x4f: {  	v6 =	vld [tilespmem:s20+$0x0];
	v1 =	vadd.f32 v1, v2  }
0x50: {  	v2 =	vld [tilespmem:s9+$0x0]  }
0x51: {  	v3 =	vadd.f32 v3, v4;
	v1 =	vmax.f32 v1, $0.0e+00  }
0x52: {  	[tilespmem:s14+$0xFFFFFF80] =	vst v1  }
0x53: {  	v3 =	vmax.f32 v3, $0.0e+00;
	v1 =	vld [tilespmem:s20+$0xFFFFFF90];
	v0 =	vadd.f32 v5, v0  }
0x54: {  	[tilespmem:s14+$0xFFFFFF00] =	vst v3;
	v4 =	vld [tilespmem:s9+$0xFFFFFF90]  }
0x55: {  	v3 =	vld [tilespmem:s20+$0xFFFFFF10];
	v2 =	vadd.f32 v2, v6;
	v0 =	vmax.f32 v0, $0.0e+00  }
0x56: {  	v5 =	vld [tilespmem:s9+$0xFFFFFF10];
	[tilespmem:s14+$0x90] =	vst v0  }
0x57: {  	v0 =	vmax.f32 v2, $0.0e+00;
	v2 =	vld [tilespmem:s20+$0xA0]  }
0x58: {  	[tilespmem:s14+$0x0] =	vst v0;
	v0 =	vld [tilespmem:s9+$0xA0]  }
0x59: {  	v6 =	vld [tilespmem:s20+$0x10];
	v1 =	vadd.f32 v4, v1  }
0x5a: {  	v4 =	vld [tilespmem:s9+$0x10]  }
0x5b: {  	v1 =	vmax.f32 v1, $0.0e+00  }
0x5c: {  	v3 =	vadd.f32 v5, v3;
	[tilespmem:s14+$0xFFFFFF90] =	vst v1  }
0x5d: {  	v1 =	vld [tilespmem:s20+$0xFFFFFFA0];
	v0 =	vadd.f32 v0, v2  }
0x5e: {  	v3 =	vmax.f32 v3, $0.0e+00;
	v2 =	vld [tilespmem:s9+$0xFFFFFFA0]  }
0x5f: {  	[tilespmem:s14+$0xFFFFFF10] =	vst v3;
	v3 =	vadd.f32 v4, v6;
	v0 =	vmax.f32 v0, $0.0e+00  }
0x60: {  	[tilespmem:s14+$0xA0] =	vst v0  }
0x61: {  	v0 =	vmax.f32 v3, $0.0e+00;
	v3 =	vld [tilespmem:s20+$0xB0]  }
0x62: {  	[tilespmem:s14+$0x10] =	vst v0;
	v0 =	vld [tilespmem:s9+$0xB0]  }
0x63: {  	v1 =	vadd.f32 v2, v1;
	v2 =	vld [tilespmem:s20+$0x20]  }
0x64: {  	v6 =	vld [tilespmem:s9+$0x20]  }
0x65: {  	v5 =	vld [tilespmem:s9+$0xFFFFFF20];
	v1 =	vmax.f32 v1, $0.0e+00  }
0x66: {  	v4 =	vld [tilespmem:s20+$0xFFFFFF20];
	[tilespmem:s14+$0xFFFFFFA0] =	vst v1  }
0x67: {  	v1 =	vld [tilespmem:s20+$0xFFFFFFB0];
	v0 =	vadd.f32 v0, v3  }
0x68: {  	v3 =	vld [tilespmem:s9+$0xFFFFFFB0]  }
0x69: {  	v2 =	vadd.f32 v6, v2;
	v0 =	vmax.f32 v0, $0.0e+00  }
0x6a: {  	[tilespmem:s14+$0xB0] =	vst v0  }
0x6b: {  	v4 =	vadd.f32 v5, v4;
	v0 =	vmax.f32 v2, $0.0e+00;
	v2 =	vld [tilespmem:s20+$0xC0]  }
0x6c: {  	[tilespmem:s14+$0x20] =	vst v0;
	v0 =	vld [tilespmem:s9+$0xC0]  }
0x6d: {  	v4 =	vmax.f32 v4, $0.0e+00;
	v1 =	vadd.f32 v3, v1;
	v3 =	vld [tilespmem:s20+$0x30]  }
0x6e: {  	[tilespmem:s14+$0xFFFFFF20] =	vst v4;
	v6 =	vld [tilespmem:s9+$0x30]  }
0x6f: {  	v4 =	vld [tilespmem:s20+$0xFFFFFF30];
	v1 =	vmax.f32 v1, $0.0e+00  }
0x70: {  	v5 =	vld [tilespmem:s9+$0xFFFFFF30];
	[tilespmem:s14+$0xFFFFFFB0] =	vst v1  }
0x71: {  	v1 =	vld [tilespmem:s20+$0xFFFFFFC0];
	v0 =	vadd.f32 v0, v2  }
0x72: {  	v2 =	vld [tilespmem:s9+$0xFFFFFFC0]  }
0x73: {  	s17 =	simm.s32 $0x4700;
	v3 =	vadd.f32 v6, v3;
	v0 =	vmax.f32 v0, $0.0e+00  }
0x74: {  	v10 =	vld [tilespmem:s17+$0xFFFFFF00];
	[tilespmem:s14+$0xC0] =	vst v0  }
0x75: {  	v0 =	vmax.f32 v3, $0.0e+00;
	v3 =	vld [tilespmem:s20+$0xD0]  }
0x76: {  	v4 =	vadd.f32 v5, v4;
	[tilespmem:s14+$0x30] =	vst v0;
	v0 =	vld [tilespmem:s9+$0xD0]  }
0x77: {  	v1 =	vadd.f32 v2, v1;
	v2 =	vld [tilespmem:s20+$0x40]  }
0x78: {  	s16 =	simm.s32 $0x700;
	v4 =	vmax.f32 v4, $0.0e+00;
	v6 =	vld [tilespmem:s9+$0x40]  }
0x79: {  	v52 =	vld [tilespmem:s16+$0xFFFFFF00];
	[tilespmem:s14+$0xFFFFFF30] =	vst v4  }
0x7a: {  	v4 =	vld [tilespmem:s20+$0xFFFFFF40]  }
0x7b: {  	v5 =	vld [tilespmem:s9+$0xFFFFFF40];
	v0 =	vadd.f32 v0, v3  }
0x7c: {  	v8 =	vld [tilespmem:s16+$0x80]  }
0x7d: {  	v9 =	vld [tilespmem:s17+$0x80];
	v2 =	vadd.f32 v6, v2;
	v0 =	vmax.f32 v0, $0.0e+00  }
0x7e: {  	v11 =	vld [tilespmem:s17+$0xFFFFFF80];
	v10 =	vadd.f32 v10, v52;
	[tilespmem:s14+$0xD0] =	vst v0  }
0x7f: {  	v0 =	vmax.f32 v2, $0.0e+00;
	v2 =	vld [tilespmem:s20+$0xE0]  }
0x80: {  	s15 =	simm.s32 $0x8700;
	v10 =	vmax.f32 v10, $0.0e+00;
	v4 =	vadd.f32 v5, v4;
	[tilespmem:s14+$0x40] =	vst v0;
	v0 =	vld [tilespmem:s9+$0xE0]  }
0x81: {  	v12 =	vld [tilespmem:s16+$0x0];
	[tilespmem:s15+$0xFFFFFF00] =	vst v10;
	v1 =	vmax.f32 v1, $0.0e+00  }
0x82: {  	v10 =	vld [tilespmem:s16+$0xFFFFFF10];
	[tilespmem:s14+$0xFFFFFFC0] =	vst v1;
	v4 =	vmax.f32 v4, $0.0e+00  }
0x83: {  	v1 =	vld [tilespmem:s20+$0xFFFFFFD0];
	[tilespmem:s14+$0xFFFFFF40] =	vst v4  }
0x84: {  	v4 =	vld [tilespmem:s20+$0xFFFFFF50]  }
0x85: {  	v5 =	vld [tilespmem:s9+$0xFFFFFF50];
	v0 =	vadd.f32 v0, v2  }
0x86: {  	v2 =	vld [tilespmem:s16+$0xFFFFFF80]  }
0x87: {  	v3 =	vld [tilespmem:s9+$0xFFFFFFD0];
	v0 =	vmax.f32 v0, $0.0e+00  }
0x88: {  	v6 =	vld [tilespmem:s20+$0x50];
	[tilespmem:s14+$0xE0] =	vst v0;
	v0 =	vadd.f32 v9, v8  }
0x89: {  	v7 =	vld [tilespmem:s9+$0x50]  }
0x8a: {  	v4 =	vadd.f32 v5, v4;
	v5 =	vld [tilespmem:s17+$0x0];
	v0 =	vmax.f32 v0, $0.0e+00  }
0x8b: {  	v54 =	vld [tilespmem:s17+$0xFFFFFF10];
	v2 =	vadd.f32 v11, v2;
	[tilespmem:s15+$0x80] =	vst v0  }
0x8c: {  	v0 =	vmax.f32 v4, $0.0e+00;
	v4 =	vld [tilespmem:s16+$0x90]  }
0x8d: {  	v1 =	vadd.f32 v3, v1;
	[tilespmem:s14+$0xFFFFFF50] =	vst v0;
	v0 =	vmax.f32 v2, $0.0e+00;
	v2 =	vld [tilespmem:s17+$0x90]  }
0x8e: {  	v6 =	vadd.f32 v7, v6;
	v8 =	vld [tilespmem:s20+$0xF0]  }
0x8f: {  	v1 =	vmax.f32 v1, $0.0e+00;
	v5 =	vadd.f32 v5, v12;
	v51 =	vld [tilespmem:s9+$0xF0];
	[tilespmem:s15+$0xFFFFFF80] =	vst v0  }
0x90: {  	[tilespmem:s14+$0xFFFFFFD0] =	vst v1;
	v6 =	vmax.f32 v6, $0.0e+00;
	v3 =	vld [tilespmem:s16+$0xFFFFFF90]  }
0x91: {  	v1 =	vmax.f32 v5, $0.0e+00;
	[tilespmem:s14+$0x50] =	vst v6;
	v53 =	vld [tilespmem:s17+$0xFFFFFF90]  }
0x92: {  	v6 =	vld [tilespmem:s9+$0xFFFFFFE0];
	[tilespmem:s15+$0x0] =	vst v1;
	v1 =	vadd.f32 v2, v4  }
0x93: {  	v57 =	vld [tilespmem:s20+$0x60]  }
0x94: {  	v58 =	vld [tilespmem:s9+$0x60];
	v1 =	vmax.f32 v1, $0.0e+00  }
0x95: {  	v0 =	vld [tilespmem:s20+$0xFFFFFF60];
	[tilespmem:s15+$0x90] =	vst v1  }
0x96: {  	v3 =	vadd.f32 v53, v3;
	v1 =	vld [tilespmem:s16+$0xA0]  }
0x97: {  	v55 =	vld [tilespmem:s17+$0xA0]  }
0x98: {  	v4 =	vld [tilespmem:s16+$0x10];
	v3 =	vmax.f32 v3, $0.0e+00  }
0x99: {  	[tilespmem:s15+$0xFFFFFF90] =	vst v3;
	v3 =	vld [tilespmem:s17+$0x10]  }
0x9a: {  	v10 =	vadd.f32 v54, v10;
	v7 =	vld [tilespmem:s16+$0xFFFFFFA0]  }
0x9b: {  	v56 =	vld [tilespmem:s17+$0xFFFFFFA0]  }
0x9c: {  	v10 =	vmax.f32 v10, $0.0e+00;
	v5 =	vld [tilespmem:s9+$0xFFFFFF60];
	v1 =	vadd.f32 v55, v1  }
0x9d: {  	[tilespmem:s15+$0xFFFFFF10] =	vst v10;
	v2 =	vld [tilespmem:s20+$0xFFFFFFE0]  }
0x9e: {  	v3 =	vadd.f32 v3, v4;
	v4 =	vld [tilespmem:s16+$0xFFFFFF20];
	v1 =	vmax.f32 v1, $0.0e+00  }
0x9f: {  	[tilespmem:s15+$0xA0] =	vst v1;
	v1 =	vld [tilespmem:s17+$0xFFFFFF20]  }
0xa0: {  	v7 =	vadd.f32 v56, v7;
	v3 =	vmax.f32 v3, $0.0e+00;
	v59 =	vld [tilespmem:s16+$0xB0]  }
0xa1: {  	v0 =	vadd.f32 v5, v0;
	[tilespmem:s15+$0x10] =	vst v3;
	v3 =	vld [tilespmem:s17+$0xB0]  }
0xa2: {  	v5 =	vmax.f32 v7, $0.0e+00;
	v7 =	vld [tilespmem:s16+$0x20]  }
0xa3: {  	v0 =	vmax.f32 v0, $0.0e+00;
	[tilespmem:s15+$0xFFFFFFA0] =	vst v5;
	v5 =	vld [tilespmem:s17+$0x20]  }
0xa4: {  	[tilespmem:s14+$0xFFFFFF60] =	vst v0;
	v0 =	vld [tilespmem:s17+$0xFFFFFFB0];
	v1 =	vadd.f32 v1, v4  }
0xa5: {  	v4 =	vld [tilespmem:s16+$0xFFFFFFB0]  }
0xa6: {  	v60 =	vld [tilespmem:s20+$0xFFFFFF70];
	v3 =	vadd.f32 v3, v59;
	v1 =	vmax.f32 v1, $0.0e+00  }
0xa7: {  	[tilespmem:s15+$0xFFFFFF20] =	vst v1;
	v1 =	vld [tilespmem:s9+$0xFFFFFF70]  }
0xa8: {  	v5 =	vadd.f32 v5, v7;
	v3 =	vmax.f32 v3, $0.0e+00;
	v7 =	vld [tilespmem:s16+$0xFFFFFF30]  }
0xa9: {  	[tilespmem:s15+$0xB0] =	vst v3;
	v3 =	vld [tilespmem:s17+$0xFFFFFF30]  }
0xaa: {  	v0 =	vadd.f32 v0, v4;
	v4 =	vmax.f32 v5, $0.0e+00;
	v5 =	vld [tilespmem:s16+$0xC0]  }
0xab: {  	[tilespmem:s15+$0x20] =	vst v4;
	v4 =	vld [tilespmem:s17+$0xC0]  }
0xac: {  	v2 =	vadd.f32 v6, v2;
	v0 =	vmax.f32 v0, $0.0e+00;
	v6 =	vld [tilespmem:s16+$0x30]  }
0xad: {  	[tilespmem:s15+$0xFFFFFFB0] =	vst v0;
	v0 =	vld [tilespmem:s17+$0x30]  }
0xae: {  	v2 =	vmax.f32 v2, $0.0e+00;
	v3 =	vadd.f32 v3, v7;
	v7 =	vld [tilespmem:s16+$0xFFFFFFC0]  }
0xaf: {  	[tilespmem:s14+$0xFFFFFFE0] =	vst v2;
	v2 =	vld [tilespmem:s17+$0xFFFFFFC0]  }
0xb0: {  	v3 =	vmax.f32 v3, $0.0e+00;
	v4 =	vadd.f32 v4, v5;
	v5 =	vld [tilespmem:s20+$0xFFFFFFF0]  }
0xb1: {  	[tilespmem:s15+$0xFFFFFF30] =	vst v3;
	v3 =	vld [tilespmem:s9+$0xFFFFFFF0]  }
0xb2: {  	v0 =	vadd.f32 v0, v6;
	v6 =	vld [tilespmem:s16+$0xFFFFFF40];
	v4 =	vmax.f32 v4, $0.0e+00  }
0xb3: {  	[tilespmem:s15+$0xC0] =	vst v4;
	v4 =	vld [tilespmem:s17+$0xFFFFFF40]  }
0xb4: {  	v2 =	vadd.f32 v2, v7;
	v0 =	vmax.f32 v0, $0.0e+00;
	v7 =	vld [tilespmem:s16+$0xD0]  }
0xb5: {  	[tilespmem:s15+$0x30] =	vst v0;
	v0 =	vld [tilespmem:s17+$0xD0]  }
0xb6: {  	v10 =	vadd.f32 v58, v57;
	v2 =	vmax.f32 v2, $0.0e+00;
	v61 =	vld [tilespmem:s16+$0x40]  }
0xb7: {  	[tilespmem:s15+$0xFFFFFFC0] =	vst v2;
	v2 =	vld [tilespmem:s17+$0x40]  }
0xb8: {  	v10 =	vmax.f32 v10, $0.0e+00;
	v62 =	vld [tilespmem:s17+$0xFFFFFFD0];
	v4 =	vadd.f32 v4, v6  }
0xb9: {  	v8 =	vadd.f32 v51, v8;
	[tilespmem:s14+$0x60] =	vst v10;
	v6 =	vld [tilespmem:s16+$0xFFFFFFD0]  }
0xba: {  	v10 =	vld [tilespmem:s9+$0x70];
	v4 =	vmax.f32 v4, $0.0e+00;
	v0 =	vadd.f32 v0, v7  }
0xbb: {  	v8 =	vmax.f32 v8, $0.0e+00;
	v1 =	vadd.f32 v1, v60;
	v7 =	vld [tilespmem:s20+$0x70];
	[tilespmem:s15+$0xFFFFFF40] =	vst v4  }
0xbc: {  	[tilespmem:s14+$0xF0] =	vst v8;
	v8 =	vadd.f32 v2, v61;
	v2 =	vld [tilespmem:s16+$0xFFFFFF50];
	v0 =	vmax.f32 v0, $0.0e+00  }
0xbd: {  	v1 =	vmax.f32 v1, $0.0e+00;
	v3 =	vadd.f32 v3, v5;
	v4 =	vld [tilespmem:s17+$0xFFFFFF50];
	[tilespmem:s15+$0xD0] =	vst v0  }
0xbe: {  	[tilespmem:s14+$0xFFFFFF70] =	vst v1;
	v1 =	vadd.f32 v62, v6;
	v5 =	vmax.f32 v8, $0.0e+00;
	v0 =	vld [tilespmem:s16+$0xE0]  }
0xbf: {  	v6 =	vmax.f32 v3, $0.0e+00;
	[tilespmem:s15+$0x40] =	vst v5;
	v3 =	vld [tilespmem:s17+$0xE0]  }
0xc0: {  	s8 =	sor.u32 $0x200, s8;
	[tilespmem:s14+$0xFFFFFFF0] =	vst v6;
	v6 =	vmax.f32 v1, $0.0e+00;
	v5 =	vld [tilespmem:s16+$0x50];
	v1 =	vadd.f32 v10, v7  }
0xc1: {  	s2 =	simm.s32 $0x4700;
	s9 =	simm.s32 $0x900;
	s20 =	simm.s32 $0x4;
	[tilespmem:s15+$0xFFFFFFD0] =	vst v6;
	v6 =	vld [tilespmem:s17+$0x50]  }
.LBB2_3:
0xc2: {  	v7 =	vld [tilespmem:s9+$0x80];
	v2 =	vadd.f32 v4, v2;
	s17 =	sadd.s32 $0x200, s17;
	v1 =	vmax.f32 v1, $0.0e+00  }
0xc3: {  	v4 =	vld [tilespmem:s17+$0x80];
	[tilespmem:s14+$0x70] =	vst v1;
	s14 =	smov.u32 s15  }
0xc4: {  	v1 =	vld [tilespmem:s17+$0xFFFFFF00];
	v2 =	vmax.f32 v2, $0.0e+00;
	v0 =	vadd.f32 v3, v0  }
0xc5: {  	v3 =	vld [tilespmem:s9+$0xFFFFFF80];
	[tilespmem:s15+$0xFFFFFF50] =	vst v2  }
0xc6: {  	v2 =	vld [tilespmem:s17+$0xFFFFFF80];
	v5 =	vadd.f32 v6, v5;
	v0 =	vmax.f32 v0, $0.0e+00  }
0xc7: {  	v6 =	vld [tilespmem:s9+$0x0];
	[tilespmem:s15+$0xE0] =	vst v0  }
0xc8: {  	v0 =	vadd.f32 v4, v7;
	v4 =	vmax.f32 v5, $0.0e+00;
	v5 =	vld [tilespmem:s16+$0xF0]  }
0xc9: {  	[tilespmem:s15+$0x50] =	vst v4;
	v4 =	vld [tilespmem:s2+$0xF0]  }
0xca: {  	s20 =	sadd.s32 $0x4, s20;
	s15 =	sadd.s32 $0x200, s15;
	v7 =	vld [tilespmem:s17+$0x0];
	v0 =	vmax.f32 v0, $0.0e+00  }
0xcb: {  	p1 =	slt.u32 s20, $0x3C;
	v8 =	vld [tilespmem:s9+$0xFFFFFF00];
	v2 =	vadd.f32 v2, v3;
	[tilespmem:s15+$0x80] =	vst v0  }
0xcc: {  	v0 =	vld [tilespmem:s9+$0x90]  }
0xcd: {  	v2 =	vmax.f32 v2, $0.0e+00;
	v3 =	vld [tilespmem:s17+$0x90]  }
0xce: {  	[tilespmem:s15+$0xFFFFFF80] =	vst v2;
	v2 =	vld [tilespmem:s16+$0xFFFFFF60];
	v4 =	vadd.f32 v4, v5  }
0xcf: {  	v5 =	vld [tilespmem:s9+$0xFFFFFF90];
	v6 =	vadd.f32 v7, v6  }
0xd0: {  	v1 =	vadd.f32 v1, v8;
	v7 =	vld [tilespmem:s17+$0xFFFFFF90];
	v4 =	vmax.f32 v4, $0.0e+00  }
0xd1: {  	v6 =	vmax.f32 v6, $0.0e+00;
	v8 =	vld [tilespmem:s2+$0xFFFFFF60];
	[tilespmem:s14+$0xF0] =	vst v4  }
0xd2: {  	v1 =	vmax.f32 v1, $0.0e+00;
	[tilespmem:s15+$0x0] =	vst v6;
	v0 =	vadd.f32 v3, v0;
	v3 =	vld [tilespmem:s16+$0xFFFFFFE0]  }
0xd3: {  	[tilespmem:s15+$0xFFFFFF00] =	vst v1;
	v1 =	vld [tilespmem:s9+$0x10]  }
0xd4: {  	v4 =	vld [tilespmem:s9+$0xFFFFFF10];
	v0 =	vmax.f32 v0, $0.0e+00  }
0xd5: {  	v6 =	vld [tilespmem:s17+$0xFFFFFF10];
	v5 =	vadd.f32 v7, v5;
	[tilespmem:s15+$0x90] =	vst v0  }
0xd6: {  	v0 =	vld [tilespmem:s9+$0xA0];
	v2 =	vadd.f32 v8, v2  }
0xd7: {  	v5 =	vmax.f32 v5, $0.0e+00;
	v7 =	vld [tilespmem:s17+$0xA0]  }
0xd8: {  	[tilespmem:s15+$0xFFFFFF90] =	vst v5;
	v5 =	vld [tilespmem:s17+$0x10];
	v2 =	vmax.f32 v2, $0.0e+00  }
0xd9: {  	v8 =	vld [tilespmem:s9+$0xFFFFFFA0];
	[tilespmem:s14+$0xFFFFFF60] =	vst v2  }
0xda: {  	v2 =	vadd.f32 v6, v4;
	v4 =	vld [tilespmem:s17+$0xFFFFFFA0]  }
0xdb: {  	v6 =	vld [tilespmem:s2+$0xFFFFFFE0]  }
0xdc: {  	v2 =	vmax.f32 v2, $0.0e+00;
	v0 =	vadd.f32 v7, v0;
	v7 =	vld [tilespmem:s16+$0x60]  }
0xdd: {  	[tilespmem:s15+$0xFFFFFF10] =	vst v2;
	v1 =	vadd.f32 v5, v1;
	v2 =	vld [tilespmem:s2+$0x60]  }
0xde: {  	v5 =	vld [tilespmem:s9+$0xFFFFFF20];
	v0 =	vmax.f32 v0, $0.0e+00  }
0xdf: {  	v9 =	vld [tilespmem:s17+$0xFFFFFF20];
	v4 =	vadd.f32 v4, v8;
	v1 =	vmax.f32 v1, $0.0e+00;
	[tilespmem:s15+$0xA0] =	vst v0  }
0xe0: {  	[tilespmem:s15+$0x10] =	vst v1;
	v0 =	vld [tilespmem:s9+$0xB0];
	v1 =	vadd.f32 v6, v3  }
0xe1: {  	v3 =	vmax.f32 v4, $0.0e+00;
	v4 =	vld [tilespmem:s17+$0xB0]  }
0xe2: {  	[tilespmem:s15+$0xFFFFFFA0] =	vst v3;
	v3 =	vld [tilespmem:s9+$0x20];
	v1 =	vmax.f32 v1, $0.0e+00;
	v2 =	vadd.f32 v2, v7  }
0xe3: {  	v6 =	vld [tilespmem:s17+$0x20];
	[tilespmem:s14+$0xFFFFFFE0] =	vst v1  }
0xe4: {  	v1 =	vadd.f32 v9, v5;
	v5 =	vld [tilespmem:s9+$0xFFFFFFB0];
	v2 =	vmax.f32 v2, $0.0e+00  }
0xe5: {  	v7 =	vld [tilespmem:s17+$0xFFFFFFB0];
	[tilespmem:s14+$0x60] =	vst v2  }
0xe6: {  	v1 =	vmax.f32 v1, $0.0e+00;
	v0 =	vadd.f32 v4, v0;
	v2 =	vld [tilespmem:s16+$0xFFFFFF70]  }
0xe7: {  	[tilespmem:s15+$0xFFFFFF20] =	vst v1;
	v1 =	vld [tilespmem:s2+$0xFFFFFF70]  }
0xe8: {  	v4 =	vld [tilespmem:s9+$0xFFFFFF30];
	v3 =	vadd.f32 v6, v3;
	v0 =	vmax.f32 v0, $0.0e+00  }
0xe9: {  	v6 =	vld [tilespmem:s17+$0xFFFFFF30];
	[tilespmem:s15+$0xB0] =	vst v0  }
0xea: {  	v0 =	vadd.f32 v7, v5;
	v3 =	vmax.f32 v3, $0.0e+00;
	v5 =	vld [tilespmem:s9+$0xC0]  }
0xeb: {  	[tilespmem:s15+$0x20] =	vst v3;
	v3 =	vld [tilespmem:s17+$0xC0]  }
0xec: {  	v0 =	vmax.f32 v0, $0.0e+00;
	v7 =	vld [tilespmem:s9+$0x30];
	v1 =	vadd.f32 v1, v2  }
0xed: {  	[tilespmem:s15+$0xFFFFFFB0] =	vst v0;
	v0 =	vld [tilespmem:s17+$0x30]  }
0xee: {  	v2 =	vadd.f32 v6, v4;
	v4 =	vld [tilespmem:s9+$0xFFFFFFC0];
	v1 =	vmax.f32 v1, $0.0e+00  }
0xef: {  	v6 =	vld [tilespmem:s17+$0xFFFFFFC0];
	[tilespmem:s14+$0xFFFFFF70] =	vst v1  }
0xf0: {  	v1 =	vmax.f32 v2, $0.0e+00;
	v2 =	vadd.f32 v3, v5;
	v3 =	vld [tilespmem:s16+$0xFFFFFFF0]  }
0xf1: {  	[tilespmem:s15+$0xFFFFFF30] =	vst v1;
	v1 =	vld [tilespmem:s2+$0xFFFFFFF0]  }
0xf2: {  	v5 =	vld [tilespmem:s9+$0xFFFFFF40];
	v0 =	vadd.f32 v0, v7;
	v2 =	vmax.f32 v2, $0.0e+00  }
0xf3: {  	v7 =	vld [tilespmem:s17+$0xFFFFFF40];
	[tilespmem:s15+$0xC0] =	vst v2  }
0xf4: {  	v2 =	vadd.f32 v6, v4;
	v0 =	vmax.f32 v0, $0.0e+00;
	v4 =	vld [tilespmem:s9+$0xD0]  }
0xf5: {  	[tilespmem:s15+$0x30] =	vst v0;
	v0 =	vld [tilespmem:s17+$0xD0]  }
0xf6: {  	v2 =	vmax.f32 v2, $0.0e+00;
	v6 =	vld [tilespmem:s9+$0x40];
	v1 =	vadd.f32 v1, v3  }
0xf7: {  	[tilespmem:s15+$0xFFFFFFC0] =	vst v2;
	v3 =	vld [tilespmem:s17+$0x40]  }
0xf8: {  	v2 =	vadd.f32 v7, v5;
	v5 =	vld [tilespmem:s9+$0xFFFFFFD0];
	v1 =	vmax.f32 v1, $0.0e+00  }
0xf9: {  	v7 =	vld [tilespmem:s17+$0xFFFFFFD0];
	[tilespmem:s14+$0xFFFFFFF0] =	vst v1  }
0xfa: {  	v1 =	vmax.f32 v2, $0.0e+00;
	v0 =	vadd.f32 v0, v4;
	v8 =	vld [tilespmem:s16+$0x70];
	s16 =	smov.u32 s9  }
0xfb: {  	[tilespmem:s15+$0xFFFFFF40] =	vst v1;
	v1 =	vld [tilespmem:s2+$0x70];
	s2 =	smov.u32 s17  }
0xfc: {  	v2 =	vld [tilespmem:s9+$0xFFFFFF50];
	v3 =	vadd.f32 v3, v6;
	v0 =	vmax.f32 v0, $0.0e+00  }
.Ltmp0:
0xfd: {  	v4 =	vld [tilespmem:s17+$0xFFFFFF50];
	[tilespmem:s15+$0xD0] =	vst v0;
	(pc) =	sbr.rel @p1 .LBB2_3-.Ltmp0, $4  }
0xfe: {  	v5 =	vadd.f32 v7, v5;
	v3 =	vmax.f32 v3, $0.0e+00;
	v0 =	vld [tilespmem:s9+$0xE0]  }
0xff: {  	[tilespmem:s15+$0x40] =	vst v3;
	v3 =	vld [tilespmem:s17+$0xE0]  }
0x100: {  	v6 =	vmax.f32 v5, $0.0e+00;
	v5 =	vld [tilespmem:s9+$0x50];
	v1 =	vadd.f32 v1, v8  }
0x101: {  	s9 =	sadd.s32 $0x200, s9;
	[tilespmem:s15+$0xFFFFFFD0] =	vst v6;
	v6 =	vld [tilespmem:s17+$0x50]  }
0x102: {  	v2 =	vadd.f32 v4, v2;
	_ =	sdelay $0x1  }
0x103: {  	v2 =	vmax.f32 v2, $0.0e+00  }
0x104: {  	[tilespmem:s15+$0xFFFFFF50] =	vst v2  }
0x105: {  	v2 =	vadd.f32 v6, v5;
	v4 =	vld [tilespmem:s16+$0xFFFFFF60]  }
0x106: {  	v5 =	vld [tilespmem:s2+$0xFFFFFF60]  }
0x107: {  	v6 =	vld [tilespmem:s16+$0xFFFFFFE0];
	v2 =	vmax.f32 v2, $0.0e+00  }
0x108: {  	[tilespmem:s15+$0x50] =	vst v2;
	v2 =	vld [tilespmem:s2+$0xFFFFFFE0]  }
0x109: {  	v0 =	vadd.f32 v3, v0;
	v3 =	vld [tilespmem:s16+$0x60]  }
0x10a: {  	v7 =	vld [tilespmem:s2+$0x60]  }
0x10b: {  	v0 =	vmax.f32 v0, $0.0e+00;
	v4 =	vadd.f32 v5, v4  }
0x10c: {  	[tilespmem:s15+$0xE0] =	vst v0  }
0x10d: {  	v0 =	vld [tilespmem:s16+$0xF0];
	v4 =	vmax.f32 v4, $0.0e+00;
	v2 =	vadd.f32 v2, v6  }
0x10e: {  	v5 =	vld [tilespmem:s2+$0xF0];
	[tilespmem:s15+$0xFFFFFF60] =	vst v4  }
0x10f: {  	v3 =	vadd.f32 v7, v3;
	v4 =	vld [tilespmem:s16+$0xFFFFFF70];
	v2 =	vmax.f32 v2, $0.0e+00  }
0x110: {  	[tilespmem:s15+$0xFFFFFFE0] =	vst v2;
	v2 =	vld [tilespmem:s2+$0xFFFFFF70]  }
0x111: {  	v3 =	vmax.f32 v3, $0.0e+00;
	v6 =	vld [tilespmem:s16+$0xFFFFFFF0]  }
0x112: {  	[tilespmem:s15+$0x60] =	vst v3;
	v3 =	vld [tilespmem:s2+$0xFFFFFFF0]  }
0x113: {  	v7 =	vld [tilespmem:s16+$0x70]  }
0x114: {  	v8 =	vld [tilespmem:s2+$0x70];
	_ =	sdelay $0x1  }
0x115: {  	v0 =	vadd.f32 v5, v0  }
0x116: {  	v1 =	vmax.f32 v1, $0.0e+00;
	v2 =	vadd.f32 v2, v4  }
0x117: {  	[tilespmem:s14+$0x70] =	vst v1;
	v0 =	vmax.f32 v0, $0.0e+00;
	v1 =	vadd.f32 v3, v6  }
0x118: {  	[tilespmem:s15+$0xF0] =	vst v0;
	v0 =	vmax.f32 v2, $0.0e+00;
	v2 =	vadd.f32 v8, v7  }
0x119: {  	s9 =	sshll.u32 s26, $0x8;
	[tilespmem:s15+$0xFFFFFF70] =	vst v0;
	v0 =	vmax.f32 v1, $0.0e+00  }
0x11a: {  	s2 =	sand.u32 $0x100, s9;
	[tilespmem:s15+$0xFFFFFFF0] =	vst v0;
	v0 =	vmax.f32 v2, $0.0e+00  }
0x11b: {  	s2 =	sor.u32 $0x200, s2;
	[tilespmem:s15+$0x70] =	vst v0  }
0x11c: {  	[spmem:s4] =	stream.indirect.scatter.add.f32 [tilespmem:s31], [sflag:$0x3], $0x80, s2, s22, $0xb8;
	v63 =	vld [tilespmem:$0x0]  }
0x11d: {  	_ =	swait.ge [sflag:s28], $0x2000  }
0x11e: {  	[sflag:s28] =	ssyncset.done $0x0  }
0x11f: {  	[sflag:s28] =	ssyncadd.s32 $0xFFFFE000  }
0x120: {  	_ =	swait.ge [sflag:s28], $0x2000  }
0x121: {  	[sflag:s28] =	ssyncset.done $0x0  }
0x122: {  	[sflag:s28] =	ssyncadd.s32 $0xFFFFE000  }
0x123: {  	_ =	swait.ge [sflag:s21], $0x80  }
0x124: {  	[sflag:s21] =	ssyncset.done $0x0  }
0x125: {  	[sflag:s21] =	ssyncadd.s32 $0xFFFFFF80  }
0x126: {  	_ =	swait.ge [sflag:s21], $0x80  }
0x127: {  	s14 =	smin.u32 s12, $0x9C3;
	[sflag:s21] =	ssyncset.done $0x0  }
0x128: {  	s15 =	sadd.s32 $0x3, s11;
	s2 =	sshll.u32 s14, $0xA;
	[sflag:s21] =	ssyncadd.s32 $0xFFFFFF80  }
0x129: {  	[tilespmem:s23], [sflag:$0x2] =	stream.indirect.gather [hbm4b:s0+s22], $0x80, s13, s22, $0xb8;
	v63 =	vld [tilespmem:$0x0]  }
0x12a: {  	s9 =	sshll.u32 s15, $0x4;
	s2 =	sadd.s32 s6, s2  }
0x12b: {  	[tilespmem:s24], [sflag:$0x2] =	stream.linear.gather [hbm4b:s2+s5], $0x2000, $0x38;
	v63 =	vld [tilespmem:$0x0]  }
0x12c: {  	s9 =	sand.u32 $0xFFFFFF0, s9;
	s2 =	sshll.u32 s15, $0x7  }
0x12d: {  	s16 =	sadd.s32 s3, s9;
	s2 =	sand.u32 $0x180, s2  }
0x12e: {  	[tilespmem:s2], [sflag:$0x1] =	stream.linear.gather [hbm4b:s16+s5], $0x80, $0x38;
	v63 =	vld [tilespmem:$0x0]  }
0x12f: {  	s9 =	sadd.s32 s7, s9;
	s2 =	sor.u32 $0x200, s2  }
0x130: {  	[tilespmem:s2], [sflag:$0x1] =	stream.linear.gather [hbm4b:s9+s5], $0x80, $0x38;
	v63 =	vld [tilespmem:$0x0]  }
0x131: {  	s2 =	simm.s32 @!p0 $0x4  }
0x132: {  	_ =	swait.ge @!p0 [sflag:s2], $0x2000  }
0x133: {  	[sflag:s2] =	ssyncset.done @!p0 $0x0  }
0x134: {  	s17 =	simm.s32 $0x25F0;
	[sflag:s2] =	ssyncadd.s32 @!p0 $0xFFFFE000  }
0x135: {  	s20 =	simm.s32 $0x6500;
	v0 =	vld [tilespmem:s17+$0xFFFFFF90]  }
0x136: {  	v1 =	vld [tilespmem:s20+$0x80];
	_ =	sdelay $0x4  }
0x137: {  	v2 =	vld [tilespmem:s17+$0xFFFFFE90];
	v0 =	vadd.f32 v1, v0  }
0x138: {  	v1 =	vld [tilespmem:s20+$0xFFFFFF80]  }
0x139: {  	s11 =	simm.s32 $0xA5F0;
	v3 =	vld [tilespmem:s20+$0xFFFFFF00];
	v0 =	vmax.f32 v0, $0.0e+00  }
0x13a: {  	v4 =	vld [tilespmem:s17+$0xFFFFFE10];
	[tilespmem:s11+$0xFFFFFF90] =	vst v0  }
0x13b: {  	v0 =	vld [tilespmem:s17+$0xFFFFFFA0]  }
0x13c: {  	v5 =	vld [tilespmem:s20+$0x90]  }
0x13d: {  	v6 =	vld [tilespmem:s17+$0xFFFFFF10];
	v1 =	vadd.f32 v1, v2  }
0x13e: {  	v2 =	vld [tilespmem:s20+$0x0]  }
0x13f: {  	v3 =	vadd.f32 v3, v4;
	v1 =	vmax.f32 v1, $0.0e+00  }
0x140: {  	[tilespmem:s11+$0xFFFFFE90] =	vst v1  }
0x141: {  	v3 =	vmax.f32 v3, $0.0e+00;
	v1 =	vld [tilespmem:s17+$0xFFFFFEA0];
	v0 =	vadd.f32 v5, v0  }
0x142: {  	[tilespmem:s11+$0xFFFFFE10] =	vst v3;
	v4 =	vld [tilespmem:s20+$0xFFFFFF90]  }
0x143: {  	v3 =	vld [tilespmem:s17+$0xFFFFFE20];
	v2 =	vadd.f32 v2, v6;
	v0 =	vmax.f32 v0, $0.0e+00  }
0x144: {  	v5 =	vld [tilespmem:s20+$0xFFFFFF10];
	[tilespmem:s11+$0xFFFFFFA0] =	vst v0  }
0x145: {  	v0 =	vmax.f32 v2, $0.0e+00;
	v2 =	vld [tilespmem:s17+$0xFFFFFFB0]  }
0x146: {  	[tilespmem:s11+$0xFFFFFF10] =	vst v0;
	v0 =	vld [tilespmem:s20+$0xA0]  }
0x147: {  	v6 =	vld [tilespmem:s17+$0xFFFFFF20];
	v1 =	vadd.f32 v4, v1  }
0x148: {  	v4 =	vld [tilespmem:s20+$0x10]  }
0x149: {  	v1 =	vmax.f32 v1, $0.0e+00  }
0x14a: {  	v3 =	vadd.f32 v5, v3;
	[tilespmem:s11+$0xFFFFFEA0] =	vst v1  }
0x14b: {  	v1 =	vld [tilespmem:s17+$0xFFFFFEB0];
	v0 =	vadd.f32 v0, v2  }
0x14c: {  	v3 =	vmax.f32 v3, $0.0e+00;
	v2 =	vld [tilespmem:s20+$0xFFFFFFA0]  }
0x14d: {  	[tilespmem:s11+$0xFFFFFE20] =	vst v3;
	v3 =	vadd.f32 v4, v6;
	v0 =	vmax.f32 v0, $0.0e+00  }
0x14e: {  	[tilespmem:s11+$0xFFFFFFB0] =	vst v0  }
0x14f: {  	v0 =	vmax.f32 v3, $0.0e+00;
	v3 =	vld [tilespmem:s17+$0xFFFFFFC0]  }
0x150: {  	[tilespmem:s11+$0xFFFFFF20] =	vst v0;
	v0 =	vld [tilespmem:s20+$0xB0]  }
0x151: {  	v1 =	vadd.f32 v2, v1;
	v2 =	vld [tilespmem:s17+$0xFFFFFF30]  }
0x152: {  	v6 =	vld [tilespmem:s20+$0x20]  }
0x153: {  	v5 =	vld [tilespmem:s20+$0xFFFFFF20];
	v1 =	vmax.f32 v1, $0.0e+00  }
0x154: {  	v4 =	vld [tilespmem:s17+$0xFFFFFE30];
	[tilespmem:s11+$0xFFFFFEB0] =	vst v1  }
0x155: {  	v1 =	vld [tilespmem:s17+$0xFFFFFEC0];
	v0 =	vadd.f32 v0, v3  }
0x156: {  	v3 =	vld [tilespmem:s20+$0xFFFFFFB0]  }
0x157: {  	v2 =	vadd.f32 v6, v2;
	v0 =	vmax.f32 v0, $0.0e+00  }
0x158: {  	[tilespmem:s11+$0xFFFFFFC0] =	vst v0  }
0x159: {  	v4 =	vadd.f32 v5, v4;
	v0 =	vmax.f32 v2, $0.0e+00;
	v2 =	vld [tilespmem:s17+$0xFFFFFFD0]  }
0x15a: {  	[tilespmem:s11+$0xFFFFFF30] =	vst v0;
	v0 =	vld [tilespmem:s20+$0xC0]  }
0x15b: {  	v4 =	vmax.f32 v4, $0.0e+00;
	v1 =	vadd.f32 v3, v1;
	v3 =	vld [tilespmem:s17+$0xFFFFFF40]  }
0x15c: {  	[tilespmem:s11+$0xFFFFFE30] =	vst v4;
	v6 =	vld [tilespmem:s20+$0x30]  }
0x15d: {  	v4 =	vld [tilespmem:s17+$0xFFFFFE40];
	v1 =	vmax.f32 v1, $0.0e+00  }
0x15e: {  	v5 =	vld [tilespmem:s20+$0xFFFFFF30];
	[tilespmem:s11+$0xFFFFFEC0] =	vst v1  }
0x15f: {  	v1 =	vld [tilespmem:s17+$0xFFFFFED0];
	v0 =	vadd.f32 v0, v2  }
0x160: {  	v2 =	vld [tilespmem:s20+$0xFFFFFFC0]  }
0x161: {  	s14 =	simm.s32 $0x6700;
	v3 =	vadd.f32 v6, v3;
	v0 =	vmax.f32 v0, $0.0e+00  }
0x162: {  	v10 =	vld [tilespmem:s14+$0xFFFFFF00];
	[tilespmem:s11+$0xFFFFFFD0] =	vst v0  }
0x163: {  	v0 =	vmax.f32 v3, $0.0e+00;
	v3 =	vld [tilespmem:s17+$0xFFFFFFE0]  }
0x164: {  	v4 =	vadd.f32 v5, v4;
	[tilespmem:s11+$0xFFFFFF40] =	vst v0;
	v0 =	vld [tilespmem:s20+$0xD0]  }
0x165: {  	v1 =	vadd.f32 v2, v1;
	v2 =	vld [tilespmem:s17+$0xFFFFFF50]  }
0x166: {  	s12 =	simm.s32 $0x27F0;
	v4 =	vmax.f32 v4, $0.0e+00;
	v6 =	vld [tilespmem:s20+$0x40]  }
0x167: {  	v52 =	vld [tilespmem:s12+$0xFFFFFE10];
	[tilespmem:s11+$0xFFFFFE40] =	vst v4  }
0x168: {  	v4 =	vld [tilespmem:s17+$0xFFFFFE50]  }
0x169: {  	v5 =	vld [tilespmem:s20+$0xFFFFFF40];
	v0 =	vadd.f32 v0, v3  }
0x16a: {  	v8 =	vld [tilespmem:s12+$0xFFFFFF90]  }
0x16b: {  	v9 =	vld [tilespmem:s14+$0x80];
	v2 =	vadd.f32 v6, v2;
	v0 =	vmax.f32 v0, $0.0e+00  }
0x16c: {  	v11 =	vld [tilespmem:s14+$0xFFFFFF80];
	v10 =	vadd.f32 v10, v52;
	[tilespmem:s11+$0xFFFFFFE0] =	vst v0  }
0x16d: {  	v0 =	vmax.f32 v2, $0.0e+00;
	v2 =	vld [tilespmem:s17+$0xFFFFFFF0]  }
0x16e: {  	s13 =	simm.s32 $0xA7F0;
	v10 =	vmax.f32 v10, $0.0e+00;
	v4 =	vadd.f32 v5, v4;
	[tilespmem:s11+$0xFFFFFF50] =	vst v0;
	v0 =	vld [tilespmem:s20+$0xE0]  }
0x16f: {  	v12 =	vld [tilespmem:s12+$0xFFFFFF10];
	[tilespmem:s13+$0xFFFFFE10] =	vst v10;
	v1 =	vmax.f32 v1, $0.0e+00  }
0x170: {  	v10 =	vld [tilespmem:s12+$0xFFFFFE20];
	[tilespmem:s11+$0xFFFFFED0] =	vst v1;
	v4 =	vmax.f32 v4, $0.0e+00  }
0x171: {  	v1 =	vld [tilespmem:s17+$0xFFFFFEE0];
	[tilespmem:s11+$0xFFFFFE50] =	vst v4  }
0x172: {  	v4 =	vld [tilespmem:s17+$0xFFFFFE60]  }
0x173: {  	v5 =	vld [tilespmem:s20+$0xFFFFFF50];
	v0 =	vadd.f32 v0, v2  }
0x174: {  	v2 =	vld [tilespmem:s12+$0xFFFFFE90]  }
0x175: {  	v3 =	vld [tilespmem:s20+$0xFFFFFFD0];
	v0 =	vmax.f32 v0, $0.0e+00  }
0x176: {  	v6 =	vld [tilespmem:s17+$0xFFFFFF60];
	[tilespmem:s11+$0xFFFFFFF0] =	vst v0;
	v0 =	vadd.f32 v9, v8  }
0x177: {  	v7 =	vld [tilespmem:s20+$0x50]  }
0x178: {  	v4 =	vadd.f32 v5, v4;
	v5 =	vld [tilespmem:s14+$0x0];
	v0 =	vmax.f32 v0, $0.0e+00  }
0x179: {  	v54 =	vld [tilespmem:s14+$0xFFFFFF10];
	v2 =	vadd.f32 v11, v2;
	[tilespmem:s13+$0xFFFFFF90] =	vst v0  }
0x17a: {  	v0 =	vmax.f32 v4, $0.0e+00;
	v4 =	vld [tilespmem:s12+$0xFFFFFFA0]  }
0x17b: {  	v1 =	vadd.f32 v3, v1;
	[tilespmem:s11+$0xFFFFFE60] =	vst v0;
	v0 =	vmax.f32 v2, $0.0e+00;
	v2 =	vld [tilespmem:s14+$0x90]  }
0x17c: {  	v6 =	vadd.f32 v7, v6;
	v8 =	vld [tilespmem:s17+$0x0]  }
0x17d: {  	v1 =	vmax.f32 v1, $0.0e+00;
	v5 =	vadd.f32 v5, v12;
	v51 =	vld [tilespmem:s20+$0xF0];
	[tilespmem:s13+$0xFFFFFE90] =	vst v0  }
0x17e: {  	[tilespmem:s11+$0xFFFFFEE0] =	vst v1;
	v6 =	vmax.f32 v6, $0.0e+00;
	v3 =	vld [tilespmem:s12+$0xFFFFFEA0]  }
0x17f: {  	v1 =	vmax.f32 v5, $0.0e+00;
	[tilespmem:s11+$0xFFFFFF60] =	vst v6;
	v53 =	vld [tilespmem:s14+$0xFFFFFF90]  }
0x180: {  	v6 =	vld [tilespmem:s20+$0xFFFFFFE0];
	[tilespmem:s13+$0xFFFFFF10] =	vst v1;
	v1 =	vadd.f32 v2, v4  }
0x181: {  	v57 =	vld [tilespmem:s17+$0xFFFFFF70]  }
0x182: {  	v58 =	vld [tilespmem:s20+$0x60];
	v1 =	vmax.f32 v1, $0.0e+00  }
0x183: {  	v0 =	vld [tilespmem:s17+$0xFFFFFE70];
	[tilespmem:s13+$0xFFFFFFA0] =	vst v1  }
0x184: {  	v3 =	vadd.f32 v53, v3;
	v1 =	vld [tilespmem:s12+$0xFFFFFFB0]  }
0x185: {  	v55 =	vld [tilespmem:s14+$0xA0]  }
0x186: {  	v4 =	vld [tilespmem:s12+$0xFFFFFF20];
	v3 =	vmax.f32 v3, $0.0e+00  }
0x187: {  	[tilespmem:s13+$0xFFFFFEA0] =	vst v3;
	v3 =	vld [tilespmem:s14+$0x10]  }
0x188: {  	v10 =	vadd.f32 v54, v10;
	v7 =	vld [tilespmem:s12+$0xFFFFFEB0]  }
0x189: {  	v56 =	vld [tilespmem:s14+$0xFFFFFFA0]  }
0x18a: {  	v10 =	vmax.f32 v10, $0.0e+00;
	v5 =	vld [tilespmem:s20+$0xFFFFFF60];
	v1 =	vadd.f32 v55, v1  }
0x18b: {  	[tilespmem:s13+$0xFFFFFE20] =	vst v10;
	v2 =	vld [tilespmem:s17+$0xFFFFFEF0]  }
0x18c: {  	v3 =	vadd.f32 v3, v4;
	v4 =	vld [tilespmem:s12+$0xFFFFFE30];
	v1 =	vmax.f32 v1, $0.0e+00  }
0x18d: {  	[tilespmem:s13+$0xFFFFFFB0] =	vst v1;
	v1 =	vld [tilespmem:s14+$0xFFFFFF20]  }
0x18e: {  	v7 =	vadd.f32 v56, v7;
	v3 =	vmax.f32 v3, $0.0e+00;
	v59 =	vld [tilespmem:s12+$0xFFFFFFC0]  }
0x18f: {  	v0 =	vadd.f32 v5, v0;
	[tilespmem:s13+$0xFFFFFF20] =	vst v3;
	v3 =	vld [tilespmem:s14+$0xB0]  }
0x190: {  	v5 =	vmax.f32 v7, $0.0e+00;
	v7 =	vld [tilespmem:s12+$0xFFFFFF30]  }
0x191: {  	v0 =	vmax.f32 v0, $0.0e+00;
	[tilespmem:s13+$0xFFFFFEB0] =	vst v5;
	v5 =	vld [tilespmem:s14+$0x20]  }
0x192: {  	[tilespmem:s11+$0xFFFFFE70] =	vst v0;
	v0 =	vld [tilespmem:s14+$0xFFFFFFB0];
	v1 =	vadd.f32 v1, v4  }
0x193: {  	v4 =	vld [tilespmem:s12+$0xFFFFFEC0]  }
0x194: {  	v60 =	vld [tilespmem:s17+$0xFFFFFE80];
	v3 =	vadd.f32 v3, v59;
	v1 =	vmax.f32 v1, $0.0e+00  }
0x195: {  	[tilespmem:s13+$0xFFFFFE30] =	vst v1;
	v1 =	vld [tilespmem:s20+$0xFFFFFF70]  }
0x196: {  	v5 =	vadd.f32 v5, v7;
	v3 =	vmax.f32 v3, $0.0e+00;
	v7 =	vld [tilespmem:s12+$0xFFFFFE40]  }
0x197: {  	[tilespmem:s13+$0xFFFFFFC0] =	vst v3;
	v3 =	vld [tilespmem:s14+$0xFFFFFF30]  }
0x198: {  	v0 =	vadd.f32 v0, v4;
	v4 =	vmax.f32 v5, $0.0e+00;
	v5 =	vld [tilespmem:s12+$0xFFFFFFD0]  }
0x199: {  	[tilespmem:s13+$0xFFFFFF30] =	vst v4;
	v4 =	vld [tilespmem:s14+$0xC0]  }
0x19a: {  	v2 =	vadd.f32 v6, v2;
	v0 =	vmax.f32 v0, $0.0e+00;
	v6 =	vld [tilespmem:s12+$0xFFFFFF40]  }
0x19b: {  	[tilespmem:s13+$0xFFFFFEC0] =	vst v0;
	v0 =	vld [tilespmem:s14+$0x30]  }
0x19c: {  	v2 =	vmax.f32 v2, $0.0e+00;
	v3 =	vadd.f32 v3, v7;
	v7 =	vld [tilespmem:s12+$0xFFFFFED0]  }
0x19d: {  	[tilespmem:s11+$0xFFFFFEF0] =	vst v2;
	v2 =	vld [tilespmem:s14+$0xFFFFFFC0]  }
0x19e: {  	v3 =	vmax.f32 v3, $0.0e+00;
	v4 =	vadd.f32 v4, v5;
	v5 =	vld [tilespmem:s17+$0xFFFFFF00]  }
0x19f: {  	[tilespmem:s13+$0xFFFFFE40] =	vst v3;
	v3 =	vld [tilespmem:s20+$0xFFFFFFF0]  }
0x1a0: {  	v0 =	vadd.f32 v0, v6;
	v6 =	vld [tilespmem:s12+$0xFFFFFE50];
	v4 =	vmax.f32 v4, $0.0e+00  }
0x1a1: {  	[tilespmem:s13+$0xFFFFFFD0] =	vst v4;
	v4 =	vld [tilespmem:s14+$0xFFFFFF40]  }
0x1a2: {  	v2 =	vadd.f32 v2, v7;
	v0 =	vmax.f32 v0, $0.0e+00;
	v7 =	vld [tilespmem:s12+$0xFFFFFFE0]  }
0x1a3: {  	[tilespmem:s13+$0xFFFFFF40] =	vst v0;
	v0 =	vld [tilespmem:s14+$0xD0]  }
0x1a4: {  	v10 =	vadd.f32 v58, v57;
	v2 =	vmax.f32 v2, $0.0e+00;
	v61 =	vld [tilespmem:s12+$0xFFFFFF50]  }
0x1a5: {  	[tilespmem:s13+$0xFFFFFED0] =	vst v2;
	v2 =	vld [tilespmem:s14+$0x40]  }
0x1a6: {  	v10 =	vmax.f32 v10, $0.0e+00;
	v62 =	vld [tilespmem:s14+$0xFFFFFFD0];
	v4 =	vadd.f32 v4, v6  }
0x1a7: {  	v8 =	vadd.f32 v51, v8;
	[tilespmem:s11+$0xFFFFFF70] =	vst v10;
	v6 =	vld [tilespmem:s12+$0xFFFFFEE0]  }
0x1a8: {  	v10 =	vld [tilespmem:s20+$0x70];
	v4 =	vmax.f32 v4, $0.0e+00;
	v0 =	vadd.f32 v0, v7  }
0x1a9: {  	v8 =	vmax.f32 v8, $0.0e+00;
	v1 =	vadd.f32 v1, v60;
	v7 =	vld [tilespmem:s17+$0xFFFFFF80];
	[tilespmem:s13+$0xFFFFFE50] =	vst v4  }
0x1aa: {  	[tilespmem:s11+$0x0] =	vst v8;
	v8 =	vadd.f32 v2, v61;
	v2 =	vld [tilespmem:s12+$0xFFFFFE60];
	v0 =	vmax.f32 v0, $0.0e+00  }
0x1ab: {  	v1 =	vmax.f32 v1, $0.0e+00;
	v3 =	vadd.f32 v3, v5;
	v4 =	vld [tilespmem:s14+$0xFFFFFF50];
	[tilespmem:s13+$0xFFFFFFE0] =	vst v0  }
0x1ac: {  	[tilespmem:s11+$0xFFFFFE80] =	vst v1;
	v0 =	vadd.f32 v62, v6;
	v5 =	vmax.f32 v8, $0.0e+00;
	v1 =	vld [tilespmem:s12+$0xFFFFFFF0]  }
0x1ad: {  	v6 =	vmax.f32 v3, $0.0e+00;
	[tilespmem:s13+$0xFFFFFF50] =	vst v5;
	v3 =	vld [tilespmem:s14+$0xE0]  }
0x1ae: {  	[tilespmem:s11+$0xFFFFFF00] =	vst v6;
	v6 =	vmax.f32 v0, $0.0e+00;
	v5 =	vld [tilespmem:s12+$0xFFFFFF60];
	v0 =	vadd.f32 v10, v7  }
0x1af: {  	s15 =	simm.s32 $0x4;
	s9 =	simm.s32 $0x29F0;
	s2 =	simm.s32 $0x6700;
	[tilespmem:s13+$0xFFFFFEE0] =	vst v6;
	v6 =	vld [tilespmem:s14+$0x50]  }
.LBB2_5:
0x1b0: {  	v7 =	vld [tilespmem:s9+$0xFFFFFF90];
	v2 =	vadd.f32 v4, v2;
	s14 =	sadd.s32 $0x200, s14;
	v0 =	vmax.f32 v0, $0.0e+00  }
0x1b1: {  	v4 =	vld [tilespmem:s14+$0x80];
	[tilespmem:s11+$0xFFFFFF80] =	vst v0;
	s11 =	smov.u32 s13  }
0x1b2: {  	v0 =	vld [tilespmem:s14+$0xFFFFFF00];
	v2 =	vmax.f32 v2, $0.0e+00;
	v1 =	vadd.f32 v3, v1  }
0x1b3: {  	v3 =	vld [tilespmem:s9+$0xFFFFFE90];
	[tilespmem:s13+$0xFFFFFE60] =	vst v2  }
0x1b4: {  	v2 =	vld [tilespmem:s14+$0xFFFFFF80];
	v5 =	vadd.f32 v6, v5;
	v1 =	vmax.f32 v1, $0.0e+00  }
0x1b5: {  	v6 =	vld [tilespmem:s9+$0xFFFFFF10];
	[tilespmem:s13+$0xFFFFFFF0] =	vst v1  }
0x1b6: {  	v1 =	vadd.f32 v4, v7;
	v4 =	vmax.f32 v5, $0.0e+00;
	v5 =	vld [tilespmem:s12+$0x0]  }
0x1b7: {  	[tilespmem:s13+$0xFFFFFF60] =	vst v4;
	v4 =	vld [tilespmem:s2+$0xF0]  }
0x1b8: {  	s15 =	sadd.s32 $0x4, s15;
	s13 =	sadd.s32 $0x200, s13;
	v7 =	vld [tilespmem:s14+$0x0];
	v1 =	vmax.f32 v1, $0.0e+00  }
0x1b9: {  	p0 =	slt.u32 s15, $0x3C;
	v8 =	vld [tilespmem:s9+$0xFFFFFE10];
	v2 =	vadd.f32 v2, v3;
	[tilespmem:s13+$0xFFFFFF90] =	vst v1  }
0x1ba: {  	v1 =	vld [tilespmem:s9+$0xFFFFFFA0]  }
0x1bb: {  	v2 =	vmax.f32 v2, $0.0e+00;
	v3 =	vld [tilespmem:s14+$0x90]  }
0x1bc: {  	[tilespmem:s13+$0xFFFFFE90] =	vst v2;
	v2 =	vld [tilespmem:s12+$0xFFFFFE70];
	v4 =	vadd.f32 v4, v5  }
0x1bd: {  	v5 =	vld [tilespmem:s9+$0xFFFFFEA0];
	v6 =	vadd.f32 v7, v6  }
0x1be: {  	v0 =	vadd.f32 v0, v8;
	v7 =	vld [tilespmem:s14+$0xFFFFFF90];
	v4 =	vmax.f32 v4, $0.0e+00  }
0x1bf: {  	v6 =	vmax.f32 v6, $0.0e+00;
	v8 =	vld [tilespmem:s2+$0xFFFFFF60];
	[tilespmem:s11+$0x0] =	vst v4  }
0x1c0: {  	v0 =	vmax.f32 v0, $0.0e+00;
	[tilespmem:s13+$0xFFFFFF10] =	vst v6;
	v1 =	vadd.f32 v3, v1;
	v3 =	vld [tilespmem:s12+$0xFFFFFEF0]  }
0x1c1: {  	[tilespmem:s13+$0xFFFFFE10] =	vst v0;
	v0 =	vld [tilespmem:s9+$0xFFFFFF20]  }
0x1c2: {  	v4 =	vld [tilespmem:s9+$0xFFFFFE20];
	v1 =	vmax.f32 v1, $0.0e+00  }
0x1c3: {  	v6 =	vld [tilespmem:s14+$0xFFFFFF10];
	v5 =	vadd.f32 v7, v5;
	[tilespmem:s13+$0xFFFFFFA0] =	vst v1  }
0x1c4: {  	v1 =	vld [tilespmem:s9+$0xFFFFFFB0];
	v2 =	vadd.f32 v8, v2  }
0x1c5: {  	v5 =	vmax.f32 v5, $0.0e+00;
	v7 =	vld [tilespmem:s14+$0xA0]  }
0x1c6: {  	[tilespmem:s13+$0xFFFFFEA0] =	vst v5;
	v5 =	vld [tilespmem:s14+$0x10];
	v2 =	vmax.f32 v2, $0.0e+00  }
0x1c7: {  	v8 =	vld [tilespmem:s9+$0xFFFFFEB0];
	[tilespmem:s11+$0xFFFFFE70] =	vst v2  }
0x1c8: {  	v2 =	vadd.f32 v6, v4;
	v4 =	vld [tilespmem:s14+$0xFFFFFFA0]  }
0x1c9: {  	v6 =	vld [tilespmem:s2+$0xFFFFFFE0]  }
0x1ca: {  	v2 =	vmax.f32 v2, $0.0e+00;
	v1 =	vadd.f32 v7, v1;
	v7 =	vld [tilespmem:s12+$0xFFFFFF70]  }
0x1cb: {  	[tilespmem:s13+$0xFFFFFE20] =	vst v2;
	v0 =	vadd.f32 v5, v0;
	v2 =	vld [tilespmem:s2+$0x60]  }
0x1cc: {  	v5 =	vld [tilespmem:s9+$0xFFFFFE30];
	v1 =	vmax.f32 v1, $0.0e+00  }
0x1cd: {  	v9 =	vld [tilespmem:s14+$0xFFFFFF20];
	v4 =	vadd.f32 v4, v8;
	v0 =	vmax.f32 v0, $0.0e+00;
	[tilespmem:s13+$0xFFFFFFB0] =	vst v1  }
0x1ce: {  	[tilespmem:s13+$0xFFFFFF20] =	vst v0;
	v0 =	vld [tilespmem:s9+$0xFFFFFFC0];
	v1 =	vadd.f32 v6, v3  }
0x1cf: {  	v3 =	vmax.f32 v4, $0.0e+00;
	v4 =	vld [tilespmem:s14+$0xB0]  }
0x1d0: {  	[tilespmem:s13+$0xFFFFFEB0] =	vst v3;
	v3 =	vld [tilespmem:s9+$0xFFFFFF30];
	v1 =	vmax.f32 v1, $0.0e+00;
	v2 =	vadd.f32 v2, v7  }
0x1d1: {  	v6 =	vld [tilespmem:s14+$0x20];
	[tilespmem:s11+$0xFFFFFEF0] =	vst v1  }
0x1d2: {  	v1 =	vadd.f32 v9, v5;
	v5 =	vld [tilespmem:s9+$0xFFFFFEC0];
	v2 =	vmax.f32 v2, $0.0e+00  }
0x1d3: {  	v7 =	vld [tilespmem:s14+$0xFFFFFFB0];
	[tilespmem:s11+$0xFFFFFF70] =	vst v2  }
0x1d4: {  	v1 =	vmax.f32 v1, $0.0e+00;
	v0 =	vadd.f32 v4, v0;
	v2 =	vld [tilespmem:s12+$0xFFFFFE80]  }
0x1d5: {  	[tilespmem:s13+$0xFFFFFE30] =	vst v1;
	v1 =	vld [tilespmem:s2+$0xFFFFFF70]  }
0x1d6: {  	v4 =	vld [tilespmem:s9+$0xFFFFFE40];
	v3 =	vadd.f32 v6, v3;
	v0 =	vmax.f32 v0, $0.0e+00  }
0x1d7: {  	v6 =	vld [tilespmem:s14+$0xFFFFFF30];
	[tilespmem:s13+$0xFFFFFFC0] =	vst v0  }
0x1d8: {  	v0 =	vadd.f32 v7, v5;
	v3 =	vmax.f32 v3, $0.0e+00;
	v5 =	vld [tilespmem:s9+$0xFFFFFFD0]  }
0x1d9: {  	[tilespmem:s13+$0xFFFFFF30] =	vst v3;
	v3 =	vld [tilespmem:s14+$0xC0]  }
0x1da: {  	v0 =	vmax.f32 v0, $0.0e+00;
	v7 =	vld [tilespmem:s9+$0xFFFFFF40];
	v1 =	vadd.f32 v1, v2  }
0x1db: {  	[tilespmem:s13+$0xFFFFFEC0] =	vst v0;
	v0 =	vld [tilespmem:s14+$0x30]  }
0x1dc: {  	v2 =	vadd.f32 v6, v4;
	v4 =	vld [tilespmem:s9+$0xFFFFFED0];
	v1 =	vmax.f32 v1, $0.0e+00  }
0x1dd: {  	v6 =	vld [tilespmem:s14+$0xFFFFFFC0];
	[tilespmem:s11+$0xFFFFFE80] =	vst v1  }
0x1de: {  	v1 =	vmax.f32 v2, $0.0e+00;
	v2 =	vadd.f32 v3, v5;
	v3 =	vld [tilespmem:s12+$0xFFFFFF00]  }
0x1df: {  	[tilespmem:s13+$0xFFFFFE40] =	vst v1;
	v1 =	vld [tilespmem:s2+$0xFFFFFFF0]  }
0x1e0: {  	v5 =	vld [tilespmem:s9+$0xFFFFFE50];
	v0 =	vadd.f32 v0, v7;
	v2 =	vmax.f32 v2, $0.0e+00  }
0x1e1: {  	v7 =	vld [tilespmem:s14+$0xFFFFFF40];
	[tilespmem:s13+$0xFFFFFFD0] =	vst v2  }
0x1e2: {  	v2 =	vadd.f32 v6, v4;
	v0 =	vmax.f32 v0, $0.0e+00;
	v4 =	vld [tilespmem:s9+$0xFFFFFFE0]  }
0x1e3: {  	[tilespmem:s13+$0xFFFFFF40] =	vst v0;
	v0 =	vld [tilespmem:s14+$0xD0]  }
0x1e4: {  	v2 =	vmax.f32 v2, $0.0e+00;
	v6 =	vld [tilespmem:s9+$0xFFFFFF50];
	v1 =	vadd.f32 v1, v3  }
0x1e5: {  	[tilespmem:s13+$0xFFFFFED0] =	vst v2;
	v3 =	vld [tilespmem:s14+$0x40]  }
0x1e6: {  	v2 =	vadd.f32 v7, v5;
	v5 =	vld [tilespmem:s9+$0xFFFFFEE0];
	v1 =	vmax.f32 v1, $0.0e+00  }
0x1e7: {  	v7 =	vld [tilespmem:s14+$0xFFFFFFD0];
	[tilespmem:s11+$0xFFFFFF00] =	vst v1  }
0x1e8: {  	v1 =	vmax.f32 v2, $0.0e+00;
	v0 =	vadd.f32 v0, v4;
	v8 =	vld [tilespmem:s12+$0xFFFFFF80];
	s12 =	smov.u32 s9  }
0x1e9: {  	[tilespmem:s13+$0xFFFFFE50] =	vst v1;
	v9 =	vld [tilespmem:s2+$0x70];
	s2 =	smov.u32 s14  }
0x1ea: {  	v2 =	vld [tilespmem:s9+$0xFFFFFE60];
	v1 =	vadd.f32 v3, v6;
	v0 =	vmax.f32 v0, $0.0e+00  }
.Ltmp1:
0x1eb: {  	v4 =	vld [tilespmem:s14+$0xFFFFFF50];
	[tilespmem:s13+$0xFFFFFFE0] =	vst v0;
	(pc) =	sbr.rel @p0 .LBB2_5-.Ltmp1, $4  }
0x1ec: {  	v0 =	vadd.f32 v7, v5;
	v3 =	vmax.f32 v1, $0.0e+00;
	v1 =	vld [tilespmem:s9+$0xFFFFFFF0]  }
0x1ed: {  	[tilespmem:s13+$0xFFFFFF50] =	vst v3;
	v3 =	vld [tilespmem:s14+$0xE0]  }
0x1ee: {  	v6 =	vmax.f32 v0, $0.0e+00;
	v5 =	vld [tilespmem:s9+$0xFFFFFF60];
	v0 =	vadd.f32 v9, v8  }
0x1ef: {  	s9 =	sadd.s32 $0x200, s9;
	[tilespmem:s13+$0xFFFFFEE0] =	vst v6;
	v6 =	vld [tilespmem:s14+$0x50]  }
0x1f0: {  	_ =	sdelay $0x1  }
0x1f1: {  	v2 =	vadd.f32 v4, v2;
	_ =	sdelay $0x1  }
0x1f2: {  	v49 =	vld [tilespmem:s12+$0xFFFFFEF0];
	v2 =	vmax.f32 v2, $0.0e+00;
	v46 =	vadd.f32 v6, v5  }
0x1f3: {  	v50 =	vld [tilespmem:s2+$0xFFFFFFE0];
	[tilespmem:s13+$0xFFFFFE60] =	vst v2  }
0x1f4: {  	v47 =	vld [tilespmem:s12+$0xFFFFFE70];
	v2 =	vmax.f32 v46, $0.0e+00  }
0x1f5: {  	v48 =	vld [tilespmem:s2+$0xFFFFFF60];
	[tilespmem:s13+$0xFFFFFF60] =	vst v2  }
0x1f6: {  	v1 =	vadd.f32 v3, v1;
	v51 =	vld [tilespmem:s12+$0xFFFFFF70]  }
0x1f7: {  	v7 =	vld [tilespmem:s2+$0x60]  }
0x1f8: {  	v1 =	vmax.f32 v1, $0.0e+00;
	v2 =	vadd.f32 v50, v49  }
0x1f9: {  	[tilespmem:s13+$0xFFFFFFF0] =	vst v1  }
0x1fa: {  	v1 =	vld [tilespmem:s12+$0x0];
	v4 =	vadd.f32 v48, v47;
	v2 =	vmax.f32 v2, $0.0e+00  }
0x1fb: {  	v52 =	vld [tilespmem:s2+$0xF0];
	[tilespmem:s13+$0xFFFFFEF0] =	vst v2  }
0x1fc: {  	v4 =	vmax.f32 v4, $0.0e+00;
	v54 =	vld [tilespmem:s12+$0xFFFFFF00];
	v3 =	vadd.f32 v7, v51  }
0x1fd: {  	v55 =	vld [tilespmem:s2+$0xFFFFFFF0];
	[tilespmem:s13+$0xFFFFFE70] =	vst v4  }
0x1fe: {  	v4 =	vld [tilespmem:s12+$0xFFFFFE80];
	v3 =	vmax.f32 v3, $0.0e+00  }
0x1ff: {  	v53 =	vld [tilespmem:s2+$0xFFFFFF70];
	[tilespmem:s13+$0xFFFFFF70] =	vst v3  }
0x200: {  	v56 =	vld [tilespmem:s12+$0xFFFFFF80]  }
0x201: {  	v8 =	vld [tilespmem:s2+$0x70];
	_ =	sdelay $0x1  }
0x202: {  	v1 =	vadd.f32 v52, v1  }
0x203: {  	v0 =	vmax.f32 v0, $0.0e+00;
	s26 =	sadd.s32 $0x1, s26;
	v58 =	vadd.f32 v55, v54  }
0x204: {  	[tilespmem:s11+$0xFFFFFF80] =	vst v0;
	p0 =	sne.s32 s26, $0x28;
	v57 =	vmax.f32 v1, $0.0e+00;
	v2 =	vadd.f32 v53, v4  }
.Ltmp2:
0x205: {  	[tilespmem:s13+$0x0] =	vst v57;
	v61 =	vmax.f32 v58, $0.0e+00;
	v60 =	vadd.f32 v8, v56;
	(pc) =	sbr.rel @p0 .LBB2_2-.Ltmp2, $4  }
0x206: {  	[tilespmem:s13+$0xFFFFFF00] =	vst v61;
	v59 =	vmax.f32 v2, $0.0e+00  }
0x207: {  	[tilespmem:s13+$0xFFFFFE80] =	vst v59;
	v62 =	vmax.f32 v60, $0.0e+00  }
0x208: {  	[tilespmem:s13+$0xFFFFFF80] =	vst v62  }
0x209: {  	[spmem:s4] =	stream.indirect.scatter.add.f32 [tilespmem:s1], [sflag:$0x4], $0x80, s8, s22, $0xb8;
	v63 =	vld [tilespmem:$0x0]  }
0x20a: {  	s2 =	simm.s32 $0x3  }
0x20b: {  	_ =	swait.ge [sflag:s2], $0x2000  }
0x20c: {  	[sflag:s2] =	ssyncset.done $0x0  }
0x20d: {  	s17 =	simm.s32 $0x4;
	[sflag:s2] =	ssyncadd.s32 $0xFFFFE000  }
0x20e: {  	_ =	swait.ge [sflag:s17], $0x2000  }
0x20f: {  	[sflag:s17] =	ssyncset.done $0x0  }
0x210: {  	[sflag:s17] =	ssyncadd.s32 $0xFFFFE000  }
0x211: {  	_ =	swait.ge [sflag:s28], $0x2000  }
0x212: {  	[sflag:s28] =	ssyncset.done $0x0  }
0x213: {  	[sflag:s28] =	ssyncadd.s32 $0xFFFFE000  }
0x214: {  	_ =	swait.ge [sflag:s28], $0x2000  }
0x215: {  	[sflag:s28] =	ssyncset.done $0x0  }
0x216: {  	[sflag:s28] =	ssyncadd.s32 $0xFFFFE000  }
0x217: {  	_ =	swait.ge [sflag:s21], $0x80  }
0x218: {  	[sflag:s21] =	ssyncset.done $0x0  }
0x219: {  	[sflag:s21] =	ssyncadd.s32 $0xFFFFFF80  }
0x21a: {  	_ =	swait.ge [sflag:s21], $0x80  }
0x21b: {  	[sflag:s21] =	ssyncset.done $0x0  }
0x21c: {  	[sflag:s21] =	ssyncadd.s32 $0xFFFFFF80  }
0x21d: {  	[bflag:$0x0] =	sbarrier.arrive $0xFFFF  }
0x21e: {  	s20 =	rddreg [dreg:$0xb]  }
0x21f: {  	s8 =	rddreg [dreg:$0xd]  }
0x220: {  	[hbm:s20], [sflag:s18] =	dma.local [spmem:s8], $0x2780  }
0x221: {  	_ =	swait.ge [sflag:s19], $0x2780  }
0x222: {  	s25 =	sadd.s32 $0x1, s25;
	s26 =	rddreg [dreg:$0xc]  }
0x223: {  	p0 =	sne.s32 s25, s26  }
.Ltmp3:
0x224: {  	_ = 	snop;
	(pc) =	sbr.rel @p0 .LBB2_1-.Ltmp3, $3  }
0x225: {  	_ =	sdelay $0x1  }
0x226: {  	[sflag:s19] =	ssyncset.done $0x0  }
0x227: {  	s13 =	smov.u32 s18;
	[sflag:s19] =	ssyncadd.s32 $0xFFFFD880  }
0x228: {  	_ =	sfence.sel $0x180000  }
0x229: {  	[bflag:$0x0] =	sbarrier.arrive $0xFFFF  }
0x22a: {  	_ =	strace $0x9000004A  }
0x22b: {  	s0 =	stileid.u32;
	[bflag:$0x2] =	sbarrier.arrive $0xFFFF  }
0x22c: {  	p0 =	sne.s32 s0, $0x0;
	s0 =	rddreg [dreg:$0x4]  }
0x22d: {  	s0 =	sadd.s32 @!p0 $0x100000, s0  }
0x22e: {  	[sflag:s0] =	ssyncadd.tile.s32 @!p0 $0x1;
	_ =	shalt  }
.Lfunc_end2:
_tile_overlayer_lowered:
.L_overlay_start_2:
0x22f: {  	(tag) =	ssettag $0x2  }
0x230: {  	s0 =	rddreg [dreg:$0x0];
	s2 =	stileid.u32  }
0x231: {  	s1 =	rddreg [dreg:$0x1];
	p0 =	sne.s32 s2, $0x0  }
0x232: {  	s3 =	rddreg [dreg:$0x2];
	[bflag:$0x3] =	sbarrier.arrive $0xFFFF;
	s2 =	simm.s32 @!p0 $0x1C05  }
0x233: {  	[timem:s3], [sflag:s2] =	dma.local @!p0 [hbm:s0], s1  }
0x234: {  	s0 =	simm.s32 @!p0 $0x5  }
0x235: {  	_ =	swait.ge @!p0 [sflag:s0], s1  }
0x236: {  	s1 =	ssub.s32 @!p0 $0x0, s1;
	[sflag:s0] =	ssyncset.done @!p0 $0x0  }
0x237: {  	[sflag:s0] =	ssyncadd.s32 @!p0 s1  }
0x238: {  	[bflag:$0x3] =	sbarrier.arrive $0xFFFF  }
0x239: {  	_ =	shalt  }

</sc_bundles>
